<compile_context>
chip_gen: v7x
topology: tpu7x:2x2x1
jax: 0.10.2.dev20260603
libtpu: 0.0.44.dev20260713+nightly
codegen_flags: <defaults>
</compile_context>

<pallas_src>
import jax
import jax.numpy as jnp
from jax import lax
from jax.experimental import pallas as pl
from jax.experimental.pallas import tpu as pltpu
from jax.experimental.pallas import tpu_sc as plsc

N_STIMULI = 20
N_DIM = 3
BETA = 10.0
GAMMA = 0.001
BATCH = 16384

NUM_CORES = 1
NUM_SUBCORES = 16
LANES = 16
NUM_WORKERS = NUM_CORES * NUM_SUBCORES
B_PER_W = BATCH // NUM_WORKERS
STEPS = B_PER_W // LANES
BLOCKS_PER_W = B_PER_W // 128
TABLE_WORDS = (N_STIMULI + 1) * N_DIM
NV = N_STIMULI + 1
NPAIR = NV * NV
NPAIR_PAD = 448
NCHUNK = NPAIR_PAD // LANES


def _sqrt16(x):
    i = plsc.bitcast(x, jnp.int32)
    i = jnp.int32(0x5F3759DF) - lax.shift_right_arithmetic(i, 1)
    y = plsc.bitcast(i, jnp.float32)
    xh = x * jnp.float32(0.5)
    for _ in range(3):
        y = y * (jnp.float32(1.5) - xh * y * y)
    return x * y


def _pair_similarity(emb_v, p):
    q = p // jnp.int32(NV)
    r = p - q * jnp.int32(NV)
    dsq = jnp.full((LANES,), 0.0, jnp.float32)
    for d in range(N_DIM):
        dd = jnp.full((LANES,), d * NV, jnp.int32)
        t = plsc.load_gather(emb_v, [dd + q]) - plsc.load_gather(emb_v, [dd + r])
        dsq = dsq + t * t
    return jnp.exp(jnp.float32(-BETA) * _sqrt16(dsq)) + jnp.float32(GAMMA)


def _sc_body(widx_hbm, emb_hbm, out_hbm,
             w_v, emb_v, stab_v, sbuf_v, po_v, spmem, sem, sem2):
    sid = lax.axis_index("s")
    wid = sid * NUM_CORES + lax.axis_index("c")
    base = wid * B_PER_W

    ce = pltpu.async_copy(emb_hbm, emb_v, sem2)
    cw = pltpu.async_copy(widx_hbm.at[pl.ds(base, B_PER_W)], w_v, sem)
    ce.wait()

    lanes = lax.iota(jnp.int32, LANES)

    p0 = jnp.minimum(sid * LANES + lanes, jnp.int32(NPAIR - 1))
    sbuf_v[...] = _pair_similarity(emb_v, p0)
    pltpu.sync_copy(sbuf_v, spmem.at[pl.ds(sid * LANES, LANES)])

    @pl.when(sid + 16 < NCHUNK)
    def _():
        p1 = jnp.minimum((sid + 16) * LANES + lanes, jnp.int32(NPAIR - 1))
        sbuf_v[...] = _pair_similarity(emb_v, p1)
        pltpu.sync_copy(sbuf_v, spmem.at[pl.ds((sid + 16) * LANES, LANES)])

    plsc.subcore_barrier()
    pltpu.sync_copy(spmem, stab_v)
    cw.wait()

    mask = jnp.full((LANES,), 31, jnp.int32)

    outs = []
    for step in range(STEPS):
        off = step * LANES
        t = off // 128
        c = off % 128
        w = w_v[pl.ds(off, LANES)]
        q21 = (w & mask) * jnp.int32(NV)
        r1 = lax.shift_right_logical(w, 5) & mask
        r2 = lax.shift_right_logical(w, 10)
        s1 = plsc.load_gather(stab_v, [q21 + r1])
        s2 = plsc.load_gather(stab_v, [q21 + r2])
        inv = jnp.float32(1.0) / (s1 + s2)
        po_v[t, 0, pl.ds(c, LANES)] = s1 * inv
        po_v[t, 1, pl.ds(c, LANES)] = s2 * inv
        if c + LANES == 128:
            outs.append(pltpu.async_copy(
                po_v.at[pl.ds(t, 1)],
                out_hbm.at[pl.ds(wid * BLOCKS_PER_W + t, 1)], sem))
    for o in outs:
        o.wait()


@jax.jit
def kernel(stimulus_set, embedding):
    mesh = plsc.VectorSubcoreMesh(
        core_axis_name="c", subcore_axis_name="s",
        num_cores=NUM_CORES, num_subcores=NUM_SUBCORES,
    )
    out = pl.kernel(
        _sc_body,
        out_type=jax.ShapeDtypeStruct((BATCH // 128, 2, 128), jnp.float32),
        mesh=mesh,
        compiler_params=pltpu.CompilerParams(
            needs_layout_passes=False, use_tc_tiling_on_sc=False,
        ),
        scratch_types=[
            pltpu.VMEM((B_PER_W,), jnp.int32),
            pltpu.VMEM((TABLE_WORDS,), jnp.float32),
            pltpu.VMEM((NPAIR_PAD,), jnp.float32),
            pltpu.VMEM((LANES,), jnp.float32),
            pltpu.VMEM((BLOCKS_PER_W, 2, 128), jnp.float32),
            pltpu.VMEM_SHARED((NPAIR_PAD,), jnp.float32),
            pltpu.SemaphoreType.DMA,
            pltpu.SemaphoreType.DMA,
        ],
    )(
        (stimulus_set * jnp.array([1, 32, 1024], jnp.int32)).sum(axis=1),
        embedding.T.reshape(-1),
    )
    return out.transpose(0, 2, 1).reshape(BATCH, 2)

# --- scband reference (transcript-rebuilt; emitter-appended) ---
"""Pipeline reference for scband-rank-model-e-38869454029484 (READ-ONLY COPY).

The authoritative reference and input builder live on the scoring server;
editing this copy changes nothing except your own understanding.
"""

import jax, jax.numpy as jnp
import numpy as np

N_STIMULI = 20
N_DIM = 3
BETA = 10.0
TAU = 1.0
GAMMA = 0.001
RHO = 2.0
BATCH = 16384


def setup_inputs(seed: int = 0) -> dict:
    key = jax.random.key(seed)
    k1, k2 = jax.random.split(key)
    # indices in [1, n_stimuli]; index 0 is the mask_zero placeholder and is avoided
    stimulus_set = jax.random.randint(k1, (BATCH, 3), 1, N_STIMULI + 1, dtype=jnp.int32)
    # percept embedding table: (n_stimuli + 1, n_dim), row 0 is the mask row
    embedding = jax.random.normal(k2, (N_STIMULI + 1, N_DIM), dtype=jnp.float32) * 0.05
    return {"stimulus_set": stimulus_set, "embedding": embedding}


def reference(stimulus_set, embedding):
    # percept: embedding lookup (gather)
    z = jnp.take(embedding, stimulus_set, axis=0)  # [B, 3, D]
    z_q = z[:, 0:1, :]   # query stimulus
    z_r = z[:, 1:, :]    # 2 reference stimuli
    # Minkowski distance, rho=2, w=1 (non-trainable constants)
    w = jnp.ones((N_DIM,), dtype=jnp.float32)
    d = jnp.power(jnp.sum(w * jnp.power(jnp.abs(z_q - z_r), RHO), axis=-1), 1.0 / RHO)  # [B, 2]
    # ExponentialSimilarity: exp(-beta * d^tau) + gamma
    s = jnp.exp(-BETA * jnp.power(d, TAU)) + GAMMA  # [B, 2]
    # RankSimilarity, n_reference=2, n_select=1: two possible outcomes,
    # outcome i = "reference i selected first"; p_i = s_i / (s_1 + s_2)
    total = jnp.sum(s, axis=-1, keepdims=True)
    prob = s / total  # [B, 2]
    return prob

if __name__ == "__main__":
    import jax
    _d = setup_inputs()
    print(jax.jit(kernel)(*tuple(_d.values())))

</pallas_src>

<mosaic_0001>
#map = affine_map<(d0, d1) -> (0)>
#map1 = affine_map<(d0, d1) -> (0, 0, 0)>
module attributes {stable_mosaic.version = 14 : i64} {
  func.func @_sc_body(%arg0: i32, %arg1: i32, %arg2: memref<16384xi32, #tpu.memory_space<hbm>>, %arg3: memref<63xf32, #tpu.memory_space<hbm>>, %arg4: memref<128x2x128xf32, #tpu.memory_space<hbm>>, %arg5: memref<1024xi32, #tpu.memory_space<vmem>>, %arg6: memref<63xf32, #tpu.memory_space<vmem>>, %arg7: memref<448xf32, #tpu.memory_space<vmem>>, %arg8: memref<16xf32, #tpu.memory_space<vmem>>, %arg9: memref<8x2x128xf32, #tpu.memory_space<vmem>>, %arg10: memref<448xf32, #tpu.memory_space<vmem_shared>>, %arg11: memref<!tpu.dma_semaphore, #tpu.memory_space<semaphore_mem>>, %arg12: memref<!tpu.dma_semaphore, #tpu.memory_space<semaphore_mem>>) attributes {dimension_semantics = [#tpu.dimension_semantics<core_parallel>, #tpu.dimension_semantics<subcore_parallel>], iteration_bounds = array<i64: 1, 16>, scalar_prefetch = 0 : i64, scratch_operands = 8 : i64, tpu.core_type = #tpu.core_type<sc_vector_subcore>, window_params = [{transform_indices = #map}, {transform_indices = #map}, {transform_indices = #map1}]} {
    %mul3A = arith.constant 1 : i32
    %mul3A_0 = arith.muli %arg1, %mul3A : i32
    %add3A = arith.addi %mul3A_0, %arg0 : i32
    %mul3A_1 = arith.constant 1024 : i32
    %mul3A_2 = arith.muli %add3A, %mul3A_1 : i32
    tpu.enqueue_dma source(%arg3 : memref<63xf32, #tpu.memory_space<hbm>>) target(%arg6 : memref<63xf32, #tpu.memory_space<vmem>>) target_semaphore(%arg12 : memref<!tpu.dma_semaphore, #tpu.memory_space<semaphore_mem>>)
    %dma_start3A = tpu.memref_slice %arg2[%mul3A_2] : memref<16384xi32, #tpu.memory_space<hbm>> -> memref<1024xi32, #tpu.memory_space<hbm>>
    %dma_start3A_3 = tpu.memref_slice %arg2[%mul3A_2] : memref<16384xi32, #tpu.memory_space<hbm>> -> memref<1024xi32, #tpu.memory_space<hbm>>
    tpu.enqueue_dma source(%dma_start3A_3 : memref<1024xi32, #tpu.memory_space<hbm>>) target(%arg5 : memref<1024xi32, #tpu.memory_space<vmem>>) target_semaphore(%arg11 : memref<!tpu.dma_semaphore, #tpu.memory_space<semaphore_mem>>)
    tpu.wait_dma2 semaphore(%arg12 : memref<!tpu.dma_semaphore, #tpu.memory_space<semaphore_mem>>) src(%arg3 : memref<63xf32, #tpu.memory_space<hbm>>) dst(%arg6 : memref<63xf32, #tpu.memory_space<vmem>>)
    %iota3A = tpu.iota {dimensions = array<i32: 0>} : vector<16xi32>
    %mul3A_4 = arith.constant 16 : i32
    %mul3A_5 = arith.muli %arg1, %mul3A_4 : i32
    %add3A_6 = vector.broadcast %mul3A_5 : i32 to vector<16xi32>
    %add3A_7 = arith.addi %add3A_6, %iota3A : vector<16xi32>
    %min3A = arith.constant 440 : i32
    %min3A_8 = vector.broadcast %min3A : i32 to vector<16xi32>
    %min3A_9 = arith.minsi %add3A_7, %min3A_8 : vector<16xi32>
    %jit3A = arith.constant 21 : i32
    %div3A = vector.broadcast %jit3A : i32 to vector<16xi32>
    %div3A_10 = arith.divsi %min3A_9, %div3A : vector<16xi32>
    %sign3A = arith.constant 0 : i32
    %sign3A_11 = vector.broadcast %sign3A : i32 to vector<16xi32>
    %sign3A_12 = arith.cmpi sgt, %min3A_9, %sign3A_11 : vector<16xi32>
    %sign3A_13 = arith.extui %sign3A_12 : vector<16xi1> to vector<16xi32>
    %sign3A_14 = arith.constant 0 : i32
    %sign3A_15 = vector.broadcast %sign3A_14 : i32 to vector<16xi32>
    %sign3A_16 = arith.cmpi slt, %min3A_9, %sign3A_15 : vector<16xi32>
    %sign3A_17 = arith.extui %sign3A_16 : vector<16xi1> to vector<16xi32>
    %sign3A_18 = arith.subi %sign3A_13, %sign3A_17 : vector<16xi32>
    %sign3A_19 = arith.constant 0 : i32
    %sign3A_20 = arith.cmpi sgt, %jit3A, %sign3A_19 : i32
    %sign3A_21 = arith.extui %sign3A_20 : i1 to i32
    %sign3A_22 = arith.constant 0 : i32
    %sign3A_23 = arith.cmpi slt, %jit3A, %sign3A_22 : i32
    %sign3A_24 = arith.extui %sign3A_23 : i1 to i32
    %sign3A_25 = arith.subi %sign3A_21, %sign3A_24 : i32
    %ne3A = vector.broadcast %sign3A_25 : i32 to vector<16xi32>
    %ne3A_26 = arith.cmpi ne, %sign3A_18, %ne3A : vector<16xi32>
    %rem3A = vector.broadcast %jit3A : i32 to vector<16xi32>
    %rem3A_27 = arith.remsi %min3A_9, %rem3A : vector<16xi32>
    %ne3A_28 = arith.constant 0 : i32
    %ne3A_29 = vector.broadcast %ne3A_28 : i32 to vector<16xi32>
    %ne3A_30 = arith.cmpi ne, %rem3A_27, %ne3A_29 : vector<16xi32>
    %and3A = arith.andi %ne3A_26, %ne3A_30 : vector<16xi1>
    %sub3A = arith.constant 1 : i32
    %sub3A_31 = vector.broadcast %sub3A : i32 to vector<16xi32>
    %sub3A_32 = arith.subi %div3A_10, %sub3A_31 : vector<16xi32>
    %select_n3A = arith.select %and3A, %sub3A_32, %div3A_10 : vector<16xi1>, vector<16xi32>
    %mul3A_33 = arith.constant 21 : i32
    %mul3A_34 = vector.broadcast %mul3A_33 : i32 to vector<16xi32>
    %mul3A_35 = arith.muli %select_n3A, %mul3A_34 : vector<16xi32>
    %sub3A_36 = arith.subi %min3A_9, %mul3A_35 : vector<16xi32>
    %broadcast_in_dim3A = arith.constant 0.000000e+00 : f32
    %broadcast_in_dim3A_37 = vector.broadcast %broadcast_in_dim3A : f32 to vector<16xf32>
    %broadcast_in_dim3A_38 = arith.constant 0 : i32
    %broadcast_in_dim3A_39 = vector.broadcast %broadcast_in_dim3A_38 : i32 to vector<16xi32>
    %add3A_40 = arith.addi %broadcast_in_dim3A_39, %select_n3A : vector<16xi32>
    %gather3A = tpu.vector_load_idx %arg6[%add3A_40] : memref<63xf32, #tpu.memory_space<vmem>>[vector<16xi32>], vector<16xf32>,
    %add3A_41 = arith.addi %broadcast_in_dim3A_39, %sub3A_36 : vector<16xi32>
    %gather3A_42 = tpu.vector_load_idx %arg6[%add3A_41] : memref<63xf32, #tpu.memory_space<vmem>>[vector<16xi32>], vector<16xf32>,
    %sub3A_43 = arith.subf %gather3A, %gather3A_42 : vector<16xf32>
    %mul3A_44 = arith.mulf %sub3A_43, %sub3A_43 : vector<16xf32>
    %add3A_45 = arith.addf %broadcast_in_dim3A_37, %mul3A_44 : vector<16xf32>
    %broadcast_in_dim3A_46 = arith.constant 21 : i32
    %broadcast_in_dim3A_47 = vector.broadcast %broadcast_in_dim3A_46 : i32 to vector<16xi32>
    %add3A_48 = arith.addi %broadcast_in_dim3A_47, %select_n3A : vector<16xi32>
    %gather3A_49 = tpu.vector_load_idx %arg6[%add3A_48] : memref<63xf32, #tpu.memory_space<vmem>>[vector<16xi32>], vector<16xf32>,
    %add3A_50 = arith.addi %broadcast_in_dim3A_47, %sub3A_36 : vector<16xi32>
    %gather3A_51 = tpu.vector_load_idx %arg6[%add3A_50] : memref<63xf32, #tpu.memory_space<vmem>>[vector<16xi32>], vector<16xf32>,
    %sub3A_52 = arith.subf %gather3A_49, %gather3A_51 : vector<16xf32>
    %mul3A_53 = arith.mulf %sub3A_52, %sub3A_52 : vector<16xf32>
    %add3A_54 = arith.addf %add3A_45, %mul3A_53 : vector<16xf32>
    %broadcast_in_dim3A_55 = arith.constant 42 : i32
    %broadcast_in_dim3A_56 = vector.broadcast %broadcast_in_dim3A_55 : i32 to vector<16xi32>
    %add3A_57 = arith.addi %broadcast_in_dim3A_56, %select_n3A : vector<16xi32>
    %gather3A_58 = tpu.vector_load_idx %arg6[%add3A_57] : memref<63xf32, #tpu.memory_space<vmem>>[vector<16xi32>], vector<16xf32>,
    %add3A_59 = arith.addi %broadcast_in_dim3A_56, %sub3A_36 : vector<16xi32>
    %gather3A_60 = tpu.vector_load_idx %arg6[%add3A_59] : memref<63xf32, #tpu.memory_space<vmem>>[vector<16xi32>], vector<16xf32>,
    %sub3A_61 = arith.subf %gather3A_58, %gather3A_60 : vector<16xf32>
    %mul3A_62 = arith.mulf %sub3A_61, %sub3A_61 : vector<16xf32>
    %add3A_63 = arith.addf %add3A_54, %mul3A_62 : vector<16xf32>
    %bitcast3A = vector.bitcast %add3A_63 : vector<16xf32> to vector<16xi32>
    %shift_right_arithmetic3A = arith.constant 1 : i32
    %shift_right_arithmetic3A_64 = vector.broadcast %shift_right_arithmetic3A : i32 to vector<16xi32>
    %shift_right_arithmetic3A_65 = arith.shrsi %bitcast3A, %shift_right_arithmetic3A_64 : vector<16xi32>
    %sub3A_66 = arith.constant 1597463007 : i32
    %sub3A_67 = vector.broadcast %sub3A_66 : i32 to vector<16xi32>
    %sub3A_68 = arith.subi %sub3A_67, %shift_right_arithmetic3A_65 : vector<16xi32>
    %bitcast3A_69 = vector.bitcast %sub3A_68 : vector<16xi32> to vector<16xf32>
    %mul3A_70 = arith.constant 5.000000e-01 : f32
    %mul3A_71 = vector.broadcast %mul3A_70 : f32 to vector<16xf32>
    %mul3A_72 = arith.mulf %add3A_63, %mul3A_71 : vector<16xf32>
    %mul3A_73 = arith.mulf %mul3A_72, %bitcast3A_69 : vector<16xf32>
    %mul3A_74 = arith.mulf %mul3A_73, %bitcast3A_69 : vector<16xf32>
    %sub3A_75 = arith.constant 1.500000e+00 : f32
    %sub3A_76 = vector.broadcast %sub3A_75 : f32 to vector<16xf32>
    %sub3A_77 = arith.subf %sub3A_76, %mul3A_74 : vector<16xf32>
    %mul3A_78 = arith.mulf %bitcast3A_69, %sub3A_77 : vector<16xf32>
    %mul3A_79 = arith.mulf %mul3A_72, %mul3A_78 : vector<16xf32>
    %mul3A_80 = arith.mulf %mul3A_79, %mul3A_78 : vector<16xf32>
    %sub3A_81 = arith.constant 1.500000e+00 : f32
    %sub3A_82 = vector.broadcast %sub3A_81 : f32 to vector<16xf32>
    %sub3A_83 = arith.subf %sub3A_82, %mul3A_80 : vector<16xf32>
    %mul3A_84 = arith.mulf %mul3A_78, %sub3A_83 : vector<16xf32>
    %mul3A_85 = arith.mulf %mul3A_72, %mul3A_84 : vector<16xf32>
    %mul3A_86 = arith.mulf %mul3A_85, %mul3A_84 : vector<16xf32>
    %sub3A_87 = arith.constant 1.500000e+00 : f32
    %sub3A_88 = vector.broadcast %sub3A_87 : f32 to vector<16xf32>
    %sub3A_89 = arith.subf %sub3A_88, %mul3A_86 : vector<16xf32>
    %mul3A_90 = arith.mulf %mul3A_84, %sub3A_89 : vector<16xf32>
    %mul3A_91 = arith.mulf %add3A_63, %mul3A_90 : vector<16xf32>
    %mul3A_92 = arith.constant -1.000000e+01 : f32
    %mul3A_93 = vector.broadcast %mul3A_92 : f32 to vector<16xf32>
    %mul3A_94 = arith.mulf %mul3A_93, %mul3A_91 : vector<16xf32>
    %exp3A = math.exp %mul3A_94 : vector<16xf32>
    %add3A_95 = arith.constant 1.000000e-03 : f32
    %add3A_96 = vector.broadcast %add3A_95 : f32 to vector<16xf32>
    %add3A_97 = arith.addf %exp3A, %add3A_96 : vector<16xf32>
    %swap3A = arith.constant 0 : index
    %swap3A_98 = tpu.vector_load %arg8[%swap3A] {strides = array<i32>} : memref<16xf32, #tpu.memory_space<vmem>>, vector<16xf32>,
    tpu.vector_store %arg8[%swap3A], %add3A_97 {strides = array<i32>} : memref<16xf32, #tpu.memory_space<vmem>>, vector<16xf32>,
    %mul3A_99 = arith.constant 16 : i32
    %mul3A_100 = arith.muli %arg1, %mul3A_99 : i32
    "tpu.region"() ({
      %run_scoped3A = tpu.sem_alloc : memref<!tpu.dma_semaphore, #tpu.memory_space<semaphore_mem>>
      %dma_start3A_2602 = tpu.memref_slice %arg10[%mul3A_100] : memref<448xf32, #tpu.memory_space<vmem_shared>> -> memref<16xf32, #tpu.memory_space<vmem_shared>>
      %dma_start3A_2603 = tpu.memref_slice %arg10[%mul3A_100] : memref<448xf32, #tpu.memory_space<vmem_shared>> -> memref<16xf32, #tpu.memory_space<vmem_shared>>
      tpu.enqueue_dma source(%arg8 : memref<16xf32, #tpu.memory_space<vmem>>) target(%dma_start3A_2603 : memref<16xf32, #tpu.memory_space<vmem_shared>>) target_semaphore(%run_scoped3A : memref<!tpu.dma_semaphore, #tpu.memory_space<semaphore_mem>>)
      %dma_wait3A_2604 = tpu.memref_slice %arg10[%mul3A_100] : memref<448xf32, #tpu.memory_space<vmem_shared>> -> memref<16xf32, #tpu.memory_space<vmem_shared>>
      %dma_wait3A_2605 = tpu.memref_slice %arg10[%mul3A_100] : memref<448xf32, #tpu.memory_space<vmem_shared>> -> memref<16xf32, #tpu.memory_space<vmem_shared>>
      tpu.wait_dma2 semaphore(%run_scoped3A : memref<!tpu.dma_semaphore, #tpu.memory_space<semaphore_mem>>) src(%arg8 : memref<16xf32, #tpu.memory_space<vmem>>) dst(%dma_wait3A_2605 : memref<16xf32, #tpu.memory_space<vmem_shared>>)
      tpu.yield
    }) : () -> ()
    %add3A_101 = arith.constant 16 : i32
    %add3A_102 = arith.addi %arg1, %add3A_101 : i32
    %lt3A = arith.constant 28 : i32
    %lt3A_103 = arith.cmpi slt, %add3A_102, %lt3A : i32
    %convert_element_type3A = arith.extui %lt3A_103 : i1 to i32
    %cond3A = arith.constant 0 : i32
    %cond3A_104 = arith.cmpi ne, %convert_element_type3A, %cond3A : i32
    scf.if %cond3A_104 {
      %add3A_2602 = arith.constant 16 : i32
      %add3A_2603 = arith.addi %arg1, %add3A_2602 : i32
      %mul3A_2604 = arith.constant 16 : i32
      %mul3A_2605 = arith.muli %add3A_2603, %mul3A_2604 : i32
      %add3A_2606 = vector.broadcast %mul3A_2605 : i32 to vector<16xi32>
      %add3A_2607 = arith.addi %add3A_2606, %iota3A : vector<16xi32>
      %min3A_2608 = arith.constant 440 : i32
      %min3A_2609 = vector.broadcast %min3A_2608 : i32 to vector<16xi32>
      %min3A_2610 = arith.minsi %add3A_2607, %min3A_2609 : vector<16xi32>
      %jit3A_2611 = arith.constant 21 : i32
      %div3A_2612 = vector.broadcast %jit3A_2611 : i32 to vector<16xi32>
      %div3A_2613 = arith.divsi %min3A_2610, %div3A_2612 : vector<16xi32>
      %sign3A_2614 = arith.constant 0 : i32
      %sign3A_2615 = vector.broadcast %sign3A_2614 : i32 to vector<16xi32>
      %sign3A_2616 = arith.cmpi sgt, %min3A_2610, %sign3A_2615 : vector<16xi32>
      %sign3A_2617 = arith.extui %sign3A_2616 : vector<16xi1> to vector<16xi32>
      %sign3A_2618 = arith.constant 0 : i32
      %sign3A_2619 = vector.broadcast %sign3A_2618 : i32 to vector<16xi32>
      %sign3A_2620 = arith.cmpi slt, %min3A_2610, %sign3A_2619 : vector<16xi32>
      %sign3A_2621 = arith.extui %sign3A_2620 : vector<16xi1> to vector<16xi32>
      %sign3A_2622 = arith.subi %sign3A_2617, %sign3A_2621 : vector<16xi32>
      %sign3A_2623 = arith.constant 0 : i32
      %sign3A_2624 = arith.cmpi sgt, %jit3A_2611, %sign3A_2623 : i32
      %sign3A_2625 = arith.extui %sign3A_2624 : i1 to i32
      %sign3A_2626 = arith.constant 0 : i32
      %sign3A_2627 = arith.cmpi slt, %jit3A_2611, %sign3A_2626 : i32
      %sign3A_2628 = arith.extui %sign3A_2627 : i1 to i32
      %sign3A_2629 = arith.subi %sign3A_2625, %sign3A_2628 : i32
      %ne3A_2630 = vector.broadcast %sign3A_2629 : i32 to vector<16xi32>
      %ne3A_2631 = arith.cmpi ne, %sign3A_2622, %ne3A_2630 : vector<16xi32>
      %rem3A_2632 = vector.broadcast %jit3A_2611 : i32 to vector<16xi32>
      %rem3A_2633 = arith.remsi %min3A_2610, %rem3A_2632 : vector<16xi32>
      %ne3A_2634 = arith.constant 0 : i32
      %ne3A_2635 = vector.broadcast %ne3A_2634 : i32 to vector<16xi32>
      %ne3A_2636 = arith.cmpi ne, %rem3A_2633, %ne3A_2635 : vector<16xi32>
      %and3A_2637 = arith.andi %ne3A_2631, %ne3A_2636 : vector<16xi1>
      %sub3A_2638 = arith.constant 1 : i32
      %sub3A_2639 = vector.broadcast %sub3A_2638 : i32 to vector<16xi32>
      %sub3A_2640 = arith.subi %div3A_2613, %sub3A_2639 : vector<16xi32>
      %select_n3A_2641 = arith.select %and3A_2637, %sub3A_2640, %div3A_2613 : vector<16xi1>, vector<16xi32>
      %mul3A_2642 = arith.constant 21 : i32
      %mul3A_2643 = vector.broadcast %mul3A_2642 : i32 to vector<16xi32>
      %mul3A_2644 = arith.muli %select_n3A_2641, %mul3A_2643 : vector<16xi32>
      %sub3A_2645 = arith.subi %min3A_2610, %mul3A_2644 : vector<16xi32>
      %broadcast_in_dim3A_2646 = arith.constant 0.000000e+00 : f32
      %broadcast_in_dim3A_2647 = vector.broadcast %broadcast_in_dim3A_2646 : f32 to vector<16xf32>
      %broadcast_in_dim3A_2648 = arith.constant 0 : i32
      %broadcast_in_dim3A_2649 = vector.broadcast %broadcast_in_dim3A_2648 : i32 to vector<16xi32>
      %add3A_2650 = arith.addi %broadcast_in_dim3A_2649, %select_n3A_2641 : vector<16xi32>
      %gather3A_2651 = tpu.vector_load_idx %arg6[%add3A_2650] : memref<63xf32, #tpu.memory_space<vmem>>[vector<16xi32>], vector<16xf32>,
      %add3A_2652 = arith.addi %broadcast_in_dim3A_2649, %sub3A_2645 : vector<16xi32>
      %gather3A_2653 = tpu.vector_load_idx %arg6[%add3A_2652] : memref<63xf32, #tpu.memory_space<vmem>>[vector<16xi32>], vector<16xf32>,
      %sub3A_2654 = arith.subf %gather3A_2651, %gather3A_2653 : vector<16xf32>
      %mul3A_2655 = arith.mulf %sub3A_2654, %sub3A_2654 : vector<16xf32>
      %add3A_2656 = arith.addf %broadcast_in_dim3A_2647, %mul3A_2655 : vector<16xf32>
      %broadcast_in_dim3A_2657 = arith.constant 21 : i32
      %broadcast_in_dim3A_2658 = vector.broadcast %broadcast_in_dim3A_2657 : i32 to vector<16xi32>
      %add3A_2659 = arith.addi %broadcast_in_dim3A_2658, %select_n3A_2641 : vector<16xi32>
      %gather3A_2660 = tpu.vector_load_idx %arg6[%add3A_2659] : memref<63xf32, #tpu.memory_space<vmem>>[vector<16xi32>], vector<16xf32>,
      %add3A_2661 = arith.addi %broadcast_in_dim3A_2658, %sub3A_2645 : vector<16xi32>
      %gather3A_2662 = tpu.vector_load_idx %arg6[%add3A_2661] : memref<63xf32, #tpu.memory_space<vmem>>[vector<16xi32>], vector<16xf32>,
      %sub3A_2663 = arith.subf %gather3A_2660, %gather3A_2662 : vector<16xf32>
      %mul3A_2664 = arith.mulf %sub3A_2663, %sub3A_2663 : vector<16xf32>
      %add3A_2665 = arith.addf %add3A_2656, %mul3A_2664 : vector<16xf32>
      %broadcast_in_dim3A_2666 = arith.constant 42 : i32
      %broadcast_in_dim3A_2667 = vector.broadcast %broadcast_in_dim3A_2666 : i32 to vector<16xi32>
      %add3A_2668 = arith.addi %broadcast_in_dim3A_2667, %select_n3A_2641 : vector<16xi32>
      %gather3A_2669 = tpu.vector_load_idx %arg6[%add3A_2668] : memref<63xf32, #tpu.memory_space<vmem>>[vector<16xi32>], vector<16xf32>,
      %add3A_2670 = arith.addi %broadcast_in_dim3A_2667, %sub3A_2645 : vector<16xi32>
      %gather3A_2671 = tpu.vector_load_idx %arg6[%add3A_2670] : memref<63xf32, #tpu.memory_space<vmem>>[vector<16xi32>], vector<16xf32>,
      %sub3A_2672 = arith.subf %gather3A_2669, %gather3A_2671 : vector<16xf32>
      %mul3A_2673 = arith.mulf %sub3A_2672, %sub3A_2672 : vector<16xf32>
      %add3A_2674 = arith.addf %add3A_2665, %mul3A_2673 : vector<16xf32>
      %bitcast3A_2675 = vector.bitcast %add3A_2674 : vector<16xf32> to vector<16xi32>
      %shift_right_arithmetic3A_2676 = arith.constant 1 : i32
      %shift_right_arithmetic3A_2677 = vector.broadcast %shift_right_arithmetic3A_2676 : i32 to vector<16xi32>
      %shift_right_arithmetic3A_2678 = arith.shrsi %bitcast3A_2675, %shift_right_arithmetic3A_2677 : vector<16xi32>
      %sub3A_2679 = arith.constant 1597463007 : i32
      %sub3A_2680 = vector.broadcast %sub3A_2679 : i32 to vector<16xi32>
      %sub3A_2681 = arith.subi %sub3A_2680, %shift_right_arithmetic3A_2678 : vector<16xi32>
      %bitcast3A_2682 = vector.bitcast %sub3A_2681 : vector<16xi32> to vector<16xf32>
      %mul3A_2683 = arith.constant 5.000000e-01 : f32
      %mul3A_2684 = vector.broadcast %mul3A_2683 : f32 to vector<16xf32>
      %mul3A_2685 = arith.mulf %add3A_2674, %mul3A_2684 : vector<16xf32>
      %mul3A_2686 = arith.mulf %mul3A_2685, %bitcast3A_2682 : vector<16xf32>
      %mul3A_2687 = arith.mulf %mul3A_2686, %bitcast3A_2682 : vector<16xf32>
      %sub3A_2688 = arith.constant 1.500000e+00 : f32
      %sub3A_2689 = vector.broadcast %sub3A_2688 : f32 to vector<16xf32>
      %sub3A_2690 = arith.subf %sub3A_2689, %mul3A_2687 : vector<16xf32>
      %mul3A_2691 = arith.mulf %bitcast3A_2682, %sub3A_2690 : vector<16xf32>
      %mul3A_2692 = arith.mulf %mul3A_2685, %mul3A_2691 : vector<16xf32>
      %mul3A_2693 = arith.mulf %mul3A_2692, %mul3A_2691 : vector<16xf32>
      %sub3A_2694 = arith.constant 1.500000e+00 : f32
      %sub3A_2695 = vector.broadcast %sub3A_2694 : f32 to vector<16xf32>
      %sub3A_2696 = arith.subf %sub3A_2695, %mul3A_2693 : vector<16xf32>
      %mul3A_2697 = arith.mulf %mul3A_2691, %sub3A_2696 : vector<16xf32>
      %mul3A_2698 = arith.mulf %mul3A_2685, %mul3A_2697 : vector<16xf32>
      %mul3A_2699 = arith.mulf %mul3A_2698, %mul3A_2697 : vector<16xf32>
      %sub3A_2700 = arith.constant 1.500000e+00 : f32
      %sub3A_2701 = vector.broadcast %sub3A_2700 : f32 to vector<16xf32>
      %sub3A_2702 = arith.subf %sub3A_2701, %mul3A_2699 : vector<16xf32>
      %mul3A_2703 = arith.mulf %mul3A_2697, %sub3A_2702 : vector<16xf32>
      %mul3A_2704 = arith.mulf %add3A_2674, %mul3A_2703 : vector<16xf32>
      %mul3A_2705 = arith.constant -1.000000e+01 : f32
      %mul3A_2706 = vector.broadcast %mul3A_2705 : f32 to vector<16xf32>
      %mul3A_2707 = arith.mulf %mul3A_2706, %mul3A_2704 : vector<16xf32>
      %exp3A_2708 = math.exp %mul3A_2707 : vector<16xf32>
      %add3A_2709 = arith.constant 1.000000e-03 : f32
      %add3A_2710 = vector.broadcast %add3A_2709 : f32 to vector<16xf32>
      %add3A_2711 = arith.addf %exp3A_2708, %add3A_2710 : vector<16xf32>
      %swap3A_2712 = arith.constant 0 : index
      %swap3A_2713 = tpu.vector_load %arg8[%swap3A_2712] {strides = array<i32>} : memref<16xf32, #tpu.memory_space<vmem>>, vector<16xf32>,
      tpu.vector_store %arg8[%swap3A_2712], %add3A_2711 {strides = array<i32>} : memref<16xf32, #tpu.memory_space<vmem>>, vector<16xf32>,
      %add3A_2714 = arith.constant 16 : i32
      %add3A_2715 = arith.addi %arg1, %add3A_2714 : i32
      %mul3A_2716 = arith.constant 16 : i32
      %mul3A_2717 = arith.muli %add3A_2715, %mul3A_2716 : i32
      "tpu.region"() ({
        %run_scoped3A = tpu.sem_alloc : memref<!tpu.dma_semaphore, #tpu.memory_space<semaphore_mem>>
        %dma_start3A_2718 = tpu.memref_slice %arg10[%mul3A_2717] : memref<448xf32, #tpu.memory_space<vmem_shared>> -> memref<16xf32, #tpu.memory_space<vmem_shared>>
        %dma_start3A_2719 = tpu.memref_slice %arg10[%mul3A_2717] : memref<448xf32, #tpu.memory_space<vmem_shared>> -> memref<16xf32, #tpu.memory_space<vmem_shared>>
        tpu.enqueue_dma source(%arg8 : memref<16xf32, #tpu.memory_space<vmem>>) target(%dma_start3A_2719 : memref<16xf32, #tpu.memory_space<vmem_shared>>) target_semaphore(%run_scoped3A : memref<!tpu.dma_semaphore, #tpu.memory_space<semaphore_mem>>)
        %dma_wait3A_2720 = tpu.memref_slice %arg10[%mul3A_2717] : memref<448xf32, #tpu.memory_space<vmem_shared>> -> memref<16xf32, #tpu.memory_space<vmem_shared>>
        %dma_wait3A_2721 = tpu.memref_slice %arg10[%mul3A_2717] : memref<448xf32, #tpu.memory_space<vmem_shared>> -> memref<16xf32, #tpu.memory_space<vmem_shared>>
        tpu.wait_dma2 semaphore(%run_scoped3A : memref<!tpu.dma_semaphore, #tpu.memory_space<semaphore_mem>>) src(%arg8 : memref<16xf32, #tpu.memory_space<vmem>>) dst(%dma_wait3A_2721 : memref<16xf32, #tpu.memory_space<vmem_shared>>)
        tpu.yield
      }) : () -> ()
    } else {
    }
    %barrier3A = arith.constant 0 : index
    tpu.barrier barrier_id(%barrier3A)
    "tpu.region"() ({
      %run_scoped3A = tpu.sem_alloc : memref<!tpu.dma_semaphore, #tpu.memory_space<semaphore_mem>>
      tpu.enqueue_dma source(%arg10 : memref<448xf32, #tpu.memory_space<vmem_shared>>) target(%arg7 : memref<448xf32, #tpu.memory_space<vmem>>) target_semaphore(%run_scoped3A : memref<!tpu.dma_semaphore, #tpu.memory_space<semaphore_mem>>)
      tpu.wait_dma2 semaphore(%run_scoped3A : memref<!tpu.dma_semaphore, #tpu.memory_space<semaphore_mem>>) src(%arg10 : memref<448xf32, #tpu.memory_space<vmem_shared>>) dst(%arg7 : memref<448xf32, #tpu.memory_space<vmem>>)
      tpu.yield
    }) : () -> ()
    %dma_wait3A = tpu.memref_slice %arg2[%mul3A_2] : memref<16384xi32, #tpu.memory_space<hbm>> -> memref<1024xi32, #tpu.memory_space<hbm>>
    %dma_wait3A_105 = tpu.memref_slice %arg2[%mul3A_2] : memref<16384xi32, #tpu.memory_space<hbm>> -> memref<1024xi32, #tpu.memory_space<hbm>>
    tpu.wait_dma2 semaphore(%arg11 : memref<!tpu.dma_semaphore, #tpu.memory_space<semaphore_mem>>) src(%dma_wait3A_105 : memref<1024xi32, #tpu.memory_space<hbm>>) dst(%arg5 : memref<1024xi32, #tpu.memory_space<vmem>>)
    %broadcast_in_dim3A_106 = arith.constant 31 : i32
    %broadcast_in_dim3A_107 = vector.broadcast %broadcast_in_dim3A_106 : i32 to vector<16xi32>
    %get3A = arith.constant 0 : index
    %get3A_108 = tpu.vector_load %arg5[%get3A] {strides = array<i32>} : memref<1024xi32, #tpu.memory_space<vmem>>, vector<16xi32>,
    %and3A_109 = arith.andi %get3A_108, %broadcast_in_dim3A_107 : vector<16xi32>
    %mul3A_110 = arith.constant 21 : i32
    %mul3A_111 = vector.broadcast %mul3A_110 : i32 to vector<16xi32>
    %mul3A_112 = arith.muli %and3A_109, %mul3A_111 : vector<16xi32>
    %shift_right_logical3A = arith.constant 5 : i32
    %shift_right_logical3A_113 = vector.broadcast %shift_right_logical3A : i32 to vector<16xi32>
    %shift_right_logical3A_114 = arith.shrui %get3A_108, %shift_right_logical3A_113 : vector<16xi32>
    %and3A_115 = arith.andi %shift_right_logical3A_114, %broadcast_in_dim3A_107 : vector<16xi32>
    %shift_right_logical3A_116 = arith.constant 10 : i32
    %shift_right_logical3A_117 = vector.broadcast %shift_right_logical3A_116 : i32 to vector<16xi32>
    %shift_right_logical3A_118 = arith.shrui %get3A_108, %shift_right_logical3A_117 : vector<16xi32>
    %add3A_119 = arith.addi %mul3A_112, %and3A_115 : vector<16xi32>
    %gather3A_120 = tpu.vector_load_idx %arg7[%add3A_119] : memref<448xf32, #tpu.memory_space<vmem>>[vector<16xi32>], vector<16xf32>,
    %add3A_121 = arith.addi %mul3A_112, %shift_right_logical3A_118 : vector<16xi32>
    %gather3A_122 = tpu.vector_load_idx %arg7[%add3A_121] : memref<448xf32, #tpu.memory_space<vmem>>[vector<16xi32>], vector<16xf32>,
    %add3A_123 = arith.addf %gather3A_120, %gather3A_122 : vector<16xf32>
    %div3A_124 = arith.constant 1.000000e+00 : f32
    %div3A_125 = vector.broadcast %div3A_124 : f32 to vector<16xf32>
    %div3A_126 = arith.divf %div3A_125, %add3A_123 : vector<16xf32>
    %mul3A_127 = arith.mulf %gather3A_120, %div3A_126 : vector<16xf32>
    %swap3A_128 = arith.constant 0 : i32
    %swap3A_129 = arith.constant 0 : i32
    %swap3A_130 = arith.index_cast %swap3A_128 : i32 to index
    %swap3A_131 = arith.index_cast %swap3A_129 : i32 to index
    %swap3A_132 = arith.constant 0 : index
    %swap3A_133 = tpu.vector_load %arg9[%swap3A_130, %swap3A_131, %swap3A_132] {strides = array<i32>} : memref<8x2x128xf32, #tpu.memory_space<vmem>>, vector<16xf32>,
    tpu.vector_store %arg9[%swap3A_130, %swap3A_131, %swap3A_132], %mul3A_127 {strides = array<i32>} : memref<8x2x128xf32, #tpu.memory_space<vmem>>, vector<16xf32>,
    %mul3A_134 = arith.mulf %gather3A_122, %div3A_126 : vector<16xf32>
    %swap3A_135 = arith.constant 0 : i32
    %swap3A_136 = arith.constant 1 : i32
    %swap3A_137 = arith.index_cast %swap3A_135 : i32 to index
    %swap3A_138 = arith.index_cast %swap3A_136 : i32 to index
    %swap3A_139 = arith.constant 0 : index
    %swap3A_140 = tpu.vector_load %arg9[%swap3A_137, %swap3A_138, %swap3A_139] {strides = array<i32>} : memref<8x2x128xf32, #tpu.memory_space<vmem>>, vector<16xf32>,
    tpu.vector_store %arg9[%swap3A_137, %swap3A_138, %swap3A_139], %mul3A_134 {strides = array<i32>} : memref<8x2x128xf32, #tpu.memory_space<vmem>>, vector<16xf32>,
    %get3A_141 = arith.constant 16 : index
    %get3A_142 = tpu.vector_load %arg5[%get3A_141] {strides = array<i32>} : memref<1024xi32, #tpu.memory_space<vmem>>, vector<16xi32>,
    %and3A_143 = arith.andi %get3A_142, %broadcast_in_dim3A_107 : vector<16xi32>
    %mul3A_144 = arith.constant 21 : i32
    %mul3A_145 = vector.broadcast %mul3A_144 : i32 to vector<16xi32>
    %mul3A_146 = arith.muli %and3A_143, %mul3A_145 : vector<16xi32>
    %shift_right_logical3A_147 = arith.constant 5 : i32
    %shift_right_logical3A_148 = vector.broadcast %shift_right_logical3A_147 : i32 to vector<16xi32>
    %shift_right_logical3A_149 = arith.shrui %get3A_142, %shift_right_logical3A_148 : vector<16xi32>
    %and3A_150 = arith.andi %shift_right_logical3A_149, %broadcast_in_dim3A_107 : vector<16xi32>
    %shift_right_logical3A_151 = arith.constant 10 : i32
    %shift_right_logical3A_152 = vector.broadcast %shift_right_logical3A_151 : i32 to vector<16xi32>
    %shift_right_logical3A_153 = arith.shrui %get3A_142, %shift_right_logical3A_152 : vector<16xi32>
    %add3A_154 = arith.addi %mul3A_146, %and3A_150 : vector<16xi32>
    %gather3A_155 = tpu.vector_load_idx %arg7[%add3A_154] : memref<448xf32, #tpu.memory_space<vmem>>[vector<16xi32>], vector<16xf32>,
    %add3A_156 = arith.addi %mul3A_146, %shift_right_logical3A_153 : vector<16xi32>
    %gather3A_157 = tpu.vector_load_idx %arg7[%add3A_156] : memref<448xf32, #tpu.memory_space<vmem>>[vector<16xi32>], vector<16xf32>,
    %add3A_158 = arith.addf %gather3A_155, %gather3A_157 : vector<16xf32>
    %div3A_159 = arith.constant 1.000000e+00 : f32
    %div3A_160 = vector.broadcast %div3A_159 : f32 to vector<16xf32>
    %div3A_161 = arith.divf %div3A_160, %add3A_158 : vector<16xf32>
    %mul3A_162 = arith.mulf %gather3A_155, %div3A_161 : vector<16xf32>
    %swap3A_163 = arith.constant 0 : i32
    %swap3A_164 = arith.constant 0 : i32
    %swap3A_165 = arith.index_cast %swap3A_163 : i32 to index
    %swap3A_166 = arith.index_cast %swap3A_164 : i32 to index
    %swap3A_167 = arith.constant 16 : index
    %swap3A_168 = tpu.vector_load %arg9[%swap3A_165, %swap3A_166, %swap3A_167] {strides = array<i32>} : memref<8x2x128xf32, #tpu.memory_space<vmem>>, vector<16xf32>,
    tpu.vector_store %arg9[%swap3A_165, %swap3A_166, %swap3A_167], %mul3A_162 {strides = array<i32>} : memref<8x2x128xf32, #tpu.memory_space<vmem>>, vector<16xf32>,
    %mul3A_169 = arith.mulf %gather3A_157, %div3A_161 : vector<16xf32>
    %swap3A_170 = arith.constant 0 : i32
    %swap3A_171 = arith.constant 1 : i32
    %swap3A_172 = arith.index_cast %swap3A_170 : i32 to index
    %swap3A_173 = arith.index_cast %swap3A_171 : i32 to index
    %swap3A_174 = arith.constant 16 : index
    %swap3A_175 = tpu.vector_load %arg9[%swap3A_172, %swap3A_173, %swap3A_174] {strides = array<i32>} : memref<8x2x128xf32, #tpu.memory_space<vmem>>, vector<16xf32>,
    tpu.vector_store %arg9[%swap3A_172, %swap3A_173, %swap3A_174], %mul3A_169 {strides = array<i32>} : memref<8x2x128xf32, #tpu.memory_space<vmem>>, vector<16xf32>,
    %get3A_176 = arith.constant 32 : index
    %get3A_177 = tpu.vector_load %arg5[%get3A_176] {strides = array<i32>} : memref<1024xi32, #tpu.memory_space<vmem>>, vector<16xi32>,
    %and3A_178 = arith.andi %get3A_177, %broadcast_in_dim3A_107 : vector<16xi32>
    %mul3A_179 = arith.constant 21 : i32
    %mul3A_180 = vector.broadcast %mul3A_179 : i32 to vector<16xi32>
    %mul3A_181 = arith.muli %and3A_178, %mul3A_180 : vector<16xi32>
    %shift_right_logical3A_182 = arith.constant 5 : i32
    %shift_right_logical3A_183 = vector.broadcast %shift_right_logical3A_182 : i32 to vector<16xi32>
    %shift_right_logical3A_184 = arith.shrui %get3A_177, %shift_right_logical3A_183 : vector<16xi32>
    %and3A_185 = arith.andi %shift_right_logical3A_184, %broadcast_in_dim3A_107 : vector<16xi32>
    %shift_right_logical3A_186 = arith.constant 10 : i32
    %shift_right_logical3A_187 = vector.broadcast %shift_right_logical3A_186 : i32 to vector<16xi32>
    %shift_right_logical3A_188 = arith.shrui %get3A_177, %shift_right_logical3A_187 : vector<16xi32>
    %add3A_189 = arith.addi %mul3A_181, %and3A_185 : vector<16xi32>
    %gather3A_190 = tpu.vector_load_idx %arg7[%add3A_189] : memref<448xf32, #tpu.memory_space<vmem>>[vector<16xi32>], vector<16xf32>,
    %add3A_191 = arith.addi %mul3A_181, %shift_right_logical3A_188 : vector<16xi32>
    %gather3A_192 = tpu.vector_load_idx %arg7[%add3A_191] : memref<448xf32, #tpu.memory_space<vmem>>[vector<16xi32>], vector<16xf32>,
    %add3A_193 = arith.addf %gather3A_190, %gather3A_192 : vector<16xf32>
    %div3A_194 = arith.constant 1.000000e+00 : f32
    %div3A_195 = vector.broadcast %div3A_194 : f32 to vector<16xf32>
    %div3A_196 = arith.divf %div3A_195, %add3A_193 : vector<16xf32>
    %mul3A_197 = arith.mulf %gather3A_190, %div3A_196 : vector<16xf32>
    %swap3A_198 = arith.constant 0 : i32
    %swap3A_199 = arith.constant 0 : i32
    %swap3A_200 = arith.index_cast %swap3A_198 : i32 to index
    %swap3A_201 = arith.index_cast %swap3A_199 : i32 to index
    %swap3A_202 = arith.constant 32 : index
    %swap3A_203 = tpu.vector_load %arg9[%swap3A_200, %swap3A_201, %swap3A_202] {strides = array<i32>} : memref<8x2x128xf32, #tpu.memory_space<vmem>>, vector<16xf32>,
    tpu.vector_store %arg9[%swap3A_200, %swap3A_201, %swap3A_202], %mul3A_197 {strides = array<i32>} : memref<8x2x128xf32, #tpu.memory_space<vmem>>, vector<16xf32>,
    %mul3A_204 = arith.mulf %gather3A_192, %div3A_196 : vector<16xf32>
    %swap3A_205 = arith.constant 0 : i32
    %swap3A_206 = arith.constant 1 : i32
    %swap3A_207 = arith.index_cast %swap3A_205 : i32 to index
    %swap3A_208 = arith.index_cast %swap3A_206 : i32 to index
    %swap3A_209 = arith.constant 32 : index
    %swap3A_210 = tpu.vector_load %arg9[%swap3A_207, %swap3A_208, %swap3A_209] {strides = array<i32>} : memref<8x2x128xf32, #tpu.memory_space<vmem>>, vector<16xf32>,
    tpu.vector_store %arg9[%swap3A_207, %swap3A_208, %swap3A_209], %mul3A_204 {strides = array<i32>} : memref<8x2x128xf32, #tpu.memory_space<vmem>>, vector<16xf32>,
    %get3A_211 = arith.constant 48 : index
    %get3A_212 = tpu.vector_load %arg5[%get3A_211] {strides = array<i32>} : memref<1024xi32, #tpu.memory_space<vmem>>, vector<16xi32>,
    %and3A_213 = arith.andi %get3A_212, %broadcast_in_dim3A_107 : vector<16xi32>
    %mul3A_214 = arith.constant 21 : i32
    %mul3A_215 = vector.broadcast %mul3A_214 : i32 to vector<16xi32>
    %mul3A_216 = arith.muli %and3A_213, %mul3A_215 : vector<16xi32>
    %shift_right_logical3A_217 = arith.constant 5 : i32
    %shift_right_logical3A_218 = vector.broadcast %shift_right_logical3A_217 : i32 to vector<16xi32>
    %shift_right_logical3A_219 = arith.shrui %get3A_212, %shift_right_logical3A_218 : vector<16xi32>
    %and3A_220 = arith.andi %shift_right_logical3A_219, %broadcast_in_dim3A_107 : vector<16xi32>
    %shift_right_logical3A_221 = arith.constant 10 : i32
    %shift_right_logical3A_222 = vector.broadcast %shift_right_logical3A_221 : i32 to vector<16xi32>
    %shift_right_logical3A_223 = arith.shrui %get3A_212, %shift_right_logical3A_222 : vector<16xi32>
    %add3A_224 = arith.addi %mul3A_216, %and3A_220 : vector<16xi32>
    %gather3A_225 = tpu.vector_load_idx %arg7[%add3A_224] : memref<448xf32, #tpu.memory_space<vmem>>[vector<16xi32>], vector<16xf32>,
    %add3A_226 = arith.addi %mul3A_216, %shift_right_logical3A_223 : vector<16xi32>
    %gather3A_227 = tpu.vector_load_idx %arg7[%add3A_226] : memref<448xf32, #tpu.memory_space<vmem>>[vector<16xi32>], vector<16xf32>,
    %add3A_228 = arith.addf %gather3A_225, %gather3A_227 : vector<16xf32>
    %div3A_229 = arith.constant 1.000000e+00 : f32
    %div3A_230 = vector.broadcast %div3A_229 : f32 to vector<16xf32>
    %div3A_231 = arith.divf %div3A_230, %add3A_228 : vector<16xf32>
    %mul3A_232 = arith.mulf %gather3A_225, %div3A_231 : vector<16xf32>
    %swap3A_233 = arith.constant 0 : i32
    %swap3A_234 = arith.constant 0 : i32
    %swap3A_235 = arith.index_cast %swap3A_233 : i32 to index
    %swap3A_236 = arith.index_cast %swap3A_234 : i32 to index
    %swap3A_237 = arith.constant 48 : index
    %swap3A_238 = tpu.vector_load %arg9[%swap3A_235, %swap3A_236, %swap3A_237] {strides = array<i32>} : memref<8x2x128xf32, #tpu.memory_space<vmem>>, vector<16xf32>,
    tpu.vector_store %arg9[%swap3A_235, %swap3A_236, %swap3A_237], %mul3A_232 {strides = array<i32>} : memref<8x2x128xf32, #tpu.memory_space<vmem>>, vector<16xf32>,
    %mul3A_239 = arith.mulf %gather3A_227, %div3A_231 : vector<16xf32>
    %swap3A_240 = arith.constant 0 : i32
    %swap3A_241 = arith.constant 1 : i32
    %swap3A_242 = arith.index_cast %swap3A_240 : i32 to index
    %swap3A_243 = arith.index_cast %swap3A_241 : i32 to index
    %swap3A_244 = arith.constant 48 : index
    %swap3A_245 = tpu.vector_load %arg9[%swap3A_242, %swap3A_243, %swap3A_244] {strides = array<i32>} : memref<8x2x128xf32, #tpu.memory_space<vmem>>, vector<16xf32>,
    tpu.vector_store %arg9[%swap3A_242, %swap3A_243, %swap3A_244], %mul3A_239 {strides = array<i32>} : memref<8x2x128xf32, #tpu.memory_space<vmem>>, vector<16xf32>,
    %get3A_246 = arith.constant 64 : index
    %get3A_247 = tpu.vector_load %arg5[%get3A_246] {strides = array<i32>} : memref<1024xi32, #tpu.memory_space<vmem>>, vector<16xi32>,
    %and3A_248 = arith.andi %get3A_247, %broadcast_in_dim3A_107 : vector<16xi32>
    %mul3A_249 = arith.constant 21 : i32
    %mul3A_250 = vector.broadcast %mul3A_249 : i32 to vector<16xi32>
    %mul3A_251 = arith.muli %and3A_248, %mul3A_250 : vector<16xi32>
    %shift_right_logical3A_252 = arith.constant 5 : i32
    %shift_right_logical3A_253 = vector.broadcast %shift_right_logical3A_252 : i32 to vector<16xi32>
    %shift_right_logical3A_254 = arith.shrui %get3A_247, %shift_right_logical3A_253 : vector<16xi32>
    %and3A_255 = arith.andi %shift_right_logical3A_254, %broadcast_in_dim3A_107 : vector<16xi32>
    %shift_right_logical3A_256 = arith.constant 10 : i32
    %shift_right_logical3A_257 = vector.broadcast %shift_right_logical3A_256 : i32 to vector<16xi32>
    %shift_right_logical3A_258 = arith.shrui %get3A_247, %shift_right_logical3A_257 : vector<16xi32>
    %add3A_259 = arith.addi %mul3A_251, %and3A_255 : vector<16xi32>
    %gather3A_260 = tpu.vector_load_idx %arg7[%add3A_259] : memref<448xf32, #tpu.memory_space<vmem>>[vector<16xi32>], vector<16xf32>,
    %add3A_261 = arith.addi %mul3A_251, %shift_right_logical3A_258 : vector<16xi32>
    %gather3A_262 = tpu.vector_load_idx %arg7[%add3A_261] : memref<448xf32, #tpu.memory_space<vmem>>[vector<16xi32>], vector<16xf32>,
    %add3A_263 = arith.addf %gather3A_260, %gather3A_262 : vector<16xf32>
    %div3A_264 = arith.constant 1.000000e+00 : f32
    %div3A_265 = vector.broadcast %div3A_264 : f32 to vector<16xf32>
    %div3A_266 = arith.divf %div3A_265, %add3A_263 : vector<16xf32>
    %mul3A_267 = arith.mulf %gather3A_260, %div3A_266 : vector<16xf32>
    %swap3A_268 = arith.constant 0 : i32
    %swap3A_269 = arith.constant 0 : i32
    %swap3A_270 = arith.index_cast %swap3A_268 : i32 to index
    %swap3A_271 = arith.index_cast %swap3A_269 : i32 to index
    %swap3A_272 = arith.constant 64 : index
    %swap3A_273 = tpu.vector_load %arg9[%swap3A_270, %swap3A_271, %swap3A_272] {strides = array<i32>} : memref<8x2x128xf32, #tpu.memory_space<vmem>>, vector<16xf32>,
    tpu.vector_store %arg9[%swap3A_270, %swap3A_271, %swap3A_272], %mul3A_267 {strides = array<i32>} : memref<8x2x128xf32, #tpu.memory_space<vmem>>, vector<16xf32>,
    %mul3A_274 = arith.mulf %gather3A_262, %div3A_266 : vector<16xf32>
    %swap3A_275 = arith.constant 0 : i32
    %swap3A_276 = arith.constant 1 : i32
    %swap3A_277 = arith.index_cast %swap3A_275 : i32 to index
    %swap3A_278 = arith.index_cast %swap3A_276 : i32 to index
    %swap3A_279 = arith.constant 64 : index
    %swap3A_280 = tpu.vector_load %arg9[%swap3A_277, %swap3A_278, %swap3A_279] {strides = array<i32>} : memref<8x2x128xf32, #tpu.memory_space<vmem>>, vector<16xf32>,
    tpu.vector_store %arg9[%swap3A_277, %swap3A_278, %swap3A_279], %mul3A_274 {strides = array<i32>} : memref<8x2x128xf32, #tpu.memory_space<vmem>>, vector<16xf32>,
    %get3A_281 = arith.constant 80 : index
    %get3A_282 = tpu.vector_load %arg5[%get3A_281] {strides = array<i32>} : memref<1024xi32, #tpu.memory_space<vmem>>, vector<16xi32>,
    %and3A_283 = arith.andi %get3A_282, %broadcast_in_dim3A_107 : vector<16xi32>
    %mul3A_284 = arith.constant 21 : i32
    %mul3A_285 = vector.broadcast %mul3A_284 : i32 to vector<16xi32>
    %mul3A_286 = arith.muli %and3A_283, %mul3A_285 : vector<16xi32>
    %shift_right_logical3A_287 = arith.constant 5 : i32
    %shift_right_logical3A_288 = vector.broadcast %shift_right_logical3A_287 : i32 to vector<16xi32>
    %shift_right_logical3A_289 = arith.shrui %get3A_282, %shift_right_logical3A_288 : vector<16xi32>
    %and3A_290 = arith.andi %shift_right_logical3A_289, %broadcast_in_dim3A_107 : vector<16xi32>
    %shift_right_logical3A_291 = arith.constant 10 : i32
    %shift_right_logical3A_292 = vector.broadcast %shift_right_logical3A_291 : i32 to vector<16xi32>
    %shift_right_logical3A_293 = arith.shrui %get3A_282, %shift_right_logical3A_292 : vector<16xi32>
    %add3A_294 = arith.addi %mul3A_286, %and3A_290 : vector<16xi32>
    %gather3A_295 = tpu.vector_load_idx %arg7[%add3A_294] : memref<448xf32, #tpu.memory_space<vmem>>[vector<16xi32>], vector<16xf32>,
    %add3A_296 = arith.addi %mul3A_286, %shift_right_logical3A_293 : vector<16xi32>
    %gather3A_297 = tpu.vector_load_idx %arg7[%add3A_296] : memref<448xf32, #tpu.memory_space<vmem>>[vector<16xi32>], vector<16xf32>,
    %add3A_298 = arith.addf %gather3A_295, %gather3A_297 : vector<16xf32>
    %div3A_299 = arith.constant 1.000000e+00 : f32
    %div3A_300 = vector.broadcast %div3A_299 : f32 to vector<16xf32>
    %div3A_301 = arith.divf %div3A_300, %add3A_298 : vector<16xf32>
    %mul3A_302 = arith.mulf %gather3A_295, %div3A_301 : vector<16xf32>
    %swap3A_303 = arith.constant 0 : i32
    %swap3A_304 = arith.constant 0 : i32
    %swap3A_305 = arith.index_cast %swap3A_303 : i32 to index
    %swap3A_306 = arith.index_cast %swap3A_304 : i32 to index
    %swap3A_307 = arith.constant 80 : index
    %swap3A_308 = tpu.vector_load %arg9[%swap3A_305, %swap3A_306, %swap3A_307] {strides = array<i32>} : memref<8x2x128xf32, #tpu.memory_space<vmem>>, vector<16xf32>,
    tpu.vector_store %arg9[%swap3A_305, %swap3A_306, %swap3A_307], %mul3A_302 {strides = array<i32>} : memref<8x2x128xf32, #tpu.memory_space<vmem>>, vector<16xf32>,
    %mul3A_309 = arith.mulf %gather3A_297, %div3A_301 : vector<16xf32>
    %swap3A_310 = arith.constant 0 : i32
    %swap3A_311 = arith.constant 1 : i32
    %swap3A_312 = arith.index_cast %swap3A_310 : i32 to index
    %swap3A_313 = arith.index_cast %swap3A_311 : i32 to index
    %swap3A_314 = arith.constant 80 : index
    %swap3A_315 = tpu.vector_load %arg9[%swap3A_312, %swap3A_313, %swap3A_314] {strides = array<i32>} : memref<8x2x128xf32, #tpu.memory_space<vmem>>, vector<16xf32>,
    tpu.vector_store %arg9[%swap3A_312, %swap3A_313, %swap3A_314], %mul3A_309 {strides = array<i32>} : memref<8x2x128xf32, #tpu.memory_space<vmem>>, vector<16xf32>,
    %get3A_316 = arith.constant 96 : index
    %get3A_317 = tpu.vector_load %arg5[%get3A_316] {strides = array<i32>} : memref<1024xi32, #tpu.memory_space<vmem>>, vector<16xi32>,
    %and3A_318 = arith.andi %get3A_317, %broadcast_in_dim3A_107 : vector<16xi32>
    %mul3A_319 = arith.constant 21 : i32
    %mul3A_320 = vector.broadcast %mul3A_319 : i32 to vector<16xi32>
    %mul3A_321 = arith.muli %and3A_318, %mul3A_320 : vector<16xi32>
    %shift_right_logical3A_322 = arith.constant 5 : i32
    %shift_right_logical3A_323 = vector.broadcast %shift_right_logical3A_322 : i32 to vector<16xi32>
    %shift_right_logical3A_324 = arith.shrui %get3A_317, %shift_right_logical3A_323 : vector<16xi32>
    %and3A_325 = arith.andi %shift_right_logical3A_324, %broadcast_in_dim3A_107 : vector<16xi32>
    %shift_right_logical3A_326 = arith.constant 10 : i32
    %shift_right_logical3A_327 = vector.broadcast %shift_right_logical3A_326 : i32 to vector<16xi32>
    %shift_right_logical3A_328 = arith.shrui %get3A_317, %shift_right_logical3A_327 : vector<16xi32>
    %add3A_329 = arith.addi %mul3A_321, %and3A_325 : vector<16xi32>
    %gather3A_330 = tpu.vector_load_idx %arg7[%add3A_329] : memref<448xf32, #tpu.memory_space<vmem>>[vector<16xi32>], vector<16xf32>,
    %add3A_331 = arith.addi %mul3A_321, %shift_right_logical3A_328 : vector<16xi32>
    %gather3A_332 = tpu.vector_load_idx %arg7[%add3A_331] : memref<448xf32, #tpu.memory_space<vmem>>[vector<16xi32>], vector<16xf32>,
    %add3A_333 = arith.addf %gather3A_330, %gather3A_332 : vector<16xf32>
    %div3A_334 = arith.constant 1.000000e+00 : f32
    %div3A_335 = vector.broadcast %div3A_334 : f32 to vector<16xf32>
    %div3A_336 = arith.divf %div3A_335, %add3A_333 : vector<16xf32>
    %mul3A_337 = arith.mulf %gather3A_330, %div3A_336 : vector<16xf32>
    %swap3A_338 = arith.constant 0 : i32
    %swap3A_339 = arith.constant 0 : i32
    %swap3A_340 = arith.index_cast %swap3A_338 : i32 to index
    %swap3A_341 = arith.index_cast %swap3A_339 : i32 to index
    %swap3A_342 = arith.constant 96 : index
    %swap3A_343 = tpu.vector_load %arg9[%swap3A_340, %swap3A_341, %swap3A_342] {strides = array<i32>} : memref<8x2x128xf32, #tpu.memory_space<vmem>>, vector<16xf32>,
    tpu.vector_store %arg9[%swap3A_340, %swap3A_341, %swap3A_342], %mul3A_337 {strides = array<i32>} : memref<8x2x128xf32, #tpu.memory_space<vmem>>, vector<16xf32>,
    %mul3A_344 = arith.mulf %gather3A_332, %div3A_336 : vector<16xf32>
    %swap3A_345 = arith.constant 0 : i32
    %swap3A_346 = arith.constant 1 : i32
    %swap3A_347 = arith.index_cast %swap3A_345 : i32 to index
    %swap3A_348 = arith.index_cast %swap3A_346 : i32 to index
    %swap3A_349 = arith.constant 96 : index
    %swap3A_350 = tpu.vector_load %arg9[%swap3A_347, %swap3A_348, %swap3A_349] {strides = array<i32>} : memref<8x2x128xf32, #tpu.memory_space<vmem>>, vector<16xf32>,
    tpu.vector_store %arg9[%swap3A_347, %swap3A_348, %swap3A_349], %mul3A_344 {strides = array<i32>} : memref<8x2x128xf32, #tpu.memory_space<vmem>>, vector<16xf32>,
    %get3A_351 = arith.constant 112 : index
    %get3A_352 = tpu.vector_load %arg5[%get3A_351] {strides = array<i32>} : memref<1024xi32, #tpu.memory_space<vmem>>, vector<16xi32>,
    %and3A_353 = arith.andi %get3A_352, %broadcast_in_dim3A_107 : vector<16xi32>
    %mul3A_354 = arith.constant 21 : i32
    %mul3A_355 = vector.broadcast %mul3A_354 : i32 to vector<16xi32>
    %mul3A_356 = arith.muli %and3A_353, %mul3A_355 : vector<16xi32>
    %shift_right_logical3A_357 = arith.constant 5 : i32
    %shift_right_logical3A_358 = vector.broadcast %shift_right_logical3A_357 : i32 to vector<16xi32>
    %shift_right_logical3A_359 = arith.shrui %get3A_352, %shift_right_logical3A_358 : vector<16xi32>
    %and3A_360 = arith.andi %shift_right_logical3A_359, %broadcast_in_dim3A_107 : vector<16xi32>
    %shift_right_logical3A_361 = arith.constant 10 : i32
    %shift_right_logical3A_362 = vector.broadcast %shift_right_logical3A_361 : i32 to vector<16xi32>
    %shift_right_logical3A_363 = arith.shrui %get3A_352, %shift_right_logical3A_362 : vector<16xi32>
    %add3A_364 = arith.addi %mul3A_356, %and3A_360 : vector<16xi32>
    %gather3A_365 = tpu.vector_load_idx %arg7[%add3A_364] : memref<448xf32, #tpu.memory_space<vmem>>[vector<16xi32>], vector<16xf32>,
    %add3A_366 = arith.addi %mul3A_356, %shift_right_logical3A_363 : vector<16xi32>
    %gather3A_367 = tpu.vector_load_idx %arg7[%add3A_366] : memref<448xf32, #tpu.memory_space<vmem>>[vector<16xi32>], vector<16xf32>,
    %add3A_368 = arith.addf %gather3A_365, %gather3A_367 : vector<16xf32>
    %div3A_369 = arith.constant 1.000000e+00 : f32
    %div3A_370 = vector.broadcast %div3A_369 : f32 to vector<16xf32>
    %div3A_371 = arith.divf %div3A_370, %add3A_368 : vector<16xf32>
    %mul3A_372 = arith.mulf %gather3A_365, %div3A_371 : vector<16xf32>
    %swap3A_373 = arith.constant 0 : i32
    %swap3A_374 = arith.constant 0 : i32
    %swap3A_375 = arith.index_cast %swap3A_373 : i32 to index
    %swap3A_376 = arith.index_cast %swap3A_374 : i32 to index
    %swap3A_377 = arith.constant 112 : index
    %swap3A_378 = tpu.vector_load %arg9[%swap3A_375, %swap3A_376, %swap3A_377] {strides = array<i32>} : memref<8x2x128xf32, #tpu.memory_space<vmem>>, vector<16xf32>,
    tpu.vector_store %arg9[%swap3A_375, %swap3A_376, %swap3A_377], %mul3A_372 {strides = array<i32>} : memref<8x2x128xf32, #tpu.memory_space<vmem>>, vector<16xf32>,
    %mul3A_379 = arith.mulf %gather3A_367, %div3A_371 : vector<16xf32>
    %swap3A_380 = arith.constant 0 : i32
    %swap3A_381 = arith.constant 1 : i32
    %swap3A_382 = arith.index_cast %swap3A_380 : i32 to index
    %swap3A_383 = arith.index_cast %swap3A_381 : i32 to index
    %swap3A_384 = arith.constant 112 : index
    %swap3A_385 = tpu.vector_load %arg9[%swap3A_382, %swap3A_383, %swap3A_384] {strides = array<i32>} : memref<8x2x128xf32, #tpu.memory_space<vmem>>, vector<16xf32>,
    tpu.vector_store %arg9[%swap3A_382, %swap3A_383, %swap3A_384], %mul3A_379 {strides = array<i32>} : memref<8x2x128xf32, #tpu.memory_space<vmem>>, vector<16xf32>,
    %mul3A_386 = arith.constant 8 : i32
    %mul3A_387 = arith.muli %add3A, %mul3A_386 : i32
    %add3A_388 = arith.constant 0 : i32
    %add3A_389 = arith.addi %mul3A_387, %add3A_388 : i32
    %dma_start3A_390 = arith.constant 0 : i32
    %dma_start3A_391 = arith.constant 0 : i32
    %dma_start3A_392 = arith.constant 0 : i32
    %dma_start3A_393 = tpu.memref_slice %arg9[%dma_start3A_390, %dma_start3A_391, %dma_start3A_392] : memref<8x2x128xf32, #tpu.memory_space<vmem>> -> memref<1x2x128xf32, #tpu.memory_space<vmem>>
    %dma_start3A_394 = arith.constant 0 : i32
    %dma_start3A_395 = arith.constant 0 : i32
    %dma_start3A_396 = tpu.memref_slice %arg4[%add3A_389, %dma_start3A_394, %dma_start3A_395] : memref<128x2x128xf32, #tpu.memory_space<hbm>> -> memref<1x2x128xf32, #tpu.memory_space<hbm>>
    %dma_start3A_397 = arith.constant 0 : i32
    %dma_start3A_398 = arith.constant 0 : i32
    %dma_start3A_399 = tpu.memref_slice %arg4[%add3A_389, %dma_start3A_397, %dma_start3A_398] : memref<128x2x128xf32, #tpu.memory_space<hbm>> -> memref<1x2x128xf32, #tpu.memory_space<hbm>>
    %dma_start3A_400 = arith.constant 0 : i32
    %dma_start3A_401 = arith.constant 0 : i32
    %dma_start3A_402 = arith.constant 0 : i32
    %dma_start3A_403 = tpu.memref_slice %arg9[%dma_start3A_400, %dma_start3A_401, %dma_start3A_402] : memref<8x2x128xf32, #tpu.memory_space<vmem>> -> memref<1x2x128xf32, #tpu.memory_space<vmem>>
    tpu.enqueue_dma source(%dma_start3A_403 : memref<1x2x128xf32, #tpu.memory_space<vmem>>) target(%dma_start3A_399 : memref<1x2x128xf32, #tpu.memory_space<hbm>>) target_semaphore(%arg11 : memref<!tpu.dma_semaphore, #tpu.memory_space<semaphore_mem>>)
    %get3A_404 = arith.constant 128 : index
    %get3A_405 = tpu.vector_load %arg5[%get3A_404] {strides = array<i32>} : memref<1024xi32, #tpu.memory_space<vmem>>, vector<16xi32>,
    %and3A_406 = arith.andi %get3A_405, %broadcast_in_dim3A_107 : vector<16xi32>
    %mul3A_407 = arith.constant 21 : i32
    %mul3A_408 = vector.broadcast %mul3A_407 : i32 to vector<16xi32>
    %mul3A_409 = arith.muli %and3A_406, %mul3A_408 : vector<16xi32>
    %shift_right_logical3A_410 = arith.constant 5 : i32
    %shift_right_logical3A_411 = vector.broadcast %shift_right_logical3A_410 : i32 to vector<16xi32>
    %shift_right_logical3A_412 = arith.shrui %get3A_405, %shift_right_logical3A_411 : vector<16xi32>
    %and3A_413 = arith.andi %shift_right_logical3A_412, %broadcast_in_dim3A_107 : vector<16xi32>
    %shift_right_logical3A_414 = arith.constant 10 : i32
    %shift_right_logical3A_415 = vector.broadcast %shift_right_logical3A_414 : i32 to vector<16xi32>
    %shift_right_logical3A_416 = arith.shrui %get3A_405, %shift_right_logical3A_415 : vector<16xi32>
    %add3A_417 = arith.addi %mul3A_409, %and3A_413 : vector<16xi32>
    %gather3A_418 = tpu.vector_load_idx %arg7[%add3A_417] : memref<448xf32, #tpu.memory_space<vmem>>[vector<16xi32>], vector<16xf32>,
    %add3A_419 = arith.addi %mul3A_409, %shift_right_logical3A_416 : vector<16xi32>
    %gather3A_420 = tpu.vector_load_idx %arg7[%add3A_419] : memref<448xf32, #tpu.memory_space<vmem>>[vector<16xi32>], vector<16xf32>,
    %add3A_421 = arith.addf %gather3A_418, %gather3A_420 : vector<16xf32>
    %div3A_422 = arith.constant 1.000000e+00 : f32
    %div3A_423 = vector.broadcast %div3A_422 : f32 to vector<16xf32>
    %div3A_424 = arith.divf %div3A_423, %add3A_421 : vector<16xf32>
    %mul3A_425 = arith.mulf %gather3A_418, %div3A_424 : vector<16xf32>
    %swap3A_426 = arith.constant 1 : i32
    %swap3A_427 = arith.constant 0 : i32
    %swap3A_428 = arith.index_cast %swap3A_426 : i32 to index
    %swap3A_429 = arith.index_cast %swap3A_427 : i32 to index
    %swap3A_430 = arith.constant 0 : index
    %swap3A_431 = tpu.vector_load %arg9[%swap3A_428, %swap3A_429, %swap3A_430] {strides = array<i32>} : memref<8x2x128xf32, #tpu.memory_space<vmem>>, vector<16xf32>,
    tpu.vector_store %arg9[%swap3A_428, %swap3A_429, %swap3A_430], %mul3A_425 {strides = array<i32>} : memref<8x2x128xf32, #tpu.memory_space<vmem>>, vector<16xf32>,
    %mul3A_432 = arith.mulf %gather3A_420, %div3A_424 : vector<16xf32>
    %swap3A_433 = arith.constant 1 : i32
    %swap3A_434 = arith.constant 1 : i32
    %swap3A_435 = arith.index_cast %swap3A_433 : i32 to index
    %swap3A_436 = arith.index_cast %swap3A_434 : i32 to index
    %swap3A_437 = arith.constant 0 : index
    %swap3A_438 = tpu.vector_load %arg9[%swap3A_435, %swap3A_436, %swap3A_437] {strides = array<i32>} : memref<8x2x128xf32, #tpu.memory_space<vmem>>, vector<16xf32>,
    tpu.vector_store %arg9[%swap3A_435, %swap3A_436, %swap3A_437], %mul3A_432 {strides = array<i32>} : memref<8x2x128xf32, #tpu.memory_space<vmem>>, vector<16xf32>,
    %get3A_439 = arith.constant 144 : index
    %get3A_440 = tpu.vector_load %arg5[%get3A_439] {strides = array<i32>} : memref<1024xi32, #tpu.memory_space<vmem>>, vector<16xi32>,
    %and3A_441 = arith.andi %get3A_440, %broadcast_in_dim3A_107 : vector<16xi32>
    %mul3A_442 = arith.constant 21 : i32
    %mul3A_443 = vector.broadcast %mul3A_442 : i32 to vector<16xi32>
    %mul3A_444 = arith.muli %and3A_441, %mul3A_443 : vector<16xi32>
    %shift_right_logical3A_445 = arith.constant 5 : i32
    %shift_right_logical3A_446 = vector.broadcast %shift_right_logical3A_445 : i32 to vector<16xi32>
    %shift_right_logical3A_447 = arith.shrui %get3A_440, %shift_right_logical3A_446 : vector<16xi32>
    %and3A_448 = arith.andi %shift_right_logical3A_447, %broadcast_in_dim3A_107 : vector<16xi32>
    %shift_right_logical3A_449 = arith.constant 10 : i32
    %shift_right_logical3A_450 = vector.broadcast %shift_right_logical3A_449 : i32 to vector<16xi32>
    %shift_right_logical3A_451 = arith.shrui %get3A_440, %shift_right_logical3A_450 : vector<16xi32>
    %add3A_452 = arith.addi %mul3A_444, %and3A_448 : vector<16xi32>
    %gather3A_453 = tpu.vector_load_idx %arg7[%add3A_452] : memref<448xf32, #tpu.memory_space<vmem>>[vector<16xi32>], vector<16xf32>,
    %add3A_454 = arith.addi %mul3A_444, %shift_right_logical3A_451 : vector<16xi32>
    %gather3A_455 = tpu.vector_load_idx %arg7[%add3A_454] : memref<448xf32, #tpu.memory_space<vmem>>[vector<16xi32>], vector<16xf32>,
    %add3A_456 = arith.addf %gather3A_453, %gather3A_455 : vector<16xf32>
    %div3A_457 = arith.constant 1.000000e+00 : f32
    %div3A_458 = vector.broadcast %div3A_457 : f32 to vector<16xf32>
    %div3A_459 = arith.divf %div3A_458, %add3A_456 : vector<16xf32>
    %mul3A_460 = arith.mulf %gather3A_453, %div3A_459 : vector<16xf32>
    %swap3A_461 = arith.constant 1 : i32
    %swap3A_462 = arith.constant 0 : i32
    %swap3A_463 = arith.index_cast %swap3A_461 : i32 to index
    %swap3A_464 = arith.index_cast %swap3A_462 : i32 to index
    %swap3A_465 = arith.constant 16 : index
    %swap3A_466 = tpu.vector_load %arg9[%swap3A_463, %swap3A_464, %swap3A_465] {strides = array<i32>} : memref<8x2x128xf32, #tpu.memory_space<vmem>>, vector<16xf32>,
    tpu.vector_store %arg9[%swap3A_463, %swap3A_464, %swap3A_465], %mul3A_460 {strides = array<i32>} : memref<8x2x128xf32, #tpu.memory_space<vmem>>, vector<16xf32>,
    %mul3A_467 = arith.mulf %gather3A_455, %div3A_459 : vector<16xf32>
    %swap3A_468 = arith.constant 1 : i32
    %swap3A_469 = arith.constant 1 : i32
    %swap3A_470 = arith.index_cast %swap3A_468 : i32 to index
    %swap3A_471 = arith.index_cast %swap3A_469 : i32 to index
    %swap3A_472 = arith.constant 16 : index
    %swap3A_473 = tpu.vector_load %arg9[%swap3A_470, %swap3A_471, %swap3A_472] {strides = array<i32>} : memref<8x2x128xf32, #tpu.memory_space<vmem>>, vector<16xf32>,
    tpu.vector_store %arg9[%swap3A_470, %swap3A_471, %swap3A_472], %mul3A_467 {strides = array<i32>} : memref<8x2x128xf32, #tpu.memory_space<vmem>>, vector<16xf32>,
    %get3A_474 = arith.constant 160 : index
    %get3A_475 = tpu.vector_load %arg5[%get3A_474] {strides = array<i32>} : memref<1024xi32, #tpu.memory_space<vmem>>, vector<16xi32>,
    %and3A_476 = arith.andi %get3A_475, %broadcast_in_dim3A_107 : vector<16xi32>
    %mul3A_477 = arith.constant 21 : i32
    %mul3A_478 = vector.broadcast %mul3A_477 : i32 to vector<16xi32>
    %mul3A_479 = arith.muli %and3A_476, %mul3A_478 : vector<16xi32>
    %shift_right_logical3A_480 = arith.constant 5 : i32
    %shift_right_logical3A_481 = vector.broadcast %shift_right_logical3A_480 : i32 to vector<16xi32>
    %shift_right_logical3A_482 = arith.shrui %get3A_475, %shift_right_logical3A_481 : vector<16xi32>
    %and3A_483 = arith.andi %shift_right_logical3A_482, %broadcast_in_dim3A_107 : vector<16xi32>
    %shift_right_logical3A_484 = arith.constant 10 : i32
    %shift_right_logical3A_485 = vector.broadcast %shift_right_logical3A_484 : i32 to vector<16xi32>
    %shift_right_logical3A_486 = arith.shrui %get3A_475, %shift_right_logical3A_485 : vector<16xi32>
    %add3A_487 = arith.addi %mul3A_479, %and3A_483 : vector<16xi32>
    %gather3A_488 = tpu.vector_load_idx %arg7[%add3A_487] : memref<448xf32, #tpu.memory_space<vmem>>[vector<16xi32>], vector<16xf32>,
    %add3A_489 = arith.addi %mul3A_479, %shift_right_logical3A_486 : vector<16xi32>
    %gather3A_490 = tpu.vector_load_idx %arg7[%add3A_489] : memref<448xf32, #tpu.memory_space<vmem>>[vector<16xi32>], vector<16xf32>,
    %add3A_491 = arith.addf %gather3A_488, %gather3A_490 : vector<16xf32>
    %div3A_492 = arith.constant 1.000000e+00 : f32
    %div3A_493 = vector.broadcast %div3A_492 : f32 to vector<16xf32>
    %div3A_494 = arith.divf %div3A_493, %add3A_491 : vector<16xf32>
    %mul3A_495 = arith.mulf %gather3A_488, %div3A_494 : vector<16xf32>
    %swap3A_496 = arith.constant 1 : i32
    %swap3A_497 = arith.constant 0 : i32
    %swap3A_498 = arith.index_cast %swap3A_496 : i32 to index
    %swap3A_499 = arith.index_cast %swap3A_497 : i32 to index
    %swap3A_500 = arith.constant 32 : index
    %swap3A_501 = tpu.vector_load %arg9[%swap3A_498, %swap3A_499, %swap3A_500] {strides = array<i32>} : memref<8x2x128xf32, #tpu.memory_space<vmem>>, vector<16xf32>,
    tpu.vector_store %arg9[%swap3A_498, %swap3A_499, %swap3A_500], %mul3A_495 {strides = array<i32>} : memref<8x2x128xf32, #tpu.memory_space<vmem>>, vector<16xf32>,
    %mul3A_502 = arith.mulf %gather3A_490, %div3A_494 : vector<16xf32>
    %swap3A_503 = arith.constant 1 : i32
    %swap3A_504 = arith.constant 1 : i32
    %swap3A_505 = arith.index_cast %swap3A_503 : i32 to index
    %swap3A_506 = arith.index_cast %swap3A_504 : i32 to index
    %swap3A_507 = arith.constant 32 : index
    %swap3A_508 = tpu.vector_load %arg9[%swap3A_505, %swap3A_506, %swap3A_507] {strides = array<i32>} : memref<8x2x128xf32, #tpu.memory_space<vmem>>, vector<16xf32>,
    tpu.vector_store %arg9[%swap3A_505, %swap3A_506, %swap3A_507], %mul3A_502 {strides = array<i32>} : memref<8x2x128xf32, #tpu.memory_space<vmem>>, vector<16xf32>,
    %get3A_509 = arith.constant 176 : index
    %get3A_510 = tpu.vector_load %arg5[%get3A_509] {strides = array<i32>} : memref<1024xi32, #tpu.memory_space<vmem>>, vector<16xi32>,
    %and3A_511 = arith.andi %get3A_510, %broadcast_in_dim3A_107 : vector<16xi32>
    %mul3A_512 = arith.constant 21 : i32
    %mul3A_513 = vector.broadcast %mul3A_512 : i32 to vector<16xi32>
    %mul3A_514 = arith.muli %and3A_511, %mul3A_513 : vector<16xi32>
    %shift_right_logical3A_515 = arith.constant 5 : i32
    %shift_right_logical3A_516 = vector.broadcast %shift_right_logical3A_515 : i32 to vector<16xi32>
    %shift_right_logical3A_517 = arith.shrui %get3A_510, %shift_right_logical3A_516 : vector<16xi32>
    %and3A_518 = arith.andi %shift_right_logical3A_517, %broadcast_in_dim3A_107 : vector<16xi32>
    %shift_right_logical3A_519 = arith.constant 10 : i32
    %shift_right_logical3A_520 = vector.broadcast %shift_right_logical3A_519 : i32 to vector<16xi32>
    %shift_right_logical3A_521 = arith.shrui %get3A_510, %shift_right_logical3A_520 : vector<16xi32>
    %add3A_522 = arith.addi %mul3A_514, %and3A_518 : vector<16xi32>
    %gather3A_523 = tpu.vector_load_idx %arg7[%add3A_522] : memref<448xf32, #tpu.memory_space<vmem>>[vector<16xi32>], vector<16xf32>,
    %add3A_524 = arith.addi %mul3A_514, %shift_right_logical3A_521 : vector<16xi32>
    %gather3A_525 = tpu.vector_load_idx %arg7[%add3A_524] : memref<448xf32, #tpu.memory_space<vmem>>[vector<16xi32>], vector<16xf32>,
    %add3A_526 = arith.addf %gather3A_523, %gather3A_525 : vector<16xf32>
    %div3A_527 = arith.constant 1.000000e+00 : f32
    %div3A_528 = vector.broadcast %div3A_527 : f32 to vector<16xf32>
    %div3A_529 = arith.divf %div3A_528, %add3A_526 : vector<16xf32>
    %mul3A_530 = arith.mulf %gather3A_523, %div3A_529 : vector<16xf32>
    %swap3A_531 = arith.constant 1 : i32
    %swap3A_532 = arith.constant 0 : i32
    %swap3A_533 = arith.index_cast %swap3A_531 : i32 to index
    %swap3A_534 = arith.index_cast %swap3A_532 : i32 to index
    %swap3A_535 = arith.constant 48 : index
    %swap3A_536 = tpu.vector_load %arg9[%swap3A_533, %swap3A_534, %swap3A_535] {strides = array<i32>} : memref<8x2x128xf32, #tpu.memory_space<vmem>>, vector<16xf32>,
    tpu.vector_store %arg9[%swap3A_533, %swap3A_534, %swap3A_535], %mul3A_530 {strides = array<i32>} : memref<8x2x128xf32, #tpu.memory_space<vmem>>, vector<16xf32>,
    %mul3A_537 = arith.mulf %gather3A_525, %div3A_529 : vector<16xf32>
    %swap3A_538 = arith.constant 1 : i32
    %swap3A_539 = arith.constant 1 : i32
    %swap3A_540 = arith.index_cast %swap3A_538 : i32 to index
    %swap3A_541 = arith.index_cast %swap3A_539 : i32 to index
    %swap3A_542 = arith.constant 48 : index
    %swap3A_543 = tpu.vector_load %arg9[%swap3A_540, %swap3A_541, %swap3A_542] {strides = array<i32>} : memref<8x2x128xf32, #tpu.memory_space<vmem>>, vector<16xf32>,
    tpu.vector_store %arg9[%swap3A_540, %swap3A_541, %swap3A_542], %mul3A_537 {strides = array<i32>} : memref<8x2x128xf32, #tpu.memory_space<vmem>>, vector<16xf32>,
    %get3A_544 = arith.constant 192 : index
    %get3A_545 = tpu.vector_load %arg5[%get3A_544] {strides = array<i32>} : memref<1024xi32, #tpu.memory_space<vmem>>, vector<16xi32>,
    %and3A_546 = arith.andi %get3A_545, %broadcast_in_dim3A_107 : vector<16xi32>
    %mul3A_547 = arith.constant 21 : i32
    %mul3A_548 = vector.broadcast %mul3A_547 : i32 to vector<16xi32>
    %mul3A_549 = arith.muli %and3A_546, %mul3A_548 : vector<16xi32>
    %shift_right_logical3A_550 = arith.constant 5 : i32
    %shift_right_logical3A_551 = vector.broadcast %shift_right_logical3A_550 : i32 to vector<16xi32>
    %shift_right_logical3A_552 = arith.shrui %get3A_545, %shift_right_logical3A_551 : vector<16xi32>
    %and3A_553 = arith.andi %shift_right_logical3A_552, %broadcast_in_dim3A_107 : vector<16xi32>
    %shift_right_logical3A_554 = arith.constant 10 : i32
    %shift_right_logical3A_555 = vector.broadcast %shift_right_logical3A_554 : i32 to vector<16xi32>
    %shift_right_logical3A_556 = arith.shrui %get3A_545, %shift_right_logical3A_555 : vector<16xi32>
    %add3A_557 = arith.addi %mul3A_549, %and3A_553 : vector<16xi32>
    %gather3A_558 = tpu.vector_load_idx %arg7[%add3A_557] : memref<448xf32, #tpu.memory_space<vmem>>[vector<16xi32>], vector<16xf32>,
    %add3A_559 = arith.addi %mul3A_549, %shift_right_logical3A_556 : vector<16xi32>
    %gather3A_560 = tpu.vector_load_idx %arg7[%add3A_559] : memref<448xf32, #tpu.memory_space<vmem>>[vector<16xi32>], vector<16xf32>,
    %add3A_561 = arith.addf %gather3A_558, %gather3A_560 : vector<16xf32>
    %div3A_562 = arith.constant 1.000000e+00 : f32
    %div3A_563 = vector.broadcast %div3A_562 : f32 to vector<16xf32>
    %div3A_564 = arith.divf %div3A_563, %add3A_561 : vector<16xf32>
    %mul3A_565 = arith.mulf %gather3A_558, %div3A_564 : vector<16xf32>
    %swap3A_566 = arith.constant 1 : i32
    %swap3A_567 = arith.constant 0 : i32
    %swap3A_568 = arith.index_cast %swap3A_566 : i32 to index
    %swap3A_569 = arith.index_cast %swap3A_567 : i32 to index
    %swap3A_570 = arith.constant 64 : index
    %swap3A_571 = tpu.vector_load %arg9[%swap3A_568, %swap3A_569, %swap3A_570] {strides = array<i32>} : memref<8x2x128xf32, #tpu.memory_space<vmem>>, vector<16xf32>,
    tpu.vector_store %arg9[%swap3A_568, %swap3A_569, %swap3A_570], %mul3A_565 {strides = array<i32>} : memref<8x2x128xf32, #tpu.memory_space<vmem>>, vector<16xf32>,
    %mul3A_572 = arith.mulf %gather3A_560, %div3A_564 : vector<16xf32>
    %swap3A_573 = arith.constant 1 : i32
    %swap3A_574 = arith.constant 1 : i32
    %swap3A_575 = arith.index_cast %swap3A_573 : i32 to index
    %swap3A_576 = arith.index_cast %swap3A_574 : i32 to index
    %swap3A_577 = arith.constant 64 : index
    %swap3A_578 = tpu.vector_load %arg9[%swap3A_575, %swap3A_576, %swap3A_577] {strides = array<i32>} : memref<8x2x128xf32, #tpu.memory_space<vmem>>, vector<16xf32>,
    tpu.vector_store %arg9[%swap3A_575, %swap3A_576, %swap3A_577], %mul3A_572 {strides = array<i32>} : memref<8x2x128xf32, #tpu.memory_space<vmem>>, vector<16xf32>,
    %get3A_579 = arith.constant 208 : index
    %get3A_580 = tpu.vector_load %arg5[%get3A_579] {strides = array<i32>} : memref<1024xi32, #tpu.memory_space<vmem>>, vector<16xi32>,
    %and3A_581 = arith.andi %get3A_580, %broadcast_in_dim3A_107 : vector<16xi32>
    %mul3A_582 = arith.constant 21 : i32
    %mul3A_583 = vector.broadcast %mul3A_582 : i32 to vector<16xi32>
    %mul3A_584 = arith.muli %and3A_581, %mul3A_583 : vector<16xi32>
    %shift_right_logical3A_585 = arith.constant 5 : i32
    %shift_right_logical3A_586 = vector.broadcast %shift_right_logical3A_585 : i32 to vector<16xi32>
    %shift_right_logical3A_587 = arith.shrui %get3A_580, %shift_right_logical3A_586 : vector<16xi32>
    %and3A_588 = arith.andi %shift_right_logical3A_587, %broadcast_in_dim3A_107 : vector<16xi32>
    %shift_right_logical3A_589 = arith.constant 10 : i32
    %shift_right_logical3A_590 = vector.broadcast %shift_right_logical3A_589 : i32 to vector<16xi32>
    %shift_right_logical3A_591 = arith.shrui %get3A_580, %shift_right_logical3A_590 : vector<16xi32>
    %add3A_592 = arith.addi %mul3A_584, %and3A_588 : vector<16xi32>
    %gather3A_593 = tpu.vector_load_idx %arg7[%add3A_592] : memref<448xf32, #tpu.memory_space<vmem>>[vector<16xi32>], vector<16xf32>,
    %add3A_594 = arith.addi %mul3A_584, %shift_right_logical3A_591 : vector<16xi32>
    %gather3A_595 = tpu.vector_load_idx %arg7[%add3A_594] : memref<448xf32, #tpu.memory_space<vmem>>[vector<16xi32>], vector<16xf32>,
    %add3A_596 = arith.addf %gather3A_593, %gather3A_595 : vector<16xf32>
    %div3A_597 = arith.constant 1.000000e+00 : f32
    %div3A_598 = vector.broadcast %div3A_597 : f32 to vector<16xf32>
    %div3A_599 = arith.divf %div3A_598, %add3A_596 : vector<16xf32>
    %mul3A_600 = arith.mulf %gather3A_593, %div3A_599 : vector<16xf32>
    %swap3A_601 = arith.constant 1 : i32
    %swap3A_602 = arith.constant 0 : i32
    %swap3A_603 = arith.index_cast %swap3A_601 : i32 to index
    %swap3A_604 = arith.index_cast %swap3A_602 : i32 to index
    %swap3A_605 = arith.constant 80 : index
    %swap3A_606 = tpu.vector_load %arg9[%swap3A_603, %swap3A_604, %swap3A_605] {strides = array<i32>} : memref<8x2x128xf32, #tpu.memory_space<vmem>>, vector<16xf32>,
    tpu.vector_store %arg9[%swap3A_603, %swap3A_604, %swap3A_605], %mul3A_600 {strides = array<i32>} : memref<8x2x128xf32, #tpu.memory_space<vmem>>, vector<16xf32>,
    %mul3A_607 = arith.mulf %gather3A_595, %div3A_599 : vector<16xf32>
    %swap3A_608 = arith.constant 1 : i32
    %swap3A_609 = arith.constant 1 : i32
    %swap3A_610 = arith.index_cast %swap3A_608 : i32 to index
    %swap3A_611 = arith.index_cast %swap3A_609 : i32 to index
    %swap3A_612 = arith.constant 80 : index
    %swap3A_613 = tpu.vector_load %arg9[%swap3A_610, %swap3A_611, %swap3A_612] {strides = array<i32>} : memref<8x2x128xf32, #tpu.memory_space<vmem>>, vector<16xf32>,
    tpu.vector_store %arg9[%swap3A_610, %swap3A_611, %swap3A_612], %mul3A_607 {strides = array<i32>} : memref<8x2x128xf32, #tpu.memory_space<vmem>>, vector<16xf32>,
    %get3A_614 = arith.constant 224 : index
    %get3A_615 = tpu.vector_load %arg5[%get3A_614] {strides = array<i32>} : memref<1024xi32, #tpu.memory_space<vmem>>, vector<16xi32>,
    %and3A_616 = arith.andi %get3A_615, %broadcast_in_dim3A_107 : vector<16xi32>
    %mul3A_617 = arith.constant 21 : i32
    %mul3A_618 = vector.broadcast %mul3A_617 : i32 to vector<16xi32>
    %mul3A_619 = arith.muli %and3A_616, %mul3A_618 : vector<16xi32>
    %shift_right_logical3A_620 = arith.constant 5 : i32
    %shift_right_logical3A_621 = vector.broadcast %shift_right_logical3A_620 : i32 to vector<16xi32>
    %shift_right_logical3A_622 = arith.shrui %get3A_615, %shift_right_logical3A_621 : vector<16xi32>
    %and3A_623 = arith.andi %shift_right_logical3A_622, %broadcast_in_dim3A_107 : vector<16xi32>
    %shift_right_logical3A_624 = arith.constant 10 : i32
    %shift_right_logical3A_625 = vector.broadcast %shift_right_logical3A_624 : i32 to vector<16xi32>
    %shift_right_logical3A_626 = arith.shrui %get3A_615, %shift_right_logical3A_625 : vector<16xi32>
    %add3A_627 = arith.addi %mul3A_619, %and3A_623 : vector<16xi32>
    %gather3A_628 = tpu.vector_load_idx %arg7[%add3A_627] : memref<448xf32, #tpu.memory_space<vmem>>[vector<16xi32>], vector<16xf32>,
    %add3A_629 = arith.addi %mul3A_619, %shift_right_logical3A_626 : vector<16xi32>
    %gather3A_630 = tpu.vector_load_idx %arg7[%add3A_629] : memref<448xf32, #tpu.memory_space<vmem>>[vector<16xi32>], vector<16xf32>,
    %add3A_631 = arith.addf %gather3A_628, %gather3A_630 : vector<16xf32>
    %div3A_632 = arith.constant 1.000000e+00 : f32
    %div3A_633 = vector.broadcast %div3A_632 : f32 to vector<16xf32>
    %div3A_634 = arith.divf %div3A_633, %add3A_631 : vector<16xf32>
    %mul3A_635 = arith.mulf %gather3A_628, %div3A_634 : vector<16xf32>
    %swap3A_636 = arith.constant 1 : i32
    %swap3A_637 = arith.constant 0 : i32
    %swap3A_638 = arith.index_cast %swap3A_636 : i32 to index
    %swap3A_639 = arith.index_cast %swap3A_637 : i32 to index
    %swap3A_640 = arith.constant 96 : index
    %swap3A_641 = tpu.vector_load %arg9[%swap3A_638, %swap3A_639, %swap3A_640] {strides = array<i32>} : memref<8x2x128xf32, #tpu.memory_space<vmem>>, vector<16xf32>,
    tpu.vector_store %arg9[%swap3A_638, %swap3A_639, %swap3A_640], %mul3A_635 {strides = array<i32>} : memref<8x2x128xf32, #tpu.memory_space<vmem>>, vector<16xf32>,
    %mul3A_642 = arith.mulf %gather3A_630, %div3A_634 : vector<16xf32>
    %swap3A_643 = arith.constant 1 : i32
    %swap3A_644 = arith.constant 1 : i32
    %swap3A_645 = arith.index_cast %swap3A_643 : i32 to index
    %swap3A_646 = arith.index_cast %swap3A_644 : i32 to index
    %swap3A_647 = arith.constant 96 : index
    %swap3A_648 = tpu.vector_load %arg9[%swap3A_645, %swap3A_646, %swap3A_647] {strides = array<i32>} : memref<8x2x128xf32, #tpu.memory_space<vmem>>, vector<16xf32>,
    tpu.vector_store %arg9[%swap3A_645, %swap3A_646, %swap3A_647], %mul3A_642 {strides = array<i32>} : memref<8x2x128xf32, #tpu.memory_space<vmem>>, vector<16xf32>,
    %get3A_649 = arith.constant 240 : index
    %get3A_650 = tpu.vector_load %arg5[%get3A_649] {strides = array<i32>} : memref<1024xi32, #tpu.memory_space<vmem>>, vector<16xi32>,
    %and3A_651 = arith.andi %get3A_650, %broadcast_in_dim3A_107 : vector<16xi32>
    %mul3A_652 = arith.constant 21 : i32
    %mul3A_653 = vector.broadcast %mul3A_652 : i32 to vector<16xi32>
    %mul3A_654 = arith.muli %and3A_651, %mul3A_653 : vector<16xi32>
    %shift_right_logical3A_655 = arith.constant 5 : i32
    %shift_right_logical3A_656 = vector.broadcast %shift_right_logical3A_655 : i32 to vector<16xi32>
    %shift_right_logical3A_657 = arith.shrui %get3A_650, %shift_right_logical3A_656 : vector<16xi32>
    %and3A_658 = arith.andi %shift_right_logical3A_657, %broadcast_in_dim3A_107 : vector<16xi32>
    %shift_right_logical3A_659 = arith.constant 10 : i32
    %shift_right_logical3A_660 = vector.broadcast %shift_right_logical3A_659 : i32 to vector<16xi32>
    %shift_right_logical3A_661 = arith.shrui %get3A_650, %shift_right_logical3A_660 : vector<16xi32>
    %add3A_662 = arith.addi %mul3A_654, %and3A_658 : vector<16xi32>
    %gather3A_663 = tpu.vector_load_idx %arg7[%add3A_662] : memref<448xf32, #tpu.memory_space<vmem>>[vector<16xi32>], vector<16xf32>,
    %add3A_664 = arith.addi %mul3A_654, %shift_right_logical3A_661 : vector<16xi32>
    %gather3A_665 = tpu.vector_load_idx %arg7[%add3A_664] : memref<448xf32, #tpu.memory_space<vmem>>[vector<16xi32>], vector<16xf32>,
    %add3A_666 = arith.addf %gather3A_663, %gather3A_665 : vector<16xf32>
    %div3A_667 = arith.constant 1.000000e+00 : f32
    %div3A_668 = vector.broadcast %div3A_667 : f32 to vector<16xf32>
    %div3A_669 = arith.divf %div3A_668, %add3A_666 : vector<16xf32>
    %mul3A_670 = arith.mulf %gather3A_663, %div3A_669 : vector<16xf32>
    %swap3A_671 = arith.constant 1 : i32
    %swap3A_672 = arith.constant 0 : i32
    %swap3A_673 = arith.index_cast %swap3A_671 : i32 to index
    %swap3A_674 = arith.index_cast %swap3A_672 : i32 to index
    %swap3A_675 = arith.constant 112 : index
    %swap3A_676 = tpu.vector_load %arg9[%swap3A_673, %swap3A_674, %swap3A_675] {strides = array<i32>} : memref<8x2x128xf32, #tpu.memory_space<vmem>>, vector<16xf32>,
    tpu.vector_store %arg9[%swap3A_673, %swap3A_674, %swap3A_675], %mul3A_670 {strides = array<i32>} : memref<8x2x128xf32, #tpu.memory_space<vmem>>, vector<16xf32>,
    %mul3A_677 = arith.mulf %gather3A_665, %div3A_669 : vector<16xf32>
    %swap3A_678 = arith.constant 1 : i32
    %swap3A_679 = arith.constant 1 : i32
    %swap3A_680 = arith.index_cast %swap3A_678 : i32 to index
    %swap3A_681 = arith.index_cast %swap3A_679 : i32 to index
    %swap3A_682 = arith.constant 112 : index
    %swap3A_683 = tpu.vector_load %arg9[%swap3A_680, %swap3A_681, %swap3A_682] {strides = array<i32>} : memref<8x2x128xf32, #tpu.memory_space<vmem>>, vector<16xf32>,
    tpu.vector_store %arg9[%swap3A_680, %swap3A_681, %swap3A_682], %mul3A_677 {strides = array<i32>} : memref<8x2x128xf32, #tpu.memory_space<vmem>>, vector<16xf32>,
    %mul3A_684 = arith.constant 8 : i32
    %mul3A_685 = arith.muli %add3A, %mul3A_684 : i32
    %add3A_686 = arith.constant 1 : i32
    %add3A_687 = arith.addi %mul3A_685, %add3A_686 : i32
    %dma_start3A_688 = arith.constant 1 : i32
    %dma_start3A_689 = arith.constant 0 : i32
    %dma_start3A_690 = arith.constant 0 : i32
    %dma_start3A_691 = tpu.memref_slice %arg9[%dma_start3A_688, %dma_start3A_689, %dma_start3A_690] : memref<8x2x128xf32, #tpu.memory_space<vmem>> -> memref<1x2x128xf32, #tpu.memory_space<vmem>>
    %dma_start3A_692 = arith.constant 0 : i32
    %dma_start3A_693 = arith.constant 0 : i32
    %dma_start3A_694 = tpu.memref_slice %arg4[%add3A_687, %dma_start3A_692, %dma_start3A_693] : memref<128x2x128xf32, #tpu.memory_space<hbm>> -> memref<1x2x128xf32, #tpu.memory_space<hbm>>
    %dma_start3A_695 = arith.constant 0 : i32
    %dma_start3A_696 = arith.constant 0 : i32
    %dma_start3A_697 = tpu.memref_slice %arg4[%add3A_687, %dma_start3A_695, %dma_start3A_696] : memref<128x2x128xf32, #tpu.memory_space<hbm>> -> memref<1x2x128xf32, #tpu.memory_space<hbm>>
    %dma_start3A_698 = arith.constant 1 : i32
    %dma_start3A_699 = arith.constant 0 : i32
    %dma_start3A_700 = arith.constant 0 : i32
    %dma_start3A_701 = tpu.memref_slice %arg9[%dma_start3A_698, %dma_start3A_699, %dma_start3A_700] : memref<8x2x128xf32, #tpu.memory_space<vmem>> -> memref<1x2x128xf32, #tpu.memory_space<vmem>>
    tpu.enqueue_dma source(%dma_start3A_701 : memref<1x2x128xf32, #tpu.memory_space<vmem>>) target(%dma_start3A_697 : memref<1x2x128xf32, #tpu.memory_space<hbm>>) target_semaphore(%arg11 : memref<!tpu.dma_semaphore, #tpu.memory_space<semaphore_mem>>)
    %get3A_702 = arith.constant 256 : index
    %get3A_703 = tpu.vector_load %arg5[%get3A_702] {strides = array<i32>} : memref<1024xi32, #tpu.memory_space<vmem>>, vector<16xi32>,
    %and3A_704 = arith.andi %get3A_703, %broadcast_in_dim3A_107 : vector<16xi32>
    %mul3A_705 = arith.constant 21 : i32
    %mul3A_706 = vector.broadcast %mul3A_705 : i32 to vector<16xi32>
    %mul3A_707 = arith.muli %and3A_704, %mul3A_706 : vector<16xi32>
    %shift_right_logical3A_708 = arith.constant 5 : i32
    %shift_right_logical3A_709 = vector.broadcast %shift_right_logical3A_708 : i32 to vector<16xi32>
    %shift_right_logical3A_710 = arith.shrui %get3A_703, %shift_right_logical3A_709 : vector<16xi32>
    %and3A_711 = arith.andi %shift_right_logical3A_710, %broadcast_in_dim3A_107 : vector<16xi32>
    %shift_right_logical3A_712 = arith.constant 10 : i32
    %shift_right_logical3A_713 = vector.broadcast %shift_right_logical3A_712 : i32 to vector<16xi32>
    %shift_right_logical3A_714 = arith.shrui %get3A_703, %shift_right_logical3A_713 : vector<16xi32>
    %add3A_715 = arith.addi %mul3A_707, %and3A_711 : vector<16xi32>
    %gather3A_716 = tpu.vector_load_idx %arg7[%add3A_715] : memref<448xf32, #tpu.memory_space<vmem>>[vector<16xi32>], vector<16xf32>,
    %add3A_717 = arith.addi %mul3A_707, %shift_right_logical3A_714 : vector<16xi32>
    %gather3A_718 = tpu.vector_load_idx %arg7[%add3A_717] : memref<448xf32, #tpu.memory_space<vmem>>[vector<16xi32>], vector<16xf32>,
    %add3A_719 = arith.addf %gather3A_716, %gather3A_718 : vector<16xf32>
    %div3A_720 = arith.constant 1.000000e+00 : f32
    %div3A_721 = vector.broadcast %div3A_720 : f32 to vector<16xf32>
    %div3A_722 = arith.divf %div3A_721, %add3A_719 : vector<16xf32>
    %mul3A_723 = arith.mulf %gather3A_716, %div3A_722 : vector<16xf32>
    %swap3A_724 = arith.constant 2 : i32
    %swap3A_725 = arith.constant 0 : i32
    %swap3A_726 = arith.index_cast %swap3A_724 : i32 to index
    %swap3A_727 = arith.index_cast %swap3A_725 : i32 to index
    %swap3A_728 = arith.constant 0 : index
    %swap3A_729 = tpu.vector_load %arg9[%swap3A_726, %swap3A_727, %swap3A_728] {strides = array<i32>} : memref<8x2x128xf32, #tpu.memory_space<vmem>>, vector<16xf32>,
    tpu.vector_store %arg9[%swap3A_726, %swap3A_727, %swap3A_728], %mul3A_723 {strides = array<i32>} : memref<8x2x128xf32, #tpu.memory_space<vmem>>, vector<16xf32>,
    %mul3A_730 = arith.mulf %gather3A_718, %div3A_722 : vector<16xf32>
    %swap3A_731 = arith.constant 2 : i32
    %swap3A_732 = arith.constant 1 : i32
    %swap3A_733 = arith.index_cast %swap3A_731 : i32 to index
    %swap3A_734 = arith.index_cast %swap3A_732 : i32 to index
    %swap3A_735 = arith.constant 0 : index
    %swap3A_736 = tpu.vector_load %arg9[%swap3A_733, %swap3A_734, %swap3A_735] {strides = array<i32>} : memref<8x2x128xf32, #tpu.memory_space<vmem>>, vector<16xf32>,
    tpu.vector_store %arg9[%swap3A_733, %swap3A_734, %swap3A_735], %mul3A_730 {strides = array<i32>} : memref<8x2x128xf32, #tpu.memory_space<vmem>>, vector<16xf32>,
    %get3A_737 = arith.constant 272 : index
    %get3A_738 = tpu.vector_load %arg5[%get3A_737] {strides = array<i32>} : memref<1024xi32, #tpu.memory_space<vmem>>, vector<16xi32>,
    %and3A_739 = arith.andi %get3A_738, %broadcast_in_dim3A_107 : vector<16xi32>
    %mul3A_740 = arith.constant 21 : i32
    %mul3A_741 = vector.broadcast %mul3A_740 : i32 to vector<16xi32>
    %mul3A_742 = arith.muli %and3A_739, %mul3A_741 : vector<16xi32>
    %shift_right_logical3A_743 = arith.constant 5 : i32
    %shift_right_logical3A_744 = vector.broadcast %shift_right_logical3A_743 : i32 to vector<16xi32>
    %shift_right_logical3A_745 = arith.shrui %get3A_738, %shift_right_logical3A_744 : vector<16xi32>
    %and3A_746 = arith.andi %shift_right_logical3A_745, %broadcast_in_dim3A_107 : vector<16xi32>
    %shift_right_logical3A_747 = arith.constant 10 : i32
    %shift_right_logical3A_748 = vector.broadcast %shift_right_logical3A_747 : i32 to vector<16xi32>
    %shift_right_logical3A_749 = arith.shrui %get3A_738, %shift_right_logical3A_748 : vector<16xi32>
    %add3A_750 = arith.addi %mul3A_742, %and3A_746 : vector<16xi32>
    %gather3A_751 = tpu.vector_load_idx %arg7[%add3A_750] : memref<448xf32, #tpu.memory_space<vmem>>[vector<16xi32>], vector<16xf32>,
    %add3A_752 = arith.addi %mul3A_742, %shift_right_logical3A_749 : vector<16xi32>
    %gather3A_753 = tpu.vector_load_idx %arg7[%add3A_752] : memref<448xf32, #tpu.memory_space<vmem>>[vector<16xi32>], vector<16xf32>,
    %add3A_754 = arith.addf %gather3A_751, %gather3A_753 : vector<16xf32>
    %div3A_755 = arith.constant 1.000000e+00 : f32
    %div3A_756 = vector.broadcast %div3A_755 : f32 to vector<16xf32>
    %div3A_757 = arith.divf %div3A_756, %add3A_754 : vector<16xf32>
    %mul3A_758 = arith.mulf %gather3A_751, %div3A_757 : vector<16xf32>
    %swap3A_759 = arith.constant 2 : i32
    %swap3A_760 = arith.constant 0 : i32
    %swap3A_761 = arith.index_cast %swap3A_759 : i32 to index
    %swap3A_762 = arith.index_cast %swap3A_760 : i32 to index
    %swap3A_763 = arith.constant 16 : index
    %swap3A_764 = tpu.vector_load %arg9[%swap3A_761, %swap3A_762, %swap3A_763] {strides = array<i32>} : memref<8x2x128xf32, #tpu.memory_space<vmem>>, vector<16xf32>,
    tpu.vector_store %arg9[%swap3A_761, %swap3A_762, %swap3A_763], %mul3A_758 {strides = array<i32>} : memref<8x2x128xf32, #tpu.memory_space<vmem>>, vector<16xf32>,
    %mul3A_765 = arith.mulf %gather3A_753, %div3A_757 : vector<16xf32>
    %swap3A_766 = arith.constant 2 : i32
    %swap3A_767 = arith.constant 1 : i32
    %swap3A_768 = arith.index_cast %swap3A_766 : i32 to index
    %swap3A_769 = arith.index_cast %swap3A_767 : i32 to index
    %swap3A_770 = arith.constant 16 : index
    %swap3A_771 = tpu.vector_load %arg9[%swap3A_768, %swap3A_769, %swap3A_770] {strides = array<i32>} : memref<8x2x128xf32, #tpu.memory_space<vmem>>, vector<16xf32>,
    tpu.vector_store %arg9[%swap3A_768, %swap3A_769, %swap3A_770], %mul3A_765 {strides = array<i32>} : memref<8x2x128xf32, #tpu.memory_space<vmem>>, vector<16xf32>,
    %get3A_772 = arith.constant 288 : index
    %get3A_773 = tpu.vector_load %arg5[%get3A_772] {strides = array<i32>} : memref<1024xi32, #tpu.memory_space<vmem>>, vector<16xi32>,
    %and3A_774 = arith.andi %get3A_773, %broadcast_in_dim3A_107 : vector<16xi32>
    %mul3A_775 = arith.constant 21 : i32
    %mul3A_776 = vector.broadcast %mul3A_775 : i32 to vector<16xi32>
    %mul3A_777 = arith.muli %and3A_774, %mul3A_776 : vector<16xi32>
    %shift_right_logical3A_778 = arith.constant 5 : i32
    %shift_right_logical3A_779 = vector.broadcast %shift_right_logical3A_778 : i32 to vector<16xi32>
    %shift_right_logical3A_780 = arith.shrui %get3A_773, %shift_right_logical3A_779 : vector<16xi32>
    %and3A_781 = arith.andi %shift_right_logical3A_780, %broadcast_in_dim3A_107 : vector<16xi32>
    %shift_right_logical3A_782 = arith.constant 10 : i32
    %shift_right_logical3A_783 = vector.broadcast %shift_right_logical3A_782 : i32 to vector<16xi32>
    %shift_right_logical3A_784 = arith.shrui %get3A_773, %shift_right_logical3A_783 : vector<16xi32>
    %add3A_785 = arith.addi %mul3A_777, %and3A_781 : vector<16xi32>
    %gather3A_786 = tpu.vector_load_idx %arg7[%add3A_785] : memref<448xf32, #tpu.memory_space<vmem>>[vector<16xi32>], vector<16xf32>,
    %add3A_787 = arith.addi %mul3A_777, %shift_right_logical3A_784 : vector<16xi32>
    %gather3A_788 = tpu.vector_load_idx %arg7[%add3A_787] : memref<448xf32, #tpu.memory_space<vmem>>[vector<16xi32>], vector<16xf32>,
    %add3A_789 = arith.addf %gather3A_786, %gather3A_788 : vector<16xf32>
    %div3A_790 = arith.constant 1.000000e+00 : f32
    %div3A_791 = vector.broadcast %div3A_790 : f32 to vector<16xf32>
    %div3A_792 = arith.divf %div3A_791, %add3A_789 : vector<16xf32>
    %mul3A_793 = arith.mulf %gather3A_786, %div3A_792 : vector<16xf32>
    %swap3A_794 = arith.constant 2 : i32
    %swap3A_795 = arith.constant 0 : i32
    %swap3A_796 = arith.index_cast %swap3A_794 : i32 to index
    %swap3A_797 = arith.index_cast %swap3A_795 : i32 to index
    %swap3A_798 = arith.constant 32 : index
    %swap3A_799 = tpu.vector_load %arg9[%swap3A_796, %swap3A_797, %swap3A_798] {strides = array<i32>} : memref<8x2x128xf32, #tpu.memory_space<vmem>>, vector<16xf32>,
    tpu.vector_store %arg9[%swap3A_796, %swap3A_797, %swap3A_798], %mul3A_793 {strides = array<i32>} : memref<8x2x128xf32, #tpu.memory_space<vmem>>, vector<16xf32>,
    %mul3A_800 = arith.mulf %gather3A_788, %div3A_792 : vector<16xf32>
    %swap3A_801 = arith.constant 2 : i32
    %swap3A_802 = arith.constant 1 : i32
    %swap3A_803 = arith.index_cast %swap3A_801 : i32 to index
    %swap3A_804 = arith.index_cast %swap3A_802 : i32 to index
    %swap3A_805 = arith.constant 32 : index
    %swap3A_806 = tpu.vector_load %arg9[%swap3A_803, %swap3A_804, %swap3A_805] {strides = array<i32>} : memref<8x2x128xf32, #tpu.memory_space<vmem>>, vector<16xf32>,
    tpu.vector_store %arg9[%swap3A_803, %swap3A_804, %swap3A_805], %mul3A_800 {strides = array<i32>} : memref<8x2x128xf32, #tpu.memory_space<vmem>>, vector<16xf32>,
    %get3A_807 = arith.constant 304 : index
    %get3A_808 = tpu.vector_load %arg5[%get3A_807] {strides = array<i32>} : memref<1024xi32, #tpu.memory_space<vmem>>, vector<16xi32>,
    %and3A_809 = arith.andi %get3A_808, %broadcast_in_dim3A_107 : vector<16xi32>
    %mul3A_810 = arith.constant 21 : i32
    %mul3A_811 = vector.broadcast %mul3A_810 : i32 to vector<16xi32>
    %mul3A_812 = arith.muli %and3A_809, %mul3A_811 : vector<16xi32>
    %shift_right_logical3A_813 = arith.constant 5 : i32
    %shift_right_logical3A_814 = vector.broadcast %shift_right_logical3A_813 : i32 to vector<16xi32>
    %shift_right_logical3A_815 = arith.shrui %get3A_808, %shift_right_logical3A_814 : vector<16xi32>
    %and3A_816 = arith.andi %shift_right_logical3A_815, %broadcast_in_dim3A_107 : vector<16xi32>
    %shift_right_logical3A_817 = arith.constant 10 : i32
    %shift_right_logical3A_818 = vector.broadcast %shift_right_logical3A_817 : i32 to vector<16xi32>
    %shift_right_logical3A_819 = arith.shrui %get3A_808, %shift_right_logical3A_818 : vector<16xi32>
    %add3A_820 = arith.addi %mul3A_812, %and3A_816 : vector<16xi32>
    %gather3A_821 = tpu.vector_load_idx %arg7[%add3A_820] : memref<448xf32, #tpu.memory_space<vmem>>[vector<16xi32>], vector<16xf32>,
    %add3A_822 = arith.addi %mul3A_812, %shift_right_logical3A_819 : vector<16xi32>
    %gather3A_823 = tpu.vector_load_idx %arg7[%add3A_822] : memref<448xf32, #tpu.memory_space<vmem>>[vector<16xi32>], vector<16xf32>,
    %add3A_824 = arith.addf %gather3A_821, %gather3A_823 : vector<16xf32>
    %div3A_825 = arith.constant 1.000000e+00 : f32
    %div3A_826 = vector.broadcast %div3A_825 : f32 to vector<16xf32>
    %div3A_827 = arith.divf %div3A_826, %add3A_824 : vector<16xf32>
    %mul3A_828 = arith.mulf %gather3A_821, %div3A_827 : vector<16xf32>
    %swap3A_829 = arith.constant 2 : i32
    %swap3A_830 = arith.constant 0 : i32
    %swap3A_831 = arith.index_cast %swap3A_829 : i32 to index
    %swap3A_832 = arith.index_cast %swap3A_830 : i32 to index
    %swap3A_833 = arith.constant 48 : index
    %swap3A_834 = tpu.vector_load %arg9[%swap3A_831, %swap3A_832, %swap3A_833] {strides = array<i32>} : memref<8x2x128xf32, #tpu.memory_space<vmem>>, vector<16xf32>,
    tpu.vector_store %arg9[%swap3A_831, %swap3A_832, %swap3A_833], %mul3A_828 {strides = array<i32>} : memref<8x2x128xf32, #tpu.memory_space<vmem>>, vector<16xf32>,
    %mul3A_835 = arith.mulf %gather3A_823, %div3A_827 : vector<16xf32>
    %swap3A_836 = arith.constant 2 : i32
    %swap3A_837 = arith.constant 1 : i32
    %swap3A_838 = arith.index_cast %swap3A_836 : i32 to index
    %swap3A_839 = arith.index_cast %swap3A_837 : i32 to index
    %swap3A_840 = arith.constant 48 : index
    %swap3A_841 = tpu.vector_load %arg9[%swap3A_838, %swap3A_839, %swap3A_840] {strides = array<i32>} : memref<8x2x128xf32, #tpu.memory_space<vmem>>, vector<16xf32>,
    tpu.vector_store %arg9[%swap3A_838, %swap3A_839, %swap3A_840], %mul3A_835 {strides = array<i32>} : memref<8x2x128xf32, #tpu.memory_space<vmem>>, vector<16xf32>,
    %get3A_842 = arith.constant 320 : index
    %get3A_843 = tpu.vector_load %arg5[%get3A_842] {strides = array<i32>} : memref<1024xi32, #tpu.memory_space<vmem>>, vector<16xi32>,
    %and3A_844 = arith.andi %get3A_843, %broadcast_in_dim3A_107 : vector<16xi32>
    %mul3A_845 = arith.constant 21 : i32
    %mul3A_846 = vector.broadcast %mul3A_845 : i32 to vector<16xi32>
    %mul3A_847 = arith.muli %and3A_844, %mul3A_846 : vector<16xi32>
    %shift_right_logical3A_848 = arith.constant 5 : i32
    %shift_right_logical3A_849 = vector.broadcast %shift_right_logical3A_848 : i32 to vector<16xi32>
    %shift_right_logical3A_850 = arith.shrui %get3A_843, %shift_right_logical3A_849 : vector<16xi32>
    %and3A_851 = arith.andi %shift_right_logical3A_850, %broadcast_in_dim3A_107 : vector<16xi32>
    %shift_right_logical3A_852 = arith.constant 10 : i32
    %shift_right_logical3A_853 = vector.broadcast %shift_right_logical3A_852 : i32 to vector<16xi32>
    %shift_right_logical3A_854 = arith.shrui %get3A_843, %shift_right_logical3A_853 : vector<16xi32>
    %add3A_855 = arith.addi %mul3A_847, %and3A_851 : vector<16xi32>
    %gather3A_856 = tpu.vector_load_idx %arg7[%add3A_855] : memref<448xf32, #tpu.memory_space<vmem>>[vector<16xi32>], vector<16xf32>,
    %add3A_857 = arith.addi %mul3A_847, %shift_right_logical3A_854 : vector<16xi32>
    %gather3A_858 = tpu.vector_load_idx %arg7[%add3A_857] : memref<448xf32, #tpu.memory_space<vmem>>[vector<16xi32>], vector<16xf32>,
    %add3A_859 = arith.addf %gather3A_856, %gather3A_858 : vector<16xf32>
    %div3A_860 = arith.constant 1.000000e+00 : f32
    %div3A_861 = vector.broadcast %div3A_860 : f32 to vector<16xf32>
    %div3A_862 = arith.divf %div3A_861, %add3A_859 : vector<16xf32>
    %mul3A_863 = arith.mulf %gather3A_856, %div3A_862 : vector<16xf32>
    %swap3A_864 = arith.constant 2 : i32
    %swap3A_865 = arith.constant 0 : i32
    %swap3A_866 = arith.index_cast %swap3A_864 : i32 to index
    %swap3A_867 = arith.index_cast %swap3A_865 : i32 to index
    %swap3A_868 = arith.constant 64 : index
    %swap3A_869 = tpu.vector_load %arg9[%swap3A_866, %swap3A_867, %swap3A_868] {strides = array<i32>} : memref<8x2x128xf32, #tpu.memory_space<vmem>>, vector<16xf32>,
    tpu.vector_store %arg9[%swap3A_866, %swap3A_867, %swap3A_868], %mul3A_863 {strides = array<i32>} : memref<8x2x128xf32, #tpu.memory_space<vmem>>, vector<16xf32>,
    %mul3A_870 = arith.mulf %gather3A_858, %div3A_862 : vector<16xf32>
    %swap3A_871 = arith.constant 2 : i32
    %swap3A_872 = arith.constant 1 : i32
    %swap3A_873 = arith.index_cast %swap3A_871 : i32 to index
    %swap3A_874 = arith.index_cast %swap3A_872 : i32 to index
    %swap3A_875 = arith.constant 64 : index
    %swap3A_876 = tpu.vector_load %arg9[%swap3A_873, %swap3A_874, %swap3A_875] {strides = array<i32>} : memref<8x2x128xf32, #tpu.memory_space<vmem>>, vector<16xf32>,
    tpu.vector_store %arg9[%swap3A_873, %swap3A_874, %swap3A_875], %mul3A_870 {strides = array<i32>} : memref<8x2x128xf32, #tpu.memory_space<vmem>>, vector<16xf32>,
    %get3A_877 = arith.constant 336 : index
    %get3A_878 = tpu.vector_load %arg5[%get3A_877] {strides = array<i32>} : memref<1024xi32, #tpu.memory_space<vmem>>, vector<16xi32>,
    %and3A_879 = arith.andi %get3A_878, %broadcast_in_dim3A_107 : vector<16xi32>
    %mul3A_880 = arith.constant 21 : i32
    %mul3A_881 = vector.broadcast %mul3A_880 : i32 to vector<16xi32>
    %mul3A_882 = arith.muli %and3A_879, %mul3A_881 : vector<16xi32>
    %shift_right_logical3A_883 = arith.constant 5 : i32
    %shift_right_logical3A_884 = vector.broadcast %shift_right_logical3A_883 : i32 to vector<16xi32>
    %shift_right_logical3A_885 = arith.shrui %get3A_878, %shift_right_logical3A_884 : vector<16xi32>
    %and3A_886 = arith.andi %shift_right_logical3A_885, %broadcast_in_dim3A_107 : vector<16xi32>
    %shift_right_logical3A_887 = arith.constant 10 : i32
    %shift_right_logical3A_888 = vector.broadcast %shift_right_logical3A_887 : i32 to vector<16xi32>
    %shift_right_logical3A_889 = arith.shrui %get3A_878, %shift_right_logical3A_888 : vector<16xi32>
    %add3A_890 = arith.addi %mul3A_882, %and3A_886 : vector<16xi32>
    %gather3A_891 = tpu.vector_load_idx %arg7[%add3A_890] : memref<448xf32, #tpu.memory_space<vmem>>[vector<16xi32>], vector<16xf32>,
    %add3A_892 = arith.addi %mul3A_882, %shift_right_logical3A_889 : vector<16xi32>
    %gather3A_893 = tpu.vector_load_idx %arg7[%add3A_892] : memref<448xf32, #tpu.memory_space<vmem>>[vector<16xi32>], vector<16xf32>,
    %add3A_894 = arith.addf %gather3A_891, %gather3A_893 : vector<16xf32>
    %div3A_895 = arith.constant 1.000000e+00 : f32
    %div3A_896 = vector.broadcast %div3A_895 : f32 to vector<16xf32>
    %div3A_897 = arith.divf %div3A_896, %add3A_894 : vector<16xf32>
    %mul3A_898 = arith.mulf %gather3A_891, %div3A_897 : vector<16xf32>
    %swap3A_899 = arith.constant 2 : i32
    %swap3A_900 = arith.constant 0 : i32
    %swap3A_901 = arith.index_cast %swap3A_899 : i32 to index
    %swap3A_902 = arith.index_cast %swap3A_900 : i32 to index
    %swap3A_903 = arith.constant 80 : index
    %swap3A_904 = tpu.vector_load %arg9[%swap3A_901, %swap3A_902, %swap3A_903] {strides = array<i32>} : memref<8x2x128xf32, #tpu.memory_space<vmem>>, vector<16xf32>,
    tpu.vector_store %arg9[%swap3A_901, %swap3A_902, %swap3A_903], %mul3A_898 {strides = array<i32>} : memref<8x2x128xf32, #tpu.memory_space<vmem>>, vector<16xf32>,
    %mul3A_905 = arith.mulf %gather3A_893, %div3A_897 : vector<16xf32>
    %swap3A_906 = arith.constant 2 : i32
    %swap3A_907 = arith.constant 1 : i32
    %swap3A_908 = arith.index_cast %swap3A_906 : i32 to index
    %swap3A_909 = arith.index_cast %swap3A_907 : i32 to index
    %swap3A_910 = arith.constant 80 : index
    %swap3A_911 = tpu.vector_load %arg9[%swap3A_908, %swap3A_909, %swap3A_910] {strides = array<i32>} : memref<8x2x128xf32, #tpu.memory_space<vmem>>, vector<16xf32>,
    tpu.vector_store %arg9[%swap3A_908, %swap3A_909, %swap3A_910], %mul3A_905 {strides = array<i32>} : memref<8x2x128xf32, #tpu.memory_space<vmem>>, vector<16xf32>,
    %get3A_912 = arith.constant 352 : index
    %get3A_913 = tpu.vector_load %arg5[%get3A_912] {strides = array<i32>} : memref<1024xi32, #tpu.memory_space<vmem>>, vector<16xi32>,
    %and3A_914 = arith.andi %get3A_913, %broadcast_in_dim3A_107 : vector<16xi32>
    %mul3A_915 = arith.constant 21 : i32
    %mul3A_916 = vector.broadcast %mul3A_915 : i32 to vector<16xi32>
    %mul3A_917 = arith.muli %and3A_914, %mul3A_916 : vector<16xi32>
    %shift_right_logical3A_918 = arith.constant 5 : i32
    %shift_right_logical3A_919 = vector.broadcast %shift_right_logical3A_918 : i32 to vector<16xi32>
    %shift_right_logical3A_920 = arith.shrui %get3A_913, %shift_right_logical3A_919 : vector<16xi32>
    %and3A_921 = arith.andi %shift_right_logical3A_920, %broadcast_in_dim3A_107 : vector<16xi32>
    %shift_right_logical3A_922 = arith.constant 10 : i32
    %shift_right_logical3A_923 = vector.broadcast %shift_right_logical3A_922 : i32 to vector<16xi32>
    %shift_right_logical3A_924 = arith.shrui %get3A_913, %shift_right_logical3A_923 : vector<16xi32>
    %add3A_925 = arith.addi %mul3A_917, %and3A_921 : vector<16xi32>
    %gather3A_926 = tpu.vector_load_idx %arg7[%add3A_925] : memref<448xf32, #tpu.memory_space<vmem>>[vector<16xi32>], vector<16xf32>,
    %add3A_927 = arith.addi %mul3A_917, %shift_right_logical3A_924 : vector<16xi32>
    %gather3A_928 = tpu.vector_load_idx %arg7[%add3A_927] : memref<448xf32, #tpu.memory_space<vmem>>[vector<16xi32>], vector<16xf32>,
    %add3A_929 = arith.addf %gather3A_926, %gather3A_928 : vector<16xf32>
    %div3A_930 = arith.constant 1.000000e+00 : f32
    %div3A_931 = vector.broadcast %div3A_930 : f32 to vector<16xf32>
    %div3A_932 = arith.divf %div3A_931, %add3A_929 : vector<16xf32>
    %mul3A_933 = arith.mulf %gather3A_926, %div3A_932 : vector<16xf32>
    %swap3A_934 = arith.constant 2 : i32
    %swap3A_935 = arith.constant 0 : i32
    %swap3A_936 = arith.index_cast %swap3A_934 : i32 to index
    %swap3A_937 = arith.index_cast %swap3A_935 : i32 to index
    %swap3A_938 = arith.constant 96 : index
    %swap3A_939 = tpu.vector_load %arg9[%swap3A_936, %swap3A_937, %swap3A_938] {strides = array<i32>} : memref<8x2x128xf32, #tpu.memory_space<vmem>>, vector<16xf32>,
    tpu.vector_store %arg9[%swap3A_936, %swap3A_937, %swap3A_938], %mul3A_933 {strides = array<i32>} : memref<8x2x128xf32, #tpu.memory_space<vmem>>, vector<16xf32>,
    %mul3A_940 = arith.mulf %gather3A_928, %div3A_932 : vector<16xf32>
    %swap3A_941 = arith.constant 2 : i32
    %swap3A_942 = arith.constant 1 : i32
    %swap3A_943 = arith.index_cast %swap3A_941 : i32 to index
    %swap3A_944 = arith.index_cast %swap3A_942 : i32 to index
    %swap3A_945 = arith.constant 96 : index
    %swap3A_946 = tpu.vector_load %arg9[%swap3A_943, %swap3A_944, %swap3A_945] {strides = array<i32>} : memref<8x2x128xf32, #tpu.memory_space<vmem>>, vector<16xf32>,
    tpu.vector_store %arg9[%swap3A_943, %swap3A_944, %swap3A_945], %mul3A_940 {strides = array<i32>} : memref<8x2x128xf32, #tpu.memory_space<vmem>>, vector<16xf32>,
    %get3A_947 = arith.constant 368 : index
    %get3A_948 = tpu.vector_load %arg5[%get3A_947] {strides = array<i32>} : memref<1024xi32, #tpu.memory_space<vmem>>, vector<16xi32>,
    %and3A_949 = arith.andi %get3A_948, %broadcast_in_dim3A_107 : vector<16xi32>
    %mul3A_950 = arith.constant 21 : i32
    %mul3A_951 = vector.broadcast %mul3A_950 : i32 to vector<16xi32>
    %mul3A_952 = arith.muli %and3A_949, %mul3A_951 : vector<16xi32>
    %shift_right_logical3A_953 = arith.constant 5 : i32
    %shift_right_logical3A_954 = vector.broadcast %shift_right_logical3A_953 : i32 to vector<16xi32>
    %shift_right_logical3A_955 = arith.shrui %get3A_948, %shift_right_logical3A_954 : vector<16xi32>
    %and3A_956 = arith.andi %shift_right_logical3A_955, %broadcast_in_dim3A_107 : vector<16xi32>
    %shift_right_logical3A_957 = arith.constant 10 : i32
    %shift_right_logical3A_958 = vector.broadcast %shift_right_logical3A_957 : i32 to vector<16xi32>
    %shift_right_logical3A_959 = arith.shrui %get3A_948, %shift_right_logical3A_958 : vector<16xi32>
    %add3A_960 = arith.addi %mul3A_952, %and3A_956 : vector<16xi32>
    %gather3A_961 = tpu.vector_load_idx %arg7[%add3A_960] : memref<448xf32, #tpu.memory_space<vmem>>[vector<16xi32>], vector<16xf32>,
    %add3A_962 = arith.addi %mul3A_952, %shift_right_logical3A_959 : vector<16xi32>
    %gather3A_963 = tpu.vector_load_idx %arg7[%add3A_962] : memref<448xf32, #tpu.memory_space<vmem>>[vector<16xi32>], vector<16xf32>,
    %add3A_964 = arith.addf %gather3A_961, %gather3A_963 : vector<16xf32>
    %div3A_965 = arith.constant 1.000000e+00 : f32
    %div3A_966 = vector.broadcast %div3A_965 : f32 to vector<16xf32>
    %div3A_967 = arith.divf %div3A_966, %add3A_964 : vector<16xf32>
    %mul3A_968 = arith.mulf %gather3A_961, %div3A_967 : vector<16xf32>
    %swap3A_969 = arith.constant 2 : i32
    %swap3A_970 = arith.constant 0 : i32
    %swap3A_971 = arith.index_cast %swap3A_969 : i32 to index
    %swap3A_972 = arith.index_cast %swap3A_970 : i32 to index
    %swap3A_973 = arith.constant 112 : index
    %swap3A_974 = tpu.vector_load %arg9[%swap3A_971, %swap3A_972, %swap3A_973] {strides = array<i32>} : memref<8x2x128xf32, #tpu.memory_space<vmem>>, vector<16xf32>,
    tpu.vector_store %arg9[%swap3A_971, %swap3A_972, %swap3A_973], %mul3A_968 {strides = array<i32>} : memref<8x2x128xf32, #tpu.memory_space<vmem>>, vector<16xf32>,
    %mul3A_975 = arith.mulf %gather3A_963, %div3A_967 : vector<16xf32>
    %swap3A_976 = arith.constant 2 : i32
    %swap3A_977 = arith.constant 1 : i32
    %swap3A_978 = arith.index_cast %swap3A_976 : i32 to index
    %swap3A_979 = arith.index_cast %swap3A_977 : i32 to index
    %swap3A_980 = arith.constant 112 : index
    %swap3A_981 = tpu.vector_load %arg9[%swap3A_978, %swap3A_979, %swap3A_980] {strides = array<i32>} : memref<8x2x128xf32, #tpu.memory_space<vmem>>, vector<16xf32>,
    tpu.vector_store %arg9[%swap3A_978, %swap3A_979, %swap3A_980], %mul3A_975 {strides = array<i32>} : memref<8x2x128xf32, #tpu.memory_space<vmem>>, vector<16xf32>,
    %mul3A_982 = arith.constant 8 : i32
    %mul3A_983 = arith.muli %add3A, %mul3A_982 : i32
    %add3A_984 = arith.constant 2 : i32
    %add3A_985 = arith.addi %mul3A_983, %add3A_984 : i32
    %dma_start3A_986 = arith.constant 2 : i32
    %dma_start3A_987 = arith.constant 0 : i32
    %dma_start3A_988 = arith.constant 0 : i32
    %dma_start3A_989 = tpu.memref_slice %arg9[%dma_start3A_986, %dma_start3A_987, %dma_start3A_988] : memref<8x2x128xf32, #tpu.memory_space<vmem>> -> memref<1x2x128xf32, #tpu.memory_space<vmem>>
    %dma_start3A_990 = arith.constant 0 : i32
    %dma_start3A_991 = arith.constant 0 : i32
    %dma_start3A_992 = tpu.memref_slice %arg4[%add3A_985, %dma_start3A_990, %dma_start3A_991] : memref<128x2x128xf32, #tpu.memory_space<hbm>> -> memref<1x2x128xf32, #tpu.memory_space<hbm>>
    %dma_start3A_993 = arith.constant 0 : i32
    %dma_start3A_994 = arith.constant 0 : i32
    %dma_start3A_995 = tpu.memref_slice %arg4[%add3A_985, %dma_start3A_993, %dma_start3A_994] : memref<128x2x128xf32, #tpu.memory_space<hbm>> -> memref<1x2x128xf32, #tpu.memory_space<hbm>>
    %dma_start3A_996 = arith.constant 2 : i32
    %dma_start3A_997 = arith.constant 0 : i32
    %dma_start3A_998 = arith.constant 0 : i32
    %dma_start3A_999 = tpu.memref_slice %arg9[%dma_start3A_996, %dma_start3A_997, %dma_start3A_998] : memref<8x2x128xf32, #tpu.memory_space<vmem>> -> memref<1x2x128xf32, #tpu.memory_space<vmem>>
    tpu.enqueue_dma source(%dma_start3A_999 : memref<1x2x128xf32, #tpu.memory_space<vmem>>) target(%dma_start3A_995 : memref<1x2x128xf32, #tpu.memory_space<hbm>>) target_semaphore(%arg11 : memref<!tpu.dma_semaphore, #tpu.memory_space<semaphore_mem>>)
    %get3A_1000 = arith.constant 384 : index
    %get3A_1001 = tpu.vector_load %arg5[%get3A_1000] {strides = array<i32>} : memref<1024xi32, #tpu.memory_space<vmem>>, vector<16xi32>,
    %and3A_1002 = arith.andi %get3A_1001, %broadcast_in_dim3A_107 : vector<16xi32>
    %mul3A_1003 = arith.constant 21 : i32
    %mul3A_1004 = vector.broadcast %mul3A_1003 : i32 to vector<16xi32>
    %mul3A_1005 = arith.muli %and3A_1002, %mul3A_1004 : vector<16xi32>
    %shift_right_logical3A_1006 = arith.constant 5 : i32
    %shift_right_logical3A_1007 = vector.broadcast %shift_right_logical3A_1006 : i32 to vector<16xi32>
    %shift_right_logical3A_1008 = arith.shrui %get3A_1001, %shift_right_logical3A_1007 : vector<16xi32>
    %and3A_1009 = arith.andi %shift_right_logical3A_1008, %broadcast_in_dim3A_107 : vector<16xi32>
    %shift_right_logical3A_1010 = arith.constant 10 : i32
    %shift_right_logical3A_1011 = vector.broadcast %shift_right_logical3A_1010 : i32 to vector<16xi32>
    %shift_right_logical3A_1012 = arith.shrui %get3A_1001, %shift_right_logical3A_1011 : vector<16xi32>
    %add3A_1013 = arith.addi %mul3A_1005, %and3A_1009 : vector<16xi32>
    %gather3A_1014 = tpu.vector_load_idx %arg7[%add3A_1013] : memref<448xf32, #tpu.memory_space<vmem>>[vector<16xi32>], vector<16xf32>,
    %add3A_1015 = arith.addi %mul3A_1005, %shift_right_logical3A_1012 : vector<16xi32>
    %gather3A_1016 = tpu.vector_load_idx %arg7[%add3A_1015] : memref<448xf32, #tpu.memory_space<vmem>>[vector<16xi32>], vector<16xf32>,
    %add3A_1017 = arith.addf %gather3A_1014, %gather3A_1016 : vector<16xf32>
    %div3A_1018 = arith.constant 1.000000e+00 : f32
    %div3A_1019 = vector.broadcast %div3A_1018 : f32 to vector<16xf32>
    %div3A_1020 = arith.divf %div3A_1019, %add3A_1017 : vector<16xf32>
    %mul3A_1021 = arith.mulf %gather3A_1014, %div3A_1020 : vector<16xf32>
    %swap3A_1022 = arith.constant 3 : i32
    %swap3A_1023 = arith.constant 0 : i32
    %swap3A_1024 = arith.index_cast %swap3A_1022 : i32 to index
    %swap3A_1025 = arith.index_cast %swap3A_1023 : i32 to index
    %swap3A_1026 = arith.constant 0 : index
    %swap3A_1027 = tpu.vector_load %arg9[%swap3A_1024, %swap3A_1025, %swap3A_1026] {strides = array<i32>} : memref<8x2x128xf32, #tpu.memory_space<vmem>>, vector<16xf32>,
    tpu.vector_store %arg9[%swap3A_1024, %swap3A_1025, %swap3A_1026], %mul3A_1021 {strides = array<i32>} : memref<8x2x128xf32, #tpu.memory_space<vmem>>, vector<16xf32>,
    %mul3A_1028 = arith.mulf %gather3A_1016, %div3A_1020 : vector<16xf32>
    %swap3A_1029 = arith.constant 3 : i32
    %swap3A_1030 = arith.constant 1 : i32
    %swap3A_1031 = arith.index_cast %swap3A_1029 : i32 to index
    %swap3A_1032 = arith.index_cast %swap3A_1030 : i32 to index
    %swap3A_1033 = arith.constant 0 : index
    %swap3A_1034 = tpu.vector_load %arg9[%swap3A_1031, %swap3A_1032, %swap3A_1033] {strides = array<i32>} : memref<8x2x128xf32, #tpu.memory_space<vmem>>, vector<16xf32>,
    tpu.vector_store %arg9[%swap3A_1031, %swap3A_1032, %swap3A_1033], %mul3A_1028 {strides = array<i32>} : memref<8x2x128xf32, #tpu.memory_space<vmem>>, vector<16xf32>,
    %get3A_1035 = arith.constant 400 : index
    %get3A_1036 = tpu.vector_load %arg5[%get3A_1035] {strides = array<i32>} : memref<1024xi32, #tpu.memory_space<vmem>>, vector<16xi32>,
    %and3A_1037 = arith.andi %get3A_1036, %broadcast_in_dim3A_107 : vector<16xi32>
    %mul3A_1038 = arith.constant 21 : i32
    %mul3A_1039 = vector.broadcast %mul3A_1038 : i32 to vector<16xi32>
    %mul3A_1040 = arith.muli %and3A_1037, %mul3A_1039 : vector<16xi32>
    %shift_right_logical3A_1041 = arith.constant 5 : i32
    %shift_right_logical3A_1042 = vector.broadcast %shift_right_logical3A_1041 : i32 to vector<16xi32>
    %shift_right_logical3A_1043 = arith.shrui %get3A_1036, %shift_right_logical3A_1042 : vector<16xi32>
    %and3A_1044 = arith.andi %shift_right_logical3A_1043, %broadcast_in_dim3A_107 : vector<16xi32>
    %shift_right_logical3A_1045 = arith.constant 10 : i32
    %shift_right_logical3A_1046 = vector.broadcast %shift_right_logical3A_1045 : i32 to vector<16xi32>
    %shift_right_logical3A_1047 = arith.shrui %get3A_1036, %shift_right_logical3A_1046 : vector<16xi32>
    %add3A_1048 = arith.addi %mul3A_1040, %and3A_1044 : vector<16xi32>
    %gather3A_1049 = tpu.vector_load_idx %arg7[%add3A_1048] : memref<448xf32, #tpu.memory_space<vmem>>[vector<16xi32>], vector<16xf32>,
    %add3A_1050 = arith.addi %mul3A_1040, %shift_right_logical3A_1047 : vector<16xi32>
    %gather3A_1051 = tpu.vector_load_idx %arg7[%add3A_1050] : memref<448xf32, #tpu.memory_space<vmem>>[vector<16xi32>], vector<16xf32>,
    %add3A_1052 = arith.addf %gather3A_1049, %gather3A_1051 : vector<16xf32>
    %div3A_1053 = arith.constant 1.000000e+00 : f32
    %div3A_1054 = vector.broadcast %div3A_1053 : f32 to vector<16xf32>
    %div3A_1055 = arith.divf %div3A_1054, %add3A_1052 : vector<16xf32>
    %mul3A_1056 = arith.mulf %gather3A_1049, %div3A_1055 : vector<16xf32>
    %swap3A_1057 = arith.constant 3 : i32
    %swap3A_1058 = arith.constant 0 : i32
    %swap3A_1059 = arith.index_cast %swap3A_1057 : i32 to index
    %swap3A_1060 = arith.index_cast %swap3A_1058 : i32 to index
    %swap3A_1061 = arith.constant 16 : index
    %swap3A_1062 = tpu.vector_load %arg9[%swap3A_1059, %swap3A_1060, %swap3A_1061] {strides = array<i32>} : memref<8x2x128xf32, #tpu.memory_space<vmem>>, vector<16xf32>,
    tpu.vector_store %arg9[%swap3A_1059, %swap3A_1060, %swap3A_1061], %mul3A_1056 {strides = array<i32>} : memref<8x2x128xf32, #tpu.memory_space<vmem>>, vector<16xf32>,
    %mul3A_1063 = arith.mulf %gather3A_1051, %div3A_1055 : vector<16xf32>
    %swap3A_1064 = arith.constant 3 : i32
    %swap3A_1065 = arith.constant 1 : i32
    %swap3A_1066 = arith.index_cast %swap3A_1064 : i32 to index
    %swap3A_1067 = arith.index_cast %swap3A_1065 : i32 to index
    %swap3A_1068 = arith.constant 16 : index
    %swap3A_1069 = tpu.vector_load %arg9[%swap3A_1066, %swap3A_1067, %swap3A_1068] {strides = array<i32>} : memref<8x2x128xf32, #tpu.memory_space<vmem>>, vector<16xf32>,
    tpu.vector_store %arg9[%swap3A_1066, %swap3A_1067, %swap3A_1068], %mul3A_1063 {strides = array<i32>} : memref<8x2x128xf32, #tpu.memory_space<vmem>>, vector<16xf32>,
    %get3A_1070 = arith.constant 416 : index
    %get3A_1071 = tpu.vector_load %arg5[%get3A_1070] {strides = array<i32>} : memref<1024xi32, #tpu.memory_space<vmem>>, vector<16xi32>,
    %and3A_1072 = arith.andi %get3A_1071, %broadcast_in_dim3A_107 : vector<16xi32>
    %mul3A_1073 = arith.constant 21 : i32
    %mul3A_1074 = vector.broadcast %mul3A_1073 : i32 to vector<16xi32>
    %mul3A_1075 = arith.muli %and3A_1072, %mul3A_1074 : vector<16xi32>
    %shift_right_logical3A_1076 = arith.constant 5 : i32
    %shift_right_logical3A_1077 = vector.broadcast %shift_right_logical3A_1076 : i32 to vector<16xi32>
    %shift_right_logical3A_1078 = arith.shrui %get3A_1071, %shift_right_logical3A_1077 : vector<16xi32>
    %and3A_1079 = arith.andi %shift_right_logical3A_1078, %broadcast_in_dim3A_107 : vector<16xi32>
    %shift_right_logical3A_1080 = arith.constant 10 : i32
    %shift_right_logical3A_1081 = vector.broadcast %shift_right_logical3A_1080 : i32 to vector<16xi32>
    %shift_right_logical3A_1082 = arith.shrui %get3A_1071, %shift_right_logical3A_1081 : vector<16xi32>
    %add3A_1083 = arith.addi %mul3A_1075, %and3A_1079 : vector<16xi32>
    %gather3A_1084 = tpu.vector_load_idx %arg7[%add3A_1083] : memref<448xf32, #tpu.memory_space<vmem>>[vector<16xi32>], vector<16xf32>,
    %add3A_1085 = arith.addi %mul3A_1075, %shift_right_logical3A_1082 : vector<16xi32>
    %gather3A_1086 = tpu.vector_load_idx %arg7[%add3A_1085] : memref<448xf32, #tpu.memory_space<vmem>>[vector<16xi32>], vector<16xf32>,
    %add3A_1087 = arith.addf %gather3A_1084, %gather3A_1086 : vector<16xf32>
    %div3A_1088 = arith.constant 1.000000e+00 : f32
    %div3A_1089 = vector.broadcast %div3A_1088 : f32 to vector<16xf32>
    %div3A_1090 = arith.divf %div3A_1089, %add3A_1087 : vector<16xf32>
    %mul3A_1091 = arith.mulf %gather3A_1084, %div3A_1090 : vector<16xf32>
    %swap3A_1092 = arith.constant 3 : i32
    %swap3A_1093 = arith.constant 0 : i32
    %swap3A_1094 = arith.index_cast %swap3A_1092 : i32 to index
    %swap3A_1095 = arith.index_cast %swap3A_1093 : i32 to index
    %swap3A_1096 = arith.constant 32 : index
    %swap3A_1097 = tpu.vector_load %arg9[%swap3A_1094, %swap3A_1095, %swap3A_1096] {strides = array<i32>} : memref<8x2x128xf32, #tpu.memory_space<vmem>>, vector<16xf32>,
    tpu.vector_store %arg9[%swap3A_1094, %swap3A_1095, %swap3A_1096], %mul3A_1091 {strides = array<i32>} : memref<8x2x128xf32, #tpu.memory_space<vmem>>, vector<16xf32>,
    %mul3A_1098 = arith.mulf %gather3A_1086, %div3A_1090 : vector<16xf32>
    %swap3A_1099 = arith.constant 3 : i32
    %swap3A_1100 = arith.constant 1 : i32
    %swap3A_1101 = arith.index_cast %swap3A_1099 : i32 to index
    %swap3A_1102 = arith.index_cast %swap3A_1100 : i32 to index
    %swap3A_1103 = arith.constant 32 : index
    %swap3A_1104 = tpu.vector_load %arg9[%swap3A_1101, %swap3A_1102, %swap3A_1103] {strides = array<i32>} : memref<8x2x128xf32, #tpu.memory_space<vmem>>, vector<16xf32>,
    tpu.vector_store %arg9[%swap3A_1101, %swap3A_1102, %swap3A_1103], %mul3A_1098 {strides = array<i32>} : memref<8x2x128xf32, #tpu.memory_space<vmem>>, vector<16xf32>,
    %get3A_1105 = arith.constant 432 : index
    %get3A_1106 = tpu.vector_load %arg5[%get3A_1105] {strides = array<i32>} : memref<1024xi32, #tpu.memory_space<vmem>>, vector<16xi32>,
    %and3A_1107 = arith.andi %get3A_1106, %broadcast_in_dim3A_107 : vector<16xi32>
    %mul3A_1108 = arith.constant 21 : i32
    %mul3A_1109 = vector.broadcast %mul3A_1108 : i32 to vector<16xi32>
    %mul3A_1110 = arith.muli %and3A_1107, %mul3A_1109 : vector<16xi32>
    %shift_right_logical3A_1111 = arith.constant 5 : i32
    %shift_right_logical3A_1112 = vector.broadcast %shift_right_logical3A_1111 : i32 to vector<16xi32>
    %shift_right_logical3A_1113 = arith.shrui %get3A_1106, %shift_right_logical3A_1112 : vector<16xi32>
    %and3A_1114 = arith.andi %shift_right_logical3A_1113, %broadcast_in_dim3A_107 : vector<16xi32>
    %shift_right_logical3A_1115 = arith.constant 10 : i32
    %shift_right_logical3A_1116 = vector.broadcast %shift_right_logical3A_1115 : i32 to vector<16xi32>
    %shift_right_logical3A_1117 = arith.shrui %get3A_1106, %shift_right_logical3A_1116 : vector<16xi32>
    %add3A_1118 = arith.addi %mul3A_1110, %and3A_1114 : vector<16xi32>
    %gather3A_1119 = tpu.vector_load_idx %arg7[%add3A_1118] : memref<448xf32, #tpu.memory_space<vmem>>[vector<16xi32>], vector<16xf32>,
    %add3A_1120 = arith.addi %mul3A_1110, %shift_right_logical3A_1117 : vector<16xi32>
    %gather3A_1121 = tpu.vector_load_idx %arg7[%add3A_1120] : memref<448xf32, #tpu.memory_space<vmem>>[vector<16xi32>], vector<16xf32>,
    %add3A_1122 = arith.addf %gather3A_1119, %gather3A_1121 : vector<16xf32>
    %div3A_1123 = arith.constant 1.000000e+00 : f32
    %div3A_1124 = vector.broadcast %div3A_1123 : f32 to vector<16xf32>
    %div3A_1125 = arith.divf %div3A_1124, %add3A_1122 : vector<16xf32>
    %mul3A_1126 = arith.mulf %gather3A_1119, %div3A_1125 : vector<16xf32>
    %swap3A_1127 = arith.constant 3 : i32
    %swap3A_1128 = arith.constant 0 : i32
    %swap3A_1129 = arith.index_cast %swap3A_1127 : i32 to index
    %swap3A_1130 = arith.index_cast %swap3A_1128 : i32 to index
    %swap3A_1131 = arith.constant 48 : index
    %swap3A_1132 = tpu.vector_load %arg9[%swap3A_1129, %swap3A_1130, %swap3A_1131] {strides = array<i32>} : memref<8x2x128xf32, #tpu.memory_space<vmem>>, vector<16xf32>,
    tpu.vector_store %arg9[%swap3A_1129, %swap3A_1130, %swap3A_1131], %mul3A_1126 {strides = array<i32>} : memref<8x2x128xf32, #tpu.memory_space<vmem>>, vector<16xf32>,
    %mul3A_1133 = arith.mulf %gather3A_1121, %div3A_1125 : vector<16xf32>
    %swap3A_1134 = arith.constant 3 : i32
    %swap3A_1135 = arith.constant 1 : i32
    %swap3A_1136 = arith.index_cast %swap3A_1134 : i32 to index
    %swap3A_1137 = arith.index_cast %swap3A_1135 : i32 to index
    %swap3A_1138 = arith.constant 48 : index
    %swap3A_1139 = tpu.vector_load %arg9[%swap3A_1136, %swap3A_1137, %swap3A_1138] {strides = array<i32>} : memref<8x2x128xf32, #tpu.memory_space<vmem>>, vector<16xf32>,
    tpu.vector_store %arg9[%swap3A_1136, %swap3A_1137, %swap3A_1138], %mul3A_1133 {strides = array<i32>} : memref<8x2x128xf32, #tpu.memory_space<vmem>>, vector<16xf32>,
    %get3A_1140 = arith.constant 448 : index
    %get3A_1141 = tpu.vector_load %arg5[%get3A_1140] {strides = array<i32>} : memref<1024xi32, #tpu.memory_space<vmem>>, vector<16xi32>,
    %and3A_1142 = arith.andi %get3A_1141, %broadcast_in_dim3A_107 : vector<16xi32>
    %mul3A_1143 = arith.constant 21 : i32
    %mul3A_1144 = vector.broadcast %mul3A_1143 : i32 to vector<16xi32>
    %mul3A_1145 = arith.muli %and3A_1142, %mul3A_1144 : vector<16xi32>
    %shift_right_logical3A_1146 = arith.constant 5 : i32
    %shift_right_logical3A_1147 = vector.broadcast %shift_right_logical3A_1146 : i32 to vector<16xi32>
    %shift_right_logical3A_1148 = arith.shrui %get3A_1141, %shift_right_logical3A_1147 : vector<16xi32>
    %and3A_1149 = arith.andi %shift_right_logical3A_1148, %broadcast_in_dim3A_107 : vector<16xi32>
    %shift_right_logical3A_1150 = arith.constant 10 : i32
    %shift_right_logical3A_1151 = vector.broadcast %shift_right_logical3A_1150 : i32 to vector<16xi32>
    %shift_right_logical3A_1152 = arith.shrui %get3A_1141, %shift_right_logical3A_1151 : vector<16xi32>
    %add3A_1153 = arith.addi %mul3A_1145, %and3A_1149 : vector<16xi32>
    %gather3A_1154 = tpu.vector_load_idx %arg7[%add3A_1153] : memref<448xf32, #tpu.memory_space<vmem>>[vector<16xi32>], vector<16xf32>,
    %add3A_1155 = arith.addi %mul3A_1145, %shift_right_logical3A_1152 : vector<16xi32>
    %gather3A_1156 = tpu.vector_load_idx %arg7[%add3A_1155] : memref<448xf32, #tpu.memory_space<vmem>>[vector<16xi32>], vector<16xf32>,
    %add3A_1157 = arith.addf %gather3A_1154, %gather3A_1156 : vector<16xf32>
    %div3A_1158 = arith.constant 1.000000e+00 : f32
    %div3A_1159 = vector.broadcast %div3A_1158 : f32 to vector<16xf32>
    %div3A_1160 = arith.divf %div3A_1159, %add3A_1157 : vector<16xf32>
    %mul3A_1161 = arith.mulf %gather3A_1154, %div3A_1160 : vector<16xf32>
    %swap3A_1162 = arith.constant 3 : i32
    %swap3A_1163 = arith.constant 0 : i32
    %swap3A_1164 = arith.index_cast %swap3A_1162 : i32 to index
    %swap3A_1165 = arith.index_cast %swap3A_1163 : i32 to index
    %swap3A_1166 = arith.constant 64 : index
    %swap3A_1167 = tpu.vector_load %arg9[%swap3A_1164, %swap3A_1165, %swap3A_1166] {strides = array<i32>} : memref<8x2x128xf32, #tpu.memory_space<vmem>>, vector<16xf32>,
    tpu.vector_store %arg9[%swap3A_1164, %swap3A_1165, %swap3A_1166], %mul3A_1161 {strides = array<i32>} : memref<8x2x128xf32, #tpu.memory_space<vmem>>, vector<16xf32>,
    %mul3A_1168 = arith.mulf %gather3A_1156, %div3A_1160 : vector<16xf32>
    %swap3A_1169 = arith.constant 3 : i32
    %swap3A_1170 = arith.constant 1 : i32
    %swap3A_1171 = arith.index_cast %swap3A_1169 : i32 to index
    %swap3A_1172 = arith.index_cast %swap3A_1170 : i32 to index
    %swap3A_1173 = arith.constant 64 : index
    %swap3A_1174 = tpu.vector_load %arg9[%swap3A_1171, %swap3A_1172, %swap3A_1173] {strides = array<i32>} : memref<8x2x128xf32, #tpu.memory_space<vmem>>, vector<16xf32>,
    tpu.vector_store %arg9[%swap3A_1171, %swap3A_1172, %swap3A_1173], %mul3A_1168 {strides = array<i32>} : memref<8x2x128xf32, #tpu.memory_space<vmem>>, vector<16xf32>,
    %get3A_1175 = arith.constant 464 : index
    %get3A_1176 = tpu.vector_load %arg5[%get3A_1175] {strides = array<i32>} : memref<1024xi32, #tpu.memory_space<vmem>>, vector<16xi32>,
    %and3A_1177 = arith.andi %get3A_1176, %broadcast_in_dim3A_107 : vector<16xi32>
    %mul3A_1178 = arith.constant 21 : i32
    %mul3A_1179 = vector.broadcast %mul3A_1178 : i32 to vector<16xi32>
    %mul3A_1180 = arith.muli %and3A_1177, %mul3A_1179 : vector<16xi32>
    %shift_right_logical3A_1181 = arith.constant 5 : i32
    %shift_right_logical3A_1182 = vector.broadcast %shift_right_logical3A_1181 : i32 to vector<16xi32>
    %shift_right_logical3A_1183 = arith.shrui %get3A_1176, %shift_right_logical3A_1182 : vector<16xi32>
    %and3A_1184 = arith.andi %shift_right_logical3A_1183, %broadcast_in_dim3A_107 : vector<16xi32>
    %shift_right_logical3A_1185 = arith.constant 10 : i32
    %shift_right_logical3A_1186 = vector.broadcast %shift_right_logical3A_1185 : i32 to vector<16xi32>
    %shift_right_logical3A_1187 = arith.shrui %get3A_1176, %shift_right_logical3A_1186 : vector<16xi32>
    %add3A_1188 = arith.addi %mul3A_1180, %and3A_1184 : vector<16xi32>
    %gather3A_1189 = tpu.vector_load_idx %arg7[%add3A_1188] : memref<448xf32, #tpu.memory_space<vmem>>[vector<16xi32>], vector<16xf32>,
    %add3A_1190 = arith.addi %mul3A_1180, %shift_right_logical3A_1187 : vector<16xi32>
    %gather3A_1191 = tpu.vector_load_idx %arg7[%add3A_1190] : memref<448xf32, #tpu.memory_space<vmem>>[vector<16xi32>], vector<16xf32>,
    %add3A_1192 = arith.addf %gather3A_1189, %gather3A_1191 : vector<16xf32>
    %div3A_1193 = arith.constant 1.000000e+00 : f32
    %div3A_1194 = vector.broadcast %div3A_1193 : f32 to vector<16xf32>
    %div3A_1195 = arith.divf %div3A_1194, %add3A_1192 : vector<16xf32>
    %mul3A_1196 = arith.mulf %gather3A_1189, %div3A_1195 : vector<16xf32>
    %swap3A_1197 = arith.constant 3 : i32
    %swap3A_1198 = arith.constant 0 : i32
    %swap3A_1199 = arith.index_cast %swap3A_1197 : i32 to index
    %swap3A_1200 = arith.index_cast %swap3A_1198 : i32 to index
    %swap3A_1201 = arith.constant 80 : index
    %swap3A_1202 = tpu.vector_load %arg9[%swap3A_1199, %swap3A_1200, %swap3A_1201] {strides = array<i32>} : memref<8x2x128xf32, #tpu.memory_space<vmem>>, vector<16xf32>,
    tpu.vector_store %arg9[%swap3A_1199, %swap3A_1200, %swap3A_1201], %mul3A_1196 {strides = array<i32>} : memref<8x2x128xf32, #tpu.memory_space<vmem>>, vector<16xf32>,
    %mul3A_1203 = arith.mulf %gather3A_1191, %div3A_1195 : vector<16xf32>
    %swap3A_1204 = arith.constant 3 : i32
    %swap3A_1205 = arith.constant 1 : i32
    %swap3A_1206 = arith.index_cast %swap3A_1204 : i32 to index
    %swap3A_1207 = arith.index_cast %swap3A_1205 : i32 to index
    %swap3A_1208 = arith.constant 80 : index
    %swap3A_1209 = tpu.vector_load %arg9[%swap3A_1206, %swap3A_1207, %swap3A_1208] {strides = array<i32>} : memref<8x2x128xf32, #tpu.memory_space<vmem>>, vector<16xf32>,
    tpu.vector_store %arg9[%swap3A_1206, %swap3A_1207, %swap3A_1208], %mul3A_1203 {strides = array<i32>} : memref<8x2x128xf32, #tpu.memory_space<vmem>>, vector<16xf32>,
    %get3A_1210 = arith.constant 480 : index
    %get3A_1211 = tpu.vector_load %arg5[%get3A_1210] {strides = array<i32>} : memref<1024xi32, #tpu.memory_space<vmem>>, vector<16xi32>,
    %and3A_1212 = arith.andi %get3A_1211, %broadcast_in_dim3A_107 : vector<16xi32>
    %mul3A_1213 = arith.constant 21 : i32
    %mul3A_1214 = vector.broadcast %mul3A_1213 : i32 to vector<16xi32>
    %mul3A_1215 = arith.muli %and3A_1212, %mul3A_1214 : vector<16xi32>
    %shift_right_logical3A_1216 = arith.constant 5 : i32
    %shift_right_logical3A_1217 = vector.broadcast %shift_right_logical3A_1216 : i32 to vector<16xi32>
    %shift_right_logical3A_1218 = arith.shrui %get3A_1211, %shift_right_logical3A_1217 : vector<16xi32>
    %and3A_1219 = arith.andi %shift_right_logical3A_1218, %broadcast_in_dim3A_107 : vector<16xi32>
    %shift_right_logical3A_1220 = arith.constant 10 : i32
    %shift_right_logical3A_1221 = vector.broadcast %shift_right_logical3A_1220 : i32 to vector<16xi32>
    %shift_right_logical3A_1222 = arith.shrui %get3A_1211, %shift_right_logical3A_1221 : vector<16xi32>
    %add3A_1223 = arith.addi %mul3A_1215, %and3A_1219 : vector<16xi32>
    %gather3A_1224 = tpu.vector_load_idx %arg7[%add3A_1223] : memref<448xf32, #tpu.memory_space<vmem>>[vector<16xi32>], vector<16xf32>,
    %add3A_1225 = arith.addi %mul3A_1215, %shift_right_logical3A_1222 : vector<16xi32>
    %gather3A_1226 = tpu.vector_load_idx %arg7[%add3A_1225] : memref<448xf32, #tpu.memory_space<vmem>>[vector<16xi32>], vector<16xf32>,
    %add3A_1227 = arith.addf %gather3A_1224, %gather3A_1226 : vector<16xf32>
    %div3A_1228 = arith.constant 1.000000e+00 : f32
    %div3A_1229 = vector.broadcast %div3A_1228 : f32 to vector<16xf32>
    %div3A_1230 = arith.divf %div3A_1229, %add3A_1227 : vector<16xf32>
    %mul3A_1231 = arith.mulf %gather3A_1224, %div3A_1230 : vector<16xf32>
    %swap3A_1232 = arith.constant 3 : i32
    %swap3A_1233 = arith.constant 0 : i32
    %swap3A_1234 = arith.index_cast %swap3A_1232 : i32 to index
    %swap3A_1235 = arith.index_cast %swap3A_1233 : i32 to index
    %swap3A_1236 = arith.constant 96 : index
    %swap3A_1237 = tpu.vector_load %arg9[%swap3A_1234, %swap3A_1235, %swap3A_1236] {strides = array<i32>} : memref<8x2x128xf32, #tpu.memory_space<vmem>>, vector<16xf32>,
    tpu.vector_store %arg9[%swap3A_1234, %swap3A_1235, %swap3A_1236], %mul3A_1231 {strides = array<i32>} : memref<8x2x128xf32, #tpu.memory_space<vmem>>, vector<16xf32>,
    %mul3A_1238 = arith.mulf %gather3A_1226, %div3A_1230 : vector<16xf32>
    %swap3A_1239 = arith.constant 3 : i32
    %swap3A_1240 = arith.constant 1 : i32
    %swap3A_1241 = arith.index_cast %swap3A_1239 : i32 to index
    %swap3A_1242 = arith.index_cast %swap3A_1240 : i32 to index
    %swap3A_1243 = arith.constant 96 : index
    %swap3A_1244 = tpu.vector_load %arg9[%swap3A_1241, %swap3A_1242, %swap3A_1243] {strides = array<i32>} : memref<8x2x128xf32, #tpu.memory_space<vmem>>, vector<16xf32>,
    tpu.vector_store %arg9[%swap3A_1241, %swap3A_1242, %swap3A_1243], %mul3A_1238 {strides = array<i32>} : memref<8x2x128xf32, #tpu.memory_space<vmem>>, vector<16xf32>,
    %get3A_1245 = arith.constant 496 : index
    %get3A_1246 = tpu.vector_load %arg5[%get3A_1245] {strides = array<i32>} : memref<1024xi32, #tpu.memory_space<vmem>>, vector<16xi32>,
    %and3A_1247 = arith.andi %get3A_1246, %broadcast_in_dim3A_107 : vector<16xi32>
    %mul3A_1248 = arith.constant 21 : i32
    %mul3A_1249 = vector.broadcast %mul3A_1248 : i32 to vector<16xi32>
    %mul3A_1250 = arith.muli %and3A_1247, %mul3A_1249 : vector<16xi32>
    %shift_right_logical3A_1251 = arith.constant 5 : i32
    %shift_right_logical3A_1252 = vector.broadcast %shift_right_logical3A_1251 : i32 to vector<16xi32>
    %shift_right_logical3A_1253 = arith.shrui %get3A_1246, %shift_right_logical3A_1252 : vector<16xi32>
    %and3A_1254 = arith.andi %shift_right_logical3A_1253, %broadcast_in_dim3A_107 : vector<16xi32>
    %shift_right_logical3A_1255 = arith.constant 10 : i32
    %shift_right_logical3A_1256 = vector.broadcast %shift_right_logical3A_1255 : i32 to vector<16xi32>
    %shift_right_logical3A_1257 = arith.shrui %get3A_1246, %shift_right_logical3A_1256 : vector<16xi32>
    %add3A_1258 = arith.addi %mul3A_1250, %and3A_1254 : vector<16xi32>
    %gather3A_1259 = tpu.vector_load_idx %arg7[%add3A_1258] : memref<448xf32, #tpu.memory_space<vmem>>[vector<16xi32>], vector<16xf32>,
    %add3A_1260 = arith.addi %mul3A_1250, %shift_right_logical3A_1257 : vector<16xi32>
    %gather3A_1261 = tpu.vector_load_idx %arg7[%add3A_1260] : memref<448xf32, #tpu.memory_space<vmem>>[vector<16xi32>], vector<16xf32>,
    %add3A_1262 = arith.addf %gather3A_1259, %gather3A_1261 : vector<16xf32>
    %div3A_1263 = arith.constant 1.000000e+00 : f32
    %div3A_1264 = vector.broadcast %div3A_1263 : f32 to vector<16xf32>
    %div3A_1265 = arith.divf %div3A_1264, %add3A_1262 : vector<16xf32>
    %mul3A_1266 = arith.mulf %gather3A_1259, %div3A_1265 : vector<16xf32>
    %swap3A_1267 = arith.constant 3 : i32
    %swap3A_1268 = arith.constant 0 : i32
    %swap3A_1269 = arith.index_cast %swap3A_1267 : i32 to index
    %swap3A_1270 = arith.index_cast %swap3A_1268 : i32 to index
    %swap3A_1271 = arith.constant 112 : index
    %swap3A_1272 = tpu.vector_load %arg9[%swap3A_1269, %swap3A_1270, %swap3A_1271] {strides = array<i32>} : memref<8x2x128xf32, #tpu.memory_space<vmem>>, vector<16xf32>,
    tpu.vector_store %arg9[%swap3A_1269, %swap3A_1270, %swap3A_1271], %mul3A_1266 {strides = array<i32>} : memref<8x2x128xf32, #tpu.memory_space<vmem>>, vector<16xf32>,
    %mul3A_1273 = arith.mulf %gather3A_1261, %div3A_1265 : vector<16xf32>
    %swap3A_1274 = arith.constant 3 : i32
    %swap3A_1275 = arith.constant 1 : i32
    %swap3A_1276 = arith.index_cast %swap3A_1274 : i32 to index
    %swap3A_1277 = arith.index_cast %swap3A_1275 : i32 to index
    %swap3A_1278 = arith.constant 112 : index
    %swap3A_1279 = tpu.vector_load %arg9[%swap3A_1276, %swap3A_1277, %swap3A_1278] {strides = array<i32>} : memref<8x2x128xf32, #tpu.memory_space<vmem>>, vector<16xf32>,
    tpu.vector_store %arg9[%swap3A_1276, %swap3A_1277, %swap3A_1278], %mul3A_1273 {strides = array<i32>} : memref<8x2x128xf32, #tpu.memory_space<vmem>>, vector<16xf32>,
    %mul3A_1280 = arith.constant 8 : i32
    %mul3A_1281 = arith.muli %add3A, %mul3A_1280 : i32
    %add3A_1282 = arith.constant 3 : i32
    %add3A_1283 = arith.addi %mul3A_1281, %add3A_1282 : i32
    %dma_start3A_1284 = arith.constant 3 : i32
    %dma_start3A_1285 = arith.constant 0 : i32
    %dma_start3A_1286 = arith.constant 0 : i32
    %dma_start3A_1287 = tpu.memref_slice %arg9[%dma_start3A_1284, %dma_start3A_1285, %dma_start3A_1286] : memref<8x2x128xf32, #tpu.memory_space<vmem>> -> memref<1x2x128xf32, #tpu.memory_space<vmem>>
    %dma_start3A_1288 = arith.constant 0 : i32
    %dma_start3A_1289 = arith.constant 0 : i32
    %dma_start3A_1290 = tpu.memref_slice %arg4[%add3A_1283, %dma_start3A_1288, %dma_start3A_1289] : memref<128x2x128xf32, #tpu.memory_space<hbm>> -> memref<1x2x128xf32, #tpu.memory_space<hbm>>
    %dma_start3A_1291 = arith.constant 0 : i32
    %dma_start3A_1292 = arith.constant 0 : i32
    %dma_start3A_1293 = tpu.memref_slice %arg4[%add3A_1283, %dma_start3A_1291, %dma_start3A_1292] : memref<128x2x128xf32, #tpu.memory_space<hbm>> -> memref<1x2x128xf32, #tpu.memory_space<hbm>>
    %dma_start3A_1294 = arith.constant 3 : i32
    %dma_start3A_1295 = arith.constant 0 : i32
    %dma_start3A_1296 = arith.constant 0 : i32
    %dma_start3A_1297 = tpu.memref_slice %arg9[%dma_start3A_1294, %dma_start3A_1295, %dma_start3A_1296] : memref<8x2x128xf32, #tpu.memory_space<vmem>> -> memref<1x2x128xf32, #tpu.memory_space<vmem>>
    tpu.enqueue_dma source(%dma_start3A_1297 : memref<1x2x128xf32, #tpu.memory_space<vmem>>) target(%dma_start3A_1293 : memref<1x2x128xf32, #tpu.memory_space<hbm>>) target_semaphore(%arg11 : memref<!tpu.dma_semaphore, #tpu.memory_space<semaphore_mem>>)
    %get3A_1298 = arith.constant 512 : index
    %get3A_1299 = tpu.vector_load %arg5[%get3A_1298] {strides = array<i32>} : memref<1024xi32, #tpu.memory_space<vmem>>, vector<16xi32>,
    %and3A_1300 = arith.andi %get3A_1299, %broadcast_in_dim3A_107 : vector<16xi32>
    %mul3A_1301 = arith.constant 21 : i32
    %mul3A_1302 = vector.broadcast %mul3A_1301 : i32 to vector<16xi32>
    %mul3A_1303 = arith.muli %and3A_1300, %mul3A_1302 : vector<16xi32>
    %shift_right_logical3A_1304 = arith.constant 5 : i32
    %shift_right_logical3A_1305 = vector.broadcast %shift_right_logical3A_1304 : i32 to vector<16xi32>
    %shift_right_logical3A_1306 = arith.shrui %get3A_1299, %shift_right_logical3A_1305 : vector<16xi32>
    %and3A_1307 = arith.andi %shift_right_logical3A_1306, %broadcast_in_dim3A_107 : vector<16xi32>
    %shift_right_logical3A_1308 = arith.constant 10 : i32
    %shift_right_logical3A_1309 = vector.broadcast %shift_right_logical3A_1308 : i32 to vector<16xi32>
    %shift_right_logical3A_1310 = arith.shrui %get3A_1299, %shift_right_logical3A_1309 : vector<16xi32>
    %add3A_1311 = arith.addi %mul3A_1303, %and3A_1307 : vector<16xi32>
    %gather3A_1312 = tpu.vector_load_idx %arg7[%add3A_1311] : memref<448xf32, #tpu.memory_space<vmem>>[vector<16xi32>], vector<16xf32>,
    %add3A_1313 = arith.addi %mul3A_1303, %shift_right_logical3A_1310 : vector<16xi32>
    %gather3A_1314 = tpu.vector_load_idx %arg7[%add3A_1313] : memref<448xf32, #tpu.memory_space<vmem>>[vector<16xi32>], vector<16xf32>,
    %add3A_1315 = arith.addf %gather3A_1312, %gather3A_1314 : vector<16xf32>
    %div3A_1316 = arith.constant 1.000000e+00 : f32
    %div3A_1317 = vector.broadcast %div3A_1316 : f32 to vector<16xf32>
    %div3A_1318 = arith.divf %div3A_1317, %add3A_1315 : vector<16xf32>
    %mul3A_1319 = arith.mulf %gather3A_1312, %div3A_1318 : vector<16xf32>
    %swap3A_1320 = arith.constant 4 : i32
    %swap3A_1321 = arith.constant 0 : i32
    %swap3A_1322 = arith.index_cast %swap3A_1320 : i32 to index
    %swap3A_1323 = arith.index_cast %swap3A_1321 : i32 to index
    %swap3A_1324 = arith.constant 0 : index
    %swap3A_1325 = tpu.vector_load %arg9[%swap3A_1322, %swap3A_1323, %swap3A_1324] {strides = array<i32>} : memref<8x2x128xf32, #tpu.memory_space<vmem>>, vector<16xf32>,
    tpu.vector_store %arg9[%swap3A_1322, %swap3A_1323, %swap3A_1324], %mul3A_1319 {strides = array<i32>} : memref<8x2x128xf32, #tpu.memory_space<vmem>>, vector<16xf32>,
    %mul3A_1326 = arith.mulf %gather3A_1314, %div3A_1318 : vector<16xf32>
    %swap3A_1327 = arith.constant 4 : i32
    %swap3A_1328 = arith.constant 1 : i32
    %swap3A_1329 = arith.index_cast %swap3A_1327 : i32 to index
    %swap3A_1330 = arith.index_cast %swap3A_1328 : i32 to index
    %swap3A_1331 = arith.constant 0 : index
    %swap3A_1332 = tpu.vector_load %arg9[%swap3A_1329, %swap3A_1330, %swap3A_1331] {strides = array<i32>} : memref<8x2x128xf32, #tpu.memory_space<vmem>>, vector<16xf32>,
    tpu.vector_store %arg9[%swap3A_1329, %swap3A_1330, %swap3A_1331], %mul3A_1326 {strides = array<i32>} : memref<8x2x128xf32, #tpu.memory_space<vmem>>, vector<16xf32>,
    %get3A_1333 = arith.constant 528 : index
    %get3A_1334 = tpu.vector_load %arg5[%get3A_1333] {strides = array<i32>} : memref<1024xi32, #tpu.memory_space<vmem>>, vector<16xi32>,
    %and3A_1335 = arith.andi %get3A_1334, %broadcast_in_dim3A_107 : vector<16xi32>
    %mul3A_1336 = arith.constant 21 : i32
    %mul3A_1337 = vector.broadcast %mul3A_1336 : i32 to vector<16xi32>
    %mul3A_1338 = arith.muli %and3A_1335, %mul3A_1337 : vector<16xi32>
    %shift_right_logical3A_1339 = arith.constant 5 : i32
    %shift_right_logical3A_1340 = vector.broadcast %shift_right_logical3A_1339 : i32 to vector<16xi32>
    %shift_right_logical3A_1341 = arith.shrui %get3A_1334, %shift_right_logical3A_1340 : vector<16xi32>
    %and3A_1342 = arith.andi %shift_right_logical3A_1341, %broadcast_in_dim3A_107 : vector<16xi32>
    %shift_right_logical3A_1343 = arith.constant 10 : i32
    %shift_right_logical3A_1344 = vector.broadcast %shift_right_logical3A_1343 : i32 to vector<16xi32>
    %shift_right_logical3A_1345 = arith.shrui %get3A_1334, %shift_right_logical3A_1344 : vector<16xi32>
    %add3A_1346 = arith.addi %mul3A_1338, %and3A_1342 : vector<16xi32>
    %gather3A_1347 = tpu.vector_load_idx %arg7[%add3A_1346] : memref<448xf32, #tpu.memory_space<vmem>>[vector<16xi32>], vector<16xf32>,
    %add3A_1348 = arith.addi %mul3A_1338, %shift_right_logical3A_1345 : vector<16xi32>
    %gather3A_1349 = tpu.vector_load_idx %arg7[%add3A_1348] : memref<448xf32, #tpu.memory_space<vmem>>[vector<16xi32>], vector<16xf32>,
    %add3A_1350 = arith.addf %gather3A_1347, %gather3A_1349 : vector<16xf32>
    %div3A_1351 = arith.constant 1.000000e+00 : f32
    %div3A_1352 = vector.broadcast %div3A_1351 : f32 to vector<16xf32>
    %div3A_1353 = arith.divf %div3A_1352, %add3A_1350 : vector<16xf32>
    %mul3A_1354 = arith.mulf %gather3A_1347, %div3A_1353 : vector<16xf32>
    %swap3A_1355 = arith.constant 4 : i32
    %swap3A_1356 = arith.constant 0 : i32
    %swap3A_1357 = arith.index_cast %swap3A_1355 : i32 to index
    %swap3A_1358 = arith.index_cast %swap3A_1356 : i32 to index
    %swap3A_1359 = arith.constant 16 : index
    %swap3A_1360 = tpu.vector_load %arg9[%swap3A_1357, %swap3A_1358, %swap3A_1359] {strides = array<i32>} : memref<8x2x128xf32, #tpu.memory_space<vmem>>, vector<16xf32>,
    tpu.vector_store %arg9[%swap3A_1357, %swap3A_1358, %swap3A_1359], %mul3A_1354 {strides = array<i32>} : memref<8x2x128xf32, #tpu.memory_space<vmem>>, vector<16xf32>,
    %mul3A_1361 = arith.mulf %gather3A_1349, %div3A_1353 : vector<16xf32>
    %swap3A_1362 = arith.constant 4 : i32
    %swap3A_1363 = arith.constant 1 : i32
    %swap3A_1364 = arith.index_cast %swap3A_1362 : i32 to index
    %swap3A_1365 = arith.index_cast %swap3A_1363 : i32 to index
    %swap3A_1366 = arith.constant 16 : index
    %swap3A_1367 = tpu.vector_load %arg9[%swap3A_1364, %swap3A_1365, %swap3A_1366] {strides = array<i32>} : memref<8x2x128xf32, #tpu.memory_space<vmem>>, vector<16xf32>,
    tpu.vector_store %arg9[%swap3A_1364, %swap3A_1365, %swap3A_1366], %mul3A_1361 {strides = array<i32>} : memref<8x2x128xf32, #tpu.memory_space<vmem>>, vector<16xf32>,
    %get3A_1368 = arith.constant 544 : index
    %get3A_1369 = tpu.vector_load %arg5[%get3A_1368] {strides = array<i32>} : memref<1024xi32, #tpu.memory_space<vmem>>, vector<16xi32>,
    %and3A_1370 = arith.andi %get3A_1369, %broadcast_in_dim3A_107 : vector<16xi32>
    %mul3A_1371 = arith.constant 21 : i32
    %mul3A_1372 = vector.broadcast %mul3A_1371 : i32 to vector<16xi32>
    %mul3A_1373 = arith.muli %and3A_1370, %mul3A_1372 : vector<16xi32>
    %shift_right_logical3A_1374 = arith.constant 5 : i32
    %shift_right_logical3A_1375 = vector.broadcast %shift_right_logical3A_1374 : i32 to vector<16xi32>
    %shift_right_logical3A_1376 = arith.shrui %get3A_1369, %shift_right_logical3A_1375 : vector<16xi32>
    %and3A_1377 = arith.andi %shift_right_logical3A_1376, %broadcast_in_dim3A_107 : vector<16xi32>
    %shift_right_logical3A_1378 = arith.constant 10 : i32
    %shift_right_logical3A_1379 = vector.broadcast %shift_right_logical3A_1378 : i32 to vector<16xi32>
    %shift_right_logical3A_1380 = arith.shrui %get3A_1369, %shift_right_logical3A_1379 : vector<16xi32>
    %add3A_1381 = arith.addi %mul3A_1373, %and3A_1377 : vector<16xi32>
    %gather3A_1382 = tpu.vector_load_idx %arg7[%add3A_1381] : memref<448xf32, #tpu.memory_space<vmem>>[vector<16xi32>], vector<16xf32>,
    %add3A_1383 = arith.addi %mul3A_1373, %shift_right_logical3A_1380 : vector<16xi32>
    %gather3A_1384 = tpu.vector_load_idx %arg7[%add3A_1383] : memref<448xf32, #tpu.memory_space<vmem>>[vector<16xi32>], vector<16xf32>,
    %add3A_1385 = arith.addf %gather3A_1382, %gather3A_1384 : vector<16xf32>
    %div3A_1386 = arith.constant 1.000000e+00 : f32
    %div3A_1387 = vector.broadcast %div3A_1386 : f32 to vector<16xf32>
    %div3A_1388 = arith.divf %div3A_1387, %add3A_1385 : vector<16xf32>
    %mul3A_1389 = arith.mulf %gather3A_1382, %div3A_1388 : vector<16xf32>
    %swap3A_1390 = arith.constant 4 : i32
    %swap3A_1391 = arith.constant 0 : i32
    %swap3A_1392 = arith.index_cast %swap3A_1390 : i32 to index
    %swap3A_1393 = arith.index_cast %swap3A_1391 : i32 to index
    %swap3A_1394 = arith.constant 32 : index
    %swap3A_1395 = tpu.vector_load %arg9[%swap3A_1392, %swap3A_1393, %swap3A_1394] {strides = array<i32>} : memref<8x2x128xf32, #tpu.memory_space<vmem>>, vector<16xf32>,
    tpu.vector_store %arg9[%swap3A_1392, %swap3A_1393, %swap3A_1394], %mul3A_1389 {strides = array<i32>} : memref<8x2x128xf32, #tpu.memory_space<vmem>>, vector<16xf32>,
    %mul3A_1396 = arith.mulf %gather3A_1384, %div3A_1388 : vector<16xf32>
    %swap3A_1397 = arith.constant 4 : i32
    %swap3A_1398 = arith.constant 1 : i32
    %swap3A_1399 = arith.index_cast %swap3A_1397 : i32 to index
    %swap3A_1400 = arith.index_cast %swap3A_1398 : i32 to index
    %swap3A_1401 = arith.constant 32 : index
    %swap3A_1402 = tpu.vector_load %arg9[%swap3A_1399, %swap3A_1400, %swap3A_1401] {strides = array<i32>} : memref<8x2x128xf32, #tpu.memory_space<vmem>>, vector<16xf32>,
    tpu.vector_store %arg9[%swap3A_1399, %swap3A_1400, %swap3A_1401], %mul3A_1396 {strides = array<i32>} : memref<8x2x128xf32, #tpu.memory_space<vmem>>, vector<16xf32>,
    %get3A_1403 = arith.constant 560 : index
    %get3A_1404 = tpu.vector_load %arg5[%get3A_1403] {strides = array<i32>} : memref<1024xi32, #tpu.memory_space<vmem>>, vector<16xi32>,
    %and3A_1405 = arith.andi %get3A_1404, %broadcast_in_dim3A_107 : vector<16xi32>
    %mul3A_1406 = arith.constant 21 : i32
    %mul3A_1407 = vector.broadcast %mul3A_1406 : i32 to vector<16xi32>
    %mul3A_1408 = arith.muli %and3A_1405, %mul3A_1407 : vector<16xi32>
    %shift_right_logical3A_1409 = arith.constant 5 : i32
    %shift_right_logical3A_1410 = vector.broadcast %shift_right_logical3A_1409 : i32 to vector<16xi32>
    %shift_right_logical3A_1411 = arith.shrui %get3A_1404, %shift_right_logical3A_1410 : vector<16xi32>
    %and3A_1412 = arith.andi %shift_right_logical3A_1411, %broadcast_in_dim3A_107 : vector<16xi32>
    %shift_right_logical3A_1413 = arith.constant 10 : i32
    %shift_right_logical3A_1414 = vector.broadcast %shift_right_logical3A_1413 : i32 to vector<16xi32>
    %shift_right_logical3A_1415 = arith.shrui %get3A_1404, %shift_right_logical3A_1414 : vector<16xi32>
    %add3A_1416 = arith.addi %mul3A_1408, %and3A_1412 : vector<16xi32>
    %gather3A_1417 = tpu.vector_load_idx %arg7[%add3A_1416] : memref<448xf32, #tpu.memory_space<vmem>>[vector<16xi32>], vector<16xf32>,
    %add3A_1418 = arith.addi %mul3A_1408, %shift_right_logical3A_1415 : vector<16xi32>
    %gather3A_1419 = tpu.vector_load_idx %arg7[%add3A_1418] : memref<448xf32, #tpu.memory_space<vmem>>[vector<16xi32>], vector<16xf32>,
    %add3A_1420 = arith.addf %gather3A_1417, %gather3A_1419 : vector<16xf32>
    %div3A_1421 = arith.constant 1.000000e+00 : f32
    %div3A_1422 = vector.broadcast %div3A_1421 : f32 to vector<16xf32>
    %div3A_1423 = arith.divf %div3A_1422, %add3A_1420 : vector<16xf32>
    %mul3A_1424 = arith.mulf %gather3A_1417, %div3A_1423 : vector<16xf32>
    %swap3A_1425 = arith.constant 4 : i32
    %swap3A_1426 = arith.constant 0 : i32
    %swap3A_1427 = arith.index_cast %swap3A_1425 : i32 to index
    %swap3A_1428 = arith.index_cast %swap3A_1426 : i32 to index
    %swap3A_1429 = arith.constant 48 : index
    %swap3A_1430 = tpu.vector_load %arg9[%swap3A_1427, %swap3A_1428, %swap3A_1429] {strides = array<i32>} : memref<8x2x128xf32, #tpu.memory_space<vmem>>, vector<16xf32>,
    tpu.vector_store %arg9[%swap3A_1427, %swap3A_1428, %swap3A_1429], %mul3A_1424 {strides = array<i32>} : memref<8x2x128xf32, #tpu.memory_space<vmem>>, vector<16xf32>,
    %mul3A_1431 = arith.mulf %gather3A_1419, %div3A_1423 : vector<16xf32>
    %swap3A_1432 = arith.constant 4 : i32
    %swap3A_1433 = arith.constant 1 : i32
    %swap3A_1434 = arith.index_cast %swap3A_1432 : i32 to index
    %swap3A_1435 = arith.index_cast %swap3A_1433 : i32 to index
    %swap3A_1436 = arith.constant 48 : index
    %swap3A_1437 = tpu.vector_load %arg9[%swap3A_1434, %swap3A_1435, %swap3A_1436] {strides = array<i32>} : memref<8x2x128xf32, #tpu.memory_space<vmem>>, vector<16xf32>,
    tpu.vector_store %arg9[%swap3A_1434, %swap3A_1435, %swap3A_1436], %mul3A_1431 {strides = array<i32>} : memref<8x2x128xf32, #tpu.memory_space<vmem>>, vector<16xf32>,
    %get3A_1438 = arith.constant 576 : index
    %get3A_1439 = tpu.vector_load %arg5[%get3A_1438] {strides = array<i32>} : memref<1024xi32, #tpu.memory_space<vmem>>, vector<16xi32>,
    %and3A_1440 = arith.andi %get3A_1439, %broadcast_in_dim3A_107 : vector<16xi32>
    %mul3A_1441 = arith.constant 21 : i32
    %mul3A_1442 = vector.broadcast %mul3A_1441 : i32 to vector<16xi32>
    %mul3A_1443 = arith.muli %and3A_1440, %mul3A_1442 : vector<16xi32>
    %shift_right_logical3A_1444 = arith.constant 5 : i32
    %shift_right_logical3A_1445 = vector.broadcast %shift_right_logical3A_1444 : i32 to vector<16xi32>
    %shift_right_logical3A_1446 = arith.shrui %get3A_1439, %shift_right_logical3A_1445 : vector<16xi32>
    %and3A_1447 = arith.andi %shift_right_logical3A_1446, %broadcast_in_dim3A_107 : vector<16xi32>
    %shift_right_logical3A_1448 = arith.constant 10 : i32
    %shift_right_logical3A_1449 = vector.broadcast %shift_right_logical3A_1448 : i32 to vector<16xi32>
    %shift_right_logical3A_1450 = arith.shrui %get3A_1439, %shift_right_logical3A_1449 : vector<16xi32>
    %add3A_1451 = arith.addi %mul3A_1443, %and3A_1447 : vector<16xi32>
    %gather3A_1452 = tpu.vector_load_idx %arg7[%add3A_1451] : memref<448xf32, #tpu.memory_space<vmem>>[vector<16xi32>], vector<16xf32>,
    %add3A_1453 = arith.addi %mul3A_1443, %shift_right_logical3A_1450 : vector<16xi32>
    %gather3A_1454 = tpu.vector_load_idx %arg7[%add3A_1453] : memref<448xf32, #tpu.memory_space<vmem>>[vector<16xi32>], vector<16xf32>,
    %add3A_1455 = arith.addf %gather3A_1452, %gather3A_1454 : vector<16xf32>
    %div3A_1456 = arith.constant 1.000000e+00 : f32
    %div3A_1457 = vector.broadcast %div3A_1456 : f32 to vector<16xf32>
    %div3A_1458 = arith.divf %div3A_1457, %add3A_1455 : vector<16xf32>
    %mul3A_1459 = arith.mulf %gather3A_1452, %div3A_1458 : vector<16xf32>
    %swap3A_1460 = arith.constant 4 : i32
    %swap3A_1461 = arith.constant 0 : i32
    %swap3A_1462 = arith.index_cast %swap3A_1460 : i32 to index
    %swap3A_1463 = arith.index_cast %swap3A_1461 : i32 to index
    %swap3A_1464 = arith.constant 64 : index
    %swap3A_1465 = tpu.vector_load %arg9[%swap3A_1462, %swap3A_1463, %swap3A_1464] {strides = array<i32>} : memref<8x2x128xf32, #tpu.memory_space<vmem>>, vector<16xf32>,
    tpu.vector_store %arg9[%swap3A_1462, %swap3A_1463, %swap3A_1464], %mul3A_1459 {strides = array<i32>} : memref<8x2x128xf32, #tpu.memory_space<vmem>>, vector<16xf32>,
    %mul3A_1466 = arith.mulf %gather3A_1454, %div3A_1458 : vector<16xf32>
    %swap3A_1467 = arith.constant 4 : i32
    %swap3A_1468 = arith.constant 1 : i32
    %swap3A_1469 = arith.index_cast %swap3A_1467 : i32 to index
    %swap3A_1470 = arith.index_cast %swap3A_1468 : i32 to index
    %swap3A_1471 = arith.constant 64 : index
    %swap3A_1472 = tpu.vector_load %arg9[%swap3A_1469, %swap3A_1470, %swap3A_1471] {strides = array<i32>} : memref<8x2x128xf32, #tpu.memory_space<vmem>>, vector<16xf32>,
    tpu.vector_store %arg9[%swap3A_1469, %swap3A_1470, %swap3A_1471], %mul3A_1466 {strides = array<i32>} : memref<8x2x128xf32, #tpu.memory_space<vmem>>, vector<16xf32>,
    %get3A_1473 = arith.constant 592 : index
    %get3A_1474 = tpu.vector_load %arg5[%get3A_1473] {strides = array<i32>} : memref<1024xi32, #tpu.memory_space<vmem>>, vector<16xi32>,
    %and3A_1475 = arith.andi %get3A_1474, %broadcast_in_dim3A_107 : vector<16xi32>
    %mul3A_1476 = arith.constant 21 : i32
    %mul3A_1477 = vector.broadcast %mul3A_1476 : i32 to vector<16xi32>
    %mul3A_1478 = arith.muli %and3A_1475, %mul3A_1477 : vector<16xi32>
    %shift_right_logical3A_1479 = arith.constant 5 : i32
    %shift_right_logical3A_1480 = vector.broadcast %shift_right_logical3A_1479 : i32 to vector<16xi32>
    %shift_right_logical3A_1481 = arith.shrui %get3A_1474, %shift_right_logical3A_1480 : vector<16xi32>
    %and3A_1482 = arith.andi %shift_right_logical3A_1481, %broadcast_in_dim3A_107 : vector<16xi32>
    %shift_right_logical3A_1483 = arith.constant 10 : i32
    %shift_right_logical3A_1484 = vector.broadcast %shift_right_logical3A_1483 : i32 to vector<16xi32>
    %shift_right_logical3A_1485 = arith.shrui %get3A_1474, %shift_right_logical3A_1484 : vector<16xi32>
    %add3A_1486 = arith.addi %mul3A_1478, %and3A_1482 : vector<16xi32>
    %gather3A_1487 = tpu.vector_load_idx %arg7[%add3A_1486] : memref<448xf32, #tpu.memory_space<vmem>>[vector<16xi32>], vector<16xf32>,
    %add3A_1488 = arith.addi %mul3A_1478, %shift_right_logical3A_1485 : vector<16xi32>
    %gather3A_1489 = tpu.vector_load_idx %arg7[%add3A_1488] : memref<448xf32, #tpu.memory_space<vmem>>[vector<16xi32>], vector<16xf32>,
    %add3A_1490 = arith.addf %gather3A_1487, %gather3A_1489 : vector<16xf32>
    %div3A_1491 = arith.constant 1.000000e+00 : f32
    %div3A_1492 = vector.broadcast %div3A_1491 : f32 to vector<16xf32>
    %div3A_1493 = arith.divf %div3A_1492, %add3A_1490 : vector<16xf32>
    %mul3A_1494 = arith.mulf %gather3A_1487, %div3A_1493 : vector<16xf32>
    %swap3A_1495 = arith.constant 4 : i32
    %swap3A_1496 = arith.constant 0 : i32
    %swap3A_1497 = arith.index_cast %swap3A_1495 : i32 to index
    %swap3A_1498 = arith.index_cast %swap3A_1496 : i32 to index
    %swap3A_1499 = arith.constant 80 : index
    %swap3A_1500 = tpu.vector_load %arg9[%swap3A_1497, %swap3A_1498, %swap3A_1499] {strides = array<i32>} : memref<8x2x128xf32, #tpu.memory_space<vmem>>, vector<16xf32>,
    tpu.vector_store %arg9[%swap3A_1497, %swap3A_1498, %swap3A_1499], %mul3A_1494 {strides = array<i32>} : memref<8x2x128xf32, #tpu.memory_space<vmem>>, vector<16xf32>,
    %mul3A_1501 = arith.mulf %gather3A_1489, %div3A_1493 : vector<16xf32>
    %swap3A_1502 = arith.constant 4 : i32
    %swap3A_1503 = arith.constant 1 : i32
    %swap3A_1504 = arith.index_cast %swap3A_1502 : i32 to index
    %swap3A_1505 = arith.index_cast %swap3A_1503 : i32 to index
    %swap3A_1506 = arith.constant 80 : index
    %swap3A_1507 = tpu.vector_load %arg9[%swap3A_1504, %swap3A_1505, %swap3A_1506] {strides = array<i32>} : memref<8x2x128xf32, #tpu.memory_space<vmem>>, vector<16xf32>,
    tpu.vector_store %arg9[%swap3A_1504, %swap3A_1505, %swap3A_1506], %mul3A_1501 {strides = array<i32>} : memref<8x2x128xf32, #tpu.memory_space<vmem>>, vector<16xf32>,
    %get3A_1508 = arith.constant 608 : index
    %get3A_1509 = tpu.vector_load %arg5[%get3A_1508] {strides = array<i32>} : memref<1024xi32, #tpu.memory_space<vmem>>, vector<16xi32>,
    %and3A_1510 = arith.andi %get3A_1509, %broadcast_in_dim3A_107 : vector<16xi32>
    %mul3A_1511 = arith.constant 21 : i32
    %mul3A_1512 = vector.broadcast %mul3A_1511 : i32 to vector<16xi32>
    %mul3A_1513 = arith.muli %and3A_1510, %mul3A_1512 : vector<16xi32>
    %shift_right_logical3A_1514 = arith.constant 5 : i32
    %shift_right_logical3A_1515 = vector.broadcast %shift_right_logical3A_1514 : i32 to vector<16xi32>
    %shift_right_logical3A_1516 = arith.shrui %get3A_1509, %shift_right_logical3A_1515 : vector<16xi32>
    %and3A_1517 = arith.andi %shift_right_logical3A_1516, %broadcast_in_dim3A_107 : vector<16xi32>
    %shift_right_logical3A_1518 = arith.constant 10 : i32
    %shift_right_logical3A_1519 = vector.broadcast %shift_right_logical3A_1518 : i32 to vector<16xi32>
    %shift_right_logical3A_1520 = arith.shrui %get3A_1509, %shift_right_logical3A_1519 : vector<16xi32>
    %add3A_1521 = arith.addi %mul3A_1513, %and3A_1517 : vector<16xi32>
    %gather3A_1522 = tpu.vector_load_idx %arg7[%add3A_1521] : memref<448xf32, #tpu.memory_space<vmem>>[vector<16xi32>], vector<16xf32>,
    %add3A_1523 = arith.addi %mul3A_1513, %shift_right_logical3A_1520 : vector<16xi32>
    %gather3A_1524 = tpu.vector_load_idx %arg7[%add3A_1523] : memref<448xf32, #tpu.memory_space<vmem>>[vector<16xi32>], vector<16xf32>,
    %add3A_1525 = arith.addf %gather3A_1522, %gather3A_1524 : vector<16xf32>
    %div3A_1526 = arith.constant 1.000000e+00 : f32
    %div3A_1527 = vector.broadcast %div3A_1526 : f32 to vector<16xf32>
    %div3A_1528 = arith.divf %div3A_1527, %add3A_1525 : vector<16xf32>
    %mul3A_1529 = arith.mulf %gather3A_1522, %div3A_1528 : vector<16xf32>
    %swap3A_1530 = arith.constant 4 : i32
    %swap3A_1531 = arith.constant 0 : i32
    %swap3A_1532 = arith.index_cast %swap3A_1530 : i32 to index
    %swap3A_1533 = arith.index_cast %swap3A_1531 : i32 to index
    %swap3A_1534 = arith.constant 96 : index
    %swap3A_1535 = tpu.vector_load %arg9[%swap3A_1532, %swap3A_1533, %swap3A_1534] {strides = array<i32>} : memref<8x2x128xf32, #tpu.memory_space<vmem>>, vector<16xf32>,
    tpu.vector_store %arg9[%swap3A_1532, %swap3A_1533, %swap3A_1534], %mul3A_1529 {strides = array<i32>} : memref<8x2x128xf32, #tpu.memory_space<vmem>>, vector<16xf32>,
    %mul3A_1536 = arith.mulf %gather3A_1524, %div3A_1528 : vector<16xf32>
    %swap3A_1537 = arith.constant 4 : i32
    %swap3A_1538 = arith.constant 1 : i32
    %swap3A_1539 = arith.index_cast %swap3A_1537 : i32 to index
    %swap3A_1540 = arith.index_cast %swap3A_1538 : i32 to index
    %swap3A_1541 = arith.constant 96 : index
    %swap3A_1542 = tpu.vector_load %arg9[%swap3A_1539, %swap3A_1540, %swap3A_1541] {strides = array<i32>} : memref<8x2x128xf32, #tpu.memory_space<vmem>>, vector<16xf32>,
    tpu.vector_store %arg9[%swap3A_1539, %swap3A_1540, %swap3A_1541], %mul3A_1536 {strides = array<i32>} : memref<8x2x128xf32, #tpu.memory_space<vmem>>, vector<16xf32>,
    %get3A_1543 = arith.constant 624 : index
    %get3A_1544 = tpu.vector_load %arg5[%get3A_1543] {strides = array<i32>} : memref<1024xi32, #tpu.memory_space<vmem>>, vector<16xi32>,
    %and3A_1545 = arith.andi %get3A_1544, %broadcast_in_dim3A_107 : vector<16xi32>
    %mul3A_1546 = arith.constant 21 : i32
    %mul3A_1547 = vector.broadcast %mul3A_1546 : i32 to vector<16xi32>
    %mul3A_1548 = arith.muli %and3A_1545, %mul3A_1547 : vector<16xi32>
    %shift_right_logical3A_1549 = arith.constant 5 : i32
    %shift_right_logical3A_1550 = vector.broadcast %shift_right_logical3A_1549 : i32 to vector<16xi32>
    %shift_right_logical3A_1551 = arith.shrui %get3A_1544, %shift_right_logical3A_1550 : vector<16xi32>
    %and3A_1552 = arith.andi %shift_right_logical3A_1551, %broadcast_in_dim3A_107 : vector<16xi32>
    %shift_right_logical3A_1553 = arith.constant 10 : i32
    %shift_right_logical3A_1554 = vector.broadcast %shift_right_logical3A_1553 : i32 to vector<16xi32>
    %shift_right_logical3A_1555 = arith.shrui %get3A_1544, %shift_right_logical3A_1554 : vector<16xi32>
    %add3A_1556 = arith.addi %mul3A_1548, %and3A_1552 : vector<16xi32>
    %gather3A_1557 = tpu.vector_load_idx %arg7[%add3A_1556] : memref<448xf32, #tpu.memory_space<vmem>>[vector<16xi32>], vector<16xf32>,
    %add3A_1558 = arith.addi %mul3A_1548, %shift_right_logical3A_1555 : vector<16xi32>
    %gather3A_1559 = tpu.vector_load_idx %arg7[%add3A_1558] : memref<448xf32, #tpu.memory_space<vmem>>[vector<16xi32>], vector<16xf32>,
    %add3A_1560 = arith.addf %gather3A_1557, %gather3A_1559 : vector<16xf32>
    %div3A_1561 = arith.constant 1.000000e+00 : f32
    %div3A_1562 = vector.broadcast %div3A_1561 : f32 to vector<16xf32>
    %div3A_1563 = arith.divf %div3A_1562, %add3A_1560 : vector<16xf32>
    %mul3A_1564 = arith.mulf %gather3A_1557, %div3A_1563 : vector<16xf32>
    %swap3A_1565 = arith.constant 4 : i32
    %swap3A_1566 = arith.constant 0 : i32
    %swap3A_1567 = arith.index_cast %swap3A_1565 : i32 to index
    %swap3A_1568 = arith.index_cast %swap3A_1566 : i32 to index
    %swap3A_1569 = arith.constant 112 : index
    %swap3A_1570 = tpu.vector_load %arg9[%swap3A_1567, %swap3A_1568, %swap3A_1569] {strides = array<i32>} : memref<8x2x128xf32, #tpu.memory_space<vmem>>, vector<16xf32>,
    tpu.vector_store %arg9[%swap3A_1567, %swap3A_1568, %swap3A_1569], %mul3A_1564 {strides = array<i32>} : memref<8x2x128xf32, #tpu.memory_space<vmem>>, vector<16xf32>,
    %mul3A_1571 = arith.mulf %gather3A_1559, %div3A_1563 : vector<16xf32>
    %swap3A_1572 = arith.constant 4 : i32
    %swap3A_1573 = arith.constant 1 : i32
    %swap3A_1574 = arith.index_cast %swap3A_1572 : i32 to index
    %swap3A_1575 = arith.index_cast %swap3A_1573 : i32 to index
    %swap3A_1576 = arith.constant 112 : index
    %swap3A_1577 = tpu.vector_load %arg9[%swap3A_1574, %swap3A_1575, %swap3A_1576] {strides = array<i32>} : memref<8x2x128xf32, #tpu.memory_space<vmem>>, vector<16xf32>,
    tpu.vector_store %arg9[%swap3A_1574, %swap3A_1575, %swap3A_1576], %mul3A_1571 {strides = array<i32>} : memref<8x2x128xf32, #tpu.memory_space<vmem>>, vector<16xf32>,
    %mul3A_1578 = arith.constant 8 : i32
    %mul3A_1579 = arith.muli %add3A, %mul3A_1578 : i32
    %add3A_1580 = arith.constant 4 : i32
    %add3A_1581 = arith.addi %mul3A_1579, %add3A_1580 : i32
    %dma_start3A_1582 = arith.constant 4 : i32
    %dma_start3A_1583 = arith.constant 0 : i32
    %dma_start3A_1584 = arith.constant 0 : i32
    %dma_start3A_1585 = tpu.memref_slice %arg9[%dma_start3A_1582, %dma_start3A_1583, %dma_start3A_1584] : memref<8x2x128xf32, #tpu.memory_space<vmem>> -> memref<1x2x128xf32, #tpu.memory_space<vmem>>
    %dma_start3A_1586 = arith.constant 0 : i32
    %dma_start3A_1587 = arith.constant 0 : i32
    %dma_start3A_1588 = tpu.memref_slice %arg4[%add3A_1581, %dma_start3A_1586, %dma_start3A_1587] : memref<128x2x128xf32, #tpu.memory_space<hbm>> -> memref<1x2x128xf32, #tpu.memory_space<hbm>>
    %dma_start3A_1589 = arith.constant 0 : i32
    %dma_start3A_1590 = arith.constant 0 : i32
    %dma_start3A_1591 = tpu.memref_slice %arg4[%add3A_1581, %dma_start3A_1589, %dma_start3A_1590] : memref<128x2x128xf32, #tpu.memory_space<hbm>> -> memref<1x2x128xf32, #tpu.memory_space<hbm>>
    %dma_start3A_1592 = arith.constant 4 : i32
    %dma_start3A_1593 = arith.constant 0 : i32
    %dma_start3A_1594 = arith.constant 0 : i32
    %dma_start3A_1595 = tpu.memref_slice %arg9[%dma_start3A_1592, %dma_start3A_1593, %dma_start3A_1594] : memref<8x2x128xf32, #tpu.memory_space<vmem>> -> memref<1x2x128xf32, #tpu.memory_space<vmem>>
    tpu.enqueue_dma source(%dma_start3A_1595 : memref<1x2x128xf32, #tpu.memory_space<vmem>>) target(%dma_start3A_1591 : memref<1x2x128xf32, #tpu.memory_space<hbm>>) target_semaphore(%arg11 : memref<!tpu.dma_semaphore, #tpu.memory_space<semaphore_mem>>)
    %get3A_1596 = arith.constant 640 : index
    %get3A_1597 = tpu.vector_load %arg5[%get3A_1596] {strides = array<i32>} : memref<1024xi32, #tpu.memory_space<vmem>>, vector<16xi32>,
    %and3A_1598 = arith.andi %get3A_1597, %broadcast_in_dim3A_107 : vector<16xi32>
    %mul3A_1599 = arith.constant 21 : i32
    %mul3A_1600 = vector.broadcast %mul3A_1599 : i32 to vector<16xi32>
    %mul3A_1601 = arith.muli %and3A_1598, %mul3A_1600 : vector<16xi32>
    %shift_right_logical3A_1602 = arith.constant 5 : i32
    %shift_right_logical3A_1603 = vector.broadcast %shift_right_logical3A_1602 : i32 to vector<16xi32>
    %shift_right_logical3A_1604 = arith.shrui %get3A_1597, %shift_right_logical3A_1603 : vector<16xi32>
    %and3A_1605 = arith.andi %shift_right_logical3A_1604, %broadcast_in_dim3A_107 : vector<16xi32>
    %shift_right_logical3A_1606 = arith.constant 10 : i32
    %shift_right_logical3A_1607 = vector.broadcast %shift_right_logical3A_1606 : i32 to vector<16xi32>
    %shift_right_logical3A_1608 = arith.shrui %get3A_1597, %shift_right_logical3A_1607 : vector<16xi32>
    %add3A_1609 = arith.addi %mul3A_1601, %and3A_1605 : vector<16xi32>
    %gather3A_1610 = tpu.vector_load_idx %arg7[%add3A_1609] : memref<448xf32, #tpu.memory_space<vmem>>[vector<16xi32>], vector<16xf32>,
    %add3A_1611 = arith.addi %mul3A_1601, %shift_right_logical3A_1608 : vector<16xi32>
    %gather3A_1612 = tpu.vector_load_idx %arg7[%add3A_1611] : memref<448xf32, #tpu.memory_space<vmem>>[vector<16xi32>], vector<16xf32>,
    %add3A_1613 = arith.addf %gather3A_1610, %gather3A_1612 : vector<16xf32>
    %div3A_1614 = arith.constant 1.000000e+00 : f32
    %div3A_1615 = vector.broadcast %div3A_1614 : f32 to vector<16xf32>
    %div3A_1616 = arith.divf %div3A_1615, %add3A_1613 : vector<16xf32>
    %mul3A_1617 = arith.mulf %gather3A_1610, %div3A_1616 : vector<16xf32>
    %swap3A_1618 = arith.constant 5 : i32
    %swap3A_1619 = arith.constant 0 : i32
    %swap3A_1620 = arith.index_cast %swap3A_1618 : i32 to index
    %swap3A_1621 = arith.index_cast %swap3A_1619 : i32 to index
    %swap3A_1622 = arith.constant 0 : index
    %swap3A_1623 = tpu.vector_load %arg9[%swap3A_1620, %swap3A_1621, %swap3A_1622] {strides = array<i32>} : memref<8x2x128xf32, #tpu.memory_space<vmem>>, vector<16xf32>,
    tpu.vector_store %arg9[%swap3A_1620, %swap3A_1621, %swap3A_1622], %mul3A_1617 {strides = array<i32>} : memref<8x2x128xf32, #tpu.memory_space<vmem>>, vector<16xf32>,
    %mul3A_1624 = arith.mulf %gather3A_1612, %div3A_1616 : vector<16xf32>
    %swap3A_1625 = arith.constant 5 : i32
    %swap3A_1626 = arith.constant 1 : i32
    %swap3A_1627 = arith.index_cast %swap3A_1625 : i32 to index
    %swap3A_1628 = arith.index_cast %swap3A_1626 : i32 to index
    %swap3A_1629 = arith.constant 0 : index
    %swap3A_1630 = tpu.vector_load %arg9[%swap3A_1627, %swap3A_1628, %swap3A_1629] {strides = array<i32>} : memref<8x2x128xf32, #tpu.memory_space<vmem>>, vector<16xf32>,
    tpu.vector_store %arg9[%swap3A_1627, %swap3A_1628, %swap3A_1629], %mul3A_1624 {strides = array<i32>} : memref<8x2x128xf32, #tpu.memory_space<vmem>>, vector<16xf32>,
    %get3A_1631 = arith.constant 656 : index
    %get3A_1632 = tpu.vector_load %arg5[%get3A_1631] {strides = array<i32>} : memref<1024xi32, #tpu.memory_space<vmem>>, vector<16xi32>,
    %and3A_1633 = arith.andi %get3A_1632, %broadcast_in_dim3A_107 : vector<16xi32>
    %mul3A_1634 = arith.constant 21 : i32
    %mul3A_1635 = vector.broadcast %mul3A_1634 : i32 to vector<16xi32>
    %mul3A_1636 = arith.muli %and3A_1633, %mul3A_1635 : vector<16xi32>
    %shift_right_logical3A_1637 = arith.constant 5 : i32
    %shift_right_logical3A_1638 = vector.broadcast %shift_right_logical3A_1637 : i32 to vector<16xi32>
    %shift_right_logical3A_1639 = arith.shrui %get3A_1632, %shift_right_logical3A_1638 : vector<16xi32>
    %and3A_1640 = arith.andi %shift_right_logical3A_1639, %broadcast_in_dim3A_107 : vector<16xi32>
    %shift_right_logical3A_1641 = arith.constant 10 : i32
    %shift_right_logical3A_1642 = vector.broadcast %shift_right_logical3A_1641 : i32 to vector<16xi32>
    %shift_right_logical3A_1643 = arith.shrui %get3A_1632, %shift_right_logical3A_1642 : vector<16xi32>
    %add3A_1644 = arith.addi %mul3A_1636, %and3A_1640 : vector<16xi32>
    %gather3A_1645 = tpu.vector_load_idx %arg7[%add3A_1644] : memref<448xf32, #tpu.memory_space<vmem>>[vector<16xi32>], vector<16xf32>,
    %add3A_1646 = arith.addi %mul3A_1636, %shift_right_logical3A_1643 : vector<16xi32>
    %gather3A_1647 = tpu.vector_load_idx %arg7[%add3A_1646] : memref<448xf32, #tpu.memory_space<vmem>>[vector<16xi32>], vector<16xf32>,
    %add3A_1648 = arith.addf %gather3A_1645, %gather3A_1647 : vector<16xf32>
    %div3A_1649 = arith.constant 1.000000e+00 : f32
    %div3A_1650 = vector.broadcast %div3A_1649 : f32 to vector<16xf32>
    %div3A_1651 = arith.divf %div3A_1650, %add3A_1648 : vector<16xf32>
    %mul3A_1652 = arith.mulf %gather3A_1645, %div3A_1651 : vector<16xf32>
    %swap3A_1653 = arith.constant 5 : i32
    %swap3A_1654 = arith.constant 0 : i32
    %swap3A_1655 = arith.index_cast %swap3A_1653 : i32 to index
    %swap3A_1656 = arith.index_cast %swap3A_1654 : i32 to index
    %swap3A_1657 = arith.constant 16 : index
    %swap3A_1658 = tpu.vector_load %arg9[%swap3A_1655, %swap3A_1656, %swap3A_1657] {strides = array<i32>} : memref<8x2x128xf32, #tpu.memory_space<vmem>>, vector<16xf32>,
    tpu.vector_store %arg9[%swap3A_1655, %swap3A_1656, %swap3A_1657], %mul3A_1652 {strides = array<i32>} : memref<8x2x128xf32, #tpu.memory_space<vmem>>, vector<16xf32>,
    %mul3A_1659 = arith.mulf %gather3A_1647, %div3A_1651 : vector<16xf32>
    %swap3A_1660 = arith.constant 5 : i32
    %swap3A_1661 = arith.constant 1 : i32
    %swap3A_1662 = arith.index_cast %swap3A_1660 : i32 to index
    %swap3A_1663 = arith.index_cast %swap3A_1661 : i32 to index
    %swap3A_1664 = arith.constant 16 : index
    %swap3A_1665 = tpu.vector_load %arg9[%swap3A_1662, %swap3A_1663, %swap3A_1664] {strides = array<i32>} : memref<8x2x128xf32, #tpu.memory_space<vmem>>, vector<16xf32>,
    tpu.vector_store %arg9[%swap3A_1662, %swap3A_1663, %swap3A_1664], %mul3A_1659 {strides = array<i32>} : memref<8x2x128xf32, #tpu.memory_space<vmem>>, vector<16xf32>,
    %get3A_1666 = arith.constant 672 : index
    %get3A_1667 = tpu.vector_load %arg5[%get3A_1666] {strides = array<i32>} : memref<1024xi32, #tpu.memory_space<vmem>>, vector<16xi32>,
    %and3A_1668 = arith.andi %get3A_1667, %broadcast_in_dim3A_107 : vector<16xi32>
    %mul3A_1669 = arith.constant 21 : i32
    %mul3A_1670 = vector.broadcast %mul3A_1669 : i32 to vector<16xi32>
    %mul3A_1671 = arith.muli %and3A_1668, %mul3A_1670 : vector<16xi32>
    %shift_right_logical3A_1672 = arith.constant 5 : i32
    %shift_right_logical3A_1673 = vector.broadcast %shift_right_logical3A_1672 : i32 to vector<16xi32>
    %shift_right_logical3A_1674 = arith.shrui %get3A_1667, %shift_right_logical3A_1673 : vector<16xi32>
    %and3A_1675 = arith.andi %shift_right_logical3A_1674, %broadcast_in_dim3A_107 : vector<16xi32>
    %shift_right_logical3A_1676 = arith.constant 10 : i32
    %shift_right_logical3A_1677 = vector.broadcast %shift_right_logical3A_1676 : i32 to vector<16xi32>
    %shift_right_logical3A_1678 = arith.shrui %get3A_1667, %shift_right_logical3A_1677 : vector<16xi32>
    %add3A_1679 = arith.addi %mul3A_1671, %and3A_1675 : vector<16xi32>
    %gather3A_1680 = tpu.vector_load_idx %arg7[%add3A_1679] : memref<448xf32, #tpu.memory_space<vmem>>[vector<16xi32>], vector<16xf32>,
    %add3A_1681 = arith.addi %mul3A_1671, %shift_right_logical3A_1678 : vector<16xi32>
    %gather3A_1682 = tpu.vector_load_idx %arg7[%add3A_1681] : memref<448xf32, #tpu.memory_space<vmem>>[vector<16xi32>], vector<16xf32>,
    %add3A_1683 = arith.addf %gather3A_1680, %gather3A_1682 : vector<16xf32>
    %div3A_1684 = arith.constant 1.000000e+00 : f32
    %div3A_1685 = vector.broadcast %div3A_1684 : f32 to vector<16xf32>
    %div3A_1686 = arith.divf %div3A_1685, %add3A_1683 : vector<16xf32>
    %mul3A_1687 = arith.mulf %gather3A_1680, %div3A_1686 : vector<16xf32>
    %swap3A_1688 = arith.constant 5 : i32
    %swap3A_1689 = arith.constant 0 : i32
    %swap3A_1690 = arith.index_cast %swap3A_1688 : i32 to index
    %swap3A_1691 = arith.index_cast %swap3A_1689 : i32 to index
    %swap3A_1692 = arith.constant 32 : index
    %swap3A_1693 = tpu.vector_load %arg9[%swap3A_1690, %swap3A_1691, %swap3A_1692] {strides = array<i32>} : memref<8x2x128xf32, #tpu.memory_space<vmem>>, vector<16xf32>,
    tpu.vector_store %arg9[%swap3A_1690, %swap3A_1691, %swap3A_1692], %mul3A_1687 {strides = array<i32>} : memref<8x2x128xf32, #tpu.memory_space<vmem>>, vector<16xf32>,
    %mul3A_1694 = arith.mulf %gather3A_1682, %div3A_1686 : vector<16xf32>
    %swap3A_1695 = arith.constant 5 : i32
    %swap3A_1696 = arith.constant 1 : i32
    %swap3A_1697 = arith.index_cast %swap3A_1695 : i32 to index
    %swap3A_1698 = arith.index_cast %swap3A_1696 : i32 to index
    %swap3A_1699 = arith.constant 32 : index
    %swap3A_1700 = tpu.vector_load %arg9[%swap3A_1697, %swap3A_1698, %swap3A_1699] {strides = array<i32>} : memref<8x2x128xf32, #tpu.memory_space<vmem>>, vector<16xf32>,
    tpu.vector_store %arg9[%swap3A_1697, %swap3A_1698, %swap3A_1699], %mul3A_1694 {strides = array<i32>} : memref<8x2x128xf32, #tpu.memory_space<vmem>>, vector<16xf32>,
    %get3A_1701 = arith.constant 688 : index
    %get3A_1702 = tpu.vector_load %arg5[%get3A_1701] {strides = array<i32>} : memref<1024xi32, #tpu.memory_space<vmem>>, vector<16xi32>,
    %and3A_1703 = arith.andi %get3A_1702, %broadcast_in_dim3A_107 : vector<16xi32>
    %mul3A_1704 = arith.constant 21 : i32
    %mul3A_1705 = vector.broadcast %mul3A_1704 : i32 to vector<16xi32>
    %mul3A_1706 = arith.muli %and3A_1703, %mul3A_1705 : vector<16xi32>
    %shift_right_logical3A_1707 = arith.constant 5 : i32
    %shift_right_logical3A_1708 = vector.broadcast %shift_right_logical3A_1707 : i32 to vector<16xi32>
    %shift_right_logical3A_1709 = arith.shrui %get3A_1702, %shift_right_logical3A_1708 : vector<16xi32>
    %and3A_1710 = arith.andi %shift_right_logical3A_1709, %broadcast_in_dim3A_107 : vector<16xi32>
    %shift_right_logical3A_1711 = arith.constant 10 : i32
    %shift_right_logical3A_1712 = vector.broadcast %shift_right_logical3A_1711 : i32 to vector<16xi32>
    %shift_right_logical3A_1713 = arith.shrui %get3A_1702, %shift_right_logical3A_1712 : vector<16xi32>
    %add3A_1714 = arith.addi %mul3A_1706, %and3A_1710 : vector<16xi32>
    %gather3A_1715 = tpu.vector_load_idx %arg7[%add3A_1714] : memref<448xf32, #tpu.memory_space<vmem>>[vector<16xi32>], vector<16xf32>,
    %add3A_1716 = arith.addi %mul3A_1706, %shift_right_logical3A_1713 : vector<16xi32>
    %gather3A_1717 = tpu.vector_load_idx %arg7[%add3A_1716] : memref<448xf32, #tpu.memory_space<vmem>>[vector<16xi32>], vector<16xf32>,
    %add3A_1718 = arith.addf %gather3A_1715, %gather3A_1717 : vector<16xf32>
    %div3A_1719 = arith.constant 1.000000e+00 : f32
    %div3A_1720 = vector.broadcast %div3A_1719 : f32 to vector<16xf32>
    %div3A_1721 = arith.divf %div3A_1720, %add3A_1718 : vector<16xf32>
    %mul3A_1722 = arith.mulf %gather3A_1715, %div3A_1721 : vector<16xf32>
    %swap3A_1723 = arith.constant 5 : i32
    %swap3A_1724 = arith.constant 0 : i32
    %swap3A_1725 = arith.index_cast %swap3A_1723 : i32 to index
    %swap3A_1726 = arith.index_cast %swap3A_1724 : i32 to index
    %swap3A_1727 = arith.constant 48 : index
    %swap3A_1728 = tpu.vector_load %arg9[%swap3A_1725, %swap3A_1726, %swap3A_1727] {strides = array<i32>} : memref<8x2x128xf32, #tpu.memory_space<vmem>>, vector<16xf32>,
    tpu.vector_store %arg9[%swap3A_1725, %swap3A_1726, %swap3A_1727], %mul3A_1722 {strides = array<i32>} : memref<8x2x128xf32, #tpu.memory_space<vmem>>, vector<16xf32>,
    %mul3A_1729 = arith.mulf %gather3A_1717, %div3A_1721 : vector<16xf32>
    %swap3A_1730 = arith.constant 5 : i32
    %swap3A_1731 = arith.constant 1 : i32
    %swap3A_1732 = arith.index_cast %swap3A_1730 : i32 to index
    %swap3A_1733 = arith.index_cast %swap3A_1731 : i32 to index
    %swap3A_1734 = arith.constant 48 : index
    %swap3A_1735 = tpu.vector_load %arg9[%swap3A_1732, %swap3A_1733, %swap3A_1734] {strides = array<i32>} : memref<8x2x128xf32, #tpu.memory_space<vmem>>, vector<16xf32>,
    tpu.vector_store %arg9[%swap3A_1732, %swap3A_1733, %swap3A_1734], %mul3A_1729 {strides = array<i32>} : memref<8x2x128xf32, #tpu.memory_space<vmem>>, vector<16xf32>,
    %get3A_1736 = arith.constant 704 : index
    %get3A_1737 = tpu.vector_load %arg5[%get3A_1736] {strides = array<i32>} : memref<1024xi32, #tpu.memory_space<vmem>>, vector<16xi32>,
    %and3A_1738 = arith.andi %get3A_1737, %broadcast_in_dim3A_107 : vector<16xi32>
    %mul3A_1739 = arith.constant 21 : i32
    %mul3A_1740 = vector.broadcast %mul3A_1739 : i32 to vector<16xi32>
    %mul3A_1741 = arith.muli %and3A_1738, %mul3A_1740 : vector<16xi32>
    %shift_right_logical3A_1742 = arith.constant 5 : i32
    %shift_right_logical3A_1743 = vector.broadcast %shift_right_logical3A_1742 : i32 to vector<16xi32>
    %shift_right_logical3A_1744 = arith.shrui %get3A_1737, %shift_right_logical3A_1743 : vector<16xi32>
    %and3A_1745 = arith.andi %shift_right_logical3A_1744, %broadcast_in_dim3A_107 : vector<16xi32>
    %shift_right_logical3A_1746 = arith.constant 10 : i32
    %shift_right_logical3A_1747 = vector.broadcast %shift_right_logical3A_1746 : i32 to vector<16xi32>
    %shift_right_logical3A_1748 = arith.shrui %get3A_1737, %shift_right_logical3A_1747 : vector<16xi32>
    %add3A_1749 = arith.addi %mul3A_1741, %and3A_1745 : vector<16xi32>
    %gather3A_1750 = tpu.vector_load_idx %arg7[%add3A_1749] : memref<448xf32, #tpu.memory_space<vmem>>[vector<16xi32>], vector<16xf32>,
    %add3A_1751 = arith.addi %mul3A_1741, %shift_right_logical3A_1748 : vector<16xi32>
    %gather3A_1752 = tpu.vector_load_idx %arg7[%add3A_1751] : memref<448xf32, #tpu.memory_space<vmem>>[vector<16xi32>], vector<16xf32>,
    %add3A_1753 = arith.addf %gather3A_1750, %gather3A_1752 : vector<16xf32>
    %div3A_1754 = arith.constant 1.000000e+00 : f32
    %div3A_1755 = vector.broadcast %div3A_1754 : f32 to vector<16xf32>
    %div3A_1756 = arith.divf %div3A_1755, %add3A_1753 : vector<16xf32>
    %mul3A_1757 = arith.mulf %gather3A_1750, %div3A_1756 : vector<16xf32>
    %swap3A_1758 = arith.constant 5 : i32
    %swap3A_1759 = arith.constant 0 : i32
    %swap3A_1760 = arith.index_cast %swap3A_1758 : i32 to index
    %swap3A_1761 = arith.index_cast %swap3A_1759 : i32 to index
    %swap3A_1762 = arith.constant 64 : index
    %swap3A_1763 = tpu.vector_load %arg9[%swap3A_1760, %swap3A_1761, %swap3A_1762] {strides = array<i32>} : memref<8x2x128xf32, #tpu.memory_space<vmem>>, vector<16xf32>,
    tpu.vector_store %arg9[%swap3A_1760, %swap3A_1761, %swap3A_1762], %mul3A_1757 {strides = array<i32>} : memref<8x2x128xf32, #tpu.memory_space<vmem>>, vector<16xf32>,
    %mul3A_1764 = arith.mulf %gather3A_1752, %div3A_1756 : vector<16xf32>
    %swap3A_1765 = arith.constant 5 : i32
    %swap3A_1766 = arith.constant 1 : i32
    %swap3A_1767 = arith.index_cast %swap3A_1765 : i32 to index
    %swap3A_1768 = arith.index_cast %swap3A_1766 : i32 to index
    %swap3A_1769 = arith.constant 64 : index
    %swap3A_1770 = tpu.vector_load %arg9[%swap3A_1767, %swap3A_1768, %swap3A_1769] {strides = array<i32>} : memref<8x2x128xf32, #tpu.memory_space<vmem>>, vector<16xf32>,
    tpu.vector_store %arg9[%swap3A_1767, %swap3A_1768, %swap3A_1769], %mul3A_1764 {strides = array<i32>} : memref<8x2x128xf32, #tpu.memory_space<vmem>>, vector<16xf32>,
    %get3A_1771 = arith.constant 720 : index
    %get3A_1772 = tpu.vector_load %arg5[%get3A_1771] {strides = array<i32>} : memref<1024xi32, #tpu.memory_space<vmem>>, vector<16xi32>,
    %and3A_1773 = arith.andi %get3A_1772, %broadcast_in_dim3A_107 : vector<16xi32>
    %mul3A_1774 = arith.constant 21 : i32
    %mul3A_1775 = vector.broadcast %mul3A_1774 : i32 to vector<16xi32>
    %mul3A_1776 = arith.muli %and3A_1773, %mul3A_1775 : vector<16xi32>
    %shift_right_logical3A_1777 = arith.constant 5 : i32
    %shift_right_logical3A_1778 = vector.broadcast %shift_right_logical3A_1777 : i32 to vector<16xi32>
    %shift_right_logical3A_1779 = arith.shrui %get3A_1772, %shift_right_logical3A_1778 : vector<16xi32>
    %and3A_1780 = arith.andi %shift_right_logical3A_1779, %broadcast_in_dim3A_107 : vector<16xi32>
    %shift_right_logical3A_1781 = arith.constant 10 : i32
    %shift_right_logical3A_1782 = vector.broadcast %shift_right_logical3A_1781 : i32 to vector<16xi32>
    %shift_right_logical3A_1783 = arith.shrui %get3A_1772, %shift_right_logical3A_1782 : vector<16xi32>
    %add3A_1784 = arith.addi %mul3A_1776, %and3A_1780 : vector<16xi32>
    %gather3A_1785 = tpu.vector_load_idx %arg7[%add3A_1784] : memref<448xf32, #tpu.memory_space<vmem>>[vector<16xi32>], vector<16xf32>,
    %add3A_1786 = arith.addi %mul3A_1776, %shift_right_logical3A_1783 : vector<16xi32>
    %gather3A_1787 = tpu.vector_load_idx %arg7[%add3A_1786] : memref<448xf32, #tpu.memory_space<vmem>>[vector<16xi32>], vector<16xf32>,
    %add3A_1788 = arith.addf %gather3A_1785, %gather3A_1787 : vector<16xf32>
    %div3A_1789 = arith.constant 1.000000e+00 : f32
    %div3A_1790 = vector.broadcast %div3A_1789 : f32 to vector<16xf32>
    %div3A_1791 = arith.divf %div3A_1790, %add3A_1788 : vector<16xf32>
    %mul3A_1792 = arith.mulf %gather3A_1785, %div3A_1791 : vector<16xf32>
    %swap3A_1793 = arith.constant 5 : i32
    %swap3A_1794 = arith.constant 0 : i32
    %swap3A_1795 = arith.index_cast %swap3A_1793 : i32 to index
    %swap3A_1796 = arith.index_cast %swap3A_1794 : i32 to index
    %swap3A_1797 = arith.constant 80 : index
    %swap3A_1798 = tpu.vector_load %arg9[%swap3A_1795, %swap3A_1796, %swap3A_1797] {strides = array<i32>} : memref<8x2x128xf32, #tpu.memory_space<vmem>>, vector<16xf32>,
    tpu.vector_store %arg9[%swap3A_1795, %swap3A_1796, %swap3A_1797], %mul3A_1792 {strides = array<i32>} : memref<8x2x128xf32, #tpu.memory_space<vmem>>, vector<16xf32>,
    %mul3A_1799 = arith.mulf %gather3A_1787, %div3A_1791 : vector<16xf32>
    %swap3A_1800 = arith.constant 5 : i32
    %swap3A_1801 = arith.constant 1 : i32
    %swap3A_1802 = arith.index_cast %swap3A_1800 : i32 to index
    %swap3A_1803 = arith.index_cast %swap3A_1801 : i32 to index
    %swap3A_1804 = arith.constant 80 : index
    %swap3A_1805 = tpu.vector_load %arg9[%swap3A_1802, %swap3A_1803, %swap3A_1804] {strides = array<i32>} : memref<8x2x128xf32, #tpu.memory_space<vmem>>, vector<16xf32>,
    tpu.vector_store %arg9[%swap3A_1802, %swap3A_1803, %swap3A_1804], %mul3A_1799 {strides = array<i32>} : memref<8x2x128xf32, #tpu.memory_space<vmem>>, vector<16xf32>,
    %get3A_1806 = arith.constant 736 : index
    %get3A_1807 = tpu.vector_load %arg5[%get3A_1806] {strides = array<i32>} : memref<1024xi32, #tpu.memory_space<vmem>>, vector<16xi32>,
    %and3A_1808 = arith.andi %get3A_1807, %broadcast_in_dim3A_107 : vector<16xi32>
    %mul3A_1809 = arith.constant 21 : i32
    %mul3A_1810 = vector.broadcast %mul3A_1809 : i32 to vector<16xi32>
    %mul3A_1811 = arith.muli %and3A_1808, %mul3A_1810 : vector<16xi32>
    %shift_right_logical3A_1812 = arith.constant 5 : i32
    %shift_right_logical3A_1813 = vector.broadcast %shift_right_logical3A_1812 : i32 to vector<16xi32>
    %shift_right_logical3A_1814 = arith.shrui %get3A_1807, %shift_right_logical3A_1813 : vector<16xi32>
    %and3A_1815 = arith.andi %shift_right_logical3A_1814, %broadcast_in_dim3A_107 : vector<16xi32>
    %shift_right_logical3A_1816 = arith.constant 10 : i32
    %shift_right_logical3A_1817 = vector.broadcast %shift_right_logical3A_1816 : i32 to vector<16xi32>
    %shift_right_logical3A_1818 = arith.shrui %get3A_1807, %shift_right_logical3A_1817 : vector<16xi32>
    %add3A_1819 = arith.addi %mul3A_1811, %and3A_1815 : vector<16xi32>
    %gather3A_1820 = tpu.vector_load_idx %arg7[%add3A_1819] : memref<448xf32, #tpu.memory_space<vmem>>[vector<16xi32>], vector<16xf32>,
    %add3A_1821 = arith.addi %mul3A_1811, %shift_right_logical3A_1818 : vector<16xi32>
    %gather3A_1822 = tpu.vector_load_idx %arg7[%add3A_1821] : memref<448xf32, #tpu.memory_space<vmem>>[vector<16xi32>], vector<16xf32>,
    %add3A_1823 = arith.addf %gather3A_1820, %gather3A_1822 : vector<16xf32>
    %div3A_1824 = arith.constant 1.000000e+00 : f32
    %div3A_1825 = vector.broadcast %div3A_1824 : f32 to vector<16xf32>
    %div3A_1826 = arith.divf %div3A_1825, %add3A_1823 : vector<16xf32>
    %mul3A_1827 = arith.mulf %gather3A_1820, %div3A_1826 : vector<16xf32>
    %swap3A_1828 = arith.constant 5 : i32
    %swap3A_1829 = arith.constant 0 : i32
    %swap3A_1830 = arith.index_cast %swap3A_1828 : i32 to index
    %swap3A_1831 = arith.index_cast %swap3A_1829 : i32 to index
    %swap3A_1832 = arith.constant 96 : index
    %swap3A_1833 = tpu.vector_load %arg9[%swap3A_1830, %swap3A_1831, %swap3A_1832] {strides = array<i32>} : memref<8x2x128xf32, #tpu.memory_space<vmem>>, vector<16xf32>,
    tpu.vector_store %arg9[%swap3A_1830, %swap3A_1831, %swap3A_1832], %mul3A_1827 {strides = array<i32>} : memref<8x2x128xf32, #tpu.memory_space<vmem>>, vector<16xf32>,
    %mul3A_1834 = arith.mulf %gather3A_1822, %div3A_1826 : vector<16xf32>
    %swap3A_1835 = arith.constant 5 : i32
    %swap3A_1836 = arith.constant 1 : i32
    %swap3A_1837 = arith.index_cast %swap3A_1835 : i32 to index
    %swap3A_1838 = arith.index_cast %swap3A_1836 : i32 to index
    %swap3A_1839 = arith.constant 96 : index
    %swap3A_1840 = tpu.vector_load %arg9[%swap3A_1837, %swap3A_1838, %swap3A_1839] {strides = array<i32>} : memref<8x2x128xf32, #tpu.memory_space<vmem>>, vector<16xf32>,
    tpu.vector_store %arg9[%swap3A_1837, %swap3A_1838, %swap3A_1839], %mul3A_1834 {strides = array<i32>} : memref<8x2x128xf32, #tpu.memory_space<vmem>>, vector<16xf32>,
    %get3A_1841 = arith.constant 752 : index
    %get3A_1842 = tpu.vector_load %arg5[%get3A_1841] {strides = array<i32>} : memref<1024xi32, #tpu.memory_space<vmem>>, vector<16xi32>,
    %and3A_1843 = arith.andi %get3A_1842, %broadcast_in_dim3A_107 : vector<16xi32>
    %mul3A_1844 = arith.constant 21 : i32
    %mul3A_1845 = vector.broadcast %mul3A_1844 : i32 to vector<16xi32>
    %mul3A_1846 = arith.muli %and3A_1843, %mul3A_1845 : vector<16xi32>
    %shift_right_logical3A_1847 = arith.constant 5 : i32
    %shift_right_logical3A_1848 = vector.broadcast %shift_right_logical3A_1847 : i32 to vector<16xi32>
    %shift_right_logical3A_1849 = arith.shrui %get3A_1842, %shift_right_logical3A_1848 : vector<16xi32>
    %and3A_1850 = arith.andi %shift_right_logical3A_1849, %broadcast_in_dim3A_107 : vector<16xi32>
    %shift_right_logical3A_1851 = arith.constant 10 : i32
    %shift_right_logical3A_1852 = vector.broadcast %shift_right_logical3A_1851 : i32 to vector<16xi32>
    %shift_right_logical3A_1853 = arith.shrui %get3A_1842, %shift_right_logical3A_1852 : vector<16xi32>
    %add3A_1854 = arith.addi %mul3A_1846, %and3A_1850 : vector<16xi32>
    %gather3A_1855 = tpu.vector_load_idx %arg7[%add3A_1854] : memref<448xf32, #tpu.memory_space<vmem>>[vector<16xi32>], vector<16xf32>,
    %add3A_1856 = arith.addi %mul3A_1846, %shift_right_logical3A_1853 : vector<16xi32>
    %gather3A_1857 = tpu.vector_load_idx %arg7[%add3A_1856] : memref<448xf32, #tpu.memory_space<vmem>>[vector<16xi32>], vector<16xf32>,
    %add3A_1858 = arith.addf %gather3A_1855, %gather3A_1857 : vector<16xf32>
    %div3A_1859 = arith.constant 1.000000e+00 : f32
    %div3A_1860 = vector.broadcast %div3A_1859 : f32 to vector<16xf32>
    %div3A_1861 = arith.divf %div3A_1860, %add3A_1858 : vector<16xf32>
    %mul3A_1862 = arith.mulf %gather3A_1855, %div3A_1861 : vector<16xf32>
    %swap3A_1863 = arith.constant 5 : i32
    %swap3A_1864 = arith.constant 0 : i32
    %swap3A_1865 = arith.index_cast %swap3A_1863 : i32 to index
    %swap3A_1866 = arith.index_cast %swap3A_1864 : i32 to index
    %swap3A_1867 = arith.constant 112 : index
    %swap3A_1868 = tpu.vector_load %arg9[%swap3A_1865, %swap3A_1866, %swap3A_1867] {strides = array<i32>} : memref<8x2x128xf32, #tpu.memory_space<vmem>>, vector<16xf32>,
    tpu.vector_store %arg9[%swap3A_1865, %swap3A_1866, %swap3A_1867], %mul3A_1862 {strides = array<i32>} : memref<8x2x128xf32, #tpu.memory_space<vmem>>, vector<16xf32>,
    %mul3A_1869 = arith.mulf %gather3A_1857, %div3A_1861 : vector<16xf32>
    %swap3A_1870 = arith.constant 5 : i32
    %swap3A_1871 = arith.constant 1 : i32
    %swap3A_1872 = arith.index_cast %swap3A_1870 : i32 to index
    %swap3A_1873 = arith.index_cast %swap3A_1871 : i32 to index
    %swap3A_1874 = arith.constant 112 : index
    %swap3A_1875 = tpu.vector_load %arg9[%swap3A_1872, %swap3A_1873, %swap3A_1874] {strides = array<i32>} : memref<8x2x128xf32, #tpu.memory_space<vmem>>, vector<16xf32>,
    tpu.vector_store %arg9[%swap3A_1872, %swap3A_1873, %swap3A_1874], %mul3A_1869 {strides = array<i32>} : memref<8x2x128xf32, #tpu.memory_space<vmem>>, vector<16xf32>,
    %mul3A_1876 = arith.constant 8 : i32
    %mul3A_1877 = arith.muli %add3A, %mul3A_1876 : i32
    %add3A_1878 = arith.constant 5 : i32
    %add3A_1879 = arith.addi %mul3A_1877, %add3A_1878 : i32
    %dma_start3A_1880 = arith.constant 5 : i32
    %dma_start3A_1881 = arith.constant 0 : i32
    %dma_start3A_1882 = arith.constant 0 : i32
    %dma_start3A_1883 = tpu.memref_slice %arg9[%dma_start3A_1880, %dma_start3A_1881, %dma_start3A_1882] : memref<8x2x128xf32, #tpu.memory_space<vmem>> -> memref<1x2x128xf32, #tpu.memory_space<vmem>>
    %dma_start3A_1884 = arith.constant 0 : i32
    %dma_start3A_1885 = arith.constant 0 : i32
    %dma_start3A_1886 = tpu.memref_slice %arg4[%add3A_1879, %dma_start3A_1884, %dma_start3A_1885] : memref<128x2x128xf32, #tpu.memory_space<hbm>> -> memref<1x2x128xf32, #tpu.memory_space<hbm>>
    %dma_start3A_1887 = arith.constant 0 : i32
    %dma_start3A_1888 = arith.constant 0 : i32
    %dma_start3A_1889 = tpu.memref_slice %arg4[%add3A_1879, %dma_start3A_1887, %dma_start3A_1888] : memref<128x2x128xf32, #tpu.memory_space<hbm>> -> memref<1x2x128xf32, #tpu.memory_space<hbm>>
    %dma_start3A_1890 = arith.constant 5 : i32
    %dma_start3A_1891 = arith.constant 0 : i32
    %dma_start3A_1892 = arith.constant 0 : i32
    %dma_start3A_1893 = tpu.memref_slice %arg9[%dma_start3A_1890, %dma_start3A_1891, %dma_start3A_1892] : memref<8x2x128xf32, #tpu.memory_space<vmem>> -> memref<1x2x128xf32, #tpu.memory_space<vmem>>
    tpu.enqueue_dma source(%dma_start3A_1893 : memref<1x2x128xf32, #tpu.memory_space<vmem>>) target(%dma_start3A_1889 : memref<1x2x128xf32, #tpu.memory_space<hbm>>) target_semaphore(%arg11 : memref<!tpu.dma_semaphore, #tpu.memory_space<semaphore_mem>>)
    %get3A_1894 = arith.constant 768 : index
    %get3A_1895 = tpu.vector_load %arg5[%get3A_1894] {strides = array<i32>} : memref<1024xi32, #tpu.memory_space<vmem>>, vector<16xi32>,
    %and3A_1896 = arith.andi %get3A_1895, %broadcast_in_dim3A_107 : vector<16xi32>
    %mul3A_1897 = arith.constant 21 : i32
    %mul3A_1898 = vector.broadcast %mul3A_1897 : i32 to vector<16xi32>
    %mul3A_1899 = arith.muli %and3A_1896, %mul3A_1898 : vector<16xi32>
    %shift_right_logical3A_1900 = arith.constant 5 : i32
    %shift_right_logical3A_1901 = vector.broadcast %shift_right_logical3A_1900 : i32 to vector<16xi32>
    %shift_right_logical3A_1902 = arith.shrui %get3A_1895, %shift_right_logical3A_1901 : vector<16xi32>
    %and3A_1903 = arith.andi %shift_right_logical3A_1902, %broadcast_in_dim3A_107 : vector<16xi32>
    %shift_right_logical3A_1904 = arith.constant 10 : i32
    %shift_right_logical3A_1905 = vector.broadcast %shift_right_logical3A_1904 : i32 to vector<16xi32>
    %shift_right_logical3A_1906 = arith.shrui %get3A_1895, %shift_right_logical3A_1905 : vector<16xi32>
    %add3A_1907 = arith.addi %mul3A_1899, %and3A_1903 : vector<16xi32>
    %gather3A_1908 = tpu.vector_load_idx %arg7[%add3A_1907] : memref<448xf32, #tpu.memory_space<vmem>>[vector<16xi32>], vector<16xf32>,
    %add3A_1909 = arith.addi %mul3A_1899, %shift_right_logical3A_1906 : vector<16xi32>
    %gather3A_1910 = tpu.vector_load_idx %arg7[%add3A_1909] : memref<448xf32, #tpu.memory_space<vmem>>[vector<16xi32>], vector<16xf32>,
    %add3A_1911 = arith.addf %gather3A_1908, %gather3A_1910 : vector<16xf32>
    %div3A_1912 = arith.constant 1.000000e+00 : f32
    %div3A_1913 = vector.broadcast %div3A_1912 : f32 to vector<16xf32>
    %div3A_1914 = arith.divf %div3A_1913, %add3A_1911 : vector<16xf32>
    %mul3A_1915 = arith.mulf %gather3A_1908, %div3A_1914 : vector<16xf32>
    %swap3A_1916 = arith.constant 6 : i32
    %swap3A_1917 = arith.constant 0 : i32
    %swap3A_1918 = arith.index_cast %swap3A_1916 : i32 to index
    %swap3A_1919 = arith.index_cast %swap3A_1917 : i32 to index
    %swap3A_1920 = arith.constant 0 : index
    %swap3A_1921 = tpu.vector_load %arg9[%swap3A_1918, %swap3A_1919, %swap3A_1920] {strides = array<i32>} : memref<8x2x128xf32, #tpu.memory_space<vmem>>, vector<16xf32>,
    tpu.vector_store %arg9[%swap3A_1918, %swap3A_1919, %swap3A_1920], %mul3A_1915 {strides = array<i32>} : memref<8x2x128xf32, #tpu.memory_space<vmem>>, vector<16xf32>,
    %mul3A_1922 = arith.mulf %gather3A_1910, %div3A_1914 : vector<16xf32>
    %swap3A_1923 = arith.constant 6 : i32
    %swap3A_1924 = arith.constant 1 : i32
    %swap3A_1925 = arith.index_cast %swap3A_1923 : i32 to index
    %swap3A_1926 = arith.index_cast %swap3A_1924 : i32 to index
    %swap3A_1927 = arith.constant 0 : index
    %swap3A_1928 = tpu.vector_load %arg9[%swap3A_1925, %swap3A_1926, %swap3A_1927] {strides = array<i32>} : memref<8x2x128xf32, #tpu.memory_space<vmem>>, vector<16xf32>,
    tpu.vector_store %arg9[%swap3A_1925, %swap3A_1926, %swap3A_1927], %mul3A_1922 {strides = array<i32>} : memref<8x2x128xf32, #tpu.memory_space<vmem>>, vector<16xf32>,
    %get3A_1929 = arith.constant 784 : index
    %get3A_1930 = tpu.vector_load %arg5[%get3A_1929] {strides = array<i32>} : memref<1024xi32, #tpu.memory_space<vmem>>, vector<16xi32>,
    %and3A_1931 = arith.andi %get3A_1930, %broadcast_in_dim3A_107 : vector<16xi32>
    %mul3A_1932 = arith.constant 21 : i32
    %mul3A_1933 = vector.broadcast %mul3A_1932 : i32 to vector<16xi32>
    %mul3A_1934 = arith.muli %and3A_1931, %mul3A_1933 : vector<16xi32>
    %shift_right_logical3A_1935 = arith.constant 5 : i32
    %shift_right_logical3A_1936 = vector.broadcast %shift_right_logical3A_1935 : i32 to vector<16xi32>
    %shift_right_logical3A_1937 = arith.shrui %get3A_1930, %shift_right_logical3A_1936 : vector<16xi32>
    %and3A_1938 = arith.andi %shift_right_logical3A_1937, %broadcast_in_dim3A_107 : vector<16xi32>
    %shift_right_logical3A_1939 = arith.constant 10 : i32
    %shift_right_logical3A_1940 = vector.broadcast %shift_right_logical3A_1939 : i32 to vector<16xi32>
    %shift_right_logical3A_1941 = arith.shrui %get3A_1930, %shift_right_logical3A_1940 : vector<16xi32>
    %add3A_1942 = arith.addi %mul3A_1934, %and3A_1938 : vector<16xi32>
    %gather3A_1943 = tpu.vector_load_idx %arg7[%add3A_1942] : memref<448xf32, #tpu.memory_space<vmem>>[vector<16xi32>], vector<16xf32>,
    %add3A_1944 = arith.addi %mul3A_1934, %shift_right_logical3A_1941 : vector<16xi32>
    %gather3A_1945 = tpu.vector_load_idx %arg7[%add3A_1944] : memref<448xf32, #tpu.memory_space<vmem>>[vector<16xi32>], vector<16xf32>,
    %add3A_1946 = arith.addf %gather3A_1943, %gather3A_1945 : vector<16xf32>
    %div3A_1947 = arith.constant 1.000000e+00 : f32
    %div3A_1948 = vector.broadcast %div3A_1947 : f32 to vector<16xf32>
    %div3A_1949 = arith.divf %div3A_1948, %add3A_1946 : vector<16xf32>
    %mul3A_1950 = arith.mulf %gather3A_1943, %div3A_1949 : vector<16xf32>
    %swap3A_1951 = arith.constant 6 : i32
    %swap3A_1952 = arith.constant 0 : i32
    %swap3A_1953 = arith.index_cast %swap3A_1951 : i32 to index
    %swap3A_1954 = arith.index_cast %swap3A_1952 : i32 to index
    %swap3A_1955 = arith.constant 16 : index
    %swap3A_1956 = tpu.vector_load %arg9[%swap3A_1953, %swap3A_1954, %swap3A_1955] {strides = array<i32>} : memref<8x2x128xf32, #tpu.memory_space<vmem>>, vector<16xf32>,
    tpu.vector_store %arg9[%swap3A_1953, %swap3A_1954, %swap3A_1955], %mul3A_1950 {strides = array<i32>} : memref<8x2x128xf32, #tpu.memory_space<vmem>>, vector<16xf32>,
    %mul3A_1957 = arith.mulf %gather3A_1945, %div3A_1949 : vector<16xf32>
    %swap3A_1958 = arith.constant 6 : i32
    %swap3A_1959 = arith.constant 1 : i32
    %swap3A_1960 = arith.index_cast %swap3A_1958 : i32 to index
    %swap3A_1961 = arith.index_cast %swap3A_1959 : i32 to index
    %swap3A_1962 = arith.constant 16 : index
    %swap3A_1963 = tpu.vector_load %arg9[%swap3A_1960, %swap3A_1961, %swap3A_1962] {strides = array<i32>} : memref<8x2x128xf32, #tpu.memory_space<vmem>>, vector<16xf32>,
    tpu.vector_store %arg9[%swap3A_1960, %swap3A_1961, %swap3A_1962], %mul3A_1957 {strides = array<i32>} : memref<8x2x128xf32, #tpu.memory_space<vmem>>, vector<16xf32>,
    %get3A_1964 = arith.constant 800 : index
    %get3A_1965 = tpu.vector_load %arg5[%get3A_1964] {strides = array<i32>} : memref<1024xi32, #tpu.memory_space<vmem>>, vector<16xi32>,
    %and3A_1966 = arith.andi %get3A_1965, %broadcast_in_dim3A_107 : vector<16xi32>
    %mul3A_1967 = arith.constant 21 : i32
    %mul3A_1968 = vector.broadcast %mul3A_1967 : i32 to vector<16xi32>
    %mul3A_1969 = arith.muli %and3A_1966, %mul3A_1968 : vector<16xi32>
    %shift_right_logical3A_1970 = arith.constant 5 : i32
    %shift_right_logical3A_1971 = vector.broadcast %shift_right_logical3A_1970 : i32 to vector<16xi32>
    %shift_right_logical3A_1972 = arith.shrui %get3A_1965, %shift_right_logical3A_1971 : vector<16xi32>
    %and3A_1973 = arith.andi %shift_right_logical3A_1972, %broadcast_in_dim3A_107 : vector<16xi32>
    %shift_right_logical3A_1974 = arith.constant 10 : i32
    %shift_right_logical3A_1975 = vector.broadcast %shift_right_logical3A_1974 : i32 to vector<16xi32>
    %shift_right_logical3A_1976 = arith.shrui %get3A_1965, %shift_right_logical3A_1975 : vector<16xi32>
    %add3A_1977 = arith.addi %mul3A_1969, %and3A_1973 : vector<16xi32>
    %gather3A_1978 = tpu.vector_load_idx %arg7[%add3A_1977] : memref<448xf32, #tpu.memory_space<vmem>>[vector<16xi32>], vector<16xf32>,
    %add3A_1979 = arith.addi %mul3A_1969, %shift_right_logical3A_1976 : vector<16xi32>
    %gather3A_1980 = tpu.vector_load_idx %arg7[%add3A_1979] : memref<448xf32, #tpu.memory_space<vmem>>[vector<16xi32>], vector<16xf32>,
    %add3A_1981 = arith.addf %gather3A_1978, %gather3A_1980 : vector<16xf32>
    %div3A_1982 = arith.constant 1.000000e+00 : f32
    %div3A_1983 = vector.broadcast %div3A_1982 : f32 to vector<16xf32>
    %div3A_1984 = arith.divf %div3A_1983, %add3A_1981 : vector<16xf32>
    %mul3A_1985 = arith.mulf %gather3A_1978, %div3A_1984 : vector<16xf32>
    %swap3A_1986 = arith.constant 6 : i32
    %swap3A_1987 = arith.constant 0 : i32
    %swap3A_1988 = arith.index_cast %swap3A_1986 : i32 to index
    %swap3A_1989 = arith.index_cast %swap3A_1987 : i32 to index
    %swap3A_1990 = arith.constant 32 : index
    %swap3A_1991 = tpu.vector_load %arg9[%swap3A_1988, %swap3A_1989, %swap3A_1990] {strides = array<i32>} : memref<8x2x128xf32, #tpu.memory_space<vmem>>, vector<16xf32>,
    tpu.vector_store %arg9[%swap3A_1988, %swap3A_1989, %swap3A_1990], %mul3A_1985 {strides = array<i32>} : memref<8x2x128xf32, #tpu.memory_space<vmem>>, vector<16xf32>,
    %mul3A_1992 = arith.mulf %gather3A_1980, %div3A_1984 : vector<16xf32>
    %swap3A_1993 = arith.constant 6 : i32
    %swap3A_1994 = arith.constant 1 : i32
    %swap3A_1995 = arith.index_cast %swap3A_1993 : i32 to index
    %swap3A_1996 = arith.index_cast %swap3A_1994 : i32 to index
    %swap3A_1997 = arith.constant 32 : index
    %swap3A_1998 = tpu.vector_load %arg9[%swap3A_1995, %swap3A_1996, %swap3A_1997] {strides = array<i32>} : memref<8x2x128xf32, #tpu.memory_space<vmem>>, vector<16xf32>,
    tpu.vector_store %arg9[%swap3A_1995, %swap3A_1996, %swap3A_1997], %mul3A_1992 {strides = array<i32>} : memref<8x2x128xf32, #tpu.memory_space<vmem>>, vector<16xf32>,
    %get3A_1999 = arith.constant 816 : index
    %get3A_2000 = tpu.vector_load %arg5[%get3A_1999] {strides = array<i32>} : memref<1024xi32, #tpu.memory_space<vmem>>, vector<16xi32>,
    %and3A_2001 = arith.andi %get3A_2000, %broadcast_in_dim3A_107 : vector<16xi32>
    %mul3A_2002 = arith.constant 21 : i32
    %mul3A_2003 = vector.broadcast %mul3A_2002 : i32 to vector<16xi32>
    %mul3A_2004 = arith.muli %and3A_2001, %mul3A_2003 : vector<16xi32>
    %shift_right_logical3A_2005 = arith.constant 5 : i32
    %shift_right_logical3A_2006 = vector.broadcast %shift_right_logical3A_2005 : i32 to vector<16xi32>
    %shift_right_logical3A_2007 = arith.shrui %get3A_2000, %shift_right_logical3A_2006 : vector<16xi32>
    %and3A_2008 = arith.andi %shift_right_logical3A_2007, %broadcast_in_dim3A_107 : vector<16xi32>
    %shift_right_logical3A_2009 = arith.constant 10 : i32
    %shift_right_logical3A_2010 = vector.broadcast %shift_right_logical3A_2009 : i32 to vector<16xi32>
    %shift_right_logical3A_2011 = arith.shrui %get3A_2000, %shift_right_logical3A_2010 : vector<16xi32>
    %add3A_2012 = arith.addi %mul3A_2004, %and3A_2008 : vector<16xi32>
    %gather3A_2013 = tpu.vector_load_idx %arg7[%add3A_2012] : memref<448xf32, #tpu.memory_space<vmem>>[vector<16xi32>], vector<16xf32>,
    %add3A_2014 = arith.addi %mul3A_2004, %shift_right_logical3A_2011 : vector<16xi32>
    %gather3A_2015 = tpu.vector_load_idx %arg7[%add3A_2014] : memref<448xf32, #tpu.memory_space<vmem>>[vector<16xi32>], vector<16xf32>,
    %add3A_2016 = arith.addf %gather3A_2013, %gather3A_2015 : vector<16xf32>
    %div3A_2017 = arith.constant 1.000000e+00 : f32
    %div3A_2018 = vector.broadcast %div3A_2017 : f32 to vector<16xf32>
    %div3A_2019 = arith.divf %div3A_2018, %add3A_2016 : vector<16xf32>
    %mul3A_2020 = arith.mulf %gather3A_2013, %div3A_2019 : vector<16xf32>
    %swap3A_2021 = arith.constant 6 : i32
    %swap3A_2022 = arith.constant 0 : i32
    %swap3A_2023 = arith.index_cast %swap3A_2021 : i32 to index
    %swap3A_2024 = arith.index_cast %swap3A_2022 : i32 to index
    %swap3A_2025 = arith.constant 48 : index
    %swap3A_2026 = tpu.vector_load %arg9[%swap3A_2023, %swap3A_2024, %swap3A_2025] {strides = array<i32>} : memref<8x2x128xf32, #tpu.memory_space<vmem>>, vector<16xf32>,
    tpu.vector_store %arg9[%swap3A_2023, %swap3A_2024, %swap3A_2025], %mul3A_2020 {strides = array<i32>} : memref<8x2x128xf32, #tpu.memory_space<vmem>>, vector<16xf32>,
    %mul3A_2027 = arith.mulf %gather3A_2015, %div3A_2019 : vector<16xf32>
    %swap3A_2028 = arith.constant 6 : i32
    %swap3A_2029 = arith.constant 1 : i32
    %swap3A_2030 = arith.index_cast %swap3A_2028 : i32 to index
    %swap3A_2031 = arith.index_cast %swap3A_2029 : i32 to index
    %swap3A_2032 = arith.constant 48 : index
    %swap3A_2033 = tpu.vector_load %arg9[%swap3A_2030, %swap3A_2031, %swap3A_2032] {strides = array<i32>} : memref<8x2x128xf32, #tpu.memory_space<vmem>>, vector<16xf32>,
    tpu.vector_store %arg9[%swap3A_2030, %swap3A_2031, %swap3A_2032], %mul3A_2027 {strides = array<i32>} : memref<8x2x128xf32, #tpu.memory_space<vmem>>, vector<16xf32>,
    %get3A_2034 = arith.constant 832 : index
    %get3A_2035 = tpu.vector_load %arg5[%get3A_2034] {strides = array<i32>} : memref<1024xi32, #tpu.memory_space<vmem>>, vector<16xi32>,
    %and3A_2036 = arith.andi %get3A_2035, %broadcast_in_dim3A_107 : vector<16xi32>
    %mul3A_2037 = arith.constant 21 : i32
    %mul3A_2038 = vector.broadcast %mul3A_2037 : i32 to vector<16xi32>
    %mul3A_2039 = arith.muli %and3A_2036, %mul3A_2038 : vector<16xi32>
    %shift_right_logical3A_2040 = arith.constant 5 : i32
    %shift_right_logical3A_2041 = vector.broadcast %shift_right_logical3A_2040 : i32 to vector<16xi32>
    %shift_right_logical3A_2042 = arith.shrui %get3A_2035, %shift_right_logical3A_2041 : vector<16xi32>
    %and3A_2043 = arith.andi %shift_right_logical3A_2042, %broadcast_in_dim3A_107 : vector<16xi32>
    %shift_right_logical3A_2044 = arith.constant 10 : i32
    %shift_right_logical3A_2045 = vector.broadcast %shift_right_logical3A_2044 : i32 to vector<16xi32>
    %shift_right_logical3A_2046 = arith.shrui %get3A_2035, %shift_right_logical3A_2045 : vector<16xi32>
    %add3A_2047 = arith.addi %mul3A_2039, %and3A_2043 : vector<16xi32>
    %gather3A_2048 = tpu.vector_load_idx %arg7[%add3A_2047] : memref<448xf32, #tpu.memory_space<vmem>>[vector<16xi32>], vector<16xf32>,
    %add3A_2049 = arith.addi %mul3A_2039, %shift_right_logical3A_2046 : vector<16xi32>
    %gather3A_2050 = tpu.vector_load_idx %arg7[%add3A_2049] : memref<448xf32, #tpu.memory_space<vmem>>[vector<16xi32>], vector<16xf32>,
    %add3A_2051 = arith.addf %gather3A_2048, %gather3A_2050 : vector<16xf32>
    %div3A_2052 = arith.constant 1.000000e+00 : f32
    %div3A_2053 = vector.broadcast %div3A_2052 : f32 to vector<16xf32>
    %div3A_2054 = arith.divf %div3A_2053, %add3A_2051 : vector<16xf32>
    %mul3A_2055 = arith.mulf %gather3A_2048, %div3A_2054 : vector<16xf32>
    %swap3A_2056 = arith.constant 6 : i32
    %swap3A_2057 = arith.constant 0 : i32
    %swap3A_2058 = arith.index_cast %swap3A_2056 : i32 to index
    %swap3A_2059 = arith.index_cast %swap3A_2057 : i32 to index
    %swap3A_2060 = arith.constant 64 : index
    %swap3A_2061 = tpu.vector_load %arg9[%swap3A_2058, %swap3A_2059, %swap3A_2060] {strides = array<i32>} : memref<8x2x128xf32, #tpu.memory_space<vmem>>, vector<16xf32>,
    tpu.vector_store %arg9[%swap3A_2058, %swap3A_2059, %swap3A_2060], %mul3A_2055 {strides = array<i32>} : memref<8x2x128xf32, #tpu.memory_space<vmem>>, vector<16xf32>,
    %mul3A_2062 = arith.mulf %gather3A_2050, %div3A_2054 : vector<16xf32>
    %swap3A_2063 = arith.constant 6 : i32
    %swap3A_2064 = arith.constant 1 : i32
    %swap3A_2065 = arith.index_cast %swap3A_2063 : i32 to index
    %swap3A_2066 = arith.index_cast %swap3A_2064 : i32 to index
    %swap3A_2067 = arith.constant 64 : index
    %swap3A_2068 = tpu.vector_load %arg9[%swap3A_2065, %swap3A_2066, %swap3A_2067] {strides = array<i32>} : memref<8x2x128xf32, #tpu.memory_space<vmem>>, vector<16xf32>,
    tpu.vector_store %arg9[%swap3A_2065, %swap3A_2066, %swap3A_2067], %mul3A_2062 {strides = array<i32>} : memref<8x2x128xf32, #tpu.memory_space<vmem>>, vector<16xf32>,
    %get3A_2069 = arith.constant 848 : index
    %get3A_2070 = tpu.vector_load %arg5[%get3A_2069] {strides = array<i32>} : memref<1024xi32, #tpu.memory_space<vmem>>, vector<16xi32>,
    %and3A_2071 = arith.andi %get3A_2070, %broadcast_in_dim3A_107 : vector<16xi32>
    %mul3A_2072 = arith.constant 21 : i32
    %mul3A_2073 = vector.broadcast %mul3A_2072 : i32 to vector<16xi32>
    %mul3A_2074 = arith.muli %and3A_2071, %mul3A_2073 : vector<16xi32>
    %shift_right_logical3A_2075 = arith.constant 5 : i32
    %shift_right_logical3A_2076 = vector.broadcast %shift_right_logical3A_2075 : i32 to vector<16xi32>
    %shift_right_logical3A_2077 = arith.shrui %get3A_2070, %shift_right_logical3A_2076 : vector<16xi32>
    %and3A_2078 = arith.andi %shift_right_logical3A_2077, %broadcast_in_dim3A_107 : vector<16xi32>
    %shift_right_logical3A_2079 = arith.constant 10 : i32
    %shift_right_logical3A_2080 = vector.broadcast %shift_right_logical3A_2079 : i32 to vector<16xi32>
    %shift_right_logical3A_2081 = arith.shrui %get3A_2070, %shift_right_logical3A_2080 : vector<16xi32>
    %add3A_2082 = arith.addi %mul3A_2074, %and3A_2078 : vector<16xi32>
    %gather3A_2083 = tpu.vector_load_idx %arg7[%add3A_2082] : memref<448xf32, #tpu.memory_space<vmem>>[vector<16xi32>], vector<16xf32>,
    %add3A_2084 = arith.addi %mul3A_2074, %shift_right_logical3A_2081 : vector<16xi32>
    %gather3A_2085 = tpu.vector_load_idx %arg7[%add3A_2084] : memref<448xf32, #tpu.memory_space<vmem>>[vector<16xi32>], vector<16xf32>,
    %add3A_2086 = arith.addf %gather3A_2083, %gather3A_2085 : vector<16xf32>
    %div3A_2087 = arith.constant 1.000000e+00 : f32
    %div3A_2088 = vector.broadcast %div3A_2087 : f32 to vector<16xf32>
    %div3A_2089 = arith.divf %div3A_2088, %add3A_2086 : vector<16xf32>
    %mul3A_2090 = arith.mulf %gather3A_2083, %div3A_2089 : vector<16xf32>
    %swap3A_2091 = arith.constant 6 : i32
    %swap3A_2092 = arith.constant 0 : i32
    %swap3A_2093 = arith.index_cast %swap3A_2091 : i32 to index
    %swap3A_2094 = arith.index_cast %swap3A_2092 : i32 to index
    %swap3A_2095 = arith.constant 80 : index
    %swap3A_2096 = tpu.vector_load %arg9[%swap3A_2093, %swap3A_2094, %swap3A_2095] {strides = array<i32>} : memref<8x2x128xf32, #tpu.memory_space<vmem>>, vector<16xf32>,
    tpu.vector_store %arg9[%swap3A_2093, %swap3A_2094, %swap3A_2095], %mul3A_2090 {strides = array<i32>} : memref<8x2x128xf32, #tpu.memory_space<vmem>>, vector<16xf32>,
    %mul3A_2097 = arith.mulf %gather3A_2085, %div3A_2089 : vector<16xf32>
    %swap3A_2098 = arith.constant 6 : i32
    %swap3A_2099 = arith.constant 1 : i32
    %swap3A_2100 = arith.index_cast %swap3A_2098 : i32 to index
    %swap3A_2101 = arith.index_cast %swap3A_2099 : i32 to index
    %swap3A_2102 = arith.constant 80 : index
    %swap3A_2103 = tpu.vector_load %arg9[%swap3A_2100, %swap3A_2101, %swap3A_2102] {strides = array<i32>} : memref<8x2x128xf32, #tpu.memory_space<vmem>>, vector<16xf32>,
    tpu.vector_store %arg9[%swap3A_2100, %swap3A_2101, %swap3A_2102], %mul3A_2097 {strides = array<i32>} : memref<8x2x128xf32, #tpu.memory_space<vmem>>, vector<16xf32>,
    %get3A_2104 = arith.constant 864 : index
    %get3A_2105 = tpu.vector_load %arg5[%get3A_2104] {strides = array<i32>} : memref<1024xi32, #tpu.memory_space<vmem>>, vector<16xi32>,
    %and3A_2106 = arith.andi %get3A_2105, %broadcast_in_dim3A_107 : vector<16xi32>
    %mul3A_2107 = arith.constant 21 : i32
    %mul3A_2108 = vector.broadcast %mul3A_2107 : i32 to vector<16xi32>
    %mul3A_2109 = arith.muli %and3A_2106, %mul3A_2108 : vector<16xi32>
    %shift_right_logical3A_2110 = arith.constant 5 : i32
    %shift_right_logical3A_2111 = vector.broadcast %shift_right_logical3A_2110 : i32 to vector<16xi32>
    %shift_right_logical3A_2112 = arith.shrui %get3A_2105, %shift_right_logical3A_2111 : vector<16xi32>
    %and3A_2113 = arith.andi %shift_right_logical3A_2112, %broadcast_in_dim3A_107 : vector<16xi32>
    %shift_right_logical3A_2114 = arith.constant 10 : i32
    %shift_right_logical3A_2115 = vector.broadcast %shift_right_logical3A_2114 : i32 to vector<16xi32>
    %shift_right_logical3A_2116 = arith.shrui %get3A_2105, %shift_right_logical3A_2115 : vector<16xi32>
    %add3A_2117 = arith.addi %mul3A_2109, %and3A_2113 : vector<16xi32>
    %gather3A_2118 = tpu.vector_load_idx %arg7[%add3A_2117] : memref<448xf32, #tpu.memory_space<vmem>>[vector<16xi32>], vector<16xf32>,
    %add3A_2119 = arith.addi %mul3A_2109, %shift_right_logical3A_2116 : vector<16xi32>
    %gather3A_2120 = tpu.vector_load_idx %arg7[%add3A_2119] : memref<448xf32, #tpu.memory_space<vmem>>[vector<16xi32>], vector<16xf32>,
    %add3A_2121 = arith.addf %gather3A_2118, %gather3A_2120 : vector<16xf32>
    %div3A_2122 = arith.constant 1.000000e+00 : f32
    %div3A_2123 = vector.broadcast %div3A_2122 : f32 to vector<16xf32>
    %div3A_2124 = arith.divf %div3A_2123, %add3A_2121 : vector<16xf32>
    %mul3A_2125 = arith.mulf %gather3A_2118, %div3A_2124 : vector<16xf32>
    %swap3A_2126 = arith.constant 6 : i32
    %swap3A_2127 = arith.constant 0 : i32
    %swap3A_2128 = arith.index_cast %swap3A_2126 : i32 to index
    %swap3A_2129 = arith.index_cast %swap3A_2127 : i32 to index
    %swap3A_2130 = arith.constant 96 : index
    %swap3A_2131 = tpu.vector_load %arg9[%swap3A_2128, %swap3A_2129, %swap3A_2130] {strides = array<i32>} : memref<8x2x128xf32, #tpu.memory_space<vmem>>, vector<16xf32>,
    tpu.vector_store %arg9[%swap3A_2128, %swap3A_2129, %swap3A_2130], %mul3A_2125 {strides = array<i32>} : memref<8x2x128xf32, #tpu.memory_space<vmem>>, vector<16xf32>,
    %mul3A_2132 = arith.mulf %gather3A_2120, %div3A_2124 : vector<16xf32>
    %swap3A_2133 = arith.constant 6 : i32
    %swap3A_2134 = arith.constant 1 : i32
    %swap3A_2135 = arith.index_cast %swap3A_2133 : i32 to index
    %swap3A_2136 = arith.index_cast %swap3A_2134 : i32 to index
    %swap3A_2137 = arith.constant 96 : index
    %swap3A_2138 = tpu.vector_load %arg9[%swap3A_2135, %swap3A_2136, %swap3A_2137] {strides = array<i32>} : memref<8x2x128xf32, #tpu.memory_space<vmem>>, vector<16xf32>,
    tpu.vector_store %arg9[%swap3A_2135, %swap3A_2136, %swap3A_2137], %mul3A_2132 {strides = array<i32>} : memref<8x2x128xf32, #tpu.memory_space<vmem>>, vector<16xf32>,
    %get3A_2139 = arith.constant 880 : index
    %get3A_2140 = tpu.vector_load %arg5[%get3A_2139] {strides = array<i32>} : memref<1024xi32, #tpu.memory_space<vmem>>, vector<16xi32>,
    %and3A_2141 = arith.andi %get3A_2140, %broadcast_in_dim3A_107 : vector<16xi32>
    %mul3A_2142 = arith.constant 21 : i32
    %mul3A_2143 = vector.broadcast %mul3A_2142 : i32 to vector<16xi32>
    %mul3A_2144 = arith.muli %and3A_2141, %mul3A_2143 : vector<16xi32>
    %shift_right_logical3A_2145 = arith.constant 5 : i32
    %shift_right_logical3A_2146 = vector.broadcast %shift_right_logical3A_2145 : i32 to vector<16xi32>
    %shift_right_logical3A_2147 = arith.shrui %get3A_2140, %shift_right_logical3A_2146 : vector<16xi32>
    %and3A_2148 = arith.andi %shift_right_logical3A_2147, %broadcast_in_dim3A_107 : vector<16xi32>
    %shift_right_logical3A_2149 = arith.constant 10 : i32
    %shift_right_logical3A_2150 = vector.broadcast %shift_right_logical3A_2149 : i32 to vector<16xi32>
    %shift_right_logical3A_2151 = arith.shrui %get3A_2140, %shift_right_logical3A_2150 : vector<16xi32>
    %add3A_2152 = arith.addi %mul3A_2144, %and3A_2148 : vector<16xi32>
    %gather3A_2153 = tpu.vector_load_idx %arg7[%add3A_2152] : memref<448xf32, #tpu.memory_space<vmem>>[vector<16xi32>], vector<16xf32>,
    %add3A_2154 = arith.addi %mul3A_2144, %shift_right_logical3A_2151 : vector<16xi32>
    %gather3A_2155 = tpu.vector_load_idx %arg7[%add3A_2154] : memref<448xf32, #tpu.memory_space<vmem>>[vector<16xi32>], vector<16xf32>,
    %add3A_2156 = arith.addf %gather3A_2153, %gather3A_2155 : vector<16xf32>
    %div3A_2157 = arith.constant 1.000000e+00 : f32
    %div3A_2158 = vector.broadcast %div3A_2157 : f32 to vector<16xf32>
    %div3A_2159 = arith.divf %div3A_2158, %add3A_2156 : vector<16xf32>
    %mul3A_2160 = arith.mulf %gather3A_2153, %div3A_2159 : vector<16xf32>
    %swap3A_2161 = arith.constant 6 : i32
    %swap3A_2162 = arith.constant 0 : i32
    %swap3A_2163 = arith.index_cast %swap3A_2161 : i32 to index
    %swap3A_2164 = arith.index_cast %swap3A_2162 : i32 to index
    %swap3A_2165 = arith.constant 112 : index
    %swap3A_2166 = tpu.vector_load %arg9[%swap3A_2163, %swap3A_2164, %swap3A_2165] {strides = array<i32>} : memref<8x2x128xf32, #tpu.memory_space<vmem>>, vector<16xf32>,
    tpu.vector_store %arg9[%swap3A_2163, %swap3A_2164, %swap3A_2165], %mul3A_2160 {strides = array<i32>} : memref<8x2x128xf32, #tpu.memory_space<vmem>>, vector<16xf32>,
    %mul3A_2167 = arith.mulf %gather3A_2155, %div3A_2159 : vector<16xf32>
    %swap3A_2168 = arith.constant 6 : i32
    %swap3A_2169 = arith.constant 1 : i32
    %swap3A_2170 = arith.index_cast %swap3A_2168 : i32 to index
    %swap3A_2171 = arith.index_cast %swap3A_2169 : i32 to index
    %swap3A_2172 = arith.constant 112 : index
    %swap3A_2173 = tpu.vector_load %arg9[%swap3A_2170, %swap3A_2171, %swap3A_2172] {strides = array<i32>} : memref<8x2x128xf32, #tpu.memory_space<vmem>>, vector<16xf32>,
    tpu.vector_store %arg9[%swap3A_2170, %swap3A_2171, %swap3A_2172], %mul3A_2167 {strides = array<i32>} : memref<8x2x128xf32, #tpu.memory_space<vmem>>, vector<16xf32>,
    %mul3A_2174 = arith.constant 8 : i32
    %mul3A_2175 = arith.muli %add3A, %mul3A_2174 : i32
    %add3A_2176 = arith.constant 6 : i32
    %add3A_2177 = arith.addi %mul3A_2175, %add3A_2176 : i32
    %dma_start3A_2178 = arith.constant 6 : i32
    %dma_start3A_2179 = arith.constant 0 : i32
    %dma_start3A_2180 = arith.constant 0 : i32
    %dma_start3A_2181 = tpu.memref_slice %arg9[%dma_start3A_2178, %dma_start3A_2179, %dma_start3A_2180] : memref<8x2x128xf32, #tpu.memory_space<vmem>> -> memref<1x2x128xf32, #tpu.memory_space<vmem>>
    %dma_start3A_2182 = arith.constant 0 : i32
    %dma_start3A_2183 = arith.constant 0 : i32
    %dma_start3A_2184 = tpu.memref_slice %arg4[%add3A_2177, %dma_start3A_2182, %dma_start3A_2183] : memref<128x2x128xf32, #tpu.memory_space<hbm>> -> memref<1x2x128xf32, #tpu.memory_space<hbm>>
    %dma_start3A_2185 = arith.constant 0 : i32
    %dma_start3A_2186 = arith.constant 0 : i32
    %dma_start3A_2187 = tpu.memref_slice %arg4[%add3A_2177, %dma_start3A_2185, %dma_start3A_2186] : memref<128x2x128xf32, #tpu.memory_space<hbm>> -> memref<1x2x128xf32, #tpu.memory_space<hbm>>
    %dma_start3A_2188 = arith.constant 6 : i32
    %dma_start3A_2189 = arith.constant 0 : i32
    %dma_start3A_2190 = arith.constant 0 : i32
    %dma_start3A_2191 = tpu.memref_slice %arg9[%dma_start3A_2188, %dma_start3A_2189, %dma_start3A_2190] : memref<8x2x128xf32, #tpu.memory_space<vmem>> -> memref<1x2x128xf32, #tpu.memory_space<vmem>>
    tpu.enqueue_dma source(%dma_start3A_2191 : memref<1x2x128xf32, #tpu.memory_space<vmem>>) target(%dma_start3A_2187 : memref<1x2x128xf32, #tpu.memory_space<hbm>>) target_semaphore(%arg11 : memref<!tpu.dma_semaphore, #tpu.memory_space<semaphore_mem>>)
    %get3A_2192 = arith.constant 896 : index
    %get3A_2193 = tpu.vector_load %arg5[%get3A_2192] {strides = array<i32>} : memref<1024xi32, #tpu.memory_space<vmem>>, vector<16xi32>,
    %and3A_2194 = arith.andi %get3A_2193, %broadcast_in_dim3A_107 : vector<16xi32>
    %mul3A_2195 = arith.constant 21 : i32
    %mul3A_2196 = vector.broadcast %mul3A_2195 : i32 to vector<16xi32>
    %mul3A_2197 = arith.muli %and3A_2194, %mul3A_2196 : vector<16xi32>
    %shift_right_logical3A_2198 = arith.constant 5 : i32
    %shift_right_logical3A_2199 = vector.broadcast %shift_right_logical3A_2198 : i32 to vector<16xi32>
    %shift_right_logical3A_2200 = arith.shrui %get3A_2193, %shift_right_logical3A_2199 : vector<16xi32>
    %and3A_2201 = arith.andi %shift_right_logical3A_2200, %broadcast_in_dim3A_107 : vector<16xi32>
    %shift_right_logical3A_2202 = arith.constant 10 : i32
    %shift_right_logical3A_2203 = vector.broadcast %shift_right_logical3A_2202 : i32 to vector<16xi32>
    %shift_right_logical3A_2204 = arith.shrui %get3A_2193, %shift_right_logical3A_2203 : vector<16xi32>
    %add3A_2205 = arith.addi %mul3A_2197, %and3A_2201 : vector<16xi32>
    %gather3A_2206 = tpu.vector_load_idx %arg7[%add3A_2205] : memref<448xf32, #tpu.memory_space<vmem>>[vector<16xi32>], vector<16xf32>,
    %add3A_2207 = arith.addi %mul3A_2197, %shift_right_logical3A_2204 : vector<16xi32>
    %gather3A_2208 = tpu.vector_load_idx %arg7[%add3A_2207] : memref<448xf32, #tpu.memory_space<vmem>>[vector<16xi32>], vector<16xf32>,
    %add3A_2209 = arith.addf %gather3A_2206, %gather3A_2208 : vector<16xf32>
    %div3A_2210 = arith.constant 1.000000e+00 : f32
    %div3A_2211 = vector.broadcast %div3A_2210 : f32 to vector<16xf32>
    %div3A_2212 = arith.divf %div3A_2211, %add3A_2209 : vector<16xf32>
    %mul3A_2213 = arith.mulf %gather3A_2206, %div3A_2212 : vector<16xf32>
    %swap3A_2214 = arith.constant 7 : i32
    %swap3A_2215 = arith.constant 0 : i32
    %swap3A_2216 = arith.index_cast %swap3A_2214 : i32 to index
    %swap3A_2217 = arith.index_cast %swap3A_2215 : i32 to index
    %swap3A_2218 = arith.constant 0 : index
    %swap3A_2219 = tpu.vector_load %arg9[%swap3A_2216, %swap3A_2217, %swap3A_2218] {strides = array<i32>} : memref<8x2x128xf32, #tpu.memory_space<vmem>>, vector<16xf32>,
    tpu.vector_store %arg9[%swap3A_2216, %swap3A_2217, %swap3A_2218], %mul3A_2213 {strides = array<i32>} : memref<8x2x128xf32, #tpu.memory_space<vmem>>, vector<16xf32>,
    %mul3A_2220 = arith.mulf %gather3A_2208, %div3A_2212 : vector<16xf32>
    %swap3A_2221 = arith.constant 7 : i32
    %swap3A_2222 = arith.constant 1 : i32
    %swap3A_2223 = arith.index_cast %swap3A_2221 : i32 to index
    %swap3A_2224 = arith.index_cast %swap3A_2222 : i32 to index
    %swap3A_2225 = arith.constant 0 : index
    %swap3A_2226 = tpu.vector_load %arg9[%swap3A_2223, %swap3A_2224, %swap3A_2225] {strides = array<i32>} : memref<8x2x128xf32, #tpu.memory_space<vmem>>, vector<16xf32>,
    tpu.vector_store %arg9[%swap3A_2223, %swap3A_2224, %swap3A_2225], %mul3A_2220 {strides = array<i32>} : memref<8x2x128xf32, #tpu.memory_space<vmem>>, vector<16xf32>,
    %get3A_2227 = arith.constant 912 : index
    %get3A_2228 = tpu.vector_load %arg5[%get3A_2227] {strides = array<i32>} : memref<1024xi32, #tpu.memory_space<vmem>>, vector<16xi32>,
    %and3A_2229 = arith.andi %get3A_2228, %broadcast_in_dim3A_107 : vector<16xi32>
    %mul3A_2230 = arith.constant 21 : i32
    %mul3A_2231 = vector.broadcast %mul3A_2230 : i32 to vector<16xi32>
    %mul3A_2232 = arith.muli %and3A_2229, %mul3A_2231 : vector<16xi32>
    %shift_right_logical3A_2233 = arith.constant 5 : i32
    %shift_right_logical3A_2234 = vector.broadcast %shift_right_logical3A_2233 : i32 to vector<16xi32>
    %shift_right_logical3A_2235 = arith.shrui %get3A_2228, %shift_right_logical3A_2234 : vector<16xi32>
    %and3A_2236 = arith.andi %shift_right_logical3A_2235, %broadcast_in_dim3A_107 : vector<16xi32>
    %shift_right_logical3A_2237 = arith.constant 10 : i32
    %shift_right_logical3A_2238 = vector.broadcast %shift_right_logical3A_2237 : i32 to vector<16xi32>
    %shift_right_logical3A_2239 = arith.shrui %get3A_2228, %shift_right_logical3A_2238 : vector<16xi32>
    %add3A_2240 = arith.addi %mul3A_2232, %and3A_2236 : vector<16xi32>
    %gather3A_2241 = tpu.vector_load_idx %arg7[%add3A_2240] : memref<448xf32, #tpu.memory_space<vmem>>[vector<16xi32>], vector<16xf32>,
    %add3A_2242 = arith.addi %mul3A_2232, %shift_right_logical3A_2239 : vector<16xi32>
    %gather3A_2243 = tpu.vector_load_idx %arg7[%add3A_2242] : memref<448xf32, #tpu.memory_space<vmem>>[vector<16xi32>], vector<16xf32>,
    %add3A_2244 = arith.addf %gather3A_2241, %gather3A_2243 : vector<16xf32>
    %div3A_2245 = arith.constant 1.000000e+00 : f32
    %div3A_2246 = vector.broadcast %div3A_2245 : f32 to vector<16xf32>
    %div3A_2247 = arith.divf %div3A_2246, %add3A_2244 : vector<16xf32>
    %mul3A_2248 = arith.mulf %gather3A_2241, %div3A_2247 : vector<16xf32>
    %swap3A_2249 = arith.constant 7 : i32
    %swap3A_2250 = arith.constant 0 : i32
    %swap3A_2251 = arith.index_cast %swap3A_2249 : i32 to index
    %swap3A_2252 = arith.index_cast %swap3A_2250 : i32 to index
    %swap3A_2253 = arith.constant 16 : index
    %swap3A_2254 = tpu.vector_load %arg9[%swap3A_2251, %swap3A_2252, %swap3A_2253] {strides = array<i32>} : memref<8x2x128xf32, #tpu.memory_space<vmem>>, vector<16xf32>,
    tpu.vector_store %arg9[%swap3A_2251, %swap3A_2252, %swap3A_2253], %mul3A_2248 {strides = array<i32>} : memref<8x2x128xf32, #tpu.memory_space<vmem>>, vector<16xf32>,
    %mul3A_2255 = arith.mulf %gather3A_2243, %div3A_2247 : vector<16xf32>
    %swap3A_2256 = arith.constant 7 : i32
    %swap3A_2257 = arith.constant 1 : i32
    %swap3A_2258 = arith.index_cast %swap3A_2256 : i32 to index
    %swap3A_2259 = arith.index_cast %swap3A_2257 : i32 to index
    %swap3A_2260 = arith.constant 16 : index
    %swap3A_2261 = tpu.vector_load %arg9[%swap3A_2258, %swap3A_2259, %swap3A_2260] {strides = array<i32>} : memref<8x2x128xf32, #tpu.memory_space<vmem>>, vector<16xf32>,
    tpu.vector_store %arg9[%swap3A_2258, %swap3A_2259, %swap3A_2260], %mul3A_2255 {strides = array<i32>} : memref<8x2x128xf32, #tpu.memory_space<vmem>>, vector<16xf32>,
    %get3A_2262 = arith.constant 928 : index
    %get3A_2263 = tpu.vector_load %arg5[%get3A_2262] {strides = array<i32>} : memref<1024xi32, #tpu.memory_space<vmem>>, vector<16xi32>,
    %and3A_2264 = arith.andi %get3A_2263, %broadcast_in_dim3A_107 : vector<16xi32>
    %mul3A_2265 = arith.constant 21 : i32
    %mul3A_2266 = vector.broadcast %mul3A_2265 : i32 to vector<16xi32>
    %mul3A_2267 = arith.muli %and3A_2264, %mul3A_2266 : vector<16xi32>
    %shift_right_logical3A_2268 = arith.constant 5 : i32
    %shift_right_logical3A_2269 = vector.broadcast %shift_right_logical3A_2268 : i32 to vector<16xi32>
    %shift_right_logical3A_2270 = arith.shrui %get3A_2263, %shift_right_logical3A_2269 : vector<16xi32>
    %and3A_2271 = arith.andi %shift_right_logical3A_2270, %broadcast_in_dim3A_107 : vector<16xi32>
    %shift_right_logical3A_2272 = arith.constant 10 : i32
    %shift_right_logical3A_2273 = vector.broadcast %shift_right_logical3A_2272 : i32 to vector<16xi32>
    %shift_right_logical3A_2274 = arith.shrui %get3A_2263, %shift_right_logical3A_2273 : vector<16xi32>
    %add3A_2275 = arith.addi %mul3A_2267, %and3A_2271 : vector<16xi32>
    %gather3A_2276 = tpu.vector_load_idx %arg7[%add3A_2275] : memref<448xf32, #tpu.memory_space<vmem>>[vector<16xi32>], vector<16xf32>,
    %add3A_2277 = arith.addi %mul3A_2267, %shift_right_logical3A_2274 : vector<16xi32>
    %gather3A_2278 = tpu.vector_load_idx %arg7[%add3A_2277] : memref<448xf32, #tpu.memory_space<vmem>>[vector<16xi32>], vector<16xf32>,
    %add3A_2279 = arith.addf %gather3A_2276, %gather3A_2278 : vector<16xf32>
    %div3A_2280 = arith.constant 1.000000e+00 : f32
    %div3A_2281 = vector.broadcast %div3A_2280 : f32 to vector<16xf32>
    %div3A_2282 = arith.divf %div3A_2281, %add3A_2279 : vector<16xf32>
    %mul3A_2283 = arith.mulf %gather3A_2276, %div3A_2282 : vector<16xf32>
    %swap3A_2284 = arith.constant 7 : i32
    %swap3A_2285 = arith.constant 0 : i32
    %swap3A_2286 = arith.index_cast %swap3A_2284 : i32 to index
    %swap3A_2287 = arith.index_cast %swap3A_2285 : i32 to index
    %swap3A_2288 = arith.constant 32 : index
    %swap3A_2289 = tpu.vector_load %arg9[%swap3A_2286, %swap3A_2287, %swap3A_2288] {strides = array<i32>} : memref<8x2x128xf32, #tpu.memory_space<vmem>>, vector<16xf32>,
    tpu.vector_store %arg9[%swap3A_2286, %swap3A_2287, %swap3A_2288], %mul3A_2283 {strides = array<i32>} : memref<8x2x128xf32, #tpu.memory_space<vmem>>, vector<16xf32>,
    %mul3A_2290 = arith.mulf %gather3A_2278, %div3A_2282 : vector<16xf32>
    %swap3A_2291 = arith.constant 7 : i32
    %swap3A_2292 = arith.constant 1 : i32
    %swap3A_2293 = arith.index_cast %swap3A_2291 : i32 to index
    %swap3A_2294 = arith.index_cast %swap3A_2292 : i32 to index
    %swap3A_2295 = arith.constant 32 : index
    %swap3A_2296 = tpu.vector_load %arg9[%swap3A_2293, %swap3A_2294, %swap3A_2295] {strides = array<i32>} : memref<8x2x128xf32, #tpu.memory_space<vmem>>, vector<16xf32>,
    tpu.vector_store %arg9[%swap3A_2293, %swap3A_2294, %swap3A_2295], %mul3A_2290 {strides = array<i32>} : memref<8x2x128xf32, #tpu.memory_space<vmem>>, vector<16xf32>,
    %get3A_2297 = arith.constant 944 : index
    %get3A_2298 = tpu.vector_load %arg5[%get3A_2297] {strides = array<i32>} : memref<1024xi32, #tpu.memory_space<vmem>>, vector<16xi32>,
    %and3A_2299 = arith.andi %get3A_2298, %broadcast_in_dim3A_107 : vector<16xi32>
    %mul3A_2300 = arith.constant 21 : i32
    %mul3A_2301 = vector.broadcast %mul3A_2300 : i32 to vector<16xi32>
    %mul3A_2302 = arith.muli %and3A_2299, %mul3A_2301 : vector<16xi32>
    %shift_right_logical3A_2303 = arith.constant 5 : i32
    %shift_right_logical3A_2304 = vector.broadcast %shift_right_logical3A_2303 : i32 to vector<16xi32>
    %shift_right_logical3A_2305 = arith.shrui %get3A_2298, %shift_right_logical3A_2304 : vector<16xi32>
    %and3A_2306 = arith.andi %shift_right_logical3A_2305, %broadcast_in_dim3A_107 : vector<16xi32>
    %shift_right_logical3A_2307 = arith.constant 10 : i32
    %shift_right_logical3A_2308 = vector.broadcast %shift_right_logical3A_2307 : i32 to vector<16xi32>
    %shift_right_logical3A_2309 = arith.shrui %get3A_2298, %shift_right_logical3A_2308 : vector<16xi32>
    %add3A_2310 = arith.addi %mul3A_2302, %and3A_2306 : vector<16xi32>
    %gather3A_2311 = tpu.vector_load_idx %arg7[%add3A_2310] : memref<448xf32, #tpu.memory_space<vmem>>[vector<16xi32>], vector<16xf32>,
    %add3A_2312 = arith.addi %mul3A_2302, %shift_right_logical3A_2309 : vector<16xi32>
    %gather3A_2313 = tpu.vector_load_idx %arg7[%add3A_2312] : memref<448xf32, #tpu.memory_space<vmem>>[vector<16xi32>], vector<16xf32>,
    %add3A_2314 = arith.addf %gather3A_2311, %gather3A_2313 : vector<16xf32>
    %div3A_2315 = arith.constant 1.000000e+00 : f32
    %div3A_2316 = vector.broadcast %div3A_2315 : f32 to vector<16xf32>
    %div3A_2317 = arith.divf %div3A_2316, %add3A_2314 : vector<16xf32>
    %mul3A_2318 = arith.mulf %gather3A_2311, %div3A_2317 : vector<16xf32>
    %swap3A_2319 = arith.constant 7 : i32
    %swap3A_2320 = arith.constant 0 : i32
    %swap3A_2321 = arith.index_cast %swap3A_2319 : i32 to index
    %swap3A_2322 = arith.index_cast %swap3A_2320 : i32 to index
    %swap3A_2323 = arith.constant 48 : index
    %swap3A_2324 = tpu.vector_load %arg9[%swap3A_2321, %swap3A_2322, %swap3A_2323] {strides = array<i32>} : memref<8x2x128xf32, #tpu.memory_space<vmem>>, vector<16xf32>,
    tpu.vector_store %arg9[%swap3A_2321, %swap3A_2322, %swap3A_2323], %mul3A_2318 {strides = array<i32>} : memref<8x2x128xf32, #tpu.memory_space<vmem>>, vector<16xf32>,
    %mul3A_2325 = arith.mulf %gather3A_2313, %div3A_2317 : vector<16xf32>
    %swap3A_2326 = arith.constant 7 : i32
    %swap3A_2327 = arith.constant 1 : i32
    %swap3A_2328 = arith.index_cast %swap3A_2326 : i32 to index
    %swap3A_2329 = arith.index_cast %swap3A_2327 : i32 to index
    %swap3A_2330 = arith.constant 48 : index
    %swap3A_2331 = tpu.vector_load %arg9[%swap3A_2328, %swap3A_2329, %swap3A_2330] {strides = array<i32>} : memref<8x2x128xf32, #tpu.memory_space<vmem>>, vector<16xf32>,
    tpu.vector_store %arg9[%swap3A_2328, %swap3A_2329, %swap3A_2330], %mul3A_2325 {strides = array<i32>} : memref<8x2x128xf32, #tpu.memory_space<vmem>>, vector<16xf32>,
    %get3A_2332 = arith.constant 960 : index
    %get3A_2333 = tpu.vector_load %arg5[%get3A_2332] {strides = array<i32>} : memref<1024xi32, #tpu.memory_space<vmem>>, vector<16xi32>,
    %and3A_2334 = arith.andi %get3A_2333, %broadcast_in_dim3A_107 : vector<16xi32>
    %mul3A_2335 = arith.constant 21 : i32
    %mul3A_2336 = vector.broadcast %mul3A_2335 : i32 to vector<16xi32>
    %mul3A_2337 = arith.muli %and3A_2334, %mul3A_2336 : vector<16xi32>
    %shift_right_logical3A_2338 = arith.constant 5 : i32
    %shift_right_logical3A_2339 = vector.broadcast %shift_right_logical3A_2338 : i32 to vector<16xi32>
    %shift_right_logical3A_2340 = arith.shrui %get3A_2333, %shift_right_logical3A_2339 : vector<16xi32>
    %and3A_2341 = arith.andi %shift_right_logical3A_2340, %broadcast_in_dim3A_107 : vector<16xi32>
    %shift_right_logical3A_2342 = arith.constant 10 : i32
    %shift_right_logical3A_2343 = vector.broadcast %shift_right_logical3A_2342 : i32 to vector<16xi32>
    %shift_right_logical3A_2344 = arith.shrui %get3A_2333, %shift_right_logical3A_2343 : vector<16xi32>
    %add3A_2345 = arith.addi %mul3A_2337, %and3A_2341 : vector<16xi32>
    %gather3A_2346 = tpu.vector_load_idx %arg7[%add3A_2345] : memref<448xf32, #tpu.memory_space<vmem>>[vector<16xi32>], vector<16xf32>,
    %add3A_2347 = arith.addi %mul3A_2337, %shift_right_logical3A_2344 : vector<16xi32>
    %gather3A_2348 = tpu.vector_load_idx %arg7[%add3A_2347] : memref<448xf32, #tpu.memory_space<vmem>>[vector<16xi32>], vector<16xf32>,
    %add3A_2349 = arith.addf %gather3A_2346, %gather3A_2348 : vector<16xf32>
    %div3A_2350 = arith.constant 1.000000e+00 : f32
    %div3A_2351 = vector.broadcast %div3A_2350 : f32 to vector<16xf32>
    %div3A_2352 = arith.divf %div3A_2351, %add3A_2349 : vector<16xf32>
    %mul3A_2353 = arith.mulf %gather3A_2346, %div3A_2352 : vector<16xf32>
    %swap3A_2354 = arith.constant 7 : i32
    %swap3A_2355 = arith.constant 0 : i32
    %swap3A_2356 = arith.index_cast %swap3A_2354 : i32 to index
    %swap3A_2357 = arith.index_cast %swap3A_2355 : i32 to index
    %swap3A_2358 = arith.constant 64 : index
    %swap3A_2359 = tpu.vector_load %arg9[%swap3A_2356, %swap3A_2357, %swap3A_2358] {strides = array<i32>} : memref<8x2x128xf32, #tpu.memory_space<vmem>>, vector<16xf32>,
    tpu.vector_store %arg9[%swap3A_2356, %swap3A_2357, %swap3A_2358], %mul3A_2353 {strides = array<i32>} : memref<8x2x128xf32, #tpu.memory_space<vmem>>, vector<16xf32>,
    %mul3A_2360 = arith.mulf %gather3A_2348, %div3A_2352 : vector<16xf32>
    %swap3A_2361 = arith.constant 7 : i32
    %swap3A_2362 = arith.constant 1 : i32
    %swap3A_2363 = arith.index_cast %swap3A_2361 : i32 to index
    %swap3A_2364 = arith.index_cast %swap3A_2362 : i32 to index
    %swap3A_2365 = arith.constant 64 : index
    %swap3A_2366 = tpu.vector_load %arg9[%swap3A_2363, %swap3A_2364, %swap3A_2365] {strides = array<i32>} : memref<8x2x128xf32, #tpu.memory_space<vmem>>, vector<16xf32>,
    tpu.vector_store %arg9[%swap3A_2363, %swap3A_2364, %swap3A_2365], %mul3A_2360 {strides = array<i32>} : memref<8x2x128xf32, #tpu.memory_space<vmem>>, vector<16xf32>,
    %get3A_2367 = arith.constant 976 : index
    %get3A_2368 = tpu.vector_load %arg5[%get3A_2367] {strides = array<i32>} : memref<1024xi32, #tpu.memory_space<vmem>>, vector<16xi32>,
    %and3A_2369 = arith.andi %get3A_2368, %broadcast_in_dim3A_107 : vector<16xi32>
    %mul3A_2370 = arith.constant 21 : i32
    %mul3A_2371 = vector.broadcast %mul3A_2370 : i32 to vector<16xi32>
    %mul3A_2372 = arith.muli %and3A_2369, %mul3A_2371 : vector<16xi32>
    %shift_right_logical3A_2373 = arith.constant 5 : i32
    %shift_right_logical3A_2374 = vector.broadcast %shift_right_logical3A_2373 : i32 to vector<16xi32>
    %shift_right_logical3A_2375 = arith.shrui %get3A_2368, %shift_right_logical3A_2374 : vector<16xi32>
    %and3A_2376 = arith.andi %shift_right_logical3A_2375, %broadcast_in_dim3A_107 : vector<16xi32>
    %shift_right_logical3A_2377 = arith.constant 10 : i32
    %shift_right_logical3A_2378 = vector.broadcast %shift_right_logical3A_2377 : i32 to vector<16xi32>
    %shift_right_logical3A_2379 = arith.shrui %get3A_2368, %shift_right_logical3A_2378 : vector<16xi32>
    %add3A_2380 = arith.addi %mul3A_2372, %and3A_2376 : vector<16xi32>
    %gather3A_2381 = tpu.vector_load_idx %arg7[%add3A_2380] : memref<448xf32, #tpu.memory_space<vmem>>[vector<16xi32>], vector<16xf32>,
    %add3A_2382 = arith.addi %mul3A_2372, %shift_right_logical3A_2379 : vector<16xi32>
    %gather3A_2383 = tpu.vector_load_idx %arg7[%add3A_2382] : memref<448xf32, #tpu.memory_space<vmem>>[vector<16xi32>], vector<16xf32>,
    %add3A_2384 = arith.addf %gather3A_2381, %gather3A_2383 : vector<16xf32>
    %div3A_2385 = arith.constant 1.000000e+00 : f32
    %div3A_2386 = vector.broadcast %div3A_2385 : f32 to vector<16xf32>
    %div3A_2387 = arith.divf %div3A_2386, %add3A_2384 : vector<16xf32>
    %mul3A_2388 = arith.mulf %gather3A_2381, %div3A_2387 : vector<16xf32>
    %swap3A_2389 = arith.constant 7 : i32
    %swap3A_2390 = arith.constant 0 : i32
    %swap3A_2391 = arith.index_cast %swap3A_2389 : i32 to index
    %swap3A_2392 = arith.index_cast %swap3A_2390 : i32 to index
    %swap3A_2393 = arith.constant 80 : index
    %swap3A_2394 = tpu.vector_load %arg9[%swap3A_2391, %swap3A_2392, %swap3A_2393] {strides = array<i32>} : memref<8x2x128xf32, #tpu.memory_space<vmem>>, vector<16xf32>,
    tpu.vector_store %arg9[%swap3A_2391, %swap3A_2392, %swap3A_2393], %mul3A_2388 {strides = array<i32>} : memref<8x2x128xf32, #tpu.memory_space<vmem>>, vector<16xf32>,
    %mul3A_2395 = arith.mulf %gather3A_2383, %div3A_2387 : vector<16xf32>
    %swap3A_2396 = arith.constant 7 : i32
    %swap3A_2397 = arith.constant 1 : i32
    %swap3A_2398 = arith.index_cast %swap3A_2396 : i32 to index
    %swap3A_2399 = arith.index_cast %swap3A_2397 : i32 to index
    %swap3A_2400 = arith.constant 80 : index
    %swap3A_2401 = tpu.vector_load %arg9[%swap3A_2398, %swap3A_2399, %swap3A_2400] {strides = array<i32>} : memref<8x2x128xf32, #tpu.memory_space<vmem>>, vector<16xf32>,
    tpu.vector_store %arg9[%swap3A_2398, %swap3A_2399, %swap3A_2400], %mul3A_2395 {strides = array<i32>} : memref<8x2x128xf32, #tpu.memory_space<vmem>>, vector<16xf32>,
    %get3A_2402 = arith.constant 992 : index
    %get3A_2403 = tpu.vector_load %arg5[%get3A_2402] {strides = array<i32>} : memref<1024xi32, #tpu.memory_space<vmem>>, vector<16xi32>,
    %and3A_2404 = arith.andi %get3A_2403, %broadcast_in_dim3A_107 : vector<16xi32>
    %mul3A_2405 = arith.constant 21 : i32
    %mul3A_2406 = vector.broadcast %mul3A_2405 : i32 to vector<16xi32>
    %mul3A_2407 = arith.muli %and3A_2404, %mul3A_2406 : vector<16xi32>
    %shift_right_logical3A_2408 = arith.constant 5 : i32
    %shift_right_logical3A_2409 = vector.broadcast %shift_right_logical3A_2408 : i32 to vector<16xi32>
    %shift_right_logical3A_2410 = arith.shrui %get3A_2403, %shift_right_logical3A_2409 : vector<16xi32>
    %and3A_2411 = arith.andi %shift_right_logical3A_2410, %broadcast_in_dim3A_107 : vector<16xi32>
    %shift_right_logical3A_2412 = arith.constant 10 : i32
    %shift_right_logical3A_2413 = vector.broadcast %shift_right_logical3A_2412 : i32 to vector<16xi32>
    %shift_right_logical3A_2414 = arith.shrui %get3A_2403, %shift_right_logical3A_2413 : vector<16xi32>
    %add3A_2415 = arith.addi %mul3A_2407, %and3A_2411 : vector<16xi32>
    %gather3A_2416 = tpu.vector_load_idx %arg7[%add3A_2415] : memref<448xf32, #tpu.memory_space<vmem>>[vector<16xi32>], vector<16xf32>,
    %add3A_2417 = arith.addi %mul3A_2407, %shift_right_logical3A_2414 : vector<16xi32>
    %gather3A_2418 = tpu.vector_load_idx %arg7[%add3A_2417] : memref<448xf32, #tpu.memory_space<vmem>>[vector<16xi32>], vector<16xf32>,
    %add3A_2419 = arith.addf %gather3A_2416, %gather3A_2418 : vector<16xf32>
    %div3A_2420 = arith.constant 1.000000e+00 : f32
    %div3A_2421 = vector.broadcast %div3A_2420 : f32 to vector<16xf32>
    %div3A_2422 = arith.divf %div3A_2421, %add3A_2419 : vector<16xf32>
    %mul3A_2423 = arith.mulf %gather3A_2416, %div3A_2422 : vector<16xf32>
    %swap3A_2424 = arith.constant 7 : i32
    %swap3A_2425 = arith.constant 0 : i32
    %swap3A_2426 = arith.index_cast %swap3A_2424 : i32 to index
    %swap3A_2427 = arith.index_cast %swap3A_2425 : i32 to index
    %swap3A_2428 = arith.constant 96 : index
    %swap3A_2429 = tpu.vector_load %arg9[%swap3A_2426, %swap3A_2427, %swap3A_2428] {strides = array<i32>} : memref<8x2x128xf32, #tpu.memory_space<vmem>>, vector<16xf32>,
    tpu.vector_store %arg9[%swap3A_2426, %swap3A_2427, %swap3A_2428], %mul3A_2423 {strides = array<i32>} : memref<8x2x128xf32, #tpu.memory_space<vmem>>, vector<16xf32>,
    %mul3A_2430 = arith.mulf %gather3A_2418, %div3A_2422 : vector<16xf32>
    %swap3A_2431 = arith.constant 7 : i32
    %swap3A_2432 = arith.constant 1 : i32
    %swap3A_2433 = arith.index_cast %swap3A_2431 : i32 to index
    %swap3A_2434 = arith.index_cast %swap3A_2432 : i32 to index
    %swap3A_2435 = arith.constant 96 : index
    %swap3A_2436 = tpu.vector_load %arg9[%swap3A_2433, %swap3A_2434, %swap3A_2435] {strides = array<i32>} : memref<8x2x128xf32, #tpu.memory_space<vmem>>, vector<16xf32>,
    tpu.vector_store %arg9[%swap3A_2433, %swap3A_2434, %swap3A_2435], %mul3A_2430 {strides = array<i32>} : memref<8x2x128xf32, #tpu.memory_space<vmem>>, vector<16xf32>,
    %get3A_2437 = arith.constant 1008 : index
    %get3A_2438 = tpu.vector_load %arg5[%get3A_2437] {strides = array<i32>} : memref<1024xi32, #tpu.memory_space<vmem>>, vector<16xi32>,
    %and3A_2439 = arith.andi %get3A_2438, %broadcast_in_dim3A_107 : vector<16xi32>
    %mul3A_2440 = arith.constant 21 : i32
    %mul3A_2441 = vector.broadcast %mul3A_2440 : i32 to vector<16xi32>
    %mul3A_2442 = arith.muli %and3A_2439, %mul3A_2441 : vector<16xi32>
    %shift_right_logical3A_2443 = arith.constant 5 : i32
    %shift_right_logical3A_2444 = vector.broadcast %shift_right_logical3A_2443 : i32 to vector<16xi32>
    %shift_right_logical3A_2445 = arith.shrui %get3A_2438, %shift_right_logical3A_2444 : vector<16xi32>
    %and3A_2446 = arith.andi %shift_right_logical3A_2445, %broadcast_in_dim3A_107 : vector<16xi32>
    %shift_right_logical3A_2447 = arith.constant 10 : i32
    %shift_right_logical3A_2448 = vector.broadcast %shift_right_logical3A_2447 : i32 to vector<16xi32>
    %shift_right_logical3A_2449 = arith.shrui %get3A_2438, %shift_right_logical3A_2448 : vector<16xi32>
    %add3A_2450 = arith.addi %mul3A_2442, %and3A_2446 : vector<16xi32>
    %gather3A_2451 = tpu.vector_load_idx %arg7[%add3A_2450] : memref<448xf32, #tpu.memory_space<vmem>>[vector<16xi32>], vector<16xf32>,
    %add3A_2452 = arith.addi %mul3A_2442, %shift_right_logical3A_2449 : vector<16xi32>
    %gather3A_2453 = tpu.vector_load_idx %arg7[%add3A_2452] : memref<448xf32, #tpu.memory_space<vmem>>[vector<16xi32>], vector<16xf32>,
    %add3A_2454 = arith.addf %gather3A_2451, %gather3A_2453 : vector<16xf32>
    %div3A_2455 = arith.constant 1.000000e+00 : f32
    %div3A_2456 = vector.broadcast %div3A_2455 : f32 to vector<16xf32>
    %div3A_2457 = arith.divf %div3A_2456, %add3A_2454 : vector<16xf32>
    %mul3A_2458 = arith.mulf %gather3A_2451, %div3A_2457 : vector<16xf32>
    %swap3A_2459 = arith.constant 7 : i32
    %swap3A_2460 = arith.constant 0 : i32
    %swap3A_2461 = arith.index_cast %swap3A_2459 : i32 to index
    %swap3A_2462 = arith.index_cast %swap3A_2460 : i32 to index
    %swap3A_2463 = arith.constant 112 : index
    %swap3A_2464 = tpu.vector_load %arg9[%swap3A_2461, %swap3A_2462, %swap3A_2463] {strides = array<i32>} : memref<8x2x128xf32, #tpu.memory_space<vmem>>, vector<16xf32>,
    tpu.vector_store %arg9[%swap3A_2461, %swap3A_2462, %swap3A_2463], %mul3A_2458 {strides = array<i32>} : memref<8x2x128xf32, #tpu.memory_space<vmem>>, vector<16xf32>,
    %mul3A_2465 = arith.mulf %gather3A_2453, %div3A_2457 : vector<16xf32>
    %swap3A_2466 = arith.constant 7 : i32
    %swap3A_2467 = arith.constant 1 : i32
    %swap3A_2468 = arith.index_cast %swap3A_2466 : i32 to index
    %swap3A_2469 = arith.index_cast %swap3A_2467 : i32 to index
    %swap3A_2470 = arith.constant 112 : index
    %swap3A_2471 = tpu.vector_load %arg9[%swap3A_2468, %swap3A_2469, %swap3A_2470] {strides = array<i32>} : memref<8x2x128xf32, #tpu.memory_space<vmem>>, vector<16xf32>,
    tpu.vector_store %arg9[%swap3A_2468, %swap3A_2469, %swap3A_2470], %mul3A_2465 {strides = array<i32>} : memref<8x2x128xf32, #tpu.memory_space<vmem>>, vector<16xf32>,
    %mul3A_2472 = arith.constant 8 : i32
    %mul3A_2473 = arith.muli %add3A, %mul3A_2472 : i32
    %add3A_2474 = arith.constant 7 : i32
    %add3A_2475 = arith.addi %mul3A_2473, %add3A_2474 : i32
    %dma_start3A_2476 = arith.constant 7 : i32
    %dma_start3A_2477 = arith.constant 0 : i32
    %dma_start3A_2478 = arith.constant 0 : i32
    %dma_start3A_2479 = tpu.memref_slice %arg9[%dma_start3A_2476, %dma_start3A_2477, %dma_start3A_2478] : memref<8x2x128xf32, #tpu.memory_space<vmem>> -> memref<1x2x128xf32, #tpu.memory_space<vmem>>
    %dma_start3A_2480 = arith.constant 0 : i32
    %dma_start3A_2481 = arith.constant 0 : i32
    %dma_start3A_2482 = tpu.memref_slice %arg4[%add3A_2475, %dma_start3A_2480, %dma_start3A_2481] : memref<128x2x128xf32, #tpu.memory_space<hbm>> -> memref<1x2x128xf32, #tpu.memory_space<hbm>>
    %dma_start3A_2483 = arith.constant 0 : i32
    %dma_start3A_2484 = arith.constant 0 : i32
    %dma_start3A_2485 = tpu.memref_slice %arg4[%add3A_2475, %dma_start3A_2483, %dma_start3A_2484] : memref<128x2x128xf32, #tpu.memory_space<hbm>> -> memref<1x2x128xf32, #tpu.memory_space<hbm>>
    %dma_start3A_2486 = arith.constant 7 : i32
    %dma_start3A_2487 = arith.constant 0 : i32
    %dma_start3A_2488 = arith.constant 0 : i32
    %dma_start3A_2489 = tpu.memref_slice %arg9[%dma_start3A_2486, %dma_start3A_2487, %dma_start3A_2488] : memref<8x2x128xf32, #tpu.memory_space<vmem>> -> memref<1x2x128xf32, #tpu.memory_space<vmem>>
    tpu.enqueue_dma source(%dma_start3A_2489 : memref<1x2x128xf32, #tpu.memory_space<vmem>>) target(%dma_start3A_2485 : memref<1x2x128xf32, #tpu.memory_space<hbm>>) target_semaphore(%arg11 : memref<!tpu.dma_semaphore, #tpu.memory_space<semaphore_mem>>)
    %dma_wait3A_2490 = arith.constant 0 : i32
    %dma_wait3A_2491 = arith.constant 0 : i32
    %dma_wait3A_2492 = arith.constant 0 : i32
    %dma_wait3A_2493 = tpu.memref_slice %arg9[%dma_wait3A_2490, %dma_wait3A_2491, %dma_wait3A_2492] : memref<8x2x128xf32, #tpu.memory_space<vmem>> -> memref<1x2x128xf32, #tpu.memory_space<vmem>>
    %dma_wait3A_2494 = arith.constant 0 : i32
    %dma_wait3A_2495 = arith.constant 0 : i32
    %dma_wait3A_2496 = tpu.memref_slice %arg4[%add3A_389, %dma_wait3A_2494, %dma_wait3A_2495] : memref<128x2x128xf32, #tpu.memory_space<hbm>> -> memref<1x2x128xf32, #tpu.memory_space<hbm>>
    %dma_wait3A_2497 = arith.constant 0 : i32
    %dma_wait3A_2498 = arith.constant 0 : i32
    %dma_wait3A_2499 = tpu.memref_slice %arg4[%add3A_389, %dma_wait3A_2497, %dma_wait3A_2498] : memref<128x2x128xf32, #tpu.memory_space<hbm>> -> memref<1x2x128xf32, #tpu.memory_space<hbm>>
    %dma_wait3A_2500 = arith.constant 0 : i32
    %dma_wait3A_2501 = arith.constant 0 : i32
    %dma_wait3A_2502 = arith.constant 0 : i32
    %dma_wait3A_2503 = tpu.memref_slice %arg9[%dma_wait3A_2500, %dma_wait3A_2501, %dma_wait3A_2502] : memref<8x2x128xf32, #tpu.memory_space<vmem>> -> memref<1x2x128xf32, #tpu.memory_space<vmem>>
    tpu.wait_dma2 semaphore(%arg11 : memref<!tpu.dma_semaphore, #tpu.memory_space<semaphore_mem>>) src(%dma_wait3A_2503 : memref<1x2x128xf32, #tpu.memory_space<vmem>>) dst(%dma_wait3A_2499 : memref<1x2x128xf32, #tpu.memory_space<hbm>>)
    %dma_wait3A_2504 = arith.constant 1 : i32
    %dma_wait3A_2505 = arith.constant 0 : i32
    %dma_wait3A_2506 = arith.constant 0 : i32
    %dma_wait3A_2507 = tpu.memref_slice %arg9[%dma_wait3A_2504, %dma_wait3A_2505, %dma_wait3A_2506] : memref<8x2x128xf32, #tpu.memory_space<vmem>> -> memref<1x2x128xf32, #tpu.memory_space<vmem>>
    %dma_wait3A_2508 = arith.constant 0 : i32
    %dma_wait3A_2509 = arith.constant 0 : i32
    %dma_wait3A_2510 = tpu.memref_slice %arg4[%add3A_687, %dma_wait3A_2508, %dma_wait3A_2509] : memref<128x2x128xf32, #tpu.memory_space<hbm>> -> memref<1x2x128xf32, #tpu.memory_space<hbm>>
    %dma_wait3A_2511 = arith.constant 0 : i32
    %dma_wait3A_2512 = arith.constant 0 : i32
    %dma_wait3A_2513 = tpu.memref_slice %arg4[%add3A_687, %dma_wait3A_2511, %dma_wait3A_2512] : memref<128x2x128xf32, #tpu.memory_space<hbm>> -> memref<1x2x128xf32, #tpu.memory_space<hbm>>
    %dma_wait3A_2514 = arith.constant 1 : i32
    %dma_wait3A_2515 = arith.constant 0 : i32
    %dma_wait3A_2516 = arith.constant 0 : i32
    %dma_wait3A_2517 = tpu.memref_slice %arg9[%dma_wait3A_2514, %dma_wait3A_2515, %dma_wait3A_2516] : memref<8x2x128xf32, #tpu.memory_space<vmem>> -> memref<1x2x128xf32, #tpu.memory_space<vmem>>
    tpu.wait_dma2 semaphore(%arg11 : memref<!tpu.dma_semaphore, #tpu.memory_space<semaphore_mem>>) src(%dma_wait3A_2517 : memref<1x2x128xf32, #tpu.memory_space<vmem>>) dst(%dma_wait3A_2513 : memref<1x2x128xf32, #tpu.memory_space<hbm>>)
    %dma_wait3A_2518 = arith.constant 2 : i32
    %dma_wait3A_2519 = arith.constant 0 : i32
    %dma_wait3A_2520 = arith.constant 0 : i32
    %dma_wait3A_2521 = tpu.memref_slice %arg9[%dma_wait3A_2518, %dma_wait3A_2519, %dma_wait3A_2520] : memref<8x2x128xf32, #tpu.memory_space<vmem>> -> memref<1x2x128xf32, #tpu.memory_space<vmem>>
    %dma_wait3A_2522 = arith.constant 0 : i32
    %dma_wait3A_2523 = arith.constant 0 : i32
    %dma_wait3A_2524 = tpu.memref_slice %arg4[%add3A_985, %dma_wait3A_2522, %dma_wait3A_2523] : memref<128x2x128xf32, #tpu.memory_space<hbm>> -> memref<1x2x128xf32, #tpu.memory_space<hbm>>
    %dma_wait3A_2525 = arith.constant 0 : i32
    %dma_wait3A_2526 = arith.constant 0 : i32
    %dma_wait3A_2527 = tpu.memref_slice %arg4[%add3A_985, %dma_wait3A_2525, %dma_wait3A_2526] : memref<128x2x128xf32, #tpu.memory_space<hbm>> -> memref<1x2x128xf32, #tpu.memory_space<hbm>>
    %dma_wait3A_2528 = arith.constant 2 : i32
    %dma_wait3A_2529 = arith.constant 0 : i32
    %dma_wait3A_2530 = arith.constant 0 : i32
    %dma_wait3A_2531 = tpu.memref_slice %arg9[%dma_wait3A_2528, %dma_wait3A_2529, %dma_wait3A_2530] : memref<8x2x128xf32, #tpu.memory_space<vmem>> -> memref<1x2x128xf32, #tpu.memory_space<vmem>>
    tpu.wait_dma2 semaphore(%arg11 : memref<!tpu.dma_semaphore, #tpu.memory_space<semaphore_mem>>) src(%dma_wait3A_2531 : memref<1x2x128xf32, #tpu.memory_space<vmem>>) dst(%dma_wait3A_2527 : memref<1x2x128xf32, #tpu.memory_space<hbm>>)
    %dma_wait3A_2532 = arith.constant 3 : i32
    %dma_wait3A_2533 = arith.constant 0 : i32
    %dma_wait3A_2534 = arith.constant 0 : i32
    %dma_wait3A_2535 = tpu.memref_slice %arg9[%dma_wait3A_2532, %dma_wait3A_2533, %dma_wait3A_2534] : memref<8x2x128xf32, #tpu.memory_space<vmem>> -> memref<1x2x128xf32, #tpu.memory_space<vmem>>
    %dma_wait3A_2536 = arith.constant 0 : i32
    %dma_wait3A_2537 = arith.constant 0 : i32
    %dma_wait3A_2538 = tpu.memref_slice %arg4[%add3A_1283, %dma_wait3A_2536, %dma_wait3A_2537] : memref<128x2x128xf32, #tpu.memory_space<hbm>> -> memref<1x2x128xf32, #tpu.memory_space<hbm>>
    %dma_wait3A_2539 = arith.constant 0 : i32
    %dma_wait3A_2540 = arith.constant 0 : i32
    %dma_wait3A_2541 = tpu.memref_slice %arg4[%add3A_1283, %dma_wait3A_2539, %dma_wait3A_2540] : memref<128x2x128xf32, #tpu.memory_space<hbm>> -> memref<1x2x128xf32, #tpu.memory_space<hbm>>
    %dma_wait3A_2542 = arith.constant 3 : i32
    %dma_wait3A_2543 = arith.constant 0 : i32
    %dma_wait3A_2544 = arith.constant 0 : i32
    %dma_wait3A_2545 = tpu.memref_slice %arg9[%dma_wait3A_2542, %dma_wait3A_2543, %dma_wait3A_2544] : memref<8x2x128xf32, #tpu.memory_space<vmem>> -> memref<1x2x128xf32, #tpu.memory_space<vmem>>
    tpu.wait_dma2 semaphore(%arg11 : memref<!tpu.dma_semaphore, #tpu.memory_space<semaphore_mem>>) src(%dma_wait3A_2545 : memref<1x2x128xf32, #tpu.memory_space<vmem>>) dst(%dma_wait3A_2541 : memref<1x2x128xf32, #tpu.memory_space<hbm>>)
    %dma_wait3A_2546 = arith.constant 4 : i32
    %dma_wait3A_2547 = arith.constant 0 : i32
    %dma_wait3A_2548 = arith.constant 0 : i32
    %dma_wait3A_2549 = tpu.memref_slice %arg9[%dma_wait3A_2546, %dma_wait3A_2547, %dma_wait3A_2548] : memref<8x2x128xf32, #tpu.memory_space<vmem>> -> memref<1x2x128xf32, #tpu.memory_space<vmem>>
    %dma_wait3A_2550 = arith.constant 0 : i32
    %dma_wait3A_2551 = arith.constant 0 : i32
    %dma_wait3A_2552 = tpu.memref_slice %arg4[%add3A_1581, %dma_wait3A_2550, %dma_wait3A_2551] : memref<128x2x128xf32, #tpu.memory_space<hbm>> -> memref<1x2x128xf32, #tpu.memory_space<hbm>>
    %dma_wait3A_2553 = arith.constant 0 : i32
    %dma_wait3A_2554 = arith.constant 0 : i32
    %dma_wait3A_2555 = tpu.memref_slice %arg4[%add3A_1581, %dma_wait3A_2553, %dma_wait3A_2554] : memref<128x2x128xf32, #tpu.memory_space<hbm>> -> memref<1x2x128xf32, #tpu.memory_space<hbm>>
    %dma_wait3A_2556 = arith.constant 4 : i32
    %dma_wait3A_2557 = arith.constant 0 : i32
    %dma_wait3A_2558 = arith.constant 0 : i32
    %dma_wait3A_2559 = tpu.memref_slice %arg9[%dma_wait3A_2556, %dma_wait3A_2557, %dma_wait3A_2558] : memref<8x2x128xf32, #tpu.memory_space<vmem>> -> memref<1x2x128xf32, #tpu.memory_space<vmem>>
    tpu.wait_dma2 semaphore(%arg11 : memref<!tpu.dma_semaphore, #tpu.memory_space<semaphore_mem>>) src(%dma_wait3A_2559 : memref<1x2x128xf32, #tpu.memory_space<vmem>>) dst(%dma_wait3A_2555 : memref<1x2x128xf32, #tpu.memory_space<hbm>>)
    %dma_wait3A_2560 = arith.constant 5 : i32
    %dma_wait3A_2561 = arith.constant 0 : i32
    %dma_wait3A_2562 = arith.constant 0 : i32
    %dma_wait3A_2563 = tpu.memref_slice %arg9[%dma_wait3A_2560, %dma_wait3A_2561, %dma_wait3A_2562] : memref<8x2x128xf32, #tpu.memory_space<vmem>> -> memref<1x2x128xf32, #tpu.memory_space<vmem>>
    %dma_wait3A_2564 = arith.constant 0 : i32
    %dma_wait3A_2565 = arith.constant 0 : i32
    %dma_wait3A_2566 = tpu.memref_slice %arg4[%add3A_1879, %dma_wait3A_2564, %dma_wait3A_2565] : memref<128x2x128xf32, #tpu.memory_space<hbm>> -> memref<1x2x128xf32, #tpu.memory_space<hbm>>
    %dma_wait3A_2567 = arith.constant 0 : i32
    %dma_wait3A_2568 = arith.constant 0 : i32
    %dma_wait3A_2569 = tpu.memref_slice %arg4[%add3A_1879, %dma_wait3A_2567, %dma_wait3A_2568] : memref<128x2x128xf32, #tpu.memory_space<hbm>> -> memref<1x2x128xf32, #tpu.memory_space<hbm>>
    %dma_wait3A_2570 = arith.constant 5 : i32
    %dma_wait3A_2571 = arith.constant 0 : i32
    %dma_wait3A_2572 = arith.constant 0 : i32
    %dma_wait3A_2573 = tpu.memref_slice %arg9[%dma_wait3A_2570, %dma_wait3A_2571, %dma_wait3A_2572] : memref<8x2x128xf32, #tpu.memory_space<vmem>> -> memref<1x2x128xf32, #tpu.memory_space<vmem>>
    tpu.wait_dma2 semaphore(%arg11 : memref<!tpu.dma_semaphore, #tpu.memory_space<semaphore_mem>>) src(%dma_wait3A_2573 : memref<1x2x128xf32, #tpu.memory_space<vmem>>) dst(%dma_wait3A_2569 : memref<1x2x128xf32, #tpu.memory_space<hbm>>)
    %dma_wait3A_2574 = arith.constant 6 : i32
    %dma_wait3A_2575 = arith.constant 0 : i32
    %dma_wait3A_2576 = arith.constant 0 : i32
    %dma_wait3A_2577 = tpu.memref_slice %arg9[%dma_wait3A_2574, %dma_wait3A_2575, %dma_wait3A_2576] : memref<8x2x128xf32, #tpu.memory_space<vmem>> -> memref<1x2x128xf32, #tpu.memory_space<vmem>>
    %dma_wait3A_2578 = arith.constant 0 : i32
    %dma_wait3A_2579 = arith.constant 0 : i32
    %dma_wait3A_2580 = tpu.memref_slice %arg4[%add3A_2177, %dma_wait3A_2578, %dma_wait3A_2579] : memref<128x2x128xf32, #tpu.memory_space<hbm>> -> memref<1x2x128xf32, #tpu.memory_space<hbm>>
    %dma_wait3A_2581 = arith.constant 0 : i32
    %dma_wait3A_2582 = arith.constant 0 : i32
    %dma_wait3A_2583 = tpu.memref_slice %arg4[%add3A_2177, %dma_wait3A_2581, %dma_wait3A_2582] : memref<128x2x128xf32, #tpu.memory_space<hbm>> -> memref<1x2x128xf32, #tpu.memory_space<hbm>>
    %dma_wait3A_2584 = arith.constant 6 : i32
    %dma_wait3A_2585 = arith.constant 0 : i32
    %dma_wait3A_2586 = arith.constant 0 : i32
    %dma_wait3A_2587 = tpu.memref_slice %arg9[%dma_wait3A_2584, %dma_wait3A_2585, %dma_wait3A_2586] : memref<8x2x128xf32, #tpu.memory_space<vmem>> -> memref<1x2x128xf32, #tpu.memory_space<vmem>>
    tpu.wait_dma2 semaphore(%arg11 : memref<!tpu.dma_semaphore, #tpu.memory_space<semaphore_mem>>) src(%dma_wait3A_2587 : memref<1x2x128xf32, #tpu.memory_space<vmem>>) dst(%dma_wait3A_2583 : memref<1x2x128xf32, #tpu.memory_space<hbm>>)
    %dma_wait3A_2588 = arith.constant 7 : i32
    %dma_wait3A_2589 = arith.constant 0 : i32
    %dma_wait3A_2590 = arith.constant 0 : i32
    %dma_wait3A_2591 = tpu.memref_slice %arg9[%dma_wait3A_2588, %dma_wait3A_2589, %dma_wait3A_2590] : memref<8x2x128xf32, #tpu.memory_space<vmem>> -> memref<1x2x128xf32, #tpu.memory_space<vmem>>
    %dma_wait3A_2592 = arith.constant 0 : i32
    %dma_wait3A_2593 = arith.constant 0 : i32
    %dma_wait3A_2594 = tpu.memref_slice %arg4[%add3A_2475, %dma_wait3A_2592, %dma_wait3A_2593] : memref<128x2x128xf32, #tpu.memory_space<hbm>> -> memref<1x2x128xf32, #tpu.memory_space<hbm>>
    %dma_wait3A_2595 = arith.constant 0 : i32
    %dma_wait3A_2596 = arith.constant 0 : i32
    %dma_wait3A_2597 = tpu.memref_slice %arg4[%add3A_2475, %dma_wait3A_2595, %dma_wait3A_2596] : memref<128x2x128xf32, #tpu.memory_space<hbm>> -> memref<1x2x128xf32, #tpu.memory_space<hbm>>
    %dma_wait3A_2598 = arith.constant 7 : i32
    %dma_wait3A_2599 = arith.constant 0 : i32
    %dma_wait3A_2600 = arith.constant 0 : i32
    %dma_wait3A_2601 = tpu.memref_slice %arg9[%dma_wait3A_2598, %dma_wait3A_2599, %dma_wait3A_2600] : memref<8x2x128xf32, #tpu.memory_space<vmem>> -> memref<1x2x128xf32, #tpu.memory_space<vmem>>
    tpu.wait_dma2 semaphore(%arg11 : memref<!tpu.dma_semaphore, #tpu.memory_space<semaphore_mem>>) src(%dma_wait3A_2601 : memref<1x2x128xf32, #tpu.memory_space<vmem>>) dst(%dma_wait3A_2597 : memref<1x2x128xf32, #tpu.memory_space<hbm>>)
    return
  }
}

</mosaic_0001>

<sc_bundles>
// kernel: kernel.3.cloned.1.call-start
scs
__scs_entry_jumppad:
0x0: {  	(pc) =	sbr.rel $0x88, $3  }
0x1: {  	(tag) =	ssettag $0x0;
	lr =	simm.s32 $0x1  }
0x2: {  	[smem:$0x3F9F] =	sst lr;
	_ =	strace $0xD0000000  }
0x3: {  	_ = 	snop  }
0x4: {  	_ = 	snop  }
0x5: {  	_ = 	snop  }
0x6: {  	_ = 	snop  }
0x7: {  	_ = 	snop  }
__scs_overlays_trampoline_lowered:
0x8: {  	[smem:$0x3FAE] =	sst s0  }
0x9: {  	[smem:$0x3FAF] =	sst s1  }
0xa: {  	[smem:$0x3FB0] =	sst s2  }
0xb: {  	[smem:$0x3FB1] =	sst s3  }
0xc: {  	[smem:$0x3FB2] =	sst s4  }
0xd: {  	[smem:$0x3FB3] =	sst s5  }
0xe: {  	[smem:$0x3FB4] =	sst s6  }
0xf: {  	[smem:$0x3FB5] =	sst s7  }
0x10: {  	[smem:$0x3FB6] =	sst s8  }
0x11: {  	[smem:$0x3FB7] =	sst s9;
	s0 =	simm.s32 @!p0 $0x0  }
0x12: {  	s1 =	sld [smem:$0x3F9D];
	s0 =	simm.s32 @p0 $0x1  }
0x13: {  	[smem:$0x3FB8] =	sst s0;
	s0 =	simm.s32 @!p1 $0x0  }
0x14: {  	s2 =	sld [smem:$0x3F9C];
	s0 =	simm.s32 @p1 $0x1  }
0x15: {  	[smem:$0x3FB9] =	sst s0;
	s0 =	simm.s32 @!p2 $0x0  }
0x16: {  	s3 =	sld [smem:$0x3FDB];
	s0 =	simm.s32 @p2 $0x1  }
0x17: {  	s4 =	simm.s32 $0x1BF5;
	[smem:$0x3FBB] =	sst s0  }
0x18: {  	s0 =	sld [smem:$0x3F9E];
	_ =	swait.ge [sflag:s4], $0x0  }
0x19: {  	s7 =	sld [smem:$0x3F9F]  }
0x1a: {  	s8 =	sadd.s32 $0xFFFFE003, lr  }
0x1b: {  	s9 =	sadd.s32 $0xFFFFFEF7, lr;
	s5 =	simm.s32 $0xFFFFFFFF;
	p2 =	slt.u32 s8, $0xFFFFF086  }
0x1c: {  	p1 =	slt.u32 s9, $0xF7A;
	s5 =	simm.s32 @!p2 $0x0  }
0x1d: {  	s5 =	simm.s32 @p1 $0x1;
	p0 =	seq.s32 s7, s2  }
0x1e: {  	s7 =	smul.u32 @!p0 $0xF7A, s2;
	p2 =	seq.s32 @!p0 s5, $0x0  }
0x1f: {  	s9 =	smul.u32 $0xF7A, s1;
	s8 =	simm.s32 @!p0 $0x1BF5;
	p2 =	por !p2, p0  }
0x20: {  	[sflag:s8] =	ssyncset.s32 @!p0 $0xFFFFF086;
	s6 =	sadd.s32 @!p0 s3, s7;
	s7 =	simm.s32 @!p0 $0x108  }
0x21: {  	s3 =	sadd.s32 s3, s9;
	s6 =	sadd.s32 @!p0 $0x88, s6;
	s7 =	simm.s32 @p2 $0x1082  }
0x22: {  	[simem:s7], [sflag:s8] =	dma.local @!p0 [hbm:s6], $0xF7A  }
0x23: {  	s9 =	sor.u32 $0xD0000000, s2;
	s6 =	simm.s32 $0x108;
	_ =	swait.ge @!p0 [sflag:s8], $0x0  }
0x24: {  	s3 =	sadd.s32 $0x88, s3;
	s6 =	simm.s32 @!p1 $0x1082;
	[sflag:s4] =	ssyncset.s32 $0xFFFFF086  }
0x25: {  	[simem:s6], [sflag:s4] =	dma.local [hbm:s3], $0xF7A  }
0x26: {  	[smem:$0x3F9F] =	sst s1;
	(tag) =	ssettag s2;
	_ =	strace s9  }
0x27: {  	s1 =	sld [smem:$0x3FAF]  }
0x28: {  	s2 =	sld [smem:$0x3FB0]  }
0x29: {  	s4 =	sld [smem:$0x3FB2]  }
0x2a: {  	p0 =	seq.s32 s5, $0x0;
	s5 =	sld [smem:$0x3FB3]  }
0x2b: {  	s6 =	sld [smem:$0x3FB4]  }
0x2c: {  	s7 =	sld [smem:$0x3FB5]  }
0x2d: {  	s3 =	simm.s32 $0x108;
	s8 =	sld [smem:$0x3FB6]  }
0x2e: {  	s3 =	simm.s32 @!p0 $0x1082;
	s9 =	sld [smem:$0x3FB7]  }
0x2f: {  	lr =	sadd.s32 s0, s3;
	s0 =	sld [smem:$0x3FAE]  }
0x30: {  	s3 =	sld [smem:$0x3FB1]  }
0x31: {  	[smem:$0x3FBA] =	sst s10  }
0x32: {  	s10 =	sld [smem:$0x3FB8];
	_ =	sdelay $0x3  }
0x33: {  	p0 =	seq.s32 s10, $0x1;
	s10 =	sld [smem:$0x3FBA];
	_ =	sdelay $0x3  }
0x34: {  	[smem:$0x3FBA] =	sst s10  }
0x35: {  	s10 =	sld [smem:$0x3FB9];
	_ =	sdelay $0x3  }
0x36: {  	p1 =	seq.s32 s10, $0x1;
	s10 =	sld [smem:$0x3FBA];
	_ =	sdelay $0x3  }
0x37: {  	[smem:$0x3FBA] =	sst s10  }
0x38: {  	s10 =	sld [smem:$0x3FBB]  }
0x39: {  	_ = 	snop;
	(pc) =	sbr.ind lr, $3  }
0x3a: {  	_ = 	snop  }
0x3b: {  	_ = 	snop  }
0x3c: {  	p2 =	seq.s32 s10, $0x1;
	s10 =	sld [smem:$0x3FBA]  }
0x3d: {  	_ =	shalt  }
0x3e: {  	_ =	shalt  }
0x3f: {  	_ =	shalt  }
0x40: {  	_ =	shalt  }
0x41: {  	_ =	shalt  }
0x42: {  	_ =	shalt  }
0x43: {  	_ =	shalt  }
0x44: {  	_ =	shalt  }
0x45: {  	_ =	shalt  }
0x46: {  	_ =	shalt  }
0x47: {  	_ =	shalt  }
0x48: {  	_ =	shalt  }
0x49: {  	_ =	shalt  }
0x4a: {  	_ =	shalt  }
0x4b: {  	_ =	shalt  }
0x4c: {  	_ =	shalt  }
0x4d: {  	_ =	shalt  }
0x4e: {  	_ =	shalt  }
0x4f: {  	_ =	shalt  }
0x50: {  	_ =	shalt  }
0x51: {  	_ =	shalt  }
0x52: {  	_ =	shalt  }
0x53: {  	_ =	shalt  }
0x54: {  	_ =	shalt  }
0x55: {  	_ =	shalt  }
0x56: {  	_ =	shalt  }
0x57: {  	_ =	shalt  }
0x58: {  	_ =	shalt  }
0x59: {  	_ =	shalt  }
0x5a: {  	_ =	shalt  }
0x5b: {  	_ =	shalt  }
0x5c: {  	_ =	shalt  }
0x5d: {  	_ =	shalt  }
0x5e: {  	_ =	shalt  }
0x5f: {  	_ =	shalt  }
0x60: {  	_ =	shalt  }
0x61: {  	_ =	shalt  }
0x62: {  	_ =	shalt  }
0x63: {  	_ =	shalt  }
0x64: {  	_ =	shalt  }
0x65: {  	_ =	shalt  }
0x66: {  	_ =	shalt  }
0x67: {  	_ =	shalt  }
0x68: {  	_ =	shalt  }
0x69: {  	_ =	shalt  }
0x6a: {  	_ =	shalt  }
0x6b: {  	_ =	shalt  }
0x6c: {  	_ =	shalt  }
0x6d: {  	_ =	shalt  }
0x6e: {  	_ =	shalt  }
0x6f: {  	_ =	shalt  }
0x70: {  	_ =	shalt  }
0x71: {  	_ =	shalt  }
0x72: {  	_ =	shalt  }
0x73: {  	_ =	shalt  }
0x74: {  	_ =	shalt  }
0x75: {  	_ =	shalt  }
0x76: {  	_ =	shalt  }
0x77: {  	_ =	shalt  }
0x78: {  	_ =	shalt  }
0x79: {  	_ =	shalt  }
0x7a: {  	_ =	shalt  }
0x7b: {  	_ =	shalt  }
0x7c: {  	_ =	shalt  }
0x7d: {  	_ =	shalt  }
0x7e: {  	_ =	shalt  }
0x7f: {  	_ =	shalt  }
0x80: {  	_ =	shalt  }
0x81: {  	_ =	shalt  }
0x82: {  	_ =	shalt  }
0x83: {  	_ =	shalt  }
0x84: {  	_ =	shalt  }
0x85: {  	_ =	shalt  }
0x86: {  	_ =	shalt  }
0x87: {  	_ =	shalt  }
.Lfunc_end0:
.L_simem_size_0:
called_computation_lowered:
.L_overlay_start_0:
0x88: {  	s0 =	sld [smem:$0x3FD9]  }
0x89: {  	s1 =	sld [smem:$0x3FFE];
	_ =	sdelay $0x3  }
0x8a: {  	s0 =	sadd.s32 s1, s0  }
0x8b: {  	[smem:$0x3FC6] =	sst s0  }
0x8c: {  	_ = 	snop  }
0x8d: {  	s0 =	sld [smem:$0x3FD0];
	(tm) =	ssettm $0x1  }
0x8e: {  	s16 =	sld [smem:$0x3FFB];
	_ =	sdelay $0x3  }
0x8f: {  	_ =	strace s16  }
0x90: {  	s1 =	sld [smem:$0x3FFC];
	_ =	sdelay $0x3  }
0x91: {  	_ =	strace s1  }
0x92: {  	s1 =	sld [smem:$0x3FFD];
	_ =	sdelay $0x3  }
0x93: {  	_ =	strace s1  }
0x94: {  	_ =	strace $0x8FFFFFFF  }
0x95: {  	s17 =	sld [smem:$0x3FDB];
	_ =	sdelay $0x1  }
0x96: {  	s2 =	simm.s32 $_scs_section_size  }
0x97: {  	s3 =	simm.s32 $_size__tile_overlayer_lowered;
	s4 =	simm.s32 $_tile_overlayer_lowered  }
0x98: {  	s20 =	simm.s32 $0x1BFF;
	s19 =	sshll.u32 s4, $0x1;
	s1 =	sadd.s32 s2, s17  }
0x99: {  	s5 =	simm.s32 $0x0;
	s18 =	sshll.u32 s3, $0x1;
	s3 =	sadd.s32 s19, s1  }
0x9a: {  	[timem:s5], [sflag:s20] =	dma.local [hbm:s3], s18  }
0x9b: {  	_ =	swait.ge [sflag:s20], s18  }
0x9c: {  	s2 =	ssub.s32 $0x0, s18;
	[sflag:s20] =	ssyncset.done $0x0  }
0x9d: {  	[sflag:s20] =	ssyncadd.s32 s2;
	_ =	sdelay $0x1  }
0x9e: {  	s21 =	simm.s32 $0x1B8B  }
0x9f: {  	_ =	swait.ge [sflag:s21], $0x1  }
0xa0: {  	[sflag:s21] =	ssyncset.done $0x0  }
0xa1: {  	s23 =	simm.s32 $0x1B8E;
	s22 =	sld [smem:$0x3FFE];
	[sflag:s21] =	ssyncadd.s32 $0xFFFFFFFF  }
0xa2: {  	s24 =	simm.s32 $execute0_lowered;
	[smem:$0x3FD2] =	sst s23  }
0xa3: {  	s3 =	sshll.u32 s24, $0x1;
	_ =	strace $0x80000046;
	[dreg:$0x1] =	wrdreg $0xFFFFFFFF  }
0xa4: {  	s25 =	simm.s32 $_size_execute0_lowered;
	s1 =	sadd.s32 s1, s3;
	[dreg:$0x0] =	wrdreg $0x0  }
0xa5: {  	s3 =	sshll.u32 s25, $0x1;
	[dreg:$0x2] =	wrdreg s1  }
0xa6: {  	[dreg:$0x3] =	wrdreg s3  }
0xa7: {  	[dreg:$0x4] =	wrdreg $0xC0  }
0xa8: {  	_ =	task [dreg:s5], $0x5FFFF  }
0xa9: {  	[dreg:$0x1] =	wrdreg $0xFFFFFFFF  }
0xaa: {  	[dreg:$0x0] =	wrdreg $0x60  }
0xab: {  	[dreg:$0x2] =	wrdreg s22  }
0xac: {  	[dreg:$0x3] =	wrdreg s0  }
0xad: {  	[dreg:$0x4] =	wrdreg $0xE100  }
0xae: {  	[dreg:$0x5] =	wrdreg $0x9  }
0xaf: {  	_ =	task.clear_ibuf [dreg:s5], $0x6FFFF;
	_ =	strace $0x90000046  }
0xb0: {  	s26 =	simm.s32 $0x9;
	_ =	strace $0x80000048  }
0xb1: {  	_ =	swait.ge [sflag:s26], $0x1  }
0xb2: {  	[sflag:s26] =	ssyncadd.s32 $0xFFFFFFFF  }
0xb3: {  	_ =	strace $0x90000048  }
0xb4: {  	_ =	sfence  }
0xb5: {  	s28 =	sld [smem:$0x0];
	_ =	sdelay $0x1  }
0xb6: {  	s29 =	srdreg.scid  }
0xb7: {  	s30 =	sshll.u32 s29, $0xD;
	s31 =	sshrl.u32 s29, $0x2  }
0xb8: {  	s2 =	sand.u32 $0x4000, s30;
	s1 =	sand.u32 $0x1, s29;
	s0 =	sadd.s32 s31, s28  }
0xb9: {  	s1 =	sor.u32 s2, s1;
	s0 =	sshll.u32 s0, $0x11  }
0xba: {  	s0 =	sor.u32 s0, s1  }
0xbb: {  	s0 =	sadd.s32 $0x8F2B, s0  }
0xbc: {  	[sflag:s0] =	ssyncadd.remote.s32 $0x1  }
0xbd: {  	_ =	sfence.sel $0xFFFF  }
0xbe: {  	[dreg:$0x0] =	wrdreg $0xFFFFFFFF;
	(pc) =	sbr.abs _section_cstart, $3  }
0xbf: {  	[dreg:$0x1] =	wrdreg $0xFFFFFFFF  }
0xc0: {  	_ =	task.clear_ibuf [dreg:s5], $0x2FFFF;
	_ =	strace $0x9FFFFFFF  }
0xc1: {  	(tm) =	ssettm $0x7FFFFFFF  }
tec
execute0_lowered:
.L_overlay_start_1:
0x0: {  	(tag) =	ssettag $0x1  }
0x1: {  	s0 =	stileid.u32  }
0x2: {  	s4 =	sshll.u32 s0, $0x4  }
0x3: {  	v0 =	vmov s4  }
0x4: {  	v0 =	vbroadcast v0, $0x0  }
0x5: {  	v1 =	vlaneseq.u32  }
0x6: {  	v2 =	vor.u32 v1, v0  }
0x7: {  	v3 =	vmulhi.u32 $0x86186187, v2;
	_ =	sdelay $0x1  }
0x8: {  	v4 =	vsub.s32 v2, v3  }
0x9: {  	v4 =	vshrl.u32 v4, $0x1  }
0xa: {  	v3 =	vadd.s32 v3, v4  }
0xb: {  	v3 =	vshrl.u32 v3, $0x4  }
0xc: {  	s6 =	rddreg [dreg:$0x0];
	v19 =	vmul.u32 $0xFFFFFFEB, v3  }
0xd: {  	s5 =	rddreg [dreg:$0x1];
	v5 =	vsub.s32 $0x0, v2  }
0xe: {  	s3 =	rddreg [dreg:$0x2];
	vm0 =	veq.s32 v0, v1;
	vm1 =	vne.s32 v19, v5  }
0xf: {  	s1 =	rddreg [dreg:$0x3];
	s2 =	simm.s32 $0x0;
	v20 =	vimm.s32 $0x0;
	vm0 =	vmand vm0, vm1  }
0x10: {  	s8 =	simm.s32 $0x400;
	[smem:$0x7FF] =	sst s2;
	s7 =	sshll.u32 s0, $0x7;
	v0 =	vsel vm0, $0xFFFFFFFF, v20  }
0x11: {  	_ =	strace $0x80000047;
	s7 =	sadd.s32 s7, s6;
	s6 =	sadd.s32 $0x400, s6;
	v0 =	vadd.s32 v0, v3  }
0x12: {  	[tilespmem:s8], [sflag:$0x2] =	stream.linear.gather [hbm4b:s6+s2], $0x40, $0x38;
	v21 =	vmul.u32 $0xFFFFFFEB, v0;
	[tilespmem:$0xE30] =	vst v63  }
0x13: {  	s10 =	simm.s32 $0x2;
	s9 =	sadd.s32 $0x600, s7  }
0x14: {  	[tilespmem:s2], [sflag:$0x1] =	stream.linear.gather [hbm4b:s9+s2], $0x400, $0x38;
	v1 =	vadd.s32 v2, v21;
	[tilespmem:$0xE30] =	vst v63  }
0x15: {  	_ =	swait.ge [sflag:s10], $0x40;
	v22 =	vadd.s32 $0x15, v0  }
0x16: {  	[sflag:s10] =	ssyncset.done $0x0;
	v23 =	vadd.s32 $0x15, v1  }
0x17: {  	[sflag:s10] =	ssyncadd.s32 $0xFFFFFFC0;
	v24 =	vadd.s32 $0x2A, v0  }
0x18: {  	v25 =	vadd.s32 $0x2A, v1;
	v0 =	vld.idx.msk [tilespmem:v0+s8+$0x0], $0xffff  }
0x19: {  	v1 =	vld.idx.msk [tilespmem:v1+s8+$0x0], $0xffff  }
0x1a: {  	v2 =	vld.idx.msk [tilespmem:v22+s8+$0x0], $0xffff  }
0x1b: {  	v3 =	vld.idx.msk [tilespmem:v23+s8+$0x0], $0xffff  }
0x1c: {  	v4 =	vld.idx.msk [tilespmem:v24+s8+$0x0], $0xffff  }
0x1d: {  	v5 =	vld.idx.msk [tilespmem:v25+s8+$0x0], $0xffff;
	_ =	sdelay $0x2  }
0x1e: {  	v0 =	vsub.f32 v0, v1;
	v26 =	vsub.f32 v2, v3;
	_ =	sdelay $0x1  }
0x1f: {  	v27 =	vsub.f32 v4, v5;
	v0 =	vmul.f32 v0, v0;
	v1 =	vmul.f32 v26, v26;
	_ =	sdelay $0x1  }
0x20: {  	v28 =	vmul.f32 v27, v27;
	v0 =	vadd.f32 v1, v0;
	_ =	sdelay $0x1  }
0x21: {  	v0 =	vadd.f32 v28, v0;
	_ =	sdelay $0x1  }
0x22: {  	v1 =	vshra.s32 v0, $0x1;
	v29 =	vmul.f32 $5.000000000e-01, v0  }
0x23: {  	v1 =	vsub.s32 $0x5F3759DF, v1  }
0x24: {  	v30 =	vmul.f32 v1, v29;
	_ =	sdelay $0x1  }
0x25: {  	v3 =	vmul.f32 v1, v30;
	_ =	sdelay $0x1  }
0x26: {  	v3 =	vsub.f32 $1.500000000e+00, v3;
	_ =	sdelay $0x1  }
0x27: {  	v1 =	vmul.f32 v1, v3;
	_ =	sdelay $0x1  }
0x28: {  	v3 =	vmul.f32 v1, v29;
	_ =	sdelay $0x1  }
0x29: {  	v3 =	vmul.f32 v3, v1;
	_ =	sdelay $0x1  }
0x2a: {  	v3 =	vsub.f32 $1.500000000e+00, v3;
	_ =	sdelay $0x1  }
0x2b: {  	v1 =	vmul.f32 v3, v1;
	_ =	sdelay $0x1  }
0x2c: {  	v2 =	vmul.f32 v1, v29;
	_ =	sdelay $0x1  }
0x2d: {  	v2 =	vmul.f32 v2, v1;
	_ =	sdelay $0x1  }
0x2e: {  	v2 =	vsub.f32 $1.500000000e+00, v2;
	_ =	sdelay $0x1  }
0x2f: {  	v1 =	vmul.f32 v2, v1;
	_ =	sdelay $0x1  }
0x30: {  	v0 =	vmul.f32 v1, v0;
	_ =	sdelay $0x1  }
0x31: {  	v0 =	vmul.f32 $-1.000000000e+01, v0;
	_ =	sdelay $0x1  }
0x32: {  	v0 =	vmul.f32 $1.442695020e+00, v0;
	_ =	sdelay $0x1  }
0x33: {  	(erf) = vpow2.f32 v0;
	_ =	sdelay $0x5  }
0x34: {  	p0 =	sgt.u32 s0, $0xB  }
0x35: {  	s6 =	sor.u32 @!p0 $0x100, s4;
	v0 =	vlaneseq.u32 @!p0  }
0x36: {  	v0 =	vor.u32 @!p0 s6, v0  }
0x37: {  	v0 =	vmin.u32 @!p0 v0, $0x1B8;
	v31 =	vpop (erf)  }
0x38: {  	v2 =	vmulhi.u32 @!p0 $0xC30C30D, v0;
	v1 =	vadd.f32 $1.000000050e-03, v31;
	_ =	sdelay $0x1  }
0x39: {  	[tilespmem:$0x600] =	vst v1;
	v1 =	vmul.u32 @!p0 $0xFFFFFFEB, v2  }
0x3a: {  	s11 =	simm.s32 $0x600;
	s12 =	simm.s32 $0x3;
	s4 =	sadd.s32 s4, s3  }
0x3b: {  	[spmem:s4] =	stream.linear.scatter [tilespmem:s11], [sflag:$0x3], $0x10, $0x38;
	v0 =	vadd.s32 @!p0 v0, v1;
	[tilespmem:$0xE30] =	vst v63  }
0x3c: {  	_ =	swait.ge [sflag:s12], $0x10;
	v1 =	vadd.s32 @!p0 $0x15, v2  }
0x3d: {  	[sflag:s12] =	ssyncset.done $0x0;
	v3 =	vadd.s32 @!p0 $0x15, v0  }
0x3e: {  	v4 =	vadd.s32 @!p0 $0x2A, v2;
	s4 =	simm.s32 @!p0 $0x400;
	[sflag:s12] =	ssyncadd.s32 $0xFFFFFFF0  }
0x3f: {  	v5 =	vadd.s32 @!p0 $0x2A, v0;
	v2 =	vld.idx.msk @!p0 [tilespmem:v2+s4+$0x0], $0xffff  }
0x40: {  	v0 =	vld.idx.msk @!p0 [tilespmem:v0+s4+$0x0], $0xffff  }
0x41: {  	v1 =	vld.idx.msk @!p0 [tilespmem:v1+s4+$0x0], $0xffff  }
0x42: {  	v3 =	vld.idx.msk @!p0 [tilespmem:v3+s4+$0x0], $0xffff  }
0x43: {  	v4 =	vld.idx.msk @!p0 [tilespmem:v4+s4+$0x0], $0xffff  }
0x44: {  	v5 =	vld.idx.msk @!p0 [tilespmem:v5+s4+$0x0], $0xffff;
	_ =	sdelay $0x2  }
0x45: {  	v0 =	vsub.f32 @!p0 v2, v0;
	v1 =	vsub.f32 @!p0 v1, v3;
	_ =	sdelay $0x1  }
0x46: {  	v2 =	vsub.f32 @!p0 v4, v5;
	v0 =	vmul.f32 @!p0 v0, v0;
	v1 =	vmul.f32 @!p0 v1, v1;
	_ =	sdelay $0x1  }
0x47: {  	v0 =	vadd.f32 @!p0 v1, v0;
	v1 =	vmul.f32 @!p0 v2, v2;
	_ =	sdelay $0x1  }
0x48: {  	v0 =	vadd.f32 @!p0 v1, v0;
	_ =	sdelay $0x1  }
0x49: {  	v1 =	vshra.s32 @!p0 v0, $0x1;
	v2 =	vmul.f32 @!p0 $5.000000000e-01, v0  }
0x4a: {  	v1 =	vsub.s32 @!p0 $0x5F3759DF, v1  }
0x4b: {  	v3 =	vmul.f32 @!p0 v1, v2;
	_ =	sdelay $0x1  }
0x4c: {  	v3 =	vmul.f32 @!p0 v1, v3;
	_ =	sdelay $0x1  }
0x4d: {  	v3 =	vsub.f32 @!p0 $1.500000000e+00, v3;
	_ =	sdelay $0x1  }
0x4e: {  	v1 =	vmul.f32 @!p0 v1, v3;
	_ =	sdelay $0x1  }
0x4f: {  	v3 =	vmul.f32 @!p0 v1, v2;
	_ =	sdelay $0x1  }
0x50: {  	v3 =	vmul.f32 @!p0 v3, v1;
	_ =	sdelay $0x1  }
0x51: {  	v3 =	vsub.f32 @!p0 $1.500000000e+00, v3;
	_ =	sdelay $0x1  }
0x52: {  	v1 =	vmul.f32 @!p0 v3, v1;
	_ =	sdelay $0x1  }
0x53: {  	v2 =	vmul.f32 @!p0 v1, v2;
	_ =	sdelay $0x1  }
0x54: {  	v2 =	vmul.f32 @!p0 v2, v1;
	_ =	sdelay $0x1  }
0x55: {  	v2 =	vsub.f32 @!p0 $1.500000000e+00, v2;
	_ =	sdelay $0x1  }
0x56: {  	v1 =	vmul.f32 @!p0 v2, v1;
	_ =	sdelay $0x1  }
0x57: {  	v0 =	vmul.f32 @!p0 v1, v0;
	_ =	sdelay $0x1  }
0x58: {  	v0 =	vmul.f32 @!p0 $-1.000000000e+01, v0;
	_ =	sdelay $0x1  }
0x59: {  	v0 =	vmul.f32 @!p0 $1.442695020e+00, v0;
	_ =	sdelay $0x1  }
0x5a: {  	(erf) = vpow2.f32 @!p0 v0;
	_ =	sdelay $0x8  }
0x5b: {  	v0 =	vpop @!p0 (erf)  }
0x5c: {  	v0 =	vadd.f32 @!p0 $1.000000050e-03, v0;
	_ =	sdelay $0x1  }
0x5d: {  	s4 =	sadd.s32 @!p0 s6, s3;
	s6 =	simm.s32 @!p0 $0x600;
	[tilespmem:$0x600] =	vst @!p0 v0  }
0x5e: {  	[spmem:s4] =	stream.linear.scatter @!p0 [tilespmem:s6], [sflag:$0x3], $0x10, $0x38;
	[tilespmem:$0xE30] =	vst v63  }
0x5f: {  	s4 =	simm.s32 @!p0 $0x3  }
0x60: {  	_ =	swait.ge @!p0 [sflag:s4], $0x10  }
0x61: {  	[sflag:s4] =	ssyncset.done @!p0 $0x0  }
0x62: {  	[sflag:s4] =	ssyncadd.s32 @!p0 $0xFFFFFFF0  }
0x63: {  	s13 =	simm.s32 $0x440;
	[bflag:$0x0] =	sbarrier.arrive $0xFFFF  }
0x64: {  	[tilespmem:s13], [sflag:$0x3] =	stream.linear.gather [spmem:s3], $0x1C0, $0x38;
	[tilespmem:$0xE30] =	vst v63  }
0x65: {  	_ =	swait.ge [sflag:s12], $0x1C0  }
0x66: {  	[sflag:s12] =	ssyncset.done $0x0  }
0x67: {  	s14 =	simm.s32 $0x1;
	[sflag:s12] =	ssyncadd.s32 $0xFFFFFE40  }
0x68: {  	_ =	swait.ge [sflag:s14], $0x400  }
0x69: {  	[sflag:s14] =	ssyncset.done $0x0  }
0x6a: {  	[sflag:s14] =	ssyncadd.s32 $0xFFFFFC00  }
0x6b: {  	v32 =	vld [tilespmem:$0x0];
	_ =	sdelay $0x4  }
0x6c: {  	v33 =	vand.u32 $0x1F, v32  }
0x6d: {  	v34 =	vshrl.u32 v32, $0x5;
	v1 =	vmul.u32 $0x15, v33  }
0x6e: {  	v2 =	vand.u32 $0x1F, v34  }
0x6f: {  	v0 =	vshrl.u32 v32, $0xA;
	v2 =	vadd.s32 v2, v1  }
0x70: {  	v0 =	vadd.s32 v0, v1;
	_ =	sdelay $0x3  }
0x71: {  	v35 =	vld.idx.msk [tilespmem:v2+s13+$0x0], $0xffff  }
0x72: {  	v0 =	vld.idx.msk [tilespmem:v0+s13+$0x0], $0xffff;
	_ =	sdelay $0x4  }
0x73: {  	v2 =	vadd.f32 v0, v35;
	_ =	sdelay $0x1  }
0x74: {  	(erf) = vrcp.f32 v2  }
0x75: {  	v36 =	vld [tilespmem:$0x10];
	_ =	sdelay $0x4  }
0x76: {  	v37 =	vand.u32 $0x1F, v36  }
0x77: {  	v38 =	vshrl.u32 v36, $0x5;
	v3 =	vmul.u32 $0x15, v37  }
0x78: {  	v4 =	vand.u32 $0x1F, v38  }
0x79: {  	v4 =	vadd.s32 v4, v3;
	v2 =	vshrl.u32 v36, $0xA;
	v39 =	vpop (erf)  }
0x7a: {  	v2 =	vadd.s32 v2, v3;
	v1 =	vmul.f32 v39, v35  }
0x7b: {  	v0 =	vmul.f32 v39, v0  }
0x7c: {  	[tilespmem:$0x610] =	vst v1  }
0x7d: {  	[tilespmem:$0x690] =	vst v0  }
0x7e: {  	v0 =	vld.idx.msk [tilespmem:v4+s13+$0x0], $0xffff  }
0x7f: {  	v1 =	vld.idx.msk [tilespmem:v2+s13+$0x0], $0xffff;
	_ =	sdelay $0x4  }
0x80: {  	v2 =	vadd.f32 v1, v0;
	_ =	sdelay $0x1  }
0x81: {  	(erf) = vrcp.f32 v2  }
0x82: {  	v40 =	vld [tilespmem:$0x20];
	_ =	sdelay $0x4  }
0x83: {  	v41 =	vand.u32 $0x1F, v40  }
0x84: {  	v42 =	vshrl.u32 v40, $0x5;
	v3 =	vmul.u32 $0x15, v41  }
0x85: {  	v4 =	vand.u32 $0x1F, v42  }
0x86: {  	v4 =	vadd.s32 v4, v3;
	v2 =	vshrl.u32 v40, $0xA;
	v43 =	vpop (erf)  }
0x87: {  	v2 =	vadd.s32 v2, v3;
	v0 =	vmul.f32 v43, v0  }
0x88: {  	v1 =	vmul.f32 v43, v1  }
0x89: {  	[tilespmem:$0x620] =	vst v0  }
0x8a: {  	[tilespmem:$0x6A0] =	vst v1  }
0x8b: {  	v0 =	vld.idx.msk [tilespmem:v4+s13+$0x0], $0xffff  }
0x8c: {  	v1 =	vld.idx.msk [tilespmem:v2+s13+$0x0], $0xffff;
	_ =	sdelay $0x4  }
0x8d: {  	v2 =	vadd.f32 v1, v0;
	_ =	sdelay $0x1  }
0x8e: {  	(erf) = vrcp.f32 v2  }
0x8f: {  	v44 =	vld [tilespmem:$0x30];
	_ =	sdelay $0x4  }
0x90: {  	v45 =	vand.u32 $0x1F, v44  }
0x91: {  	v46 =	vshrl.u32 v44, $0x5;
	v3 =	vmul.u32 $0x15, v45  }
0x92: {  	v4 =	vand.u32 $0x1F, v46  }
0x93: {  	v4 =	vadd.s32 v4, v3;
	v2 =	vshrl.u32 v44, $0xA;
	v47 =	vpop (erf)  }
0x94: {  	v2 =	vadd.s32 v2, v3;
	v0 =	vmul.f32 v47, v0  }
0x95: {  	v1 =	vmul.f32 v47, v1  }
0x96: {  	[tilespmem:$0x630] =	vst v0  }
0x97: {  	[tilespmem:$0x6B0] =	vst v1  }
0x98: {  	v0 =	vld.idx.msk [tilespmem:v4+s13+$0x0], $0xffff  }
0x99: {  	v1 =	vld.idx.msk [tilespmem:v2+s13+$0x0], $0xffff;
	_ =	sdelay $0x4  }
0x9a: {  	v2 =	vadd.f32 v1, v0;
	_ =	sdelay $0x1  }
0x9b: {  	(erf) = vrcp.f32 v2  }
0x9c: {  	v48 =	vld [tilespmem:$0x40];
	_ =	sdelay $0x4  }
0x9d: {  	v49 =	vand.u32 $0x1F, v48  }
0x9e: {  	v50 =	vshrl.u32 v48, $0x5;
	v3 =	vmul.u32 $0x15, v49  }
0x9f: {  	v4 =	vand.u32 $0x1F, v50  }
0xa0: {  	v4 =	vadd.s32 v4, v3;
	v2 =	vshrl.u32 v48, $0xA;
	v51 =	vpop (erf)  }
0xa1: {  	v2 =	vadd.s32 v2, v3;
	v0 =	vmul.f32 v51, v0  }
0xa2: {  	v1 =	vmul.f32 v51, v1  }
0xa3: {  	[tilespmem:$0x640] =	vst v0  }
0xa4: {  	[tilespmem:$0x6C0] =	vst v1  }
0xa5: {  	v0 =	vld.idx.msk [tilespmem:v4+s13+$0x0], $0xffff  }
0xa6: {  	v1 =	vld.idx.msk [tilespmem:v2+s13+$0x0], $0xffff;
	_ =	sdelay $0x4  }
0xa7: {  	v2 =	vadd.f32 v1, v0;
	_ =	sdelay $0x1  }
0xa8: {  	(erf) = vrcp.f32 v2  }
0xa9: {  	v52 =	vld [tilespmem:$0x50];
	_ =	sdelay $0x4  }
0xaa: {  	v53 =	vand.u32 $0x1F, v52  }
0xab: {  	v54 =	vshrl.u32 v52, $0x5;
	v3 =	vmul.u32 $0x15, v53  }
0xac: {  	v4 =	vand.u32 $0x1F, v54  }
0xad: {  	v4 =	vadd.s32 v4, v3;
	v2 =	vshrl.u32 v52, $0xA;
	v55 =	vpop (erf)  }
0xae: {  	v2 =	vadd.s32 v2, v3;
	v0 =	vmul.f32 v55, v0  }
0xaf: {  	v1 =	vmul.f32 v55, v1  }
0xb0: {  	[tilespmem:$0x650] =	vst v0  }
0xb1: {  	[tilespmem:$0x6D0] =	vst v1  }
0xb2: {  	v0 =	vld.idx.msk [tilespmem:v4+s13+$0x0], $0xffff  }
0xb3: {  	v1 =	vld.idx.msk [tilespmem:v2+s13+$0x0], $0xffff;
	_ =	sdelay $0x4  }
0xb4: {  	v2 =	vadd.f32 v1, v0;
	_ =	sdelay $0x1  }
0xb5: {  	(erf) = vrcp.f32 v2  }
0xb6: {  	v56 =	vld [tilespmem:$0x60];
	_ =	sdelay $0x4  }
0xb7: {  	v57 =	vand.u32 $0x1F, v56  }
0xb8: {  	v58 =	vshrl.u32 v56, $0x5;
	v3 =	vmul.u32 $0x15, v57  }
0xb9: {  	v4 =	vand.u32 $0x1F, v58  }
0xba: {  	v4 =	vadd.s32 v4, v3;
	v2 =	vshrl.u32 v56, $0xA;
	v59 =	vpop (erf)  }
0xbb: {  	v2 =	vadd.s32 v2, v3;
	v0 =	vmul.f32 v59, v0  }
0xbc: {  	v1 =	vmul.f32 v59, v1  }
0xbd: {  	[tilespmem:$0x660] =	vst v0  }
0xbe: {  	[tilespmem:$0x6E0] =	vst v1  }
0xbf: {  	v0 =	vld.idx.msk [tilespmem:v4+s13+$0x0], $0xffff  }
0xc0: {  	v1 =	vld.idx.msk [tilespmem:v2+s13+$0x0], $0xffff;
	_ =	sdelay $0x4  }
0xc1: {  	v2 =	vadd.f32 v1, v0;
	_ =	sdelay $0x1  }
0xc2: {  	(erf) = vrcp.f32 v2  }
0xc3: {  	v60 =	vld [tilespmem:$0x70];
	_ =	sdelay $0x4  }
0xc4: {  	v61 =	vand.u32 $0x1F, v60  }
0xc5: {  	v62 =	vshrl.u32 v60, $0x5;
	v3 =	vmul.u32 $0x15, v61  }
0xc6: {  	v4 =	vand.u32 $0x1F, v62  }
0xc7: {  	v4 =	vadd.s32 v4, v3;
	v2 =	vshrl.u32 v60, $0xA;
	v63 =	vpop (erf)  }
0xc8: {  	v2 =	vadd.s32 v2, v3;
	v0 =	vmul.f32 v63, v0  }
0xc9: {  	v1 =	vmul.f32 v63, v1  }
0xca: {  	[tilespmem:$0x670] =	vst v0  }
0xcb: {  	[tilespmem:$0x6F0] =	vst v1  }
0xcc: {  	v0 =	vld.idx.msk [tilespmem:v4+s13+$0x0], $0xffff  }
0xcd: {  	v1 =	vld.idx.msk [tilespmem:v2+s13+$0x0], $0xffff;
	_ =	sdelay $0x4  }
0xce: {  	v2 =	vadd.f32 v1, v0;
	_ =	sdelay $0x1  }
0xcf: {  	(erf) = vrcp.f32 v2;
	_ =	sdelay $0x8  }
0xd0: {  	v2 =	vpop (erf)  }
0xd1: {  	v0 =	vmul.f32 v2, v0  }
0xd2: {  	v1 =	vmul.f32 v2, v1  }
0xd3: {  	s15 =	sshll.u32 s0, $0x8;
	[tilespmem:$0x680] =	vst v0  }
0xd4: {  	s16 =	simm.s32 $0x610;
	s5 =	sadd.s32 s5, s15;
	[tilespmem:$0x700] =	vst v1  }
0xd5: {  	[hbm4b:s5+s2] =	stream.linear.scatter [tilespmem:s16], [sflag:$0x1], $0x100, $0x38;
	[tilespmem:$0xE30] =	vst v63  }
0xd6: {  	v8 =	vld [tilespmem:$0x80];
	_ =	sdelay $0x4  }
0xd7: {  	v9 =	vand.u32 $0x1F, v8  }
0xd8: {  	v10 =	vshrl.u32 v8, $0x5;
	v1 =	vmul.u32 $0x15, v9  }
0xd9: {  	v2 =	vand.u32 $0x1F, v10  }
0xda: {  	v0 =	vshrl.u32 v8, $0xA;
	v2 =	vadd.s32 v2, v1  }
0xdb: {  	v0 =	vadd.s32 v0, v1;
	_ =	sdelay $0x3  }
0xdc: {  	v11 =	vld.idx.msk [tilespmem:v2+s13+$0x0], $0xffff  }
0xdd: {  	v0 =	vld.idx.msk [tilespmem:v0+s13+$0x0], $0xffff;
	_ =	sdelay $0x4  }
0xde: {  	v2 =	vadd.f32 v0, v11;
	_ =	sdelay $0x1  }
0xdf: {  	(erf) = vrcp.f32 v2  }
0xe0: {  	v12 =	vld [tilespmem:$0x90];
	_ =	sdelay $0x4  }
0xe1: {  	v13 =	vand.u32 $0x1F, v12  }
0xe2: {  	v14 =	vshrl.u32 v12, $0x5;
	v3 =	vmul.u32 $0x15, v13  }
0xe3: {  	v4 =	vand.u32 $0x1F, v14  }
0xe4: {  	v4 =	vadd.s32 v4, v3;
	v2 =	vshrl.u32 v12, $0xA;
	v15 =	vpop (erf)  }
0xe5: {  	v2 =	vadd.s32 v2, v3;
	v1 =	vmul.f32 v15, v11  }
0xe6: {  	v0 =	vmul.f32 v15, v0  }
0xe7: {  	[tilespmem:$0x710] =	vst v1  }
0xe8: {  	[tilespmem:$0x790] =	vst v0  }
0xe9: {  	v0 =	vld.idx.msk [tilespmem:v4+s13+$0x0], $0xffff  }
0xea: {  	v1 =	vld.idx.msk [tilespmem:v2+s13+$0x0], $0xffff;
	_ =	sdelay $0x4  }
0xeb: {  	v2 =	vadd.f32 v1, v0;
	_ =	sdelay $0x1  }
0xec: {  	(erf) = vrcp.f32 v2  }
0xed: {  	v16 =	vld [tilespmem:$0xA0];
	_ =	sdelay $0x4  }
0xee: {  	v17 =	vand.u32 $0x1F, v16  }
0xef: {  	v18 =	vshrl.u32 v16, $0x5;
	v3 =	vmul.u32 $0x15, v17  }
0xf0: {  	v4 =	vand.u32 $0x1F, v18  }
0xf1: {  	v4 =	vadd.s32 v4, v3;
	v2 =	vshrl.u32 v16, $0xA;
	v19 =	vpop (erf)  }
0xf2: {  	v2 =	vadd.s32 v2, v3;
	v0 =	vmul.f32 v19, v0  }
0xf3: {  	v1 =	vmul.f32 v19, v1  }
0xf4: {  	[tilespmem:$0x720] =	vst v0  }
0xf5: {  	[tilespmem:$0x7A0] =	vst v1  }
0xf6: {  	v0 =	vld.idx.msk [tilespmem:v4+s13+$0x0], $0xffff  }
0xf7: {  	v1 =	vld.idx.msk [tilespmem:v2+s13+$0x0], $0xffff;
	_ =	sdelay $0x4  }
0xf8: {  	v2 =	vadd.f32 v1, v0;
	_ =	sdelay $0x1  }
0xf9: {  	(erf) = vrcp.f32 v2  }
0xfa: {  	v20 =	vld [tilespmem:$0xB0];
	_ =	sdelay $0x4  }
0xfb: {  	v21 =	vand.u32 $0x1F, v20  }
0xfc: {  	v22 =	vshrl.u32 v20, $0x5;
	v3 =	vmul.u32 $0x15, v21  }
0xfd: {  	v4 =	vand.u32 $0x1F, v22  }
0xfe: {  	v4 =	vadd.s32 v4, v3;
	v2 =	vshrl.u32 v20, $0xA;
	v23 =	vpop (erf)  }
0xff: {  	v2 =	vadd.s32 v2, v3;
	v0 =	vmul.f32 v23, v0  }
0x100: {  	v1 =	vmul.f32 v23, v1  }
0x101: {  	[tilespmem:$0x730] =	vst v0  }
0x102: {  	[tilespmem:$0x7B0] =	vst v1  }
0x103: {  	v0 =	vld.idx.msk [tilespmem:v4+s13+$0x0], $0xffff  }
0x104: {  	v1 =	vld.idx.msk [tilespmem:v2+s13+$0x0], $0xffff;
	_ =	sdelay $0x4  }
0x105: {  	v2 =	vadd.f32 v1, v0;
	_ =	sdelay $0x1  }
0x106: {  	(erf) = vrcp.f32 v2  }
0x107: {  	v24 =	vld [tilespmem:$0xC0];
	_ =	sdelay $0x4  }
0x108: {  	v25 =	vand.u32 $0x1F, v24  }
0x109: {  	v26 =	vshrl.u32 v24, $0x5;
	v3 =	vmul.u32 $0x15, v25  }
0x10a: {  	v4 =	vand.u32 $0x1F, v26  }
0x10b: {  	v4 =	vadd.s32 v4, v3;
	v2 =	vshrl.u32 v24, $0xA;
	v27 =	vpop (erf)  }
0x10c: {  	v2 =	vadd.s32 v2, v3;
	v0 =	vmul.f32 v27, v0  }
0x10d: {  	v1 =	vmul.f32 v27, v1  }
0x10e: {  	[tilespmem:$0x740] =	vst v0  }
0x10f: {  	[tilespmem:$0x7C0] =	vst v1  }
0x110: {  	v0 =	vld.idx.msk [tilespmem:v4+s13+$0x0], $0xffff  }
0x111: {  	v1 =	vld.idx.msk [tilespmem:v2+s13+$0x0], $0xffff;
	_ =	sdelay $0x4  }
0x112: {  	v2 =	vadd.f32 v1, v0;
	_ =	sdelay $0x1  }
0x113: {  	(erf) = vrcp.f32 v2  }
0x114: {  	v28 =	vld [tilespmem:$0xD0];
	_ =	sdelay $0x4  }
0x115: {  	v29 =	vand.u32 $0x1F, v28  }
0x116: {  	v30 =	vshrl.u32 v28, $0x5;
	v3 =	vmul.u32 $0x15, v29  }
0x117: {  	v4 =	vand.u32 $0x1F, v30  }
0x118: {  	v4 =	vadd.s32 v4, v3;
	v2 =	vshrl.u32 v28, $0xA;
	v31 =	vpop (erf)  }
0x119: {  	v2 =	vadd.s32 v2, v3;
	v0 =	vmul.f32 v31, v0  }
0x11a: {  	v1 =	vmul.f32 v31, v1  }
0x11b: {  	[tilespmem:$0x750] =	vst v0  }
0x11c: {  	[tilespmem:$0x7D0] =	vst v1  }
0x11d: {  	v0 =	vld.idx.msk [tilespmem:v4+s13+$0x0], $0xffff  }
0x11e: {  	v1 =	vld.idx.msk [tilespmem:v2+s13+$0x0], $0xffff;
	_ =	sdelay $0x4  }
0x11f: {  	v2 =	vadd.f32 v1, v0;
	_ =	sdelay $0x1  }
0x120: {  	(erf) = vrcp.f32 v2  }
0x121: {  	v32 =	vld [tilespmem:$0xE0];
	_ =	sdelay $0x4  }
0x122: {  	v33 =	vand.u32 $0x1F, v32  }
0x123: {  	v34 =	vshrl.u32 v32, $0x5;
	v3 =	vmul.u32 $0x15, v33  }
0x124: {  	v4 =	vand.u32 $0x1F, v34  }
0x125: {  	v4 =	vadd.s32 v4, v3;
	v2 =	vshrl.u32 v32, $0xA;
	v35 =	vpop (erf)  }
0x126: {  	v2 =	vadd.s32 v2, v3;
	v0 =	vmul.f32 v35, v0  }
0x127: {  	v1 =	vmul.f32 v35, v1  }
0x128: {  	[tilespmem:$0x760] =	vst v0  }
0x129: {  	[tilespmem:$0x7E0] =	vst v1  }
0x12a: {  	v0 =	vld.idx.msk [tilespmem:v4+s13+$0x0], $0xffff  }
0x12b: {  	v1 =	vld.idx.msk [tilespmem:v2+s13+$0x0], $0xffff;
	_ =	sdelay $0x4  }
0x12c: {  	v2 =	vadd.f32 v1, v0;
	_ =	sdelay $0x1  }
0x12d: {  	(erf) = vrcp.f32 v2  }
0x12e: {  	v36 =	vld [tilespmem:$0xF0];
	_ =	sdelay $0x4  }
0x12f: {  	v37 =	vand.u32 $0x1F, v36  }
0x130: {  	v38 =	vshrl.u32 v36, $0x5;
	v3 =	vmul.u32 $0x15, v37  }
0x131: {  	v4 =	vand.u32 $0x1F, v38  }
0x132: {  	v4 =	vadd.s32 v4, v3;
	v2 =	vshrl.u32 v36, $0xA;
	v39 =	vpop (erf)  }
0x133: {  	v2 =	vadd.s32 v2, v3;
	v0 =	vmul.f32 v39, v0  }
0x134: {  	v1 =	vmul.f32 v39, v1  }
0x135: {  	[tilespmem:$0x770] =	vst v0  }
0x136: {  	[tilespmem:$0x7F0] =	vst v1  }
0x137: {  	v0 =	vld.idx.msk [tilespmem:v4+s13+$0x0], $0xffff  }
0x138: {  	v1 =	vld.idx.msk [tilespmem:v2+s13+$0x0], $0xffff;
	_ =	sdelay $0x4  }
0x139: {  	v2 =	vadd.f32 v1, v0;
	_ =	sdelay $0x1  }
0x13a: {  	(erf) = vrcp.f32 v2;
	_ =	sdelay $0x8  }
0x13b: {  	v2 =	vpop (erf)  }
0x13c: {  	v0 =	vmul.f32 v2, v0  }
0x13d: {  	v1 =	vmul.f32 v2, v1  }
0x13e: {  	[tilespmem:$0x780] =	vst v0  }
0x13f: {  	s18 =	simm.s32 $0x710;
	s17 =	sadd.s32 $0x20, s5;
	[tilespmem:$0x800] =	vst v1  }
0x140: {  	[hbm4b:s17+s2] =	stream.linear.scatter [tilespmem:s18], [sflag:$0x1], $0x100, $0x38;
	[tilespmem:$0xE30] =	vst v63  }
0x141: {  	v40 =	vld [tilespmem:$0x100];
	_ =	sdelay $0x4  }
0x142: {  	v41 =	vand.u32 $0x1F, v40  }
0x143: {  	v42 =	vshrl.u32 v40, $0x5;
	v1 =	vmul.u32 $0x15, v41  }
0x144: {  	v2 =	vand.u32 $0x1F, v42  }
0x145: {  	v0 =	vshrl.u32 v40, $0xA;
	v2 =	vadd.s32 v2, v1  }
0x146: {  	v0 =	vadd.s32 v0, v1;
	_ =	sdelay $0x3  }
0x147: {  	v43 =	vld.idx.msk [tilespmem:v2+s13+$0x0], $0xffff  }
0x148: {  	v0 =	vld.idx.msk [tilespmem:v0+s13+$0x0], $0xffff;
	_ =	sdelay $0x4  }
0x149: {  	v2 =	vadd.f32 v0, v43;
	_ =	sdelay $0x1  }
0x14a: {  	(erf) = vrcp.f32 v2  }
0x14b: {  	v44 =	vld [tilespmem:$0x110];
	_ =	sdelay $0x4  }
0x14c: {  	v45 =	vand.u32 $0x1F, v44  }
0x14d: {  	v46 =	vshrl.u32 v44, $0x5;
	v3 =	vmul.u32 $0x15, v45  }
0x14e: {  	v4 =	vand.u32 $0x1F, v46  }
0x14f: {  	v4 =	vadd.s32 v4, v3;
	v2 =	vshrl.u32 v44, $0xA;
	v47 =	vpop (erf)  }
0x150: {  	v2 =	vadd.s32 v2, v3;
	v1 =	vmul.f32 v47, v43  }
0x151: {  	v0 =	vmul.f32 v47, v0  }
0x152: {  	[tilespmem:$0x810] =	vst v1  }
0x153: {  	[tilespmem:$0x890] =	vst v0  }
0x154: {  	v0 =	vld.idx.msk [tilespmem:v4+s13+$0x0], $0xffff  }
0x155: {  	v1 =	vld.idx.msk [tilespmem:v2+s13+$0x0], $0xffff;
	_ =	sdelay $0x4  }
0x156: {  	v2 =	vadd.f32 v1, v0;
	_ =	sdelay $0x1  }
0x157: {  	(erf) = vrcp.f32 v2  }
0x158: {  	v48 =	vld [tilespmem:$0x120];
	_ =	sdelay $0x4  }
0x159: {  	v49 =	vand.u32 $0x1F, v48  }
0x15a: {  	v50 =	vshrl.u32 v48, $0x5;
	v3 =	vmul.u32 $0x15, v49  }
0x15b: {  	v4 =	vand.u32 $0x1F, v50  }
0x15c: {  	v4 =	vadd.s32 v4, v3;
	v2 =	vshrl.u32 v48, $0xA;
	v51 =	vpop (erf)  }
0x15d: {  	v2 =	vadd.s32 v2, v3;
	v0 =	vmul.f32 v51, v0  }
0x15e: {  	v1 =	vmul.f32 v51, v1  }
0x15f: {  	[tilespmem:$0x820] =	vst v0  }
0x160: {  	[tilespmem:$0x8A0] =	vst v1  }
0x161: {  	v0 =	vld.idx.msk [tilespmem:v4+s13+$0x0], $0xffff  }
0x162: {  	v1 =	vld.idx.msk [tilespmem:v2+s13+$0x0], $0xffff;
	_ =	sdelay $0x4  }
0x163: {  	v2 =	vadd.f32 v1, v0;
	_ =	sdelay $0x1  }
0x164: {  	(erf) = vrcp.f32 v2  }
0x165: {  	v52 =	vld [tilespmem:$0x130];
	_ =	sdelay $0x4  }
0x166: {  	v53 =	vand.u32 $0x1F, v52  }
0x167: {  	v54 =	vshrl.u32 v52, $0x5;
	v3 =	vmul.u32 $0x15, v53  }
0x168: {  	v4 =	vand.u32 $0x1F, v54  }
0x169: {  	v4 =	vadd.s32 v4, v3;
	v2 =	vshrl.u32 v52, $0xA;
	v55 =	vpop (erf)  }
0x16a: {  	v2 =	vadd.s32 v2, v3;
	v0 =	vmul.f32 v55, v0  }
0x16b: {  	v1 =	vmul.f32 v55, v1  }
0x16c: {  	[tilespmem:$0x830] =	vst v0  }
0x16d: {  	[tilespmem:$0x8B0] =	vst v1  }
0x16e: {  	v0 =	vld.idx.msk [tilespmem:v4+s13+$0x0], $0xffff  }
0x16f: {  	v1 =	vld.idx.msk [tilespmem:v2+s13+$0x0], $0xffff;
	_ =	sdelay $0x4  }
0x170: {  	v2 =	vadd.f32 v1, v0;
	_ =	sdelay $0x1  }
0x171: {  	(erf) = vrcp.f32 v2  }
0x172: {  	v56 =	vld [tilespmem:$0x140];
	_ =	sdelay $0x4  }
0x173: {  	v57 =	vand.u32 $0x1F, v56  }
0x174: {  	v58 =	vshrl.u32 v56, $0x5;
	v3 =	vmul.u32 $0x15, v57  }
0x175: {  	v4 =	vand.u32 $0x1F, v58  }
0x176: {  	v4 =	vadd.s32 v4, v3;
	v2 =	vshrl.u32 v56, $0xA;
	v59 =	vpop (erf)  }
0x177: {  	v2 =	vadd.s32 v2, v3;
	v0 =	vmul.f32 v59, v0  }
0x178: {  	v1 =	vmul.f32 v59, v1  }
0x179: {  	[tilespmem:$0x840] =	vst v0  }
0x17a: {  	[tilespmem:$0x8C0] =	vst v1  }
0x17b: {  	v0 =	vld.idx.msk [tilespmem:v4+s13+$0x0], $0xffff  }
0x17c: {  	v1 =	vld.idx.msk [tilespmem:v2+s13+$0x0], $0xffff;
	_ =	sdelay $0x4  }
0x17d: {  	v2 =	vadd.f32 v1, v0;
	_ =	sdelay $0x1  }
0x17e: {  	(erf) = vrcp.f32 v2  }
0x17f: {  	v60 =	vld [tilespmem:$0x150];
	_ =	sdelay $0x4  }
0x180: {  	v61 =	vand.u32 $0x1F, v60  }
0x181: {  	v62 =	vshrl.u32 v60, $0x5;
	v3 =	vmul.u32 $0x15, v61  }
0x182: {  	v4 =	vand.u32 $0x1F, v62  }
0x183: {  	v4 =	vadd.s32 v4, v3;
	v2 =	vshrl.u32 v60, $0xA;
	v63 =	vpop (erf)  }
0x184: {  	v2 =	vadd.s32 v2, v3;
	v0 =	vmul.f32 v63, v0  }
0x185: {  	v1 =	vmul.f32 v63, v1  }
0x186: {  	[tilespmem:$0x850] =	vst v0  }
0x187: {  	[tilespmem:$0x8D0] =	vst v1  }
0x188: {  	v0 =	vld.idx.msk [tilespmem:v4+s13+$0x0], $0xffff  }
0x189: {  	v1 =	vld.idx.msk [tilespmem:v2+s13+$0x0], $0xffff;
	_ =	sdelay $0x4  }
0x18a: {  	v2 =	vadd.f32 v1, v0;
	_ =	sdelay $0x1  }
0x18b: {  	(erf) = vrcp.f32 v2  }
0x18c: {  	v8 =	vld [tilespmem:$0x160];
	_ =	sdelay $0x4  }
0x18d: {  	v9 =	vand.u32 $0x1F, v8  }
0x18e: {  	v10 =	vshrl.u32 v8, $0x5;
	v3 =	vmul.u32 $0x15, v9  }
0x18f: {  	v4 =	vand.u32 $0x1F, v10  }
0x190: {  	v4 =	vadd.s32 v4, v3;
	v2 =	vshrl.u32 v8, $0xA;
	v11 =	vpop (erf)  }
0x191: {  	v2 =	vadd.s32 v2, v3;
	v0 =	vmul.f32 v11, v0  }
0x192: {  	v1 =	vmul.f32 v11, v1  }
0x193: {  	[tilespmem:$0x860] =	vst v0  }
0x194: {  	[tilespmem:$0x8E0] =	vst v1  }
0x195: {  	v0 =	vld.idx.msk [tilespmem:v4+s13+$0x0], $0xffff  }
0x196: {  	v1 =	vld.idx.msk [tilespmem:v2+s13+$0x0], $0xffff;
	_ =	sdelay $0x4  }
0x197: {  	v2 =	vadd.f32 v1, v0;
	_ =	sdelay $0x1  }
0x198: {  	(erf) = vrcp.f32 v2  }
0x199: {  	v12 =	vld [tilespmem:$0x170];
	_ =	sdelay $0x4  }
0x19a: {  	v13 =	vand.u32 $0x1F, v12  }
0x19b: {  	v14 =	vshrl.u32 v12, $0x5;
	v3 =	vmul.u32 $0x15, v13  }
0x19c: {  	v4 =	vand.u32 $0x1F, v14  }
0x19d: {  	v4 =	vadd.s32 v4, v3;
	v2 =	vshrl.u32 v12, $0xA;
	v15 =	vpop (erf)  }
0x19e: {  	v2 =	vadd.s32 v2, v3;
	v0 =	vmul.f32 v15, v0  }
0x19f: {  	v1 =	vmul.f32 v15, v1  }
0x1a0: {  	[tilespmem:$0x870] =	vst v0  }
0x1a1: {  	[tilespmem:$0x8F0] =	vst v1  }
0x1a2: {  	v0 =	vld.idx.msk [tilespmem:v4+s13+$0x0], $0xffff  }
0x1a3: {  	v1 =	vld.idx.msk [tilespmem:v2+s13+$0x0], $0xffff;
	_ =	sdelay $0x4  }
0x1a4: {  	v2 =	vadd.f32 v1, v0;
	_ =	sdelay $0x1  }
0x1a5: {  	(erf) = vrcp.f32 v2;
	_ =	sdelay $0x8  }
0x1a6: {  	v2 =	vpop (erf)  }
0x1a7: {  	v0 =	vmul.f32 v2, v0  }
0x1a8: {  	v1 =	vmul.f32 v2, v1  }
0x1a9: {  	[tilespmem:$0x880] =	vst v0  }
0x1aa: {  	s20 =	simm.s32 $0x810;
	s19 =	sadd.s32 $0x40, s5;
	[tilespmem:$0x900] =	vst v1  }
0x1ab: {  	[hbm4b:s19+s2] =	stream.linear.scatter [tilespmem:s20], [sflag:$0x1], $0x100, $0x38;
	[tilespmem:$0xE30] =	vst v63  }
0x1ac: {  	v16 =	vld [tilespmem:$0x180];
	_ =	sdelay $0x4  }
0x1ad: {  	v17 =	vand.u32 $0x1F, v16  }
0x1ae: {  	v18 =	vshrl.u32 v16, $0x5;
	v1 =	vmul.u32 $0x15, v17  }
0x1af: {  	v2 =	vand.u32 $0x1F, v18  }
0x1b0: {  	v0 =	vshrl.u32 v16, $0xA;
	v2 =	vadd.s32 v2, v1  }
0x1b1: {  	v0 =	vadd.s32 v0, v1;
	_ =	sdelay $0x3  }
0x1b2: {  	v19 =	vld.idx.msk [tilespmem:v2+s13+$0x0], $0xffff  }
0x1b3: {  	v0 =	vld.idx.msk [tilespmem:v0+s13+$0x0], $0xffff;
	_ =	sdelay $0x4  }
0x1b4: {  	v2 =	vadd.f32 v0, v19;
	_ =	sdelay $0x1  }
0x1b5: {  	(erf) = vrcp.f32 v2  }
0x1b6: {  	v20 =	vld [tilespmem:$0x190];
	_ =	sdelay $0x4  }
0x1b7: {  	v21 =	vand.u32 $0x1F, v20  }
0x1b8: {  	v22 =	vshrl.u32 v20, $0x5;
	v3 =	vmul.u32 $0x15, v21  }
0x1b9: {  	v4 =	vand.u32 $0x1F, v22  }
0x1ba: {  	v4 =	vadd.s32 v4, v3;
	v2 =	vshrl.u32 v20, $0xA;
	v23 =	vpop (erf)  }
0x1bb: {  	v2 =	vadd.s32 v2, v3;
	v1 =	vmul.f32 v23, v19  }
0x1bc: {  	v0 =	vmul.f32 v23, v0  }
0x1bd: {  	[tilespmem:$0x910] =	vst v1  }
0x1be: {  	[tilespmem:$0x990] =	vst v0  }
0x1bf: {  	v0 =	vld.idx.msk [tilespmem:v4+s13+$0x0], $0xffff  }
0x1c0: {  	v1 =	vld.idx.msk [tilespmem:v2+s13+$0x0], $0xffff;
	_ =	sdelay $0x4  }
0x1c1: {  	v2 =	vadd.f32 v1, v0;
	_ =	sdelay $0x1  }
0x1c2: {  	(erf) = vrcp.f32 v2  }
0x1c3: {  	v24 =	vld [tilespmem:$0x1A0];
	_ =	sdelay $0x4  }
0x1c4: {  	v25 =	vand.u32 $0x1F, v24  }
0x1c5: {  	v26 =	vshrl.u32 v24, $0x5;
	v3 =	vmul.u32 $0x15, v25  }
0x1c6: {  	v4 =	vand.u32 $0x1F, v26  }
0x1c7: {  	v4 =	vadd.s32 v4, v3;
	v2 =	vshrl.u32 v24, $0xA;
	v27 =	vpop (erf)  }
0x1c8: {  	v2 =	vadd.s32 v2, v3;
	v0 =	vmul.f32 v27, v0  }
0x1c9: {  	v1 =	vmul.f32 v27, v1  }
0x1ca: {  	[tilespmem:$0x920] =	vst v0  }
0x1cb: {  	[tilespmem:$0x9A0] =	vst v1  }
0x1cc: {  	v0 =	vld.idx.msk [tilespmem:v4+s13+$0x0], $0xffff  }
0x1cd: {  	v1 =	vld.idx.msk [tilespmem:v2+s13+$0x0], $0xffff;
	_ =	sdelay $0x4  }
0x1ce: {  	v2 =	vadd.f32 v1, v0;
	_ =	sdelay $0x1  }
0x1cf: {  	(erf) = vrcp.f32 v2  }
0x1d0: {  	v28 =	vld [tilespmem:$0x1B0];
	_ =	sdelay $0x4  }
0x1d1: {  	v29 =	vand.u32 $0x1F, v28  }
0x1d2: {  	v30 =	vshrl.u32 v28, $0x5;
	v3 =	vmul.u32 $0x15, v29  }
0x1d3: {  	v4 =	vand.u32 $0x1F, v30  }
0x1d4: {  	v4 =	vadd.s32 v4, v3;
	v2 =	vshrl.u32 v28, $0xA;
	v31 =	vpop (erf)  }
0x1d5: {  	v2 =	vadd.s32 v2, v3;
	v0 =	vmul.f32 v31, v0  }
0x1d6: {  	v1 =	vmul.f32 v31, v1  }
0x1d7: {  	[tilespmem:$0x930] =	vst v0  }
0x1d8: {  	[tilespmem:$0x9B0] =	vst v1  }
0x1d9: {  	v0 =	vld.idx.msk [tilespmem:v4+s13+$0x0], $0xffff  }
0x1da: {  	v1 =	vld.idx.msk [tilespmem:v2+s13+$0x0], $0xffff;
	_ =	sdelay $0x4  }
0x1db: {  	v2 =	vadd.f32 v1, v0;
	_ =	sdelay $0x1  }
0x1dc: {  	(erf) = vrcp.f32 v2  }
0x1dd: {  	v32 =	vld [tilespmem:$0x1C0];
	_ =	sdelay $0x4  }
0x1de: {  	v33 =	vand.u32 $0x1F, v32  }
0x1df: {  	v34 =	vshrl.u32 v32, $0x5;
	v3 =	vmul.u32 $0x15, v33  }
0x1e0: {  	v4 =	vand.u32 $0x1F, v34  }
0x1e1: {  	v4 =	vadd.s32 v4, v3;
	v2 =	vshrl.u32 v32, $0xA;
	v35 =	vpop (erf)  }
0x1e2: {  	v2 =	vadd.s32 v2, v3;
	v0 =	vmul.f32 v35, v0  }
0x1e3: {  	v1 =	vmul.f32 v35, v1  }
0x1e4: {  	[tilespmem:$0x940] =	vst v0  }
0x1e5: {  	[tilespmem:$0x9C0] =	vst v1  }
0x1e6: {  	v0 =	vld.idx.msk [tilespmem:v4+s13+$0x0], $0xffff  }
0x1e7: {  	v1 =	vld.idx.msk [tilespmem:v2+s13+$0x0], $0xffff;
	_ =	sdelay $0x4  }
0x1e8: {  	v2 =	vadd.f32 v1, v0;
	_ =	sdelay $0x1  }
0x1e9: {  	(erf) = vrcp.f32 v2  }
0x1ea: {  	v36 =	vld [tilespmem:$0x1D0];
	_ =	sdelay $0x4  }
0x1eb: {  	v37 =	vand.u32 $0x1F, v36  }
0x1ec: {  	v38 =	vshrl.u32 v36, $0x5;
	v3 =	vmul.u32 $0x15, v37  }
0x1ed: {  	v4 =	vand.u32 $0x1F, v38  }
0x1ee: {  	v4 =	vadd.s32 v4, v3;
	v2 =	vshrl.u32 v36, $0xA;
	v39 =	vpop (erf)  }
0x1ef: {  	v2 =	vadd.s32 v2, v3;
	v0 =	vmul.f32 v39, v0  }
0x1f0: {  	v1 =	vmul.f32 v39, v1  }
0x1f1: {  	[tilespmem:$0x950] =	vst v0  }
0x1f2: {  	[tilespmem:$0x9D0] =	vst v1  }
0x1f3: {  	v0 =	vld.idx.msk [tilespmem:v4+s13+$0x0], $0xffff  }
0x1f4: {  	v1 =	vld.idx.msk [tilespmem:v2+s13+$0x0], $0xffff;
	_ =	sdelay $0x4  }
0x1f5: {  	v2 =	vadd.f32 v1, v0;
	_ =	sdelay $0x1  }
0x1f6: {  	(erf) = vrcp.f32 v2  }
0x1f7: {  	v40 =	vld [tilespmem:$0x1E0];
	_ =	sdelay $0x4  }
0x1f8: {  	v41 =	vand.u32 $0x1F, v40  }
0x1f9: {  	v42 =	vshrl.u32 v40, $0x5;
	v3 =	vmul.u32 $0x15, v41  }
0x1fa: {  	v4 =	vand.u32 $0x1F, v42  }
0x1fb: {  	v4 =	vadd.s32 v4, v3;
	v2 =	vshrl.u32 v40, $0xA;
	v43 =	vpop (erf)  }
0x1fc: {  	v2 =	vadd.s32 v2, v3;
	v0 =	vmul.f32 v43, v0  }
0x1fd: {  	v1 =	vmul.f32 v43, v1  }
0x1fe: {  	[tilespmem:$0x960] =	vst v0  }
0x1ff: {  	[tilespmem:$0x9E0] =	vst v1  }
0x200: {  	v0 =	vld.idx.msk [tilespmem:v4+s13+$0x0], $0xffff  }
0x201: {  	v1 =	vld.idx.msk [tilespmem:v2+s13+$0x0], $0xffff;
	_ =	sdelay $0x4  }
0x202: {  	v2 =	vadd.f32 v1, v0;
	_ =	sdelay $0x1  }
0x203: {  	(erf) = vrcp.f32 v2  }
0x204: {  	v44 =	vld [tilespmem:$0x1F0];
	_ =	sdelay $0x4  }
0x205: {  	v45 =	vand.u32 $0x1F, v44  }
0x206: {  	v46 =	vshrl.u32 v44, $0x5;
	v3 =	vmul.u32 $0x15, v45  }
0x207: {  	v4 =	vand.u32 $0x1F, v46  }
0x208: {  	v4 =	vadd.s32 v4, v3;
	v2 =	vshrl.u32 v44, $0xA;
	v47 =	vpop (erf)  }
0x209: {  	v2 =	vadd.s32 v2, v3;
	v0 =	vmul.f32 v47, v0  }
0x20a: {  	v1 =	vmul.f32 v47, v1  }
0x20b: {  	[tilespmem:$0x970] =	vst v0  }
0x20c: {  	[tilespmem:$0x9F0] =	vst v1  }
0x20d: {  	v0 =	vld.idx.msk [tilespmem:v4+s13+$0x0], $0xffff  }
0x20e: {  	v1 =	vld.idx.msk [tilespmem:v2+s13+$0x0], $0xffff;
	_ =	sdelay $0x4  }
0x20f: {  	v2 =	vadd.f32 v1, v0;
	_ =	sdelay $0x1  }
0x210: {  	(erf) = vrcp.f32 v2;
	_ =	sdelay $0x8  }
0x211: {  	v2 =	vpop (erf)  }
0x212: {  	v0 =	vmul.f32 v2, v0  }
0x213: {  	v1 =	vmul.f32 v2, v1  }
0x214: {  	[tilespmem:$0x980] =	vst v0  }
0x215: {  	s22 =	simm.s32 $0x910;
	s21 =	sadd.s32 $0x60, s5;
	[tilespmem:$0xA00] =	vst v1  }
0x216: {  	[hbm4b:s21+s2] =	stream.linear.scatter [tilespmem:s22], [sflag:$0x1], $0x100, $0x38;
	[tilespmem:$0xE30] =	vst v63  }
0x217: {  	v48 =	vld [tilespmem:$0x200];
	_ =	sdelay $0x4  }
0x218: {  	v49 =	vand.u32 $0x1F, v48  }
0x219: {  	v50 =	vshrl.u32 v48, $0x5;
	v1 =	vmul.u32 $0x15, v49  }
0x21a: {  	v2 =	vand.u32 $0x1F, v50  }
0x21b: {  	v0 =	vshrl.u32 v48, $0xA;
	v2 =	vadd.s32 v2, v1  }
0x21c: {  	v0 =	vadd.s32 v0, v1;
	_ =	sdelay $0x3  }
0x21d: {  	v51 =	vld.idx.msk [tilespmem:v2+s13+$0x0], $0xffff  }
0x21e: {  	v0 =	vld.idx.msk [tilespmem:v0+s13+$0x0], $0xffff;
	_ =	sdelay $0x4  }
0x21f: {  	v2 =	vadd.f32 v0, v51;
	_ =	sdelay $0x1  }
0x220: {  	(erf) = vrcp.f32 v2  }
0x221: {  	v52 =	vld [tilespmem:$0x210];
	_ =	sdelay $0x4  }
0x222: {  	v53 =	vand.u32 $0x1F, v52  }
0x223: {  	v54 =	vshrl.u32 v52, $0x5;
	v3 =	vmul.u32 $0x15, v53  }
0x224: {  	v4 =	vand.u32 $0x1F, v54  }
0x225: {  	v4 =	vadd.s32 v4, v3;
	v2 =	vshrl.u32 v52, $0xA;
	v55 =	vpop (erf)  }
0x226: {  	v2 =	vadd.s32 v2, v3;
	v1 =	vmul.f32 v55, v51  }
0x227: {  	v0 =	vmul.f32 v55, v0  }
0x228: {  	[tilespmem:$0xA10] =	vst v1  }
0x229: {  	[tilespmem:$0xA90] =	vst v0  }
0x22a: {  	v0 =	vld.idx.msk [tilespmem:v4+s13+$0x0], $0xffff  }
0x22b: {  	v1 =	vld.idx.msk [tilespmem:v2+s13+$0x0], $0xffff;
	_ =	sdelay $0x4  }
0x22c: {  	v2 =	vadd.f32 v1, v0;
	_ =	sdelay $0x1  }
0x22d: {  	(erf) = vrcp.f32 v2  }
0x22e: {  	v56 =	vld [tilespmem:$0x220];
	_ =	sdelay $0x4  }
0x22f: {  	v57 =	vand.u32 $0x1F, v56  }
0x230: {  	v58 =	vshrl.u32 v56, $0x5;
	v3 =	vmul.u32 $0x15, v57  }
0x231: {  	v4 =	vand.u32 $0x1F, v58  }
0x232: {  	v4 =	vadd.s32 v4, v3;
	v2 =	vshrl.u32 v56, $0xA;
	v59 =	vpop (erf)  }
0x233: {  	v2 =	vadd.s32 v2, v3;
	v0 =	vmul.f32 v59, v0  }
0x234: {  	v1 =	vmul.f32 v59, v1  }
0x235: {  	[tilespmem:$0xA20] =	vst v0  }
0x236: {  	[tilespmem:$0xAA0] =	vst v1  }
0x237: {  	v0 =	vld.idx.msk [tilespmem:v4+s13+$0x0], $0xffff  }
0x238: {  	v1 =	vld.idx.msk [tilespmem:v2+s13+$0x0], $0xffff;
	_ =	sdelay $0x4  }
0x239: {  	v2 =	vadd.f32 v1, v0;
	_ =	sdelay $0x1  }
0x23a: {  	(erf) = vrcp.f32 v2  }
0x23b: {  	v60 =	vld [tilespmem:$0x230];
	_ =	sdelay $0x4  }
0x23c: {  	v61 =	vand.u32 $0x1F, v60  }
0x23d: {  	v62 =	vshrl.u32 v60, $0x5;
	v3 =	vmul.u32 $0x15, v61  }
0x23e: {  	v4 =	vand.u32 $0x1F, v62  }
0x23f: {  	v4 =	vadd.s32 v4, v3;
	v2 =	vshrl.u32 v60, $0xA;
	v63 =	vpop (erf)  }
0x240: {  	v2 =	vadd.s32 v2, v3;
	v0 =	vmul.f32 v63, v0  }
0x241: {  	v1 =	vmul.f32 v63, v1  }
0x242: {  	[tilespmem:$0xA30] =	vst v0  }
0x243: {  	[tilespmem:$0xAB0] =	vst v1  }
0x244: {  	v0 =	vld.idx.msk [tilespmem:v4+s13+$0x0], $0xffff  }
0x245: {  	v1 =	vld.idx.msk [tilespmem:v2+s13+$0x0], $0xffff;
	_ =	sdelay $0x4  }
0x246: {  	v2 =	vadd.f32 v1, v0;
	_ =	sdelay $0x1  }
0x247: {  	(erf) = vrcp.f32 v2  }
0x248: {  	v8 =	vld [tilespmem:$0x240];
	_ =	sdelay $0x4  }
0x249: {  	v9 =	vand.u32 $0x1F, v8  }
0x24a: {  	v10 =	vshrl.u32 v8, $0x5;
	v3 =	vmul.u32 $0x15, v9  }
0x24b: {  	v4 =	vand.u32 $0x1F, v10  }
0x24c: {  	v4 =	vadd.s32 v4, v3;
	v2 =	vshrl.u32 v8, $0xA;
	v11 =	vpop (erf)  }
0x24d: {  	v2 =	vadd.s32 v2, v3;
	v0 =	vmul.f32 v11, v0  }
0x24e: {  	v1 =	vmul.f32 v11, v1  }
0x24f: {  	[tilespmem:$0xA40] =	vst v0  }
0x250: {  	[tilespmem:$0xAC0] =	vst v1  }
0x251: {  	v0 =	vld.idx.msk [tilespmem:v4+s13+$0x0], $0xffff  }
0x252: {  	v1 =	vld.idx.msk [tilespmem:v2+s13+$0x0], $0xffff;
	_ =	sdelay $0x4  }
0x253: {  	v2 =	vadd.f32 v1, v0;
	_ =	sdelay $0x1  }
0x254: {  	(erf) = vrcp.f32 v2  }
0x255: {  	v12 =	vld [tilespmem:$0x250];
	_ =	sdelay $0x4  }
0x256: {  	v13 =	vand.u32 $0x1F, v12  }
0x257: {  	v14 =	vshrl.u32 v12, $0x5;
	v3 =	vmul.u32 $0x15, v13  }
0x258: {  	v4 =	vand.u32 $0x1F, v14  }
0x259: {  	v4 =	vadd.s32 v4, v3;
	v2 =	vshrl.u32 v12, $0xA;
	v15 =	vpop (erf)  }
0x25a: {  	v2 =	vadd.s32 v2, v3;
	v0 =	vmul.f32 v15, v0  }
0x25b: {  	v1 =	vmul.f32 v15, v1  }
0x25c: {  	[tilespmem:$0xA50] =	vst v0  }
0x25d: {  	[tilespmem:$0xAD0] =	vst v1  }
0x25e: {  	v0 =	vld.idx.msk [tilespmem:v4+s13+$0x0], $0xffff  }
0x25f: {  	v1 =	vld.idx.msk [tilespmem:v2+s13+$0x0], $0xffff;
	_ =	sdelay $0x4  }
0x260: {  	v2 =	vadd.f32 v1, v0;
	_ =	sdelay $0x1  }
0x261: {  	(erf) = vrcp.f32 v2  }
0x262: {  	v16 =	vld [tilespmem:$0x260];
	_ =	sdelay $0x4  }
0x263: {  	v17 =	vand.u32 $0x1F, v16  }
0x264: {  	v18 =	vshrl.u32 v16, $0x5;
	v3 =	vmul.u32 $0x15, v17  }
0x265: {  	v4 =	vand.u32 $0x1F, v18  }
0x266: {  	v4 =	vadd.s32 v4, v3;
	v2 =	vshrl.u32 v16, $0xA;
	v19 =	vpop (erf)  }
0x267: {  	v2 =	vadd.s32 v2, v3;
	v0 =	vmul.f32 v19, v0  }
0x268: {  	v1 =	vmul.f32 v19, v1  }
0x269: {  	[tilespmem:$0xA60] =	vst v0  }
0x26a: {  	[tilespmem:$0xAE0] =	vst v1  }
0x26b: {  	v0 =	vld.idx.msk [tilespmem:v4+s13+$0x0], $0xffff  }
0x26c: {  	v1 =	vld.idx.msk [tilespmem:v2+s13+$0x0], $0xffff;
	_ =	sdelay $0x4  }
0x26d: {  	v2 =	vadd.f32 v1, v0;
	_ =	sdelay $0x1  }
0x26e: {  	(erf) = vrcp.f32 v2  }
0x26f: {  	v20 =	vld [tilespmem:$0x270];
	_ =	sdelay $0x4  }
0x270: {  	v21 =	vand.u32 $0x1F, v20  }
0x271: {  	v22 =	vshrl.u32 v20, $0x5;
	v3 =	vmul.u32 $0x15, v21  }
0x272: {  	v4 =	vand.u32 $0x1F, v22  }
0x273: {  	v4 =	vadd.s32 v4, v3;
	v2 =	vshrl.u32 v20, $0xA;
	v23 =	vpop (erf)  }
0x274: {  	v2 =	vadd.s32 v2, v3;
	v0 =	vmul.f32 v23, v0  }
0x275: {  	v1 =	vmul.f32 v23, v1  }
0x276: {  	[tilespmem:$0xA70] =	vst v0  }
0x277: {  	[tilespmem:$0xAF0] =	vst v1  }
0x278: {  	v0 =	vld.idx.msk [tilespmem:v4+s13+$0x0], $0xffff  }
0x279: {  	v1 =	vld.idx.msk [tilespmem:v2+s13+$0x0], $0xffff;
	_ =	sdelay $0x4  }
0x27a: {  	v2 =	vadd.f32 v1, v0;
	_ =	sdelay $0x1  }
0x27b: {  	(erf) = vrcp.f32 v2;
	_ =	sdelay $0x8  }
0x27c: {  	v2 =	vpop (erf)  }
0x27d: {  	v0 =	vmul.f32 v2, v0  }
0x27e: {  	v1 =	vmul.f32 v2, v1  }
0x27f: {  	[tilespmem:$0xA80] =	vst v0  }
0x280: {  	s24 =	simm.s32 $0xA10;
	s23 =	sadd.s32 $0x80, s5;
	[tilespmem:$0xB00] =	vst v1  }
0x281: {  	[hbm4b:s23+s2] =	stream.linear.scatter [tilespmem:s24], [sflag:$0x1], $0x100, $0x38;
	[tilespmem:$0xE30] =	vst v63  }
0x282: {  	v24 =	vld [tilespmem:$0x280];
	_ =	sdelay $0x4  }
0x283: {  	v25 =	vand.u32 $0x1F, v24  }
0x284: {  	v26 =	vshrl.u32 v24, $0x5;
	v1 =	vmul.u32 $0x15, v25  }
0x285: {  	v2 =	vand.u32 $0x1F, v26  }
0x286: {  	v0 =	vshrl.u32 v24, $0xA;
	v2 =	vadd.s32 v2, v1  }
0x287: {  	v0 =	vadd.s32 v0, v1;
	_ =	sdelay $0x3  }
0x288: {  	v27 =	vld.idx.msk [tilespmem:v2+s13+$0x0], $0xffff  }
0x289: {  	v0 =	vld.idx.msk [tilespmem:v0+s13+$0x0], $0xffff;
	_ =	sdelay $0x4  }
0x28a: {  	v2 =	vadd.f32 v0, v27;
	_ =	sdelay $0x1  }
0x28b: {  	(erf) = vrcp.f32 v2  }
0x28c: {  	v28 =	vld [tilespmem:$0x290];
	_ =	sdelay $0x4  }
0x28d: {  	v29 =	vand.u32 $0x1F, v28  }
0x28e: {  	v30 =	vshrl.u32 v28, $0x5;
	v3 =	vmul.u32 $0x15, v29  }
0x28f: {  	v4 =	vand.u32 $0x1F, v30  }
0x290: {  	v4 =	vadd.s32 v4, v3;
	v2 =	vshrl.u32 v28, $0xA;
	v31 =	vpop (erf)  }
0x291: {  	v2 =	vadd.s32 v2, v3;
	v1 =	vmul.f32 v31, v27  }
0x292: {  	v0 =	vmul.f32 v31, v0  }
0x293: {  	[tilespmem:$0xB10] =	vst v1  }
0x294: {  	[tilespmem:$0xB90] =	vst v0  }
0x295: {  	v0 =	vld.idx.msk [tilespmem:v4+s13+$0x0], $0xffff  }
0x296: {  	v1 =	vld.idx.msk [tilespmem:v2+s13+$0x0], $0xffff;
	_ =	sdelay $0x4  }
0x297: {  	v2 =	vadd.f32 v1, v0;
	_ =	sdelay $0x1  }
0x298: {  	(erf) = vrcp.f32 v2  }
0x299: {  	v32 =	vld [tilespmem:$0x2A0];
	_ =	sdelay $0x4  }
0x29a: {  	v33 =	vand.u32 $0x1F, v32  }
0x29b: {  	v34 =	vshrl.u32 v32, $0x5;
	v3 =	vmul.u32 $0x15, v33  }
0x29c: {  	v4 =	vand.u32 $0x1F, v34  }
0x29d: {  	v4 =	vadd.s32 v4, v3;
	v2 =	vshrl.u32 v32, $0xA;
	v35 =	vpop (erf)  }
0x29e: {  	v2 =	vadd.s32 v2, v3;
	v0 =	vmul.f32 v35, v0  }
0x29f: {  	v1 =	vmul.f32 v35, v1  }
0x2a0: {  	[tilespmem:$0xB20] =	vst v0  }
0x2a1: {  	[tilespmem:$0xBA0] =	vst v1  }
0x2a2: {  	v0 =	vld.idx.msk [tilespmem:v4+s13+$0x0], $0xffff  }
0x2a3: {  	v1 =	vld.idx.msk [tilespmem:v2+s13+$0x0], $0xffff;
	_ =	sdelay $0x4  }
0x2a4: {  	v2 =	vadd.f32 v1, v0;
	_ =	sdelay $0x1  }
0x2a5: {  	(erf) = vrcp.f32 v2  }
0x2a6: {  	v36 =	vld [tilespmem:$0x2B0];
	_ =	sdelay $0x4  }
0x2a7: {  	v37 =	vand.u32 $0x1F, v36  }
0x2a8: {  	v38 =	vshrl.u32 v36, $0x5;
	v3 =	vmul.u32 $0x15, v37  }
0x2a9: {  	v4 =	vand.u32 $0x1F, v38  }
0x2aa: {  	v4 =	vadd.s32 v4, v3;
	v2 =	vshrl.u32 v36, $0xA;
	v39 =	vpop (erf)  }
0x2ab: {  	v2 =	vadd.s32 v2, v3;
	v0 =	vmul.f32 v39, v0  }
0x2ac: {  	v1 =	vmul.f32 v39, v1  }
0x2ad: {  	[tilespmem:$0xB30] =	vst v0  }
0x2ae: {  	[tilespmem:$0xBB0] =	vst v1  }
0x2af: {  	v0 =	vld.idx.msk [tilespmem:v4+s13+$0x0], $0xffff  }
0x2b0: {  	v1 =	vld.idx.msk [tilespmem:v2+s13+$0x0], $0xffff;
	_ =	sdelay $0x4  }
0x2b1: {  	v2 =	vadd.f32 v1, v0;
	_ =	sdelay $0x1  }
0x2b2: {  	(erf) = vrcp.f32 v2  }
0x2b3: {  	v40 =	vld [tilespmem:$0x2C0];
	_ =	sdelay $0x4  }
0x2b4: {  	v41 =	vand.u32 $0x1F, v40  }
0x2b5: {  	v42 =	vshrl.u32 v40, $0x5;
	v3 =	vmul.u32 $0x15, v41  }
0x2b6: {  	v4 =	vand.u32 $0x1F, v42  }
0x2b7: {  	v4 =	vadd.s32 v4, v3;
	v2 =	vshrl.u32 v40, $0xA;
	v43 =	vpop (erf)  }
0x2b8: {  	v2 =	vadd.s32 v2, v3;
	v0 =	vmul.f32 v43, v0  }
0x2b9: {  	v1 =	vmul.f32 v43, v1  }
0x2ba: {  	[tilespmem:$0xB40] =	vst v0  }
0x2bb: {  	[tilespmem:$0xBC0] =	vst v1  }
0x2bc: {  	v0 =	vld.idx.msk [tilespmem:v4+s13+$0x0], $0xffff  }
0x2bd: {  	v1 =	vld.idx.msk [tilespmem:v2+s13+$0x0], $0xffff;
	_ =	sdelay $0x4  }
0x2be: {  	v2 =	vadd.f32 v1, v0;
	_ =	sdelay $0x1  }
0x2bf: {  	(erf) = vrcp.f32 v2  }
0x2c0: {  	v44 =	vld [tilespmem:$0x2D0];
	_ =	sdelay $0x4  }
0x2c1: {  	v45 =	vand.u32 $0x1F, v44  }
0x2c2: {  	v46 =	vshrl.u32 v44, $0x5;
	v3 =	vmul.u32 $0x15, v45  }
0x2c3: {  	v4 =	vand.u32 $0x1F, v46  }
0x2c4: {  	v4 =	vadd.s32 v4, v3;
	v2 =	vshrl.u32 v44, $0xA;
	v47 =	vpop (erf)  }
0x2c5: {  	v2 =	vadd.s32 v2, v3;
	v0 =	vmul.f32 v47, v0  }
0x2c6: {  	v1 =	vmul.f32 v47, v1  }
0x2c7: {  	[tilespmem:$0xB50] =	vst v0  }
0x2c8: {  	[tilespmem:$0xBD0] =	vst v1  }
0x2c9: {  	v0 =	vld.idx.msk [tilespmem:v4+s13+$0x0], $0xffff  }
0x2ca: {  	v1 =	vld.idx.msk [tilespmem:v2+s13+$0x0], $0xffff;
	_ =	sdelay $0x4  }
0x2cb: {  	v2 =	vadd.f32 v1, v0;
	_ =	sdelay $0x1  }
0x2cc: {  	(erf) = vrcp.f32 v2  }
0x2cd: {  	v48 =	vld [tilespmem:$0x2E0];
	_ =	sdelay $0x4  }
0x2ce: {  	v49 =	vand.u32 $0x1F, v48  }
0x2cf: {  	v50 =	vshrl.u32 v48, $0x5;
	v3 =	vmul.u32 $0x15, v49  }
0x2d0: {  	v4 =	vand.u32 $0x1F, v50  }
0x2d1: {  	v4 =	vadd.s32 v4, v3;
	v2 =	vshrl.u32 v48, $0xA;
	v51 =	vpop (erf)  }
0x2d2: {  	v2 =	vadd.s32 v2, v3;
	v0 =	vmul.f32 v51, v0  }
0x2d3: {  	v1 =	vmul.f32 v51, v1  }
0x2d4: {  	[tilespmem:$0xB60] =	vst v0  }
0x2d5: {  	[tilespmem:$0xBE0] =	vst v1  }
0x2d6: {  	v0 =	vld.idx.msk [tilespmem:v4+s13+$0x0], $0xffff  }
0x2d7: {  	v1 =	vld.idx.msk [tilespmem:v2+s13+$0x0], $0xffff;
	_ =	sdelay $0x4  }
0x2d8: {  	v2 =	vadd.f32 v1, v0;
	_ =	sdelay $0x1  }
0x2d9: {  	(erf) = vrcp.f32 v2  }
0x2da: {  	v52 =	vld [tilespmem:$0x2F0];
	_ =	sdelay $0x4  }
0x2db: {  	v53 =	vand.u32 $0x1F, v52  }
0x2dc: {  	v54 =	vshrl.u32 v52, $0x5;
	v3 =	vmul.u32 $0x15, v53  }
0x2dd: {  	v4 =	vand.u32 $0x1F, v54  }
0x2de: {  	v4 =	vadd.s32 v4, v3;
	v2 =	vshrl.u32 v52, $0xA;
	v55 =	vpop (erf)  }
0x2df: {  	v2 =	vadd.s32 v2, v3;
	v0 =	vmul.f32 v55, v0  }
0x2e0: {  	v1 =	vmul.f32 v55, v1  }
0x2e1: {  	[tilespmem:$0xB70] =	vst v0  }
0x2e2: {  	[tilespmem:$0xBF0] =	vst v1  }
0x2e3: {  	v0 =	vld.idx.msk [tilespmem:v4+s13+$0x0], $0xffff  }
0x2e4: {  	v1 =	vld.idx.msk [tilespmem:v2+s13+$0x0], $0xffff;
	_ =	sdelay $0x4  }
0x2e5: {  	v2 =	vadd.f32 v1, v0;
	_ =	sdelay $0x1  }
0x2e6: {  	(erf) = vrcp.f32 v2;
	_ =	sdelay $0x8  }
0x2e7: {  	v2 =	vpop (erf)  }
0x2e8: {  	v0 =	vmul.f32 v2, v0  }
0x2e9: {  	v1 =	vmul.f32 v2, v1  }
0x2ea: {  	[tilespmem:$0xB80] =	vst v0  }
0x2eb: {  	s26 =	simm.s32 $0xB10;
	s25 =	sadd.s32 $0xA0, s5;
	[tilespmem:$0xC00] =	vst v1  }
0x2ec: {  	[hbm4b:s25+s2] =	stream.linear.scatter [tilespmem:s26], [sflag:$0x1], $0x100, $0x38;
	[tilespmem:$0xE30] =	vst v63  }
0x2ed: {  	v56 =	vld [tilespmem:$0x300];
	_ =	sdelay $0x4  }
0x2ee: {  	v57 =	vand.u32 $0x1F, v56  }
0x2ef: {  	v58 =	vshrl.u32 v56, $0x5;
	v1 =	vmul.u32 $0x15, v57  }
0x2f0: {  	v2 =	vand.u32 $0x1F, v58  }
0x2f1: {  	v0 =	vshrl.u32 v56, $0xA;
	v2 =	vadd.s32 v2, v1  }
0x2f2: {  	v0 =	vadd.s32 v0, v1;
	_ =	sdelay $0x3  }
0x2f3: {  	v59 =	vld.idx.msk [tilespmem:v2+s13+$0x0], $0xffff  }
0x2f4: {  	v0 =	vld.idx.msk [tilespmem:v0+s13+$0x0], $0xffff;
	_ =	sdelay $0x4  }
0x2f5: {  	v2 =	vadd.f32 v0, v59;
	_ =	sdelay $0x1  }
0x2f6: {  	(erf) = vrcp.f32 v2  }
0x2f7: {  	v60 =	vld [tilespmem:$0x310];
	_ =	sdelay $0x4  }
0x2f8: {  	v61 =	vand.u32 $0x1F, v60  }
0x2f9: {  	v62 =	vshrl.u32 v60, $0x5;
	v3 =	vmul.u32 $0x15, v61  }
0x2fa: {  	v4 =	vand.u32 $0x1F, v62  }
0x2fb: {  	v4 =	vadd.s32 v4, v3;
	v2 =	vshrl.u32 v60, $0xA;
	v63 =	vpop (erf)  }
0x2fc: {  	v2 =	vadd.s32 v2, v3;
	v1 =	vmul.f32 v63, v59  }
0x2fd: {  	v0 =	vmul.f32 v63, v0  }
0x2fe: {  	[tilespmem:$0xC10] =	vst v1  }
0x2ff: {  	[tilespmem:$0xC90] =	vst v0  }
0x300: {  	v0 =	vld.idx.msk [tilespmem:v4+s13+$0x0], $0xffff  }
0x301: {  	v1 =	vld.idx.msk [tilespmem:v2+s13+$0x0], $0xffff;
	_ =	sdelay $0x4  }
0x302: {  	v2 =	vadd.f32 v1, v0;
	_ =	sdelay $0x1  }
0x303: {  	(erf) = vrcp.f32 v2  }
0x304: {  	v8 =	vld [tilespmem:$0x320];
	_ =	sdelay $0x4  }
0x305: {  	v9 =	vand.u32 $0x1F, v8  }
0x306: {  	v10 =	vshrl.u32 v8, $0x5;
	v3 =	vmul.u32 $0x15, v9  }
0x307: {  	v4 =	vand.u32 $0x1F, v10  }
0x308: {  	v4 =	vadd.s32 v4, v3;
	v2 =	vshrl.u32 v8, $0xA;
	v11 =	vpop (erf)  }
0x309: {  	v2 =	vadd.s32 v2, v3;
	v0 =	vmul.f32 v11, v0  }
0x30a: {  	v1 =	vmul.f32 v11, v1  }
0x30b: {  	[tilespmem:$0xC20] =	vst v0  }
0x30c: {  	[tilespmem:$0xCA0] =	vst v1  }
0x30d: {  	v0 =	vld.idx.msk [tilespmem:v4+s13+$0x0], $0xffff  }
0x30e: {  	v1 =	vld.idx.msk [tilespmem:v2+s13+$0x0], $0xffff;
	_ =	sdelay $0x4  }
0x30f: {  	v2 =	vadd.f32 v1, v0;
	_ =	sdelay $0x1  }
0x310: {  	(erf) = vrcp.f32 v2  }
0x311: {  	v12 =	vld [tilespmem:$0x330];
	_ =	sdelay $0x4  }
0x312: {  	v13 =	vand.u32 $0x1F, v12  }
0x313: {  	v14 =	vshrl.u32 v12, $0x5;
	v3 =	vmul.u32 $0x15, v13  }
0x314: {  	v4 =	vand.u32 $0x1F, v14  }
0x315: {  	v4 =	vadd.s32 v4, v3;
	v2 =	vshrl.u32 v12, $0xA;
	v15 =	vpop (erf)  }
0x316: {  	v2 =	vadd.s32 v2, v3;
	v0 =	vmul.f32 v15, v0  }
0x317: {  	v1 =	vmul.f32 v15, v1  }
0x318: {  	[tilespmem:$0xC30] =	vst v0  }
0x319: {  	[tilespmem:$0xCB0] =	vst v1  }
0x31a: {  	v0 =	vld.idx.msk [tilespmem:v4+s13+$0x0], $0xffff  }
0x31b: {  	v1 =	vld.idx.msk [tilespmem:v2+s13+$0x0], $0xffff;
	_ =	sdelay $0x4  }
0x31c: {  	v2 =	vadd.f32 v1, v0;
	_ =	sdelay $0x1  }
0x31d: {  	(erf) = vrcp.f32 v2  }
0x31e: {  	v16 =	vld [tilespmem:$0x340];
	_ =	sdelay $0x4  }
0x31f: {  	v17 =	vand.u32 $0x1F, v16  }
0x320: {  	v18 =	vshrl.u32 v16, $0x5;
	v3 =	vmul.u32 $0x15, v17  }
0x321: {  	v4 =	vand.u32 $0x1F, v18  }
0x322: {  	v4 =	vadd.s32 v4, v3;
	v2 =	vshrl.u32 v16, $0xA;
	v19 =	vpop (erf)  }
0x323: {  	v2 =	vadd.s32 v2, v3;
	v0 =	vmul.f32 v19, v0  }
0x324: {  	v1 =	vmul.f32 v19, v1  }
0x325: {  	[tilespmem:$0xC40] =	vst v0  }
0x326: {  	[tilespmem:$0xCC0] =	vst v1  }
0x327: {  	v0 =	vld.idx.msk [tilespmem:v4+s13+$0x0], $0xffff  }
0x328: {  	v1 =	vld.idx.msk [tilespmem:v2+s13+$0x0], $0xffff;
	_ =	sdelay $0x4  }
0x329: {  	v2 =	vadd.f32 v1, v0;
	_ =	sdelay $0x1  }
0x32a: {  	(erf) = vrcp.f32 v2  }
0x32b: {  	v20 =	vld [tilespmem:$0x350];
	_ =	sdelay $0x4  }
0x32c: {  	v21 =	vand.u32 $0x1F, v20  }
0x32d: {  	v22 =	vshrl.u32 v20, $0x5;
	v3 =	vmul.u32 $0x15, v21  }
0x32e: {  	v4 =	vand.u32 $0x1F, v22  }
0x32f: {  	v4 =	vadd.s32 v4, v3;
	v2 =	vshrl.u32 v20, $0xA;
	v23 =	vpop (erf)  }
0x330: {  	v2 =	vadd.s32 v2, v3;
	v0 =	vmul.f32 v23, v0  }
0x331: {  	v1 =	vmul.f32 v23, v1  }
0x332: {  	[tilespmem:$0xC50] =	vst v0  }
0x333: {  	[tilespmem:$0xCD0] =	vst v1  }
0x334: {  	v0 =	vld.idx.msk [tilespmem:v4+s13+$0x0], $0xffff  }
0x335: {  	v1 =	vld.idx.msk [tilespmem:v2+s13+$0x0], $0xffff;
	_ =	sdelay $0x4  }
0x336: {  	v2 =	vadd.f32 v1, v0;
	_ =	sdelay $0x1  }
0x337: {  	(erf) = vrcp.f32 v2  }
0x338: {  	v24 =	vld [tilespmem:$0x360];
	_ =	sdelay $0x4  }
0x339: {  	v25 =	vand.u32 $0x1F, v24  }
0x33a: {  	v26 =	vshrl.u32 v24, $0x5;
	v3 =	vmul.u32 $0x15, v25  }
0x33b: {  	v4 =	vand.u32 $0x1F, v26  }
0x33c: {  	v4 =	vadd.s32 v4, v3;
	v2 =	vshrl.u32 v24, $0xA;
	v27 =	vpop (erf)  }
0x33d: {  	v2 =	vadd.s32 v2, v3;
	v0 =	vmul.f32 v27, v0  }
0x33e: {  	v1 =	vmul.f32 v27, v1  }
0x33f: {  	[tilespmem:$0xC60] =	vst v0  }
0x340: {  	[tilespmem:$0xCE0] =	vst v1  }
0x341: {  	v0 =	vld.idx.msk [tilespmem:v4+s13+$0x0], $0xffff  }
0x342: {  	v1 =	vld.idx.msk [tilespmem:v2+s13+$0x0], $0xffff;
	_ =	sdelay $0x4  }
0x343: {  	v2 =	vadd.f32 v1, v0;
	_ =	sdelay $0x1  }
0x344: {  	(erf) = vrcp.f32 v2  }
0x345: {  	v28 =	vld [tilespmem:$0x370];
	_ =	sdelay $0x4  }
0x346: {  	v29 =	vand.u32 $0x1F, v28  }
0x347: {  	v30 =	vshrl.u32 v28, $0x5;
	v3 =	vmul.u32 $0x15, v29  }
0x348: {  	v4 =	vand.u32 $0x1F, v30  }
0x349: {  	v4 =	vadd.s32 v4, v3;
	v2 =	vshrl.u32 v28, $0xA;
	v31 =	vpop (erf)  }
0x34a: {  	v2 =	vadd.s32 v2, v3;
	v0 =	vmul.f32 v31, v0  }
0x34b: {  	v1 =	vmul.f32 v31, v1  }
0x34c: {  	[tilespmem:$0xC70] =	vst v0  }
0x34d: {  	[tilespmem:$0xCF0] =	vst v1  }
0x34e: {  	v0 =	vld.idx.msk [tilespmem:v4+s13+$0x0], $0xffff  }
0x34f: {  	v1 =	vld.idx.msk [tilespmem:v2+s13+$0x0], $0xffff;
	_ =	sdelay $0x4  }
0x350: {  	v2 =	vadd.f32 v1, v0;
	_ =	sdelay $0x1  }
0x351: {  	(erf) = vrcp.f32 v2;
	_ =	sdelay $0x8  }
0x352: {  	v2 =	vpop (erf)  }
0x353: {  	v0 =	vmul.f32 v2, v0  }
0x354: {  	v1 =	vmul.f32 v2, v1  }
0x355: {  	[tilespmem:$0xC80] =	vst v0  }
0x356: {  	s29 =	simm.s32 $0xC10;
	s28 =	sadd.s32 $0xC0, s5;
	[tilespmem:$0xD00] =	vst v1  }
0x357: {  	[hbm4b:s28+s2] =	stream.linear.scatter [tilespmem:s29], [sflag:$0x1], $0x100, $0x38;
	[tilespmem:$0xE30] =	vst v63  }
0x358: {  	v32 =	vld [tilespmem:$0x380];
	_ =	sdelay $0x4  }
0x359: {  	v33 =	vand.u32 $0x1F, v32  }
0x35a: {  	v34 =	vshrl.u32 v32, $0x5;
	v1 =	vmul.u32 $0x15, v33  }
0x35b: {  	v2 =	vand.u32 $0x1F, v34  }
0x35c: {  	v0 =	vshrl.u32 v32, $0xA;
	v2 =	vadd.s32 v2, v1  }
0x35d: {  	v0 =	vadd.s32 v0, v1;
	_ =	sdelay $0x3  }
0x35e: {  	v35 =	vld.idx.msk [tilespmem:v2+s13+$0x0], $0xffff  }
0x35f: {  	v0 =	vld.idx.msk [tilespmem:v0+s13+$0x0], $0xffff;
	_ =	sdelay $0x4  }
0x360: {  	v2 =	vadd.f32 v0, v35;
	_ =	sdelay $0x1  }
0x361: {  	(erf) = vrcp.f32 v2  }
0x362: {  	v36 =	vld [tilespmem:$0x390];
	_ =	sdelay $0x4  }
0x363: {  	v37 =	vand.u32 $0x1F, v36  }
0x364: {  	v38 =	vshrl.u32 v36, $0x5;
	v3 =	vmul.u32 $0x15, v37  }
0x365: {  	v4 =	vand.u32 $0x1F, v38  }
0x366: {  	v4 =	vadd.s32 v4, v3;
	v2 =	vshrl.u32 v36, $0xA;
	v39 =	vpop (erf)  }
0x367: {  	v2 =	vadd.s32 v2, v3;
	v1 =	vmul.f32 v39, v35  }
0x368: {  	v0 =	vmul.f32 v39, v0  }
0x369: {  	[tilespmem:$0xD10] =	vst v1  }
0x36a: {  	[tilespmem:$0xD90] =	vst v0  }
0x36b: {  	v0 =	vld.idx.msk [tilespmem:v4+s13+$0x0], $0xffff  }
0x36c: {  	v1 =	vld.idx.msk [tilespmem:v2+s13+$0x0], $0xffff;
	_ =	sdelay $0x4  }
0x36d: {  	v2 =	vadd.f32 v1, v0;
	_ =	sdelay $0x1  }
0x36e: {  	(erf) = vrcp.f32 v2  }
0x36f: {  	v40 =	vld [tilespmem:$0x3A0];
	_ =	sdelay $0x4  }
0x370: {  	v41 =	vand.u32 $0x1F, v40  }
0x371: {  	v42 =	vshrl.u32 v40, $0x5;
	v3 =	vmul.u32 $0x15, v41  }
0x372: {  	v4 =	vand.u32 $0x1F, v42  }
0x373: {  	v4 =	vadd.s32 v4, v3;
	v2 =	vshrl.u32 v40, $0xA;
	v43 =	vpop (erf)  }
0x374: {  	v2 =	vadd.s32 v2, v3;
	v0 =	vmul.f32 v43, v0  }
0x375: {  	v1 =	vmul.f32 v43, v1  }
0x376: {  	[tilespmem:$0xD20] =	vst v0  }
0x377: {  	[tilespmem:$0xDA0] =	vst v1  }
0x378: {  	v0 =	vld.idx.msk [tilespmem:v4+s13+$0x0], $0xffff  }
0x379: {  	v1 =	vld.idx.msk [tilespmem:v2+s13+$0x0], $0xffff;
	_ =	sdelay $0x4  }
0x37a: {  	v2 =	vadd.f32 v1, v0;
	_ =	sdelay $0x1  }
0x37b: {  	(erf) = vrcp.f32 v2  }
0x37c: {  	v44 =	vld [tilespmem:$0x3B0];
	_ =	sdelay $0x4  }
0x37d: {  	v45 =	vand.u32 $0x1F, v44  }
0x37e: {  	v46 =	vshrl.u32 v44, $0x5;
	v3 =	vmul.u32 $0x15, v45  }
0x37f: {  	v4 =	vand.u32 $0x1F, v46  }
0x380: {  	v4 =	vadd.s32 v4, v3;
	v2 =	vshrl.u32 v44, $0xA;
	v47 =	vpop (erf)  }
0x381: {  	v2 =	vadd.s32 v2, v3;
	v0 =	vmul.f32 v47, v0  }
0x382: {  	v1 =	vmul.f32 v47, v1  }
0x383: {  	[tilespmem:$0xD30] =	vst v0  }
0x384: {  	[tilespmem:$0xDB0] =	vst v1  }
0x385: {  	v0 =	vld.idx.msk [tilespmem:v4+s13+$0x0], $0xffff  }
0x386: {  	v1 =	vld.idx.msk [tilespmem:v2+s13+$0x0], $0xffff;
	_ =	sdelay $0x4  }
0x387: {  	v2 =	vadd.f32 v1, v0;
	_ =	sdelay $0x1  }
0x388: {  	(erf) = vrcp.f32 v2  }
0x389: {  	v48 =	vld [tilespmem:$0x3C0];
	_ =	sdelay $0x4  }
0x38a: {  	v49 =	vand.u32 $0x1F, v48  }
0x38b: {  	v50 =	vshrl.u32 v48, $0x5;
	v3 =	vmul.u32 $0x15, v49  }
0x38c: {  	v4 =	vand.u32 $0x1F, v50  }
0x38d: {  	v4 =	vadd.s32 v4, v3;
	v2 =	vshrl.u32 v48, $0xA;
	v51 =	vpop (erf)  }
0x38e: {  	v2 =	vadd.s32 v2, v3;
	v0 =	vmul.f32 v51, v0  }
0x38f: {  	v1 =	vmul.f32 v51, v1  }
0x390: {  	[tilespmem:$0xD40] =	vst v0  }
0x391: {  	[tilespmem:$0xDC0] =	vst v1  }
0x392: {  	v0 =	vld.idx.msk [tilespmem:v4+s13+$0x0], $0xffff  }
0x393: {  	v1 =	vld.idx.msk [tilespmem:v2+s13+$0x0], $0xffff;
	_ =	sdelay $0x4  }
0x394: {  	v2 =	vadd.f32 v1, v0;
	_ =	sdelay $0x1  }
0x395: {  	(erf) = vrcp.f32 v2  }
0x396: {  	v52 =	vld [tilespmem:$0x3D0];
	_ =	sdelay $0x4  }
0x397: {  	v53 =	vand.u32 $0x1F, v52  }
0x398: {  	v54 =	vshrl.u32 v52, $0x5;
	v3 =	vmul.u32 $0x15, v53  }
0x399: {  	v4 =	vand.u32 $0x1F, v54  }
0x39a: {  	v4 =	vadd.s32 v4, v3;
	v2 =	vshrl.u32 v52, $0xA;
	v55 =	vpop (erf)  }
0x39b: {  	v2 =	vadd.s32 v2, v3;
	v0 =	vmul.f32 v55, v0  }
0x39c: {  	v1 =	vmul.f32 v55, v1  }
0x39d: {  	[tilespmem:$0xD50] =	vst v0  }
0x39e: {  	[tilespmem:$0xDD0] =	vst v1  }
0x39f: {  	v0 =	vld.idx.msk [tilespmem:v4+s13+$0x0], $0xffff  }
0x3a0: {  	v1 =	vld.idx.msk [tilespmem:v2+s13+$0x0], $0xffff;
	_ =	sdelay $0x4  }
0x3a1: {  	v2 =	vadd.f32 v1, v0;
	_ =	sdelay $0x1  }
0x3a2: {  	(erf) = vrcp.f32 v2  }
0x3a3: {  	v56 =	vld [tilespmem:$0x3E0];
	_ =	sdelay $0x4  }
0x3a4: {  	v57 =	vand.u32 $0x1F, v56  }
0x3a5: {  	v58 =	vshrl.u32 v56, $0x5;
	v3 =	vmul.u32 $0x15, v57  }
0x3a6: {  	v4 =	vand.u32 $0x1F, v58  }
0x3a7: {  	v4 =	vadd.s32 v4, v3;
	v2 =	vshrl.u32 v56, $0xA;
	v59 =	vpop (erf)  }
0x3a8: {  	v2 =	vadd.s32 v2, v3;
	v0 =	vmul.f32 v59, v0  }
0x3a9: {  	v1 =	vmul.f32 v59, v1  }
0x3aa: {  	[tilespmem:$0xD60] =	vst v0  }
0x3ab: {  	[tilespmem:$0xDE0] =	vst v1  }
0x3ac: {  	v0 =	vld.idx.msk [tilespmem:v4+s13+$0x0], $0xffff  }
0x3ad: {  	v1 =	vld.idx.msk [tilespmem:v2+s13+$0x0], $0xffff;
	_ =	sdelay $0x4  }
0x3ae: {  	v2 =	vadd.f32 v1, v0;
	_ =	sdelay $0x1  }
0x3af: {  	(erf) = vrcp.f32 v2  }
0x3b0: {  	v60 =	vld [tilespmem:$0x3F0];
	_ =	sdelay $0x4  }
0x3b1: {  	v61 =	vand.u32 $0x1F, v60  }
0x3b2: {  	v62 =	vshrl.u32 v60, $0x5;
	v3 =	vmul.u32 $0x15, v61  }
0x3b3: {  	v4 =	vand.u32 $0x1F, v62  }
0x3b4: {  	v4 =	vadd.s32 v4, v3;
	v2 =	vshrl.u32 v60, $0xA;
	v63 =	vpop (erf)  }
0x3b5: {  	v2 =	vadd.s32 v2, v3;
	v0 =	vmul.f32 v63, v0  }
0x3b6: {  	v1 =	vmul.f32 v63, v1  }
0x3b7: {  	[tilespmem:$0xD70] =	vst v0  }
0x3b8: {  	[tilespmem:$0xDF0] =	vst v1  }
0x3b9: {  	v0 =	vld.idx.msk [tilespmem:v4+s13+$0x0], $0xffff  }
0x3ba: {  	v1 =	vld.idx.msk [tilespmem:v2+s13+$0x0], $0xffff;
	_ =	sdelay $0x4  }
0x3bb: {  	v2 =	vadd.f32 v1, v0;
	_ =	sdelay $0x1  }
0x3bc: {  	(erf) = vrcp.f32 v2;
	_ =	sdelay $0x8  }
0x3bd: {  	v2 =	vpop (erf)  }
0x3be: {  	v0 =	vmul.f32 v2, v0  }
0x3bf: {  	v1 =	vmul.f32 v2, v1  }
0x3c0: {  	[tilespmem:$0xD80] =	vst v0  }
0x3c1: {  	s31 =	simm.s32 $0xD10;
	s30 =	sadd.s32 $0xE0, s5;
	[tilespmem:$0xE00] =	vst v1  }
0x3c2: {  	[hbm4b:s30+s2] =	stream.linear.scatter [tilespmem:s31], [sflag:$0x1], $0x100, $0x38;
	[tilespmem:$0xE30] =	vst v63  }
0x3c3: {  	_ =	swait.ge [sflag:s14], $0x100  }
0x3c4: {  	[sflag:s14] =	ssyncset.done $0x0  }
0x3c5: {  	[sflag:s14] =	ssyncadd.s32 $0xFFFFFF00  }
0x3c6: {  	_ =	swait.ge [sflag:s14], $0x100  }
0x3c7: {  	[sflag:s14] =	ssyncset.done $0x0  }
0x3c8: {  	[sflag:s14] =	ssyncadd.s32 $0xFFFFFF00  }
0x3c9: {  	_ =	swait.ge [sflag:s14], $0x100  }
0x3ca: {  	[sflag:s14] =	ssyncset.done $0x0  }
0x3cb: {  	[sflag:s14] =	ssyncadd.s32 $0xFFFFFF00  }
0x3cc: {  	_ =	swait.ge [sflag:s14], $0x100  }
0x3cd: {  	[sflag:s14] =	ssyncset.done $0x0  }
0x3ce: {  	[sflag:s14] =	ssyncadd.s32 $0xFFFFFF00  }
0x3cf: {  	_ =	swait.ge [sflag:s14], $0x100  }
0x3d0: {  	[sflag:s14] =	ssyncset.done $0x0  }
0x3d1: {  	[sflag:s14] =	ssyncadd.s32 $0xFFFFFF00  }
0x3d2: {  	_ =	swait.ge [sflag:s14], $0x100  }
0x3d3: {  	[sflag:s14] =	ssyncset.done $0x0  }
0x3d4: {  	[sflag:s14] =	ssyncadd.s32 $0xFFFFFF00  }
0x3d5: {  	_ =	swait.ge [sflag:s14], $0x100  }
0x3d6: {  	[sflag:s14] =	ssyncset.done $0x0  }
0x3d7: {  	[sflag:s14] =	ssyncadd.s32 $0xFFFFFF00  }
0x3d8: {  	_ =	swait.ge [sflag:s14], $0x100  }
0x3d9: {  	[sflag:s14] =	ssyncset.done $0x0  }
0x3da: {  	[sflag:s14] =	ssyncadd.s32 $0xFFFFFF00  }
0x3db: {  	_ =	sfence.sel $0x180000  }
0x3dc: {  	[bflag:$0x0] =	sbarrier.arrive $0xFFFF  }
0x3dd: {  	p0 =	sne.s32 s0, $0x0;
	_ =	strace $0x90000047  }
0x3de: {  	s0 =	sadd.s32 @!p0 $0x100000, s1;
	[bflag:$0x2] =	sbarrier.arrive $0xFFFF  }
0x3df: {  	[sflag:s0] =	ssyncadd.tile.s32 @!p0 $0x1;
	_ =	shalt  }
.Lfunc_end2:
_tile_overlayer_lowered:
.L_overlay_start_2:
0x3e0: {  	(tag) =	ssettag $0x2  }
0x3e1: {  	s0 =	rddreg [dreg:$0x0];
	s2 =	stileid.u32  }
0x3e2: {  	s1 =	rddreg [dreg:$0x1];
	p0 =	sne.s32 s2, $0x0  }
0x3e3: {  	s3 =	rddreg [dreg:$0x2];
	[bflag:$0x3] =	sbarrier.arrive $0xFFFF;
	s2 =	simm.s32 @!p0 $0x1C03  }
0x3e4: {  	[timem:s3], [sflag:s2] =	dma.local @!p0 [hbm:s0], s1  }
0x3e5: {  	s0 =	simm.s32 @!p0 $0x3  }
0x3e6: {  	_ =	swait.ge @!p0 [sflag:s0], s1  }
0x3e7: {  	s1 =	ssub.s32 @!p0 $0x0, s1;
	[sflag:s0] =	ssyncset.done @!p0 $0x0  }
0x3e8: {  	[sflag:s0] =	ssyncadd.s32 @!p0 s1  }
0x3e9: {  	[bflag:$0x3] =	sbarrier.arrive $0xFFFF  }
0x3ea: {  	_ =	shalt  }

</sc_bundles>
